<compile_context>
chip_gen: v7x
topology: tpu7x:2x2x1
jax: 0.10.2.dev20260603
libtpu: 0.0.44.dev20260713+nightly
codegen_flags: <defaults>
</compile_context>

<pallas_src>
import jax
import jax.numpy as jnp
from jax import lax
from jax.experimental import pallas as pl
from jax.experimental.pallas import tpu as pltpu
from jax.experimental.pallas import tpu_sc as plsc

EF = 128
KNN = 8

_NC = 2
_NS = 16
_NW = _NC * _NS

_CH = 448
_CPW0 = 33
_CPW1 = 23
_DEPTH = 2


def _h_matmul_body(x_ref, w_ref, o_ref):
    o_ref[...] = jnp.dot(x_ref[...], w_ref[...],
                         preferred_element_type=jnp.float32)


def _h_matmul(x, w_t):
    n = x.shape[0]
    bm = 5000
    grid = n // bm
    return pl.pallas_call(
        _h_matmul_body,
        grid=(grid,),
        in_specs=[
            pl.BlockSpec((bm, EF), lambda i: (i, 0)),
            pl.BlockSpec((EF, EF), lambda i: (0, 0)),
        ],
        out_specs=pl.BlockSpec((bm, EF), lambda i: (i, 0)),
        out_shape=jax.ShapeDtypeStruct((n, EF), jnp.float32),
    )(x, w_t)


def _make_gather_body(cpw0, cpw1):
    D = _DEPTH

    def body(h_hbm, idx_hbm, out_hbm, *bufs):
        idx_v = list(bufs[:D])
        rows_v, gsem, ssem = bufs[D], bufs[D + 1], bufs[D + 2]
        c = lax.axis_index("c")
        s = lax.axis_index("s")
        cpw = jnp.where(c == 0, cpw0, cpw1)
        base = jnp.where(c == 0, s * (_CH * cpw0),
                         _NS * (_CH * cpw0) + s * (_CH * cpw1))

        def wait_g(b):
            pltpu.make_async_copy(h_hbm.at[pl.ds(0, _CH)], rows_v.at[b],
                                  gsem.at[b]).wait()

        def wait_s(b):
            pltpu.make_async_copy(rows_v.at[b], out_hbm.at[pl.ds(0, _CH)],
                                  ssem.at[b]).wait()

        def start(i):
            b = i % D

            @pl.when(i < cpw)
            def _():
                pltpu.sync_copy(idx_hbm.at[pl.ds(base + i * _CH, _CH)],
                                idx_v[b])
                pltpu.async_copy(h_hbm.at[idx_v[b]], rows_v.at[b],
                                 gsem.at[b])

        for j in range(D - 1):
            start(j)
        for i in range(cpw0):
            b = i % D
            j = i + D - 1
            if j < cpw0:
                if j >= D:
                    @pl.when(j < cpw)
                    def _(j=j):
                        wait_s(j % D)
                start(j)

            @pl.when(i < cpw)
            def _(b=b, i=i):
                wait_g(b)
                pltpu.async_copy(rows_v.at[b],
                                 out_hbm.at[pl.ds(base + i * _CH, _CH)],
                                 ssem.at[b])
        for b in range(D):
            wait_s(b)

    return body


def _sc_gather(h, idx_pad, cpw0, cpw1):
    e_slice = _NS * (cpw0 + cpw1) * _CH
    mesh = plsc.VectorSubcoreMesh(core_axis_name="c", subcore_axis_name="s")
    k = pl.kernel(
        _make_gather_body(cpw0, cpw1),
        out_type=jax.ShapeDtypeStruct((e_slice, EF), jnp.float32),
        mesh=mesh,
        scratch_types=(
            [pltpu.VMEM((_CH,), jnp.int32)] * _DEPTH
            + [pltpu.VMEM((_DEPTH, _CH, EF), jnp.float32),
               pltpu.SemaphoreType.DMA((_DEPTH,)),
               pltpu.SemaphoreType.DMA((_DEPTH,))]
        ),
    )
    return k(h, idx_pad)


def _mlp_max_body(g_ref, xyz_ref, w1x_ref, b1_ref, w2t_ref, b2_ref, o_ref):
    xyzc = lax.dot_general(xyz_ref[0], w1x_ref[...],
                           dimension_numbers=(((0,), (0,)), ((), ())),
                           preferred_element_type=jnp.float32)
    pre = g_ref[...] + b1_ref[...] + xyzc
    act = jnp.where(pre >= 0, pre, 0.01 * pre)
    o2 = jnp.dot(act.astype(jnp.bfloat16), w2t_ref[...],
                 preferred_element_type=jnp.float32)
    bm = o2.shape[0]
    o_ref[...] = jnp.max(o2.reshape(bm // KNN, KNN, EF), axis=1) + b2_ref[...]


def _mlp_max(g, xyz_t, w1x_t, b1, w2_t, b2, n_nodes, bm):
    e = n_nodes * KNN
    grid = e // bm
    return pl.pallas_call(
        _mlp_max_body,
        grid=(grid,),
        in_specs=[
            pl.BlockSpec((bm, EF), lambda i: (i, 0)),
            pl.BlockSpec((1, 3, bm), lambda i: (i, 0, 0)),
            pl.BlockSpec((3, EF), lambda i: (0, 0)),
            pl.BlockSpec((1, EF), lambda i: (0, 0)),
            pl.BlockSpec((EF, EF), lambda i: (0, 0)),
            pl.BlockSpec((1, EF), lambda i: (0, 0)),
        ],
        out_specs=pl.BlockSpec((bm // KNN, EF), lambda i: (i, 0)),
        out_shape=jax.ShapeDtypeStruct((n_nodes, EF), jnp.float32),
    )(g, xyz_t, w1x_t, b1, w2_t, b2)


def kernel(input, KNN_idx, KNN_xyz, W1, b1, W2, b2):
    n = input.shape[0]
    e = KNN_idx.shape[0]

    idx = KNN_idx.astype(jnp.int32)
    e_pad = _NS * (_CPW0 + _CPW1) * _CH
    idx_pad = jnp.concatenate(
        [idx, jnp.zeros((e_pad - e,), dtype=jnp.int32)])

    w1f_t = W1[:, :EF].T
    w1x_t = W1[:, EF:].T
    w2_t = W2.T.astype(jnp.bfloat16)

    h = _h_matmul(input, w1f_t)
    g = _sc_gather(h, idx_pad, _CPW0, _CPW1)

    bm = 8000
    xyz_t = KNN_xyz.reshape(e // bm, bm, 3).transpose(0, 2, 1)

    return _mlp_max(g, xyz_t, w1x_t, b1.reshape(1, EF), w2_t,
                    b2.reshape(1, EF), n, bm)

# --- scband reference (transcript-rebuilt; emitter-appended) ---
"""Pipeline reference for scband-pc-conv-5669356833332 (READ-ONLY COPY).

The authoritative reference and input builder live on the scoring server;
editing this copy changes nothing except your own understanding.
"""

import jax, jax.numpy as jnp
import numpy as np

EF_DIM = 128
KNN_NUM = 8
N_NODES = 50000
N_EDGES = N_NODES * KNN_NUM


def setup_inputs(seed: int = 0) -> dict:
    key = jax.random.key(seed)
    k1, k2, k3, k4, k5 = jax.random.split(key, 5)
    inp = jax.random.normal(k1, (N_NODES, EF_DIM), dtype=jnp.float32)
    knn_idx = jax.random.randint(k2, (N_EDGES,), 0, N_NODES, dtype=jnp.int64)
    knn_xyz = jax.random.normal(k3, (N_EDGES, 3), dtype=jnp.float32)
    # linear_1: in = ef_dim + 3, out = ef_dim (torch Linear weight is [out, in])
    W1 = jax.random.normal(k4, (EF_DIM, EF_DIM + 3), dtype=jnp.float32) * (1.0 / np.sqrt(EF_DIM + 3))
    b1 = jnp.zeros((EF_DIM,), dtype=jnp.float32)
    # linear_2: in = ef_dim, out = ef_dim
    W2 = jax.random.normal(k5, (EF_DIM, EF_DIM), dtype=jnp.float32) * (1.0 / np.sqrt(EF_DIM))
    b2 = jnp.zeros((EF_DIM,), dtype=jnp.float32)
    return {"input": inp, "KNN_idx": knn_idx, "KNN_xyz": knn_xyz, "W1": W1, "b1": b1, "W2": W2, "b2": b2}


def reference(input, KNN_idx, KNN_xyz, W1, b1, W2, b2):
    # gather neighbor features
    out = jnp.take(input, KNN_idx, axis=0)              # [E, ef_dim]
    out = jnp.concatenate([out, KNN_xyz], axis=1)       # [E, ef_dim+3]
    out = out @ W1.T + b1                               # linear_1
    out = jnp.where(out >= 0, out, 0.01 * out)          # leaky_relu(0.01)
    out = out @ W2.T + b2                               # linear_2
    out = out.reshape(-1, KNN_NUM, EF_DIM)              # [N, 8, ef_dim]
    out = jnp.max(out, axis=1)                          # max over KNN group
    return out

if __name__ == "__main__":
    import jax
    _d = setup_inputs()
    print(jax.jit(kernel)(*tuple(_d.values())))

</pallas_src>

<mosaic_0001>
#map = affine_map<(d0, d1) -> (0, 0)>
#map1 = affine_map<(d0, d1) -> (0)>
module attributes {stable_mosaic.version = 14 : i64} {
  func.func @body(%arg0: i32, %arg1: i32, %arg2: memref<50000x128xf32, #tpu.memory_space<hbm>>, %arg3: memref<401408xi32, #tpu.memory_space<hbm>>, %arg4: memref<401408x128xf32, #tpu.memory_space<hbm>>, %arg5: memref<448xi32, #tpu.memory_space<vmem>>, %arg6: memref<448xi32, #tpu.memory_space<vmem>>, %arg7: memref<2x448x128xf32, #tpu.memory_space<vmem>>, %arg8: memref<2x!tpu.dma_semaphore, #tpu.memory_space<semaphore_mem>>, %arg9: memref<2x!tpu.dma_semaphore, #tpu.memory_space<semaphore_mem>>) attributes {dimension_semantics = [#tpu.dimension_semantics<core_parallel>, #tpu.dimension_semantics<subcore_parallel>], iteration_bounds = array<i64: 2, 16>, scalar_prefetch = 0 : i64, scratch_operands = 5 : i64, tpu.core_type = #tpu.core_type<sc_vector_subcore>, window_params = [{transform_indices = #map}, {transform_indices = #map1}, {transform_indices = #map}]} {
    %eq3A = arith.constant 0 : i32
    %eq3A_0 = arith.cmpi eq, %arg0, %eq3A : i32
    %jit3A = arith.constant 33 : i32
    %jit3A_1 = arith.constant 23 : i32
    %select_n3A = arith.select %eq3A_0, %jit3A, %jit3A_1 : i32
    %eq3A_2 = arith.constant 0 : i32
    %eq3A_3 = arith.cmpi eq, %arg0, %eq3A_2 : i32
    %mul3A = arith.constant 14784 : i32
    %mul3A_4 = arith.muli %arg1, %mul3A : i32
    %mul3A_5 = arith.constant 10304 : i32
    %mul3A_6 = arith.muli %arg1, %mul3A_5 : i32
    %add3A = arith.constant 236544 : i32
    %add3A_7 = arith.addi %add3A, %mul3A_6 : i32
    %select_n3A_8 = arith.select %eq3A_3, %mul3A_4, %add3A_7 : i32
    %gt3A = arith.constant 0 : i32
    %gt3A_9 = arith.cmpi sgt, %select_n3A, %gt3A : i32
    %convert_element_type3A = arith.extui %gt3A_9 : i1 to i32
    %cond3A = arith.constant 0 : i32
    %cond3A_10 = arith.cmpi ne, %convert_element_type3A, %cond3A : i32
    scf.if %cond3A_10 {
      %add3A_526 = arith.constant 0 : i32
      %add3A_527 = arith.addi %select_n3A_8, %add3A_526 : i32
      "tpu.region"() ({
        %run_scoped3A = tpu.sem_alloc : memref<!tpu.dma_semaphore, #tpu.memory_space<semaphore_mem>>
        %dma_start3A_538 = tpu.memref_slice %arg3[%add3A_527] : memref<401408xi32, #tpu.memory_space<hbm>> -> memref<448xi32, #tpu.memory_space<hbm>>
        %dma_start3A_539 = tpu.memref_slice %arg3[%add3A_527] : memref<401408xi32, #tpu.memory_space<hbm>> -> memref<448xi32, #tpu.memory_space<hbm>>
        tpu.enqueue_dma source(%dma_start3A_539 : memref<448xi32, #tpu.memory_space<hbm>>) target(%arg5 : memref<448xi32, #tpu.memory_space<vmem>>) target_semaphore(%run_scoped3A : memref<!tpu.dma_semaphore, #tpu.memory_space<semaphore_mem>>)
        %dma_wait3A_540 = tpu.memref_slice %arg3[%add3A_527] : memref<401408xi32, #tpu.memory_space<hbm>> -> memref<448xi32, #tpu.memory_space<hbm>>
        %dma_wait3A_541 = tpu.memref_slice %arg3[%add3A_527] : memref<401408xi32, #tpu.memory_space<hbm>> -> memref<448xi32, #tpu.memory_space<hbm>>
        tpu.wait_dma2 semaphore(%run_scoped3A : memref<!tpu.dma_semaphore, #tpu.memory_space<semaphore_mem>>) src(%dma_wait3A_541 : memref<448xi32, #tpu.memory_space<hbm>>) dst(%arg5 : memref<448xi32, #tpu.memory_space<vmem>>)
        tpu.yield
      }) : () -> ()
      %dma_start3A = arith.constant 0 : i32
      %dma_start3A_528 = arith.constant 0 : i32
      %dma_start3A_529 = arith.constant 0 : i32
      %dma_start3A_530 = arith.constant 0 : i32
      %dma_start3A_531 = tpu.memref_slice %arg7[%dma_start3A, %dma_start3A_529, %dma_start3A_530] : memref<2x448x128xf32, #tpu.memory_space<vmem>> -> memref<1x448x128xf32, #tpu.memory_space<vmem>>
      %dma_start3A_532 = tpu.memref_squeeze %dma_start3A_531 : memref<1x448x128xf32, #tpu.memory_space<vmem>> -> memref<448x128xf32, #tpu.memory_space<vmem>>
      %dma_start3A_533 = arith.constant 0 : i32
      %dma_start3A_534 = arith.constant 0 : i32
      %dma_start3A_535 = tpu.memref_slice %arg2[%dma_start3A_533, %dma_start3A_534] : memref<50000x128xf32, #tpu.memory_space<hbm>> -> memref<50000x128xf32, #tpu.memory_space<hbm>>
      %dma_start3A_536 = tpu.memref_slice %arg8[%dma_start3A_528] : memref<2x!tpu.dma_semaphore, #tpu.memory_space<semaphore_mem>> -> memref<1x!tpu.dma_semaphore, #tpu.memory_space<semaphore_mem>>
      %dma_start3A_537 = tpu.memref_squeeze %dma_start3A_536 : memref<1x!tpu.dma_semaphore, #tpu.memory_space<semaphore_mem>> -> memref<!tpu.dma_semaphore, #tpu.memory_space<semaphore_mem>>
      tpu.enqueue_indirect_dma source(%dma_start3A_535 : memref<50000x128xf32, #tpu.memory_space<hbm>>) target(%dma_start3A_532 : memref<448x128xf32, #tpu.memory_space<vmem>>) offsets(%arg5 : memref<448xi32, #tpu.memory_space<vmem>>) semaphore(%dma_start3A_537 : memref<!tpu.dma_semaphore, #tpu.memory_space<semaphore_mem>>)
    } else {
    }
    %gt3A_11 = arith.constant 1 : i32
    %gt3A_12 = arith.cmpi sgt, %select_n3A, %gt3A_11 : i32
    %convert_element_type3A_13 = arith.extui %gt3A_12 : i1 to i32
    %cond3A_14 = arith.constant 0 : i32
    %cond3A_15 = arith.cmpi ne, %convert_element_type3A_13, %cond3A_14 : i32
    scf.if %cond3A_15 {
      %add3A_526 = arith.constant 448 : i32
      %add3A_527 = arith.addi %select_n3A_8, %add3A_526 : i32
      "tpu.region"() ({
        %run_scoped3A = tpu.sem_alloc : memref<!tpu.dma_semaphore, #tpu.memory_space<semaphore_mem>>
        %dma_start3A_538 = tpu.memref_slice %arg3[%add3A_527] : memref<401408xi32, #tpu.memory_space<hbm>> -> memref<448xi32, #tpu.memory_space<hbm>>
        %dma_start3A_539 = tpu.memref_slice %arg3[%add3A_527] : memref<401408xi32, #tpu.memory_space<hbm>> -> memref<448xi32, #tpu.memory_space<hbm>>
        tpu.enqueue_dma source(%dma_start3A_539 : memref<448xi32, #tpu.memory_space<hbm>>) target(%arg6 : memref<448xi32, #tpu.memory_space<vmem>>) target_semaphore(%run_scoped3A : memref<!tpu.dma_semaphore, #tpu.memory_space<semaphore_mem>>)
        %dma_wait3A_540 = tpu.memref_slice %arg3[%add3A_527] : memref<401408xi32, #tpu.memory_space<hbm>> -> memref<448xi32, #tpu.memory_space<hbm>>
        %dma_wait3A_541 = tpu.memref_slice %arg3[%add3A_527] : memref<401408xi32, #tpu.memory_space<hbm>> -> memref<448xi32, #tpu.memory_space<hbm>>
        tpu.wait_dma2 semaphore(%run_scoped3A : memref<!tpu.dma_semaphore, #tpu.memory_space<semaphore_mem>>) src(%dma_wait3A_541 : memref<448xi32, #tpu.memory_space<hbm>>) dst(%arg6 : memref<448xi32, #tpu.memory_space<vmem>>)
        tpu.yield
      }) : () -> ()
      %dma_start3A = arith.constant 1 : i32
      %dma_start3A_528 = arith.constant 1 : i32
      %dma_start3A_529 = arith.constant 0 : i32
      %dma_start3A_530 = arith.constant 0 : i32
      %dma_start3A_531 = tpu.memref_slice %arg7[%dma_start3A, %dma_start3A_529, %dma_start3A_530] : memref<2x448x128xf32, #tpu.memory_space<vmem>> -> memref<1x448x128xf32, #tpu.memory_space<vmem>>
      %dma_start3A_532 = tpu.memref_squeeze %dma_start3A_531 : memref<1x448x128xf32, #tpu.memory_space<vmem>> -> memref<448x128xf32, #tpu.memory_space<vmem>>
      %dma_start3A_533 = arith.constant 0 : i32
      %dma_start3A_534 = arith.constant 0 : i32
      %dma_start3A_535 = tpu.memref_slice %arg2[%dma_start3A_533, %dma_start3A_534] : memref<50000x128xf32, #tpu.memory_space<hbm>> -> memref<50000x128xf32, #tpu.memory_space<hbm>>
      %dma_start3A_536 = tpu.memref_slice %arg8[%dma_start3A_528] : memref<2x!tpu.dma_semaphore, #tpu.memory_space<semaphore_mem>> -> memref<1x!tpu.dma_semaphore, #tpu.memory_space<semaphore_mem>>
      %dma_start3A_537 = tpu.memref_squeeze %dma_start3A_536 : memref<1x!tpu.dma_semaphore, #tpu.memory_space<semaphore_mem>> -> memref<!tpu.dma_semaphore, #tpu.memory_space<semaphore_mem>>
      tpu.enqueue_indirect_dma source(%dma_start3A_535 : memref<50000x128xf32, #tpu.memory_space<hbm>>) target(%dma_start3A_532 : memref<448x128xf32, #tpu.memory_space<vmem>>) offsets(%arg6 : memref<448xi32, #tpu.memory_space<vmem>>) semaphore(%dma_start3A_537 : memref<!tpu.dma_semaphore, #tpu.memory_space<semaphore_mem>>)
    } else {
    }
    %gt3A_16 = arith.constant 0 : i32
    %gt3A_17 = arith.cmpi sgt, %select_n3A, %gt3A_16 : i32
    %convert_element_type3A_18 = arith.extui %gt3A_17 : i1 to i32
    %cond3A_19 = arith.constant 0 : i32
    %cond3A_20 = arith.cmpi ne, %convert_element_type3A_18, %cond3A_19 : i32
    scf.if %cond3A_20 {
      %dma_wait3A_526 = arith.constant 0 : i32
      %dma_wait3A_527 = arith.constant 0 : i32
      %dma_wait3A_528 = arith.constant 0 : i32
      %dma_wait3A_529 = arith.constant 0 : i32
      %dma_wait3A_530 = tpu.memref_slice %arg7[%dma_wait3A_526, %dma_wait3A_528, %dma_wait3A_529] : memref<2x448x128xf32, #tpu.memory_space<vmem>> -> memref<1x448x128xf32, #tpu.memory_space<vmem>>
      %dma_wait3A_531 = tpu.memref_squeeze %dma_wait3A_530 : memref<1x448x128xf32, #tpu.memory_space<vmem>> -> memref<448x128xf32, #tpu.memory_space<vmem>>
      %dma_wait3A_532 = arith.constant 0 : i32
      %dma_wait3A_533 = arith.constant 0 : i32
      %dma_wait3A_534 = tpu.memref_slice %arg2[%dma_wait3A_532, %dma_wait3A_533] : memref<50000x128xf32, #tpu.memory_space<hbm>> -> memref<448x128xf32, #tpu.memory_space<hbm>>
      %dma_wait3A_535 = tpu.memref_slice %arg8[%dma_wait3A_527] : memref<2x!tpu.dma_semaphore, #tpu.memory_space<semaphore_mem>> -> memref<1x!tpu.dma_semaphore, #tpu.memory_space<semaphore_mem>>
      %dma_wait3A_536 = tpu.memref_squeeze %dma_wait3A_535 : memref<1x!tpu.dma_semaphore, #tpu.memory_space<semaphore_mem>> -> memref<!tpu.dma_semaphore, #tpu.memory_space<semaphore_mem>>
      %dma_wait3A_537 = arith.constant 0 : i32
      %dma_wait3A_538 = arith.constant 0 : i32
      %dma_wait3A_539 = tpu.memref_slice %arg7[%dma_wait3A_526, %dma_wait3A_537, %dma_wait3A_538] : memref<2x448x128xf32, #tpu.memory_space<vmem>> -> memref<1x448x128xf32, #tpu.memory_space<vmem>>
      %dma_wait3A_540 = tpu.memref_squeeze %dma_wait3A_539 : memref<1x448x128xf32, #tpu.memory_space<vmem>> -> memref<448x128xf32, #tpu.memory_space<vmem>>
      %dma_wait3A_541 = arith.constant 0 : i32
      %dma_wait3A_542 = arith.constant 0 : i32
      %dma_wait3A_543 = tpu.memref_slice %arg2[%dma_wait3A_541, %dma_wait3A_542] : memref<50000x128xf32, #tpu.memory_space<hbm>> -> memref<448x128xf32, #tpu.memory_space<hbm>>
      tpu.wait_dma2 semaphore(%dma_wait3A_536 : memref<!tpu.dma_semaphore, #tpu.memory_space<semaphore_mem>>) src(%dma_wait3A_543 : memref<448x128xf32, #tpu.memory_space<hbm>>) dst(%dma_wait3A_540 : memref<448x128xf32, #tpu.memory_space<vmem>>)
      %add3A_544 = arith.constant 0 : i32
      %add3A_545 = arith.addi %select_n3A_8, %add3A_544 : i32
      %dma_start3A = arith.constant 0 : i32
      %dma_start3A_546 = arith.constant 0 : i32
      %dma_start3A_547 = arith.constant 0 : i32
      %dma_start3A_548 = arith.constant 0 : i32
      %dma_start3A_549 = tpu.memref_slice %arg7[%dma_start3A, %dma_start3A_547, %dma_start3A_548] : memref<2x448x128xf32, #tpu.memory_space<vmem>> -> memref<1x448x128xf32, #tpu.memory_space<vmem>>
      %dma_start3A_550 = tpu.memref_squeeze %dma_start3A_549 : memref<1x448x128xf32, #tpu.memory_space<vmem>> -> memref<448x128xf32, #tpu.memory_space<vmem>>
      %dma_start3A_551 = arith.constant 0 : i32
      %dma_start3A_552 = tpu.memref_slice %arg4[%add3A_545, %dma_start3A_551] : memref<401408x128xf32, #tpu.memory_space<hbm>> -> memref<448x128xf32, #tpu.memory_space<hbm>>
      %dma_start3A_553 = tpu.memref_slice %arg9[%dma_start3A_546] : memref<2x!tpu.dma_semaphore, #tpu.memory_space<semaphore_mem>> -> memref<1x!tpu.dma_semaphore, #tpu.memory_space<semaphore_mem>>
      %dma_start3A_554 = tpu.memref_squeeze %dma_start3A_553 : memref<1x!tpu.dma_semaphore, #tpu.memory_space<semaphore_mem>> -> memref<!tpu.dma_semaphore, #tpu.memory_space<semaphore_mem>>
      %dma_start3A_555 = arith.constant 0 : i32
      %dma_start3A_556 = tpu.memref_slice %arg4[%add3A_545, %dma_start3A_555] : memref<401408x128xf32, #tpu.memory_space<hbm>> -> memref<448x128xf32, #tpu.memory_space<hbm>>
      %dma_start3A_557 = arith.constant 0 : i32
      %dma_start3A_558 = arith.constant 0 : i32
      %dma_start3A_559 = tpu.memref_slice %arg7[%dma_start3A, %dma_start3A_557, %dma_start3A_558] : memref<2x448x128xf32, #tpu.memory_space<vmem>> -> memref<1x448x128xf32, #tpu.memory_space<vmem>>
      %dma_start3A_560 = tpu.memref_squeeze %dma_start3A_559 : memref<1x448x128xf32, #tpu.memory_space<vmem>> -> memref<448x128xf32, #tpu.memory_space<vmem>>
      tpu.enqueue_dma source(%dma_start3A_560 : memref<448x128xf32, #tpu.memory_space<vmem>>) target(%dma_start3A_556 : memref<448x128xf32, #tpu.memory_space<hbm>>) target_semaphore(%dma_start3A_554 : memref<!tpu.dma_semaphore, #tpu.memory_space<semaphore_mem>>)
    } else {
    }
    %gt3A_21 = arith.constant 2 : i32
    %gt3A_22 = arith.cmpi sgt, %select_n3A, %gt3A_21 : i32
    %convert_element_type3A_23 = arith.extui %gt3A_22 : i1 to i32
    %cond3A_24 = arith.constant 0 : i32
    %cond3A_25 = arith.cmpi ne, %convert_element_type3A_23, %cond3A_24 : i32
    scf.if %cond3A_25 {
      %dma_wait3A_526 = arith.constant 0 : i32
      %dma_wait3A_527 = arith.constant 0 : i32
      %dma_wait3A_528 = arith.constant 0 : i32
      %dma_wait3A_529 = arith.constant 0 : i32
      %dma_wait3A_530 = tpu.memref_slice %arg7[%dma_wait3A_526, %dma_wait3A_528, %dma_wait3A_529] : memref<2x448x128xf32, #tpu.memory_space<vmem>> -> memref<1x448x128xf32, #tpu.memory_space<vmem>>
      %dma_wait3A_531 = tpu.memref_squeeze %dma_wait3A_530 : memref<1x448x128xf32, #tpu.memory_space<vmem>> -> memref<448x128xf32, #tpu.memory_space<vmem>>
      %dma_wait3A_532 = arith.constant 0 : i32
      %dma_wait3A_533 = arith.constant 0 : i32
      %dma_wait3A_534 = tpu.memref_slice %arg4[%dma_wait3A_532, %dma_wait3A_533] : memref<401408x128xf32, #tpu.memory_space<hbm>> -> memref<448x128xf32, #tpu.memory_space<hbm>>
      %dma_wait3A_535 = tpu.memref_slice %arg9[%dma_wait3A_527] : memref<2x!tpu.dma_semaphore, #tpu.memory_space<semaphore_mem>> -> memref<1x!tpu.dma_semaphore, #tpu.memory_space<semaphore_mem>>
      %dma_wait3A_536 = tpu.memref_squeeze %dma_wait3A_535 : memref<1x!tpu.dma_semaphore, #tpu.memory_space<semaphore_mem>> -> memref<!tpu.dma_semaphore, #tpu.memory_space<semaphore_mem>>
      %dma_wait3A_537 = arith.constant 0 : i32
      %dma_wait3A_538 = arith.constant 0 : i32
      %dma_wait3A_539 = tpu.memref_slice %arg4[%dma_wait3A_537, %dma_wait3A_538] : memref<401408x128xf32, #tpu.memory_space<hbm>> -> memref<448x128xf32, #tpu.memory_space<hbm>>
      %dma_wait3A_540 = arith.constant 0 : i32
      %dma_wait3A_541 = arith.constant 0 : i32
      %dma_wait3A_542 = tpu.memref_slice %arg7[%dma_wait3A_526, %dma_wait3A_540, %dma_wait3A_541] : memref<2x448x128xf32, #tpu.memory_space<vmem>> -> memref<1x448x128xf32, #tpu.memory_space<vmem>>
      %dma_wait3A_543 = tpu.memref_squeeze %dma_wait3A_542 : memref<1x448x128xf32, #tpu.memory_space<vmem>> -> memref<448x128xf32, #tpu.memory_space<vmem>>
      tpu.wait_dma2 semaphore(%dma_wait3A_536 : memref<!tpu.dma_semaphore, #tpu.memory_space<semaphore_mem>>) src(%dma_wait3A_543 : memref<448x128xf32, #tpu.memory_space<vmem>>) dst(%dma_wait3A_539 : memref<448x128xf32, #tpu.memory_space<hbm>>)
    } else {
    }
    %gt3A_26 = arith.constant 2 : i32
    %gt3A_27 = arith.cmpi sgt, %select_n3A, %gt3A_26 : i32
    %convert_element_type3A_28 = arith.extui %gt3A_27 : i1 to i32
    %cond3A_29 = arith.constant 0 : i32
    %cond3A_30 = arith.cmpi ne, %convert_element_type3A_28, %cond3A_29 : i32
    scf.if %cond3A_30 {
      %add3A_526 = arith.constant 896 : i32
      %add3A_527 = arith.addi %select_n3A_8, %add3A_526 : i32
      "tpu.region"() ({
        %run_scoped3A = tpu.sem_alloc : memref<!tpu.dma_semaphore, #tpu.memory_space<semaphore_mem>>
        %dma_start3A_538 = tpu.memref_slice %arg3[%add3A_527] : memref<401408xi32, #tpu.memory_space<hbm>> -> memref<448xi32, #tpu.memory_space<hbm>>
        %dma_start3A_539 = tpu.memref_slice %arg3[%add3A_527] : memref<401408xi32, #tpu.memory_space<hbm>> -> memref<448xi32, #tpu.memory_space<hbm>>
        tpu.enqueue_dma source(%dma_start3A_539 : memref<448xi32, #tpu.memory_space<hbm>>) target(%arg5 : memref<448xi32, #tpu.memory_space<vmem>>) target_semaphore(%run_scoped3A : memref<!tpu.dma_semaphore, #tpu.memory_space<semaphore_mem>>)
        %dma_wait3A_540 = tpu.memref_slice %arg3[%add3A_527] : memref<401408xi32, #tpu.memory_space<hbm>> -> memref<448xi32, #tpu.memory_space<hbm>>
        %dma_wait3A_541 = tpu.memref_slice %arg3[%add3A_527] : memref<401408xi32, #tpu.memory_space<hbm>> -> memref<448xi32, #tpu.memory_space<hbm>>
        tpu.wait_dma2 semaphore(%run_scoped3A : memref<!tpu.dma_semaphore, #tpu.memory_space<semaphore_mem>>) src(%dma_wait3A_541 : memref<448xi32, #tpu.memory_space<hbm>>) dst(%arg5 : memref<448xi32, #tpu.memory_space<vmem>>)
        tpu.yield
      }) : () -> ()
      %dma_start3A = arith.constant 0 : i32
      %dma_start3A_528 = arith.constant 0 : i32
      %dma_start3A_529 = arith.constant 0 : i32
      %dma_start3A_530 = arith.constant 0 : i32
      %dma_start3A_531 = tpu.memref_slice %arg7[%dma_start3A, %dma_start3A_529, %dma_start3A_530] : memref<2x448x128xf32, #tpu.memory_space<vmem>> -> memref<1x448x128xf32, #tpu.memory_space<vmem>>
      %dma_start3A_532 = tpu.memref_squeeze %dma_start3A_531 : memref<1x448x128xf32, #tpu.memory_space<vmem>> -> memref<448x128xf32, #tpu.memory_space<vmem>>
      %dma_start3A_533 = arith.constant 0 : i32
      %dma_start3A_534 = arith.constant 0 : i32
      %dma_start3A_535 = tpu.memref_slice %arg2[%dma_start3A_533, %dma_start3A_534] : memref<50000x128xf32, #tpu.memory_space<hbm>> -> memref<50000x128xf32, #tpu.memory_space<hbm>>
      %dma_start3A_536 = tpu.memref_slice %arg8[%dma_start3A_528] : memref<2x!tpu.dma_semaphore, #tpu.memory_space<semaphore_mem>> -> memref<1x!tpu.dma_semaphore, #tpu.memory_space<semaphore_mem>>
      %dma_start3A_537 = tpu.memref_squeeze %dma_start3A_536 : memref<1x!tpu.dma_semaphore, #tpu.memory_space<semaphore_mem>> -> memref<!tpu.dma_semaphore, #tpu.memory_space<semaphore_mem>>
      tpu.enqueue_indirect_dma source(%dma_start3A_535 : memref<50000x128xf32, #tpu.memory_space<hbm>>) target(%dma_start3A_532 : memref<448x128xf32, #tpu.memory_space<vmem>>) offsets(%arg5 : memref<448xi32, #tpu.memory_space<vmem>>) semaphore(%dma_start3A_537 : memref<!tpu.dma_semaphore, #tpu.memory_space<semaphore_mem>>)
    } else {
    }
    %gt3A_31 = arith.constant 1 : i32
    %gt3A_32 = arith.cmpi sgt, %select_n3A, %gt3A_31 : i32
    %convert_element_type3A_33 = arith.extui %gt3A_32 : i1 to i32
    %cond3A_34 = arith.constant 0 : i32
    %cond3A_35 = arith.cmpi ne, %convert_element_type3A_33, %cond3A_34 : i32
    scf.if %cond3A_35 {
      %dma_wait3A_526 = arith.constant 1 : i32
      %dma_wait3A_527 = arith.constant 1 : i32
      %dma_wait3A_528 = arith.constant 0 : i32
      %dma_wait3A_529 = arith.constant 0 : i32
      %dma_wait3A_530 = tpu.memref_slice %arg7[%dma_wait3A_526, %dma_wait3A_528, %dma_wait3A_529] : memref<2x448x128xf32, #tpu.memory_space<vmem>> -> memref<1x448x128xf32, #tpu.memory_space<vmem>>
      %dma_wait3A_531 = tpu.memref_squeeze %dma_wait3A_530 : memref<1x448x128xf32, #tpu.memory_space<vmem>> -> memref<448x128xf32, #tpu.memory_space<vmem>>
      %dma_wait3A_532 = arith.constant 0 : i32
      %dma_wait3A_533 = arith.constant 0 : i32
      %dma_wait3A_534 = tpu.memref_slice %arg2[%dma_wait3A_532, %dma_wait3A_533] : memref<50000x128xf32, #tpu.memory_space<hbm>> -> memref<448x128xf32, #tpu.memory_space<hbm>>
      %dma_wait3A_535 = tpu.memref_slice %arg8[%dma_wait3A_527] : memref<2x!tpu.dma_semaphore, #tpu.memory_space<semaphore_mem>> -> memref<1x!tpu.dma_semaphore, #tpu.memory_space<semaphore_mem>>
      %dma_wait3A_536 = tpu.memref_squeeze %dma_wait3A_535 : memref<1x!tpu.dma_semaphore, #tpu.memory_space<semaphore_mem>> -> memref<!tpu.dma_semaphore, #tpu.memory_space<semaphore_mem>>
      %dma_wait3A_537 = arith.constant 0 : i32
      %dma_wait3A_538 = arith.constant 0 : i32
      %dma_wait3A_539 = tpu.memref_slice %arg7[%dma_wait3A_526, %dma_wait3A_537, %dma_wait3A_538] : memref<2x448x128xf32, #tpu.memory_space<vmem>> -> memref<1x448x128xf32, #tpu.memory_space<vmem>>
      %dma_wait3A_540 = tpu.memref_squeeze %dma_wait3A_539 : memref<1x448x128xf32, #tpu.memory_space<vmem>> -> memref<448x128xf32, #tpu.memory_space<vmem>>
      %dma_wait3A_541 = arith.constant 0 : i32
      %dma_wait3A_542 = arith.constant 0 : i32
      %dma_wait3A_543 = tpu.memref_slice %arg2[%dma_wait3A_541, %dma_wait3A_542] : memref<50000x128xf32, #tpu.memory_space<hbm>> -> memref<448x128xf32, #tpu.memory_space<hbm>>
      tpu.wait_dma2 semaphore(%dma_wait3A_536 : memref<!tpu.dma_semaphore, #tpu.memory_space<semaphore_mem>>) src(%dma_wait3A_543 : memref<448x128xf32, #tpu.memory_space<hbm>>) dst(%dma_wait3A_540 : memref<448x128xf32, #tpu.memory_space<vmem>>)
      %add3A_544 = arith.constant 448 : i32
      %add3A_545 = arith.addi %select_n3A_8, %add3A_544 : i32
      %dma_start3A = arith.constant 1 : i32
      %dma_start3A_546 = arith.constant 1 : i32
      %dma_start3A_547 = arith.constant 0 : i32
      %dma_start3A_548 = arith.constant 0 : i32
      %dma_start3A_549 = tpu.memref_slice %arg7[%dma_start3A, %dma_start3A_547, %dma_start3A_548] : memref<2x448x128xf32, #tpu.memory_space<vmem>> -> memref<1x448x128xf32, #tpu.memory_space<vmem>>
      %dma_start3A_550 = tpu.memref_squeeze %dma_start3A_549 : memref<1x448x128xf32, #tpu.memory_space<vmem>> -> memref<448x128xf32, #tpu.memory_space<vmem>>
      %dma_start3A_551 = arith.constant 0 : i32
      %dma_start3A_552 = tpu.memref_slice %arg4[%add3A_545, %dma_start3A_551] : memref<401408x128xf32, #tpu.memory_space<hbm>> -> memref<448x128xf32, #tpu.memory_space<hbm>>
      %dma_start3A_553 = tpu.memref_slice %arg9[%dma_start3A_546] : memref<2x!tpu.dma_semaphore, #tpu.memory_space<semaphore_mem>> -> memref<1x!tpu.dma_semaphore, #tpu.memory_space<semaphore_mem>>
      %dma_start3A_554 = tpu.memref_squeeze %dma_start3A_553 : memref<1x!tpu.dma_semaphore, #tpu.memory_space<semaphore_mem>> -> memref<!tpu.dma_semaphore, #tpu.memory_space<semaphore_mem>>
      %dma_start3A_555 = arith.constant 0 : i32
      %dma_start3A_556 = tpu.memref_slice %arg4[%add3A_545, %dma_start3A_555] : memref<401408x128xf32, #tpu.memory_space<hbm>> -> memref<448x128xf32, #tpu.memory_space<hbm>>
      %dma_start3A_557 = arith.constant 0 : i32
      %dma_start3A_558 = arith.constant 0 : i32
      %dma_start3A_559 = tpu.memref_slice %arg7[%dma_start3A, %dma_start3A_557, %dma_start3A_558] : memref<2x448x128xf32, #tpu.memory_space<vmem>> -> memref<1x448x128xf32, #tpu.memory_space<vmem>>
      %dma_start3A_560 = tpu.memref_squeeze %dma_start3A_559 : memref<1x448x128xf32, #tpu.memory_space<vmem>> -> memref<448x128xf32, #tpu.memory_space<vmem>>
      tpu.enqueue_dma source(%dma_start3A_560 : memref<448x128xf32, #tpu.memory_space<vmem>>) target(%dma_start3A_556 : memref<448x128xf32, #tpu.memory_space<hbm>>) target_semaphore(%dma_start3A_554 : memref<!tpu.dma_semaphore, #tpu.memory_space<semaphore_mem>>)
    } else {
    }
    %gt3A_36 = arith.constant 3 : i32
    %gt3A_37 = arith.cmpi sgt, %select_n3A, %gt3A_36 : i32
    %convert_element_type3A_38 = arith.extui %gt3A_37 : i1 to i32
    %cond3A_39 = arith.constant 0 : i32
    %cond3A_40 = arith.cmpi ne, %convert_element_type3A_38, %cond3A_39 : i32
    scf.if %cond3A_40 {
      %dma_wait3A_526 = arith.constant 1 : i32
      %dma_wait3A_527 = arith.constant 1 : i32
      %dma_wait3A_528 = arith.constant 0 : i32
      %dma_wait3A_529 = arith.constant 0 : i32
      %dma_wait3A_530 = tpu.memref_slice %arg7[%dma_wait3A_526, %dma_wait3A_528, %dma_wait3A_529] : memref<2x448x128xf32, #tpu.memory_space<vmem>> -> memref<1x448x128xf32, #tpu.memory_space<vmem>>
      %dma_wait3A_531 = tpu.memref_squeeze %dma_wait3A_530 : memref<1x448x128xf32, #tpu.memory_space<vmem>> -> memref<448x128xf32, #tpu.memory_space<vmem>>
      %dma_wait3A_532 = arith.constant 0 : i32
      %dma_wait3A_533 = arith.constant 0 : i32
      %dma_wait3A_534 = tpu.memref_slice %arg4[%dma_wait3A_532, %dma_wait3A_533] : memref<401408x128xf32, #tpu.memory_space<hbm>> -> memref<448x128xf32, #tpu.memory_space<hbm>>
      %dma_wait3A_535 = tpu.memref_slice %arg9[%dma_wait3A_527] : memref<2x!tpu.dma_semaphore, #tpu.memory_space<semaphore_mem>> -> memref<1x!tpu.dma_semaphore, #tpu.memory_space<semaphore_mem>>
      %dma_wait3A_536 = tpu.memref_squeeze %dma_wait3A_535 : memref<1x!tpu.dma_semaphore, #tpu.memory_space<semaphore_mem>> -> memref<!tpu.dma_semaphore, #tpu.memory_space<semaphore_mem>>
      %dma_wait3A_537 = arith.constant 0 : i32
      %dma_wait3A_538 = arith.constant 0 : i32
      %dma_wait3A_539 = tpu.memref_slice %arg4[%dma_wait3A_537, %dma_wait3A_538] : memref<401408x128xf32, #tpu.memory_space<hbm>> -> memref<448x128xf32, #tpu.memory_space<hbm>>
      %dma_wait3A_540 = arith.constant 0 : i32
      %dma_wait3A_541 = arith.constant 0 : i32
      %dma_wait3A_542 = tpu.memref_slice %arg7[%dma_wait3A_526, %dma_wait3A_540, %dma_wait3A_541] : memref<2x448x128xf32, #tpu.memory_space<vmem>> -> memref<1x448x128xf32, #tpu.memory_space<vmem>>
      %dma_wait3A_543 = tpu.memref_squeeze %dma_wait3A_542 : memref<1x448x128xf32, #tpu.memory_space<vmem>> -> memref<448x128xf32, #tpu.memory_space<vmem>>
      tpu.wait_dma2 semaphore(%dma_wait3A_536 : memref<!tpu.dma_semaphore, #tpu.memory_space<semaphore_mem>>) src(%dma_wait3A_543 : memref<448x128xf32, #tpu.memory_space<vmem>>) dst(%dma_wait3A_539 : memref<448x128xf32, #tpu.memory_space<hbm>>)
    } else {
    }
    %gt3A_41 = arith.constant 3 : i32
    %gt3A_42 = arith.cmpi sgt, %select_n3A, %gt3A_41 : i32
    %convert_element_type3A_43 = arith.extui %gt3A_42 : i1 to i32
    %cond3A_44 = arith.constant 0 : i32
    %cond3A_45 = arith.cmpi ne, %convert_element_type3A_43, %cond3A_44 : i32
    scf.if %cond3A_45 {
      %add3A_526 = arith.constant 1344 : i32
      %add3A_527 = arith.addi %select_n3A_8, %add3A_526 : i32
      "tpu.region"() ({
        %run_scoped3A = tpu.sem_alloc : memref<!tpu.dma_semaphore, #tpu.memory_space<semaphore_mem>>
        %dma_start3A_538 = tpu.memref_slice %arg3[%add3A_527] : memref<401408xi32, #tpu.memory_space<hbm>> -> memref<448xi32, #tpu.memory_space<hbm>>
        %dma_start3A_539 = tpu.memref_slice %arg3[%add3A_527] : memref<401408xi32, #tpu.memory_space<hbm>> -> memref<448xi32, #tpu.memory_space<hbm>>
        tpu.enqueue_dma source(%dma_start3A_539 : memref<448xi32, #tpu.memory_space<hbm>>) target(%arg6 : memref<448xi32, #tpu.memory_space<vmem>>) target_semaphore(%run_scoped3A : memref<!tpu.dma_semaphore, #tpu.memory_space<semaphore_mem>>)
        %dma_wait3A_540 = tpu.memref_slice %arg3[%add3A_527] : memref<401408xi32, #tpu.memory_space<hbm>> -> memref<448xi32, #tpu.memory_space<hbm>>
        %dma_wait3A_541 = tpu.memref_slice %arg3[%add3A_527] : memref<401408xi32, #tpu.memory_space<hbm>> -> memref<448xi32, #tpu.memory_space<hbm>>
        tpu.wait_dma2 semaphore(%run_scoped3A : memref<!tpu.dma_semaphore, #tpu.memory_space<semaphore_mem>>) src(%dma_wait3A_541 : memref<448xi32, #tpu.memory_space<hbm>>) dst(%arg6 : memref<448xi32, #tpu.memory_space<vmem>>)
        tpu.yield
      }) : () -> ()
      %dma_start3A = arith.constant 1 : i32
      %dma_start3A_528 = arith.constant 1 : i32
      %dma_start3A_529 = arith.constant 0 : i32
      %dma_start3A_530 = arith.constant 0 : i32
      %dma_start3A_531 = tpu.memref_slice %arg7[%dma_start3A, %dma_start3A_529, %dma_start3A_530] : memref<2x448x128xf32, #tpu.memory_space<vmem>> -> memref<1x448x128xf32, #tpu.memory_space<vmem>>
      %dma_start3A_532 = tpu.memref_squeeze %dma_start3A_531 : memref<1x448x128xf32, #tpu.memory_space<vmem>> -> memref<448x128xf32, #tpu.memory_space<vmem>>
      %dma_start3A_533 = arith.constant 0 : i32
      %dma_start3A_534 = arith.constant 0 : i32
      %dma_start3A_535 = tpu.memref_slice %arg2[%dma_start3A_533, %dma_start3A_534] : memref<50000x128xf32, #tpu.memory_space<hbm>> -> memref<50000x128xf32, #tpu.memory_space<hbm>>
      %dma_start3A_536 = tpu.memref_slice %arg8[%dma_start3A_528] : memref<2x!tpu.dma_semaphore, #tpu.memory_space<semaphore_mem>> -> memref<1x!tpu.dma_semaphore, #tpu.memory_space<semaphore_mem>>
      %dma_start3A_537 = tpu.memref_squeeze %dma_start3A_536 : memref<1x!tpu.dma_semaphore, #tpu.memory_space<semaphore_mem>> -> memref<!tpu.dma_semaphore, #tpu.memory_space<semaphore_mem>>
      tpu.enqueue_indirect_dma source(%dma_start3A_535 : memref<50000x128xf32, #tpu.memory_space<hbm>>) target(%dma_start3A_532 : memref<448x128xf32, #tpu.memory_space<vmem>>) offsets(%arg6 : memref<448xi32, #tpu.memory_space<vmem>>) semaphore(%dma_start3A_537 : memref<!tpu.dma_semaphore, #tpu.memory_space<semaphore_mem>>)
    } else {
    }
    %gt3A_46 = arith.constant 2 : i32
    %gt3A_47 = arith.cmpi sgt, %select_n3A, %gt3A_46 : i32
    %convert_element_type3A_48 = arith.extui %gt3A_47 : i1 to i32
    %cond3A_49 = arith.constant 0 : i32
    %cond3A_50 = arith.cmpi ne, %convert_element_type3A_48, %cond3A_49 : i32
    scf.if %cond3A_50 {
      %dma_wait3A_526 = arith.constant 0 : i32
      %dma_wait3A_527 = arith.constant 0 : i32
      %dma_wait3A_528 = arith.constant 0 : i32
      %dma_wait3A_529 = arith.constant 0 : i32
      %dma_wait3A_530 = tpu.memref_slice %arg7[%dma_wait3A_526, %dma_wait3A_528, %dma_wait3A_529] : memref<2x448x128xf32, #tpu.memory_space<vmem>> -> memref<1x448x128xf32, #tpu.memory_space<vmem>>
      %dma_wait3A_531 = tpu.memref_squeeze %dma_wait3A_530 : memref<1x448x128xf32, #tpu.memory_space<vmem>> -> memref<448x128xf32, #tpu.memory_space<vmem>>
      %dma_wait3A_532 = arith.constant 0 : i32
      %dma_wait3A_533 = arith.constant 0 : i32
      %dma_wait3A_534 = tpu.memref_slice %arg2[%dma_wait3A_532, %dma_wait3A_533] : memref<50000x128xf32, #tpu.memory_space<hbm>> -> memref<448x128xf32, #tpu.memory_space<hbm>>
      %dma_wait3A_535 = tpu.memref_slice %arg8[%dma_wait3A_527] : memref<2x!tpu.dma_semaphore, #tpu.memory_space<semaphore_mem>> -> memref<1x!tpu.dma_semaphore, #tpu.memory_space<semaphore_mem>>
      %dma_wait3A_536 = tpu.memref_squeeze %dma_wait3A_535 : memref<1x!tpu.dma_semaphore, #tpu.memory_space<semaphore_mem>> -> memref<!tpu.dma_semaphore, #tpu.memory_space<semaphore_mem>>
      %dma_wait3A_537 = arith.constant 0 : i32
      %dma_wait3A_538 = arith.constant 0 : i32
      %dma_wait3A_539 = tpu.memref_slice %arg7[%dma_wait3A_526, %dma_wait3A_537, %dma_wait3A_538] : memref<2x448x128xf32, #tpu.memory_space<vmem>> -> memref<1x448x128xf32, #tpu.memory_space<vmem>>
      %dma_wait3A_540 = tpu.memref_squeeze %dma_wait3A_539 : memref<1x448x128xf32, #tpu.memory_space<vmem>> -> memref<448x128xf32, #tpu.memory_space<vmem>>
      %dma_wait3A_541 = arith.constant 0 : i32
      %dma_wait3A_542 = arith.constant 0 : i32
      %dma_wait3A_543 = tpu.memref_slice %arg2[%dma_wait3A_541, %dma_wait3A_542] : memref<50000x128xf32, #tpu.memory_space<hbm>> -> memref<448x128xf32, #tpu.memory_space<hbm>>
      tpu.wait_dma2 semaphore(%dma_wait3A_536 : memref<!tpu.dma_semaphore, #tpu.memory_space<semaphore_mem>>) src(%dma_wait3A_543 : memref<448x128xf32, #tpu.memory_space<hbm>>) dst(%dma_wait3A_540 : memref<448x128xf32, #tpu.memory_space<vmem>>)
      %add3A_544 = arith.constant 896 : i32
      %add3A_545 = arith.addi %select_n3A_8, %add3A_544 : i32
      %dma_start3A = arith.constant 0 : i32
      %dma_start3A_546 = arith.constant 0 : i32
      %dma_start3A_547 = arith.constant 0 : i32
      %dma_start3A_548 = arith.constant 0 : i32
      %dma_start3A_549 = tpu.memref_slice %arg7[%dma_start3A, %dma_start3A_547, %dma_start3A_548] : memref<2x448x128xf32, #tpu.memory_space<vmem>> -> memref<1x448x128xf32, #tpu.memory_space<vmem>>
      %dma_start3A_550 = tpu.memref_squeeze %dma_start3A_549 : memref<1x448x128xf32, #tpu.memory_space<vmem>> -> memref<448x128xf32, #tpu.memory_space<vmem>>
      %dma_start3A_551 = arith.constant 0 : i32
      %dma_start3A_552 = tpu.memref_slice %arg4[%add3A_545, %dma_start3A_551] : memref<401408x128xf32, #tpu.memory_space<hbm>> -> memref<448x128xf32, #tpu.memory_space<hbm>>
      %dma_start3A_553 = tpu.memref_slice %arg9[%dma_start3A_546] : memref<2x!tpu.dma_semaphore, #tpu.memory_space<semaphore_mem>> -> memref<1x!tpu.dma_semaphore, #tpu.memory_space<semaphore_mem>>
      %dma_start3A_554 = tpu.memref_squeeze %dma_start3A_553 : memref<1x!tpu.dma_semaphore, #tpu.memory_space<semaphore_mem>> -> memref<!tpu.dma_semaphore, #tpu.memory_space<semaphore_mem>>
      %dma_start3A_555 = arith.constant 0 : i32
      %dma_start3A_556 = tpu.memref_slice %arg4[%add3A_545, %dma_start3A_555] : memref<401408x128xf32, #tpu.memory_space<hbm>> -> memref<448x128xf32, #tpu.memory_space<hbm>>
      %dma_start3A_557 = arith.constant 0 : i32
      %dma_start3A_558 = arith.constant 0 : i32
      %dma_start3A_559 = tpu.memref_slice %arg7[%dma_start3A, %dma_start3A_557, %dma_start3A_558] : memref<2x448x128xf32, #tpu.memory_space<vmem>> -> memref<1x448x128xf32, #tpu.memory_space<vmem>>
      %dma_start3A_560 = tpu.memref_squeeze %dma_start3A_559 : memref<1x448x128xf32, #tpu.memory_space<vmem>> -> memref<448x128xf32, #tpu.memory_space<vmem>>
      tpu.enqueue_dma source(%dma_start3A_560 : memref<448x128xf32, #tpu.memory_space<vmem>>) target(%dma_start3A_556 : memref<448x128xf32, #tpu.memory_space<hbm>>) target_semaphore(%dma_start3A_554 : memref<!tpu.dma_semaphore, #tpu.memory_space<semaphore_mem>>)
    } else {
    }
    %gt3A_51 = arith.constant 4 : i32
    %gt3A_52 = arith.cmpi sgt, %select_n3A, %gt3A_51 : i32
    %convert_element_type3A_53 = arith.extui %gt3A_52 : i1 to i32
    %cond3A_54 = arith.constant 0 : i32
    %cond3A_55 = arith.cmpi ne, %convert_element_type3A_53, %cond3A_54 : i32
    scf.if %cond3A_55 {
      %dma_wait3A_526 = arith.constant 0 : i32
      %dma_wait3A_527 = arith.constant 0 : i32
      %dma_wait3A_528 = arith.constant 0 : i32
      %dma_wait3A_529 = arith.constant 0 : i32
      %dma_wait3A_530 = tpu.memref_slice %arg7[%dma_wait3A_526, %dma_wait3A_528, %dma_wait3A_529] : memref<2x448x128xf32, #tpu.memory_space<vmem>> -> memref<1x448x128xf32, #tpu.memory_space<vmem>>
      %dma_wait3A_531 = tpu.memref_squeeze %dma_wait3A_530 : memref<1x448x128xf32, #tpu.memory_space<vmem>> -> memref<448x128xf32, #tpu.memory_space<vmem>>
      %dma_wait3A_532 = arith.constant 0 : i32
      %dma_wait3A_533 = arith.constant 0 : i32
      %dma_wait3A_534 = tpu.memref_slice %arg4[%dma_wait3A_532, %dma_wait3A_533] : memref<401408x128xf32, #tpu.memory_space<hbm>> -> memref<448x128xf32, #tpu.memory_space<hbm>>
      %dma_wait3A_535 = tpu.memref_slice %arg9[%dma_wait3A_527] : memref<2x!tpu.dma_semaphore, #tpu.memory_space<semaphore_mem>> -> memref<1x!tpu.dma_semaphore, #tpu.memory_space<semaphore_mem>>
      %dma_wait3A_536 = tpu.memref_squeeze %dma_wait3A_535 : memref<1x!tpu.dma_semaphore, #tpu.memory_space<semaphore_mem>> -> memref<!tpu.dma_semaphore, #tpu.memory_space<semaphore_mem>>
      %dma_wait3A_537 = arith.constant 0 : i32
      %dma_wait3A_538 = arith.constant 0 : i32
      %dma_wait3A_539 = tpu.memref_slice %arg4[%dma_wait3A_537, %dma_wait3A_538] : memref<401408x128xf32, #tpu.memory_space<hbm>> -> memref<448x128xf32, #tpu.memory_space<hbm>>
      %dma_wait3A_540 = arith.constant 0 : i32
      %dma_wait3A_541 = arith.constant 0 : i32
      %dma_wait3A_542 = tpu.memref_slice %arg7[%dma_wait3A_526, %dma_wait3A_540, %dma_wait3A_541] : memref<2x448x128xf32, #tpu.memory_space<vmem>> -> memref<1x448x128xf32, #tpu.memory_space<vmem>>
      %dma_wait3A_543 = tpu.memref_squeeze %dma_wait3A_542 : memref<1x448x128xf32, #tpu.memory_space<vmem>> -> memref<448x128xf32, #tpu.memory_space<vmem>>
      tpu.wait_dma2 semaphore(%dma_wait3A_536 : memref<!tpu.dma_semaphore, #tpu.memory_space<semaphore_mem>>) src(%dma_wait3A_543 : memref<448x128xf32, #tpu.memory_space<vmem>>) dst(%dma_wait3A_539 : memref<448x128xf32, #tpu.memory_space<hbm>>)
    } else {
    }
    %gt3A_56 = arith.constant 4 : i32
    %gt3A_57 = arith.cmpi sgt, %select_n3A, %gt3A_56 : i32
    %convert_element_type3A_58 = arith.extui %gt3A_57 : i1 to i32
    %cond3A_59 = arith.constant 0 : i32
    %cond3A_60 = arith.cmpi ne, %convert_element_type3A_58, %cond3A_59 : i32
    scf.if %cond3A_60 {
      %add3A_526 = arith.constant 1792 : i32
      %add3A_527 = arith.addi %select_n3A_8, %add3A_526 : i32
      "tpu.region"() ({
        %run_scoped3A = tpu.sem_alloc : memref<!tpu.dma_semaphore, #tpu.memory_space<semaphore_mem>>
        %dma_start3A_538 = tpu.memref_slice %arg3[%add3A_527] : memref<401408xi32, #tpu.memory_space<hbm>> -> memref<448xi32, #tpu.memory_space<hbm>>
        %dma_start3A_539 = tpu.memref_slice %arg3[%add3A_527] : memref<401408xi32, #tpu.memory_space<hbm>> -> memref<448xi32, #tpu.memory_space<hbm>>
        tpu.enqueue_dma source(%dma_start3A_539 : memref<448xi32, #tpu.memory_space<hbm>>) target(%arg5 : memref<448xi32, #tpu.memory_space<vmem>>) target_semaphore(%run_scoped3A : memref<!tpu.dma_semaphore, #tpu.memory_space<semaphore_mem>>)
        %dma_wait3A_540 = tpu.memref_slice %arg3[%add3A_527] : memref<401408xi32, #tpu.memory_space<hbm>> -> memref<448xi32, #tpu.memory_space<hbm>>
        %dma_wait3A_541 = tpu.memref_slice %arg3[%add3A_527] : memref<401408xi32, #tpu.memory_space<hbm>> -> memref<448xi32, #tpu.memory_space<hbm>>
        tpu.wait_dma2 semaphore(%run_scoped3A : memref<!tpu.dma_semaphore, #tpu.memory_space<semaphore_mem>>) src(%dma_wait3A_541 : memref<448xi32, #tpu.memory_space<hbm>>) dst(%arg5 : memref<448xi32, #tpu.memory_space<vmem>>)
        tpu.yield
      }) : () -> ()
      %dma_start3A = arith.constant 0 : i32
      %dma_start3A_528 = arith.constant 0 : i32
      %dma_start3A_529 = arith.constant 0 : i32
      %dma_start3A_530 = arith.constant 0 : i32
      %dma_start3A_531 = tpu.memref_slice %arg7[%dma_start3A, %dma_start3A_529, %dma_start3A_530] : memref<2x448x128xf32, #tpu.memory_space<vmem>> -> memref<1x448x128xf32, #tpu.memory_space<vmem>>
      %dma_start3A_532 = tpu.memref_squeeze %dma_start3A_531 : memref<1x448x128xf32, #tpu.memory_space<vmem>> -> memref<448x128xf32, #tpu.memory_space<vmem>>
      %dma_start3A_533 = arith.constant 0 : i32
      %dma_start3A_534 = arith.constant 0 : i32
      %dma_start3A_535 = tpu.memref_slice %arg2[%dma_start3A_533, %dma_start3A_534] : memref<50000x128xf32, #tpu.memory_space<hbm>> -> memref<50000x128xf32, #tpu.memory_space<hbm>>
      %dma_start3A_536 = tpu.memref_slice %arg8[%dma_start3A_528] : memref<2x!tpu.dma_semaphore, #tpu.memory_space<semaphore_mem>> -> memref<1x!tpu.dma_semaphore, #tpu.memory_space<semaphore_mem>>
      %dma_start3A_537 = tpu.memref_squeeze %dma_start3A_536 : memref<1x!tpu.dma_semaphore, #tpu.memory_space<semaphore_mem>> -> memref<!tpu.dma_semaphore, #tpu.memory_space<semaphore_mem>>
      tpu.enqueue_indirect_dma source(%dma_start3A_535 : memref<50000x128xf32, #tpu.memory_space<hbm>>) target(%dma_start3A_532 : memref<448x128xf32, #tpu.memory_space<vmem>>) offsets(%arg5 : memref<448xi32, #tpu.memory_space<vmem>>) semaphore(%dma_start3A_537 : memref<!tpu.dma_semaphore, #tpu.memory_space<semaphore_mem>>)
    } else {
    }
    %gt3A_61 = arith.constant 3 : i32
    %gt3A_62 = arith.cmpi sgt, %select_n3A, %gt3A_61 : i32
    %convert_element_type3A_63 = arith.extui %gt3A_62 : i1 to i32
    %cond3A_64 = arith.constant 0 : i32
    %cond3A_65 = arith.cmpi ne, %convert_element_type3A_63, %cond3A_64 : i32
    scf.if %cond3A_65 {
      %dma_wait3A_526 = arith.constant 1 : i32
      %dma_wait3A_527 = arith.constant 1 : i32
      %dma_wait3A_528 = arith.constant 0 : i32
      %dma_wait3A_529 = arith.constant 0 : i32
      %dma_wait3A_530 = tpu.memref_slice %arg7[%dma_wait3A_526, %dma_wait3A_528, %dma_wait3A_529] : memref<2x448x128xf32, #tpu.memory_space<vmem>> -> memref<1x448x128xf32, #tpu.memory_space<vmem>>
      %dma_wait3A_531 = tpu.memref_squeeze %dma_wait3A_530 : memref<1x448x128xf32, #tpu.memory_space<vmem>> -> memref<448x128xf32, #tpu.memory_space<vmem>>
      %dma_wait3A_532 = arith.constant 0 : i32
      %dma_wait3A_533 = arith.constant 0 : i32
      %dma_wait3A_534 = tpu.memref_slice %arg2[%dma_wait3A_532, %dma_wait3A_533] : memref<50000x128xf32, #tpu.memory_space<hbm>> -> memref<448x128xf32, #tpu.memory_space<hbm>>
      %dma_wait3A_535 = tpu.memref_slice %arg8[%dma_wait3A_527] : memref<2x!tpu.dma_semaphore, #tpu.memory_space<semaphore_mem>> -> memref<1x!tpu.dma_semaphore, #tpu.memory_space<semaphore_mem>>
      %dma_wait3A_536 = tpu.memref_squeeze %dma_wait3A_535 : memref<1x!tpu.dma_semaphore, #tpu.memory_space<semaphore_mem>> -> memref<!tpu.dma_semaphore, #tpu.memory_space<semaphore_mem>>
      %dma_wait3A_537 = arith.constant 0 : i32
      %dma_wait3A_538 = arith.constant 0 : i32
      %dma_wait3A_539 = tpu.memref_slice %arg7[%dma_wait3A_526, %dma_wait3A_537, %dma_wait3A_538] : memref<2x448x128xf32, #tpu.memory_space<vmem>> -> memref<1x448x128xf32, #tpu.memory_space<vmem>>
      %dma_wait3A_540 = tpu.memref_squeeze %dma_wait3A_539 : memref<1x448x128xf32, #tpu.memory_space<vmem>> -> memref<448x128xf32, #tpu.memory_space<vmem>>
      %dma_wait3A_541 = arith.constant 0 : i32
      %dma_wait3A_542 = arith.constant 0 : i32
      %dma_wait3A_543 = tpu.memref_slice %arg2[%dma_wait3A_541, %dma_wait3A_542] : memref<50000x128xf32, #tpu.memory_space<hbm>> -> memref<448x128xf32, #tpu.memory_space<hbm>>
      tpu.wait_dma2 semaphore(%dma_wait3A_536 : memref<!tpu.dma_semaphore, #tpu.memory_space<semaphore_mem>>) src(%dma_wait3A_543 : memref<448x128xf32, #tpu.memory_space<hbm>>) dst(%dma_wait3A_540 : memref<448x128xf32, #tpu.memory_space<vmem>>)
      %add3A_544 = arith.constant 1344 : i32
      %add3A_545 = arith.addi %select_n3A_8, %add3A_544 : i32
      %dma_start3A = arith.constant 1 : i32
      %dma_start3A_546 = arith.constant 1 : i32
      %dma_start3A_547 = arith.constant 0 : i32
      %dma_start3A_548 = arith.constant 0 : i32
      %dma_start3A_549 = tpu.memref_slice %arg7[%dma_start3A, %dma_start3A_547, %dma_start3A_548] : memref<2x448x128xf32, #tpu.memory_space<vmem>> -> memref<1x448x128xf32, #tpu.memory_space<vmem>>
      %dma_start3A_550 = tpu.memref_squeeze %dma_start3A_549 : memref<1x448x128xf32, #tpu.memory_space<vmem>> -> memref<448x128xf32, #tpu.memory_space<vmem>>
      %dma_start3A_551 = arith.constant 0 : i32
      %dma_start3A_552 = tpu.memref_slice %arg4[%add3A_545, %dma_start3A_551] : memref<401408x128xf32, #tpu.memory_space<hbm>> -> memref<448x128xf32, #tpu.memory_space<hbm>>
      %dma_start3A_553 = tpu.memref_slice %arg9[%dma_start3A_546] : memref<2x!tpu.dma_semaphore, #tpu.memory_space<semaphore_mem>> -> memref<1x!tpu.dma_semaphore, #tpu.memory_space<semaphore_mem>>
      %dma_start3A_554 = tpu.memref_squeeze %dma_start3A_553 : memref<1x!tpu.dma_semaphore, #tpu.memory_space<semaphore_mem>> -> memref<!tpu.dma_semaphore, #tpu.memory_space<semaphore_mem>>
      %dma_start3A_555 = arith.constant 0 : i32
      %dma_start3A_556 = tpu.memref_slice %arg4[%add3A_545, %dma_start3A_555] : memref<401408x128xf32, #tpu.memory_space<hbm>> -> memref<448x128xf32, #tpu.memory_space<hbm>>
      %dma_start3A_557 = arith.constant 0 : i32
      %dma_start3A_558 = arith.constant 0 : i32
      %dma_start3A_559 = tpu.memref_slice %arg7[%dma_start3A, %dma_start3A_557, %dma_start3A_558] : memref<2x448x128xf32, #tpu.memory_space<vmem>> -> memref<1x448x128xf32, #tpu.memory_space<vmem>>
      %dma_start3A_560 = tpu.memref_squeeze %dma_start3A_559 : memref<1x448x128xf32, #tpu.memory_space<vmem>> -> memref<448x128xf32, #tpu.memory_space<vmem>>
      tpu.enqueue_dma source(%dma_start3A_560 : memref<448x128xf32, #tpu.memory_space<vmem>>) target(%dma_start3A_556 : memref<448x128xf32, #tpu.memory_space<hbm>>) target_semaphore(%dma_start3A_554 : memref<!tpu.dma_semaphore, #tpu.memory_space<semaphore_mem>>)
    } else {
    }
    %gt3A_66 = arith.constant 5 : i32
    %gt3A_67 = arith.cmpi sgt, %select_n3A, %gt3A_66 : i32
    %convert_element_type3A_68 = arith.extui %gt3A_67 : i1 to i32
    %cond3A_69 = arith.constant 0 : i32
    %cond3A_70 = arith.cmpi ne, %convert_element_type3A_68, %cond3A_69 : i32
    scf.if %cond3A_70 {
      %dma_wait3A_526 = arith.constant 1 : i32
      %dma_wait3A_527 = arith.constant 1 : i32
      %dma_wait3A_528 = arith.constant 0 : i32
      %dma_wait3A_529 = arith.constant 0 : i32
      %dma_wait3A_530 = tpu.memref_slice %arg7[%dma_wait3A_526, %dma_wait3A_528, %dma_wait3A_529] : memref<2x448x128xf32, #tpu.memory_space<vmem>> -> memref<1x448x128xf32, #tpu.memory_space<vmem>>
      %dma_wait3A_531 = tpu.memref_squeeze %dma_wait3A_530 : memref<1x448x128xf32, #tpu.memory_space<vmem>> -> memref<448x128xf32, #tpu.memory_space<vmem>>
      %dma_wait3A_532 = arith.constant 0 : i32
      %dma_wait3A_533 = arith.constant 0 : i32
      %dma_wait3A_534 = tpu.memref_slice %arg4[%dma_wait3A_532, %dma_wait3A_533] : memref<401408x128xf32, #tpu.memory_space<hbm>> -> memref<448x128xf32, #tpu.memory_space<hbm>>
      %dma_wait3A_535 = tpu.memref_slice %arg9[%dma_wait3A_527] : memref<2x!tpu.dma_semaphore, #tpu.memory_space<semaphore_mem>> -> memref<1x!tpu.dma_semaphore, #tpu.memory_space<semaphore_mem>>
      %dma_wait3A_536 = tpu.memref_squeeze %dma_wait3A_535 : memref<1x!tpu.dma_semaphore, #tpu.memory_space<semaphore_mem>> -> memref<!tpu.dma_semaphore, #tpu.memory_space<semaphore_mem>>
      %dma_wait3A_537 = arith.constant 0 : i32
      %dma_wait3A_538 = arith.constant 0 : i32
      %dma_wait3A_539 = tpu.memref_slice %arg4[%dma_wait3A_537, %dma_wait3A_538] : memref<401408x128xf32, #tpu.memory_space<hbm>> -> memref<448x128xf32, #tpu.memory_space<hbm>>
      %dma_wait3A_540 = arith.constant 0 : i32
      %dma_wait3A_541 = arith.constant 0 : i32
      %dma_wait3A_542 = tpu.memref_slice %arg7[%dma_wait3A_526, %dma_wait3A_540, %dma_wait3A_541] : memref<2x448x128xf32, #tpu.memory_space<vmem>> -> memref<1x448x128xf32, #tpu.memory_space<vmem>>
      %dma_wait3A_543 = tpu.memref_squeeze %dma_wait3A_542 : memref<1x448x128xf32, #tpu.memory_space<vmem>> -> memref<448x128xf32, #tpu.memory_space<vmem>>
      tpu.wait_dma2 semaphore(%dma_wait3A_536 : memref<!tpu.dma_semaphore, #tpu.memory_space<semaphore_mem>>) src(%dma_wait3A_543 : memref<448x128xf32, #tpu.memory_space<vmem>>) dst(%dma_wait3A_539 : memref<448x128xf32, #tpu.memory_space<hbm>>)
    } else {
    }
    %gt3A_71 = arith.constant 5 : i32
    %gt3A_72 = arith.cmpi sgt, %select_n3A, %gt3A_71 : i32
    %convert_element_type3A_73 = arith.extui %gt3A_72 : i1 to i32
    %cond3A_74 = arith.constant 0 : i32
    %cond3A_75 = arith.cmpi ne, %convert_element_type3A_73, %cond3A_74 : i32
    scf.if %cond3A_75 {
      %add3A_526 = arith.constant 2240 : i32
      %add3A_527 = arith.addi %select_n3A_8, %add3A_526 : i32
      "tpu.region"() ({
        %run_scoped3A = tpu.sem_alloc : memref<!tpu.dma_semaphore, #tpu.memory_space<semaphore_mem>>
        %dma_start3A_538 = tpu.memref_slice %arg3[%add3A_527] : memref<401408xi32, #tpu.memory_space<hbm>> -> memref<448xi32, #tpu.memory_space<hbm>>
        %dma_start3A_539 = tpu.memref_slice %arg3[%add3A_527] : memref<401408xi32, #tpu.memory_space<hbm>> -> memref<448xi32, #tpu.memory_space<hbm>>
        tpu.enqueue_dma source(%dma_start3A_539 : memref<448xi32, #tpu.memory_space<hbm>>) target(%arg6 : memref<448xi32, #tpu.memory_space<vmem>>) target_semaphore(%run_scoped3A : memref<!tpu.dma_semaphore, #tpu.memory_space<semaphore_mem>>)
        %dma_wait3A_540 = tpu.memref_slice %arg3[%add3A_527] : memref<401408xi32, #tpu.memory_space<hbm>> -> memref<448xi32, #tpu.memory_space<hbm>>
        %dma_wait3A_541 = tpu.memref_slice %arg3[%add3A_527] : memref<401408xi32, #tpu.memory_space<hbm>> -> memref<448xi32, #tpu.memory_space<hbm>>
        tpu.wait_dma2 semaphore(%run_scoped3A : memref<!tpu.dma_semaphore, #tpu.memory_space<semaphore_mem>>) src(%dma_wait3A_541 : memref<448xi32, #tpu.memory_space<hbm>>) dst(%arg6 : memref<448xi32, #tpu.memory_space<vmem>>)
        tpu.yield
      }) : () -> ()
      %dma_start3A = arith.constant 1 : i32
      %dma_start3A_528 = arith.constant 1 : i32
      %dma_start3A_529 = arith.constant 0 : i32
      %dma_start3A_530 = arith.constant 0 : i32
      %dma_start3A_531 = tpu.memref_slice %arg7[%dma_start3A, %dma_start3A_529, %dma_start3A_530] : memref<2x448x128xf32, #tpu.memory_space<vmem>> -> memref<1x448x128xf32, #tpu.memory_space<vmem>>
      %dma_start3A_532 = tpu.memref_squeeze %dma_start3A_531 : memref<1x448x128xf32, #tpu.memory_space<vmem>> -> memref<448x128xf32, #tpu.memory_space<vmem>>
      %dma_start3A_533 = arith.constant 0 : i32
      %dma_start3A_534 = arith.constant 0 : i32
      %dma_start3A_535 = tpu.memref_slice %arg2[%dma_start3A_533, %dma_start3A_534] : memref<50000x128xf32, #tpu.memory_space<hbm>> -> memref<50000x128xf32, #tpu.memory_space<hbm>>
      %dma_start3A_536 = tpu.memref_slice %arg8[%dma_start3A_528] : memref<2x!tpu.dma_semaphore, #tpu.memory_space<semaphore_mem>> -> memref<1x!tpu.dma_semaphore, #tpu.memory_space<semaphore_mem>>
      %dma_start3A_537 = tpu.memref_squeeze %dma_start3A_536 : memref<1x!tpu.dma_semaphore, #tpu.memory_space<semaphore_mem>> -> memref<!tpu.dma_semaphore, #tpu.memory_space<semaphore_mem>>
      tpu.enqueue_indirect_dma source(%dma_start3A_535 : memref<50000x128xf32, #tpu.memory_space<hbm>>) target(%dma_start3A_532 : memref<448x128xf32, #tpu.memory_space<vmem>>) offsets(%arg6 : memref<448xi32, #tpu.memory_space<vmem>>) semaphore(%dma_start3A_537 : memref<!tpu.dma_semaphore, #tpu.memory_space<semaphore_mem>>)
    } else {
    }
    %gt3A_76 = arith.constant 4 : i32
    %gt3A_77 = arith.cmpi sgt, %select_n3A, %gt3A_76 : i32
    %convert_element_type3A_78 = arith.extui %gt3A_77 : i1 to i32
    %cond3A_79 = arith.constant 0 : i32
    %cond3A_80 = arith.cmpi ne, %convert_element_type3A_78, %cond3A_79 : i32
    scf.if %cond3A_80 {
      %dma_wait3A_526 = arith.constant 0 : i32
      %dma_wait3A_527 = arith.constant 0 : i32
      %dma_wait3A_528 = arith.constant 0 : i32
      %dma_wait3A_529 = arith.constant 0 : i32
      %dma_wait3A_530 = tpu.memref_slice %arg7[%dma_wait3A_526, %dma_wait3A_528, %dma_wait3A_529] : memref<2x448x128xf32, #tpu.memory_space<vmem>> -> memref<1x448x128xf32, #tpu.memory_space<vmem>>
      %dma_wait3A_531 = tpu.memref_squeeze %dma_wait3A_530 : memref<1x448x128xf32, #tpu.memory_space<vmem>> -> memref<448x128xf32, #tpu.memory_space<vmem>>
      %dma_wait3A_532 = arith.constant 0 : i32
      %dma_wait3A_533 = arith.constant 0 : i32
      %dma_wait3A_534 = tpu.memref_slice %arg2[%dma_wait3A_532, %dma_wait3A_533] : memref<50000x128xf32, #tpu.memory_space<hbm>> -> memref<448x128xf32, #tpu.memory_space<hbm>>
      %dma_wait3A_535 = tpu.memref_slice %arg8[%dma_wait3A_527] : memref<2x!tpu.dma_semaphore, #tpu.memory_space<semaphore_mem>> -> memref<1x!tpu.dma_semaphore, #tpu.memory_space<semaphore_mem>>
      %dma_wait3A_536 = tpu.memref_squeeze %dma_wait3A_535 : memref<1x!tpu.dma_semaphore, #tpu.memory_space<semaphore_mem>> -> memref<!tpu.dma_semaphore, #tpu.memory_space<semaphore_mem>>
      %dma_wait3A_537 = arith.constant 0 : i32
      %dma_wait3A_538 = arith.constant 0 : i32
      %dma_wait3A_539 = tpu.memref_slice %arg7[%dma_wait3A_526, %dma_wait3A_537, %dma_wait3A_538] : memref<2x448x128xf32, #tpu.memory_space<vmem>> -> memref<1x448x128xf32, #tpu.memory_space<vmem>>
      %dma_wait3A_540 = tpu.memref_squeeze %dma_wait3A_539 : memref<1x448x128xf32, #tpu.memory_space<vmem>> -> memref<448x128xf32, #tpu.memory_space<vmem>>
      %dma_wait3A_541 = arith.constant 0 : i32
      %dma_wait3A_542 = arith.constant 0 : i32
      %dma_wait3A_543 = tpu.memref_slice %arg2[%dma_wait3A_541, %dma_wait3A_542] : memref<50000x128xf32, #tpu.memory_space<hbm>> -> memref<448x128xf32, #tpu.memory_space<hbm>>
      tpu.wait_dma2 semaphore(%dma_wait3A_536 : memref<!tpu.dma_semaphore, #tpu.memory_space<semaphore_mem>>) src(%dma_wait3A_543 : memref<448x128xf32, #tpu.memory_space<hbm>>) dst(%dma_wait3A_540 : memref<448x128xf32, #tpu.memory_space<vmem>>)
      %add3A_544 = arith.constant 1792 : i32
      %add3A_545 = arith.addi %select_n3A_8, %add3A_544 : i32
      %dma_start3A = arith.constant 0 : i32
      %dma_start3A_546 = arith.constant 0 : i32
      %dma_start3A_547 = arith.constant 0 : i32
      %dma_start3A_548 = arith.constant 0 : i32
      %dma_start3A_549 = tpu.memref_slice %arg7[%dma_start3A, %dma_start3A_547, %dma_start3A_548] : memref<2x448x128xf32, #tpu.memory_space<vmem>> -> memref<1x448x128xf32, #tpu.memory_space<vmem>>
      %dma_start3A_550 = tpu.memref_squeeze %dma_start3A_549 : memref<1x448x128xf32, #tpu.memory_space<vmem>> -> memref<448x128xf32, #tpu.memory_space<vmem>>
      %dma_start3A_551 = arith.constant 0 : i32
      %dma_start3A_552 = tpu.memref_slice %arg4[%add3A_545, %dma_start3A_551] : memref<401408x128xf32, #tpu.memory_space<hbm>> -> memref<448x128xf32, #tpu.memory_space<hbm>>
      %dma_start3A_553 = tpu.memref_slice %arg9[%dma_start3A_546] : memref<2x!tpu.dma_semaphore, #tpu.memory_space<semaphore_mem>> -> memref<1x!tpu.dma_semaphore, #tpu.memory_space<semaphore_mem>>
      %dma_start3A_554 = tpu.memref_squeeze %dma_start3A_553 : memref<1x!tpu.dma_semaphore, #tpu.memory_space<semaphore_mem>> -> memref<!tpu.dma_semaphore, #tpu.memory_space<semaphore_mem>>
      %dma_start3A_555 = arith.constant 0 : i32
      %dma_start3A_556 = tpu.memref_slice %arg4[%add3A_545, %dma_start3A_555] : memref<401408x128xf32, #tpu.memory_space<hbm>> -> memref<448x128xf32, #tpu.memory_space<hbm>>
      %dma_start3A_557 = arith.constant 0 : i32
      %dma_start3A_558 = arith.constant 0 : i32
      %dma_start3A_559 = tpu.memref_slice %arg7[%dma_start3A, %dma_start3A_557, %dma_start3A_558] : memref<2x448x128xf32, #tpu.memory_space<vmem>> -> memref<1x448x128xf32, #tpu.memory_space<vmem>>
      %dma_start3A_560 = tpu.memref_squeeze %dma_start3A_559 : memref<1x448x128xf32, #tpu.memory_space<vmem>> -> memref<448x128xf32, #tpu.memory_space<vmem>>
      tpu.enqueue_dma source(%dma_start3A_560 : memref<448x128xf32, #tpu.memory_space<vmem>>) target(%dma_start3A_556 : memref<448x128xf32, #tpu.memory_space<hbm>>) target_semaphore(%dma_start3A_554 : memref<!tpu.dma_semaphore, #tpu.memory_space<semaphore_mem>>)
    } else {
    }
    %gt3A_81 = arith.constant 6 : i32
    %gt3A_82 = arith.cmpi sgt, %select_n3A, %gt3A_81 : i32
    %convert_element_type3A_83 = arith.extui %gt3A_82 : i1 to i32
    %cond3A_84 = arith.constant 0 : i32
    %cond3A_85 = arith.cmpi ne, %convert_element_type3A_83, %cond3A_84 : i32
    scf.if %cond3A_85 {
      %dma_wait3A_526 = arith.constant 0 : i32
      %dma_wait3A_527 = arith.constant 0 : i32
      %dma_wait3A_528 = arith.constant 0 : i32
      %dma_wait3A_529 = arith.constant 0 : i32
      %dma_wait3A_530 = tpu.memref_slice %arg7[%dma_wait3A_526, %dma_wait3A_528, %dma_wait3A_529] : memref<2x448x128xf32, #tpu.memory_space<vmem>> -> memref<1x448x128xf32, #tpu.memory_space<vmem>>
      %dma_wait3A_531 = tpu.memref_squeeze %dma_wait3A_530 : memref<1x448x128xf32, #tpu.memory_space<vmem>> -> memref<448x128xf32, #tpu.memory_space<vmem>>
      %dma_wait3A_532 = arith.constant 0 : i32
      %dma_wait3A_533 = arith.constant 0 : i32
      %dma_wait3A_534 = tpu.memref_slice %arg4[%dma_wait3A_532, %dma_wait3A_533] : memref<401408x128xf32, #tpu.memory_space<hbm>> -> memref<448x128xf32, #tpu.memory_space<hbm>>
      %dma_wait3A_535 = tpu.memref_slice %arg9[%dma_wait3A_527] : memref<2x!tpu.dma_semaphore, #tpu.memory_space<semaphore_mem>> -> memref<1x!tpu.dma_semaphore, #tpu.memory_space<semaphore_mem>>
      %dma_wait3A_536 = tpu.memref_squeeze %dma_wait3A_535 : memref<1x!tpu.dma_semaphore, #tpu.memory_space<semaphore_mem>> -> memref<!tpu.dma_semaphore, #tpu.memory_space<semaphore_mem>>
      %dma_wait3A_537 = arith.constant 0 : i32
      %dma_wait3A_538 = arith.constant 0 : i32
      %dma_wait3A_539 = tpu.memref_slice %arg4[%dma_wait3A_537, %dma_wait3A_538] : memref<401408x128xf32, #tpu.memory_space<hbm>> -> memref<448x128xf32, #tpu.memory_space<hbm>>
      %dma_wait3A_540 = arith.constant 0 : i32
      %dma_wait3A_541 = arith.constant 0 : i32
      %dma_wait3A_542 = tpu.memref_slice %arg7[%dma_wait3A_526, %dma_wait3A_540, %dma_wait3A_541] : memref<2x448x128xf32, #tpu.memory_space<vmem>> -> memref<1x448x128xf32, #tpu.memory_space<vmem>>
      %dma_wait3A_543 = tpu.memref_squeeze %dma_wait3A_542 : memref<1x448x128xf32, #tpu.memory_space<vmem>> -> memref<448x128xf32, #tpu.memory_space<vmem>>
      tpu.wait_dma2 semaphore(%dma_wait3A_536 : memref<!tpu.dma_semaphore, #tpu.memory_space<semaphore_mem>>) src(%dma_wait3A_543 : memref<448x128xf32, #tpu.memory_space<vmem>>) dst(%dma_wait3A_539 : memref<448x128xf32, #tpu.memory_space<hbm>>)
    } else {
    }
    %gt3A_86 = arith.constant 6 : i32
    %gt3A_87 = arith.cmpi sgt, %select_n3A, %gt3A_86 : i32
    %convert_element_type3A_88 = arith.extui %gt3A_87 : i1 to i32
    %cond3A_89 = arith.constant 0 : i32
    %cond3A_90 = arith.cmpi ne, %convert_element_type3A_88, %cond3A_89 : i32
    scf.if %cond3A_90 {
      %add3A_526 = arith.constant 2688 : i32
      %add3A_527 = arith.addi %select_n3A_8, %add3A_526 : i32
      "tpu.region"() ({
        %run_scoped3A = tpu.sem_alloc : memref<!tpu.dma_semaphore, #tpu.memory_space<semaphore_mem>>
        %dma_start3A_538 = tpu.memref_slice %arg3[%add3A_527] : memref<401408xi32, #tpu.memory_space<hbm>> -> memref<448xi32, #tpu.memory_space<hbm>>
        %dma_start3A_539 = tpu.memref_slice %arg3[%add3A_527] : memref<401408xi32, #tpu.memory_space<hbm>> -> memref<448xi32, #tpu.memory_space<hbm>>
        tpu.enqueue_dma source(%dma_start3A_539 : memref<448xi32, #tpu.memory_space<hbm>>) target(%arg5 : memref<448xi32, #tpu.memory_space<vmem>>) target_semaphore(%run_scoped3A : memref<!tpu.dma_semaphore, #tpu.memory_space<semaphore_mem>>)
        %dma_wait3A_540 = tpu.memref_slice %arg3[%add3A_527] : memref<401408xi32, #tpu.memory_space<hbm>> -> memref<448xi32, #tpu.memory_space<hbm>>
        %dma_wait3A_541 = tpu.memref_slice %arg3[%add3A_527] : memref<401408xi32, #tpu.memory_space<hbm>> -> memref<448xi32, #tpu.memory_space<hbm>>
        tpu.wait_dma2 semaphore(%run_scoped3A : memref<!tpu.dma_semaphore, #tpu.memory_space<semaphore_mem>>) src(%dma_wait3A_541 : memref<448xi32, #tpu.memory_space<hbm>>) dst(%arg5 : memref<448xi32, #tpu.memory_space<vmem>>)
        tpu.yield
      }) : () -> ()
      %dma_start3A = arith.constant 0 : i32
      %dma_start3A_528 = arith.constant 0 : i32
      %dma_start3A_529 = arith.constant 0 : i32
      %dma_start3A_530 = arith.constant 0 : i32
      %dma_start3A_531 = tpu.memref_slice %arg7[%dma_start3A, %dma_start3A_529, %dma_start3A_530] : memref<2x448x128xf32, #tpu.memory_space<vmem>> -> memref<1x448x128xf32, #tpu.memory_space<vmem>>
      %dma_start3A_532 = tpu.memref_squeeze %dma_start3A_531 : memref<1x448x128xf32, #tpu.memory_space<vmem>> -> memref<448x128xf32, #tpu.memory_space<vmem>>
      %dma_start3A_533 = arith.constant 0 : i32
      %dma_start3A_534 = arith.constant 0 : i32
      %dma_start3A_535 = tpu.memref_slice %arg2[%dma_start3A_533, %dma_start3A_534] : memref<50000x128xf32, #tpu.memory_space<hbm>> -> memref<50000x128xf32, #tpu.memory_space<hbm>>
      %dma_start3A_536 = tpu.memref_slice %arg8[%dma_start3A_528] : memref<2x!tpu.dma_semaphore, #tpu.memory_space<semaphore_mem>> -> memref<1x!tpu.dma_semaphore, #tpu.memory_space<semaphore_mem>>
      %dma_start3A_537 = tpu.memref_squeeze %dma_start3A_536 : memref<1x!tpu.dma_semaphore, #tpu.memory_space<semaphore_mem>> -> memref<!tpu.dma_semaphore, #tpu.memory_space<semaphore_mem>>
      tpu.enqueue_indirect_dma source(%dma_start3A_535 : memref<50000x128xf32, #tpu.memory_space<hbm>>) target(%dma_start3A_532 : memref<448x128xf32, #tpu.memory_space<vmem>>) offsets(%arg5 : memref<448xi32, #tpu.memory_space<vmem>>) semaphore(%dma_start3A_537 : memref<!tpu.dma_semaphore, #tpu.memory_space<semaphore_mem>>)
    } else {
    }
    %gt3A_91 = arith.constant 5 : i32
    %gt3A_92 = arith.cmpi sgt, %select_n3A, %gt3A_91 : i32
    %convert_element_type3A_93 = arith.extui %gt3A_92 : i1 to i32
    %cond3A_94 = arith.constant 0 : i32
    %cond3A_95 = arith.cmpi ne, %convert_element_type3A_93, %cond3A_94 : i32
    scf.if %cond3A_95 {
      %dma_wait3A_526 = arith.constant 1 : i32
      %dma_wait3A_527 = arith.constant 1 : i32
      %dma_wait3A_528 = arith.constant 0 : i32
      %dma_wait3A_529 = arith.constant 0 : i32
      %dma_wait3A_530 = tpu.memref_slice %arg7[%dma_wait3A_526, %dma_wait3A_528, %dma_wait3A_529] : memref<2x448x128xf32, #tpu.memory_space<vmem>> -> memref<1x448x128xf32, #tpu.memory_space<vmem>>
      %dma_wait3A_531 = tpu.memref_squeeze %dma_wait3A_530 : memref<1x448x128xf32, #tpu.memory_space<vmem>> -> memref<448x128xf32, #tpu.memory_space<vmem>>
      %dma_wait3A_532 = arith.constant 0 : i32
      %dma_wait3A_533 = arith.constant 0 : i32
      %dma_wait3A_534 = tpu.memref_slice %arg2[%dma_wait3A_532, %dma_wait3A_533] : memref<50000x128xf32, #tpu.memory_space<hbm>> -> memref<448x128xf32, #tpu.memory_space<hbm>>
      %dma_wait3A_535 = tpu.memref_slice %arg8[%dma_wait3A_527] : memref<2x!tpu.dma_semaphore, #tpu.memory_space<semaphore_mem>> -> memref<1x!tpu.dma_semaphore, #tpu.memory_space<semaphore_mem>>
      %dma_wait3A_536 = tpu.memref_squeeze %dma_wait3A_535 : memref<1x!tpu.dma_semaphore, #tpu.memory_space<semaphore_mem>> -> memref<!tpu.dma_semaphore, #tpu.memory_space<semaphore_mem>>
      %dma_wait3A_537 = arith.constant 0 : i32
      %dma_wait3A_538 = arith.constant 0 : i32
      %dma_wait3A_539 = tpu.memref_slice %arg7[%dma_wait3A_526, %dma_wait3A_537, %dma_wait3A_538] : memref<2x448x128xf32, #tpu.memory_space<vmem>> -> memref<1x448x128xf32, #tpu.memory_space<vmem>>
      %dma_wait3A_540 = tpu.memref_squeeze %dma_wait3A_539 : memref<1x448x128xf32, #tpu.memory_space<vmem>> -> memref<448x128xf32, #tpu.memory_space<vmem>>
      %dma_wait3A_541 = arith.constant 0 : i32
      %dma_wait3A_542 = arith.constant 0 : i32
      %dma_wait3A_543 = tpu.memref_slice %arg2[%dma_wait3A_541, %dma_wait3A_542] : memref<50000x128xf32, #tpu.memory_space<hbm>> -> memref<448x128xf32, #tpu.memory_space<hbm>>
      tpu.wait_dma2 semaphore(%dma_wait3A_536 : memref<!tpu.dma_semaphore, #tpu.memory_space<semaphore_mem>>) src(%dma_wait3A_543 : memref<448x128xf32, #tpu.memory_space<hbm>>) dst(%dma_wait3A_540 : memref<448x128xf32, #tpu.memory_space<vmem>>)
      %add3A_544 = arith.constant 2240 : i32
      %add3A_545 = arith.addi %select_n3A_8, %add3A_544 : i32
      %dma_start3A = arith.constant 1 : i32
      %dma_start3A_546 = arith.constant 1 : i32
      %dma_start3A_547 = arith.constant 0 : i32
      %dma_start3A_548 = arith.constant 0 : i32
      %dma_start3A_549 = tpu.memref_slice %arg7[%dma_start3A, %dma_start3A_547, %dma_start3A_548] : memref<2x448x128xf32, #tpu.memory_space<vmem>> -> memref<1x448x128xf32, #tpu.memory_space<vmem>>
      %dma_start3A_550 = tpu.memref_squeeze %dma_start3A_549 : memref<1x448x128xf32, #tpu.memory_space<vmem>> -> memref<448x128xf32, #tpu.memory_space<vmem>>
      %dma_start3A_551 = arith.constant 0 : i32
      %dma_start3A_552 = tpu.memref_slice %arg4[%add3A_545, %dma_start3A_551] : memref<401408x128xf32, #tpu.memory_space<hbm>> -> memref<448x128xf32, #tpu.memory_space<hbm>>
      %dma_start3A_553 = tpu.memref_slice %arg9[%dma_start3A_546] : memref<2x!tpu.dma_semaphore, #tpu.memory_space<semaphore_mem>> -> memref<1x!tpu.dma_semaphore, #tpu.memory_space<semaphore_mem>>
      %dma_start3A_554 = tpu.memref_squeeze %dma_start3A_553 : memref<1x!tpu.dma_semaphore, #tpu.memory_space<semaphore_mem>> -> memref<!tpu.dma_semaphore, #tpu.memory_space<semaphore_mem>>
      %dma_start3A_555 = arith.constant 0 : i32
      %dma_start3A_556 = tpu.memref_slice %arg4[%add3A_545, %dma_start3A_555] : memref<401408x128xf32, #tpu.memory_space<hbm>> -> memref<448x128xf32, #tpu.memory_space<hbm>>
      %dma_start3A_557 = arith.constant 0 : i32
      %dma_start3A_558 = arith.constant 0 : i32
      %dma_start3A_559 = tpu.memref_slice %arg7[%dma_start3A, %dma_start3A_557, %dma_start3A_558] : memref<2x448x128xf32, #tpu.memory_space<vmem>> -> memref<1x448x128xf32, #tpu.memory_space<vmem>>
      %dma_start3A_560 = tpu.memref_squeeze %dma_start3A_559 : memref<1x448x128xf32, #tpu.memory_space<vmem>> -> memref<448x128xf32, #tpu.memory_space<vmem>>
      tpu.enqueue_dma source(%dma_start3A_560 : memref<448x128xf32, #tpu.memory_space<vmem>>) target(%dma_start3A_556 : memref<448x128xf32, #tpu.memory_space<hbm>>) target_semaphore(%dma_start3A_554 : memref<!tpu.dma_semaphore, #tpu.memory_space<semaphore_mem>>)
    } else {
    }
    %gt3A_96 = arith.constant 7 : i32
    %gt3A_97 = arith.cmpi sgt, %select_n3A, %gt3A_96 : i32
    %convert_element_type3A_98 = arith.extui %gt3A_97 : i1 to i32
    %cond3A_99 = arith.constant 0 : i32
    %cond3A_100 = arith.cmpi ne, %convert_element_type3A_98, %cond3A_99 : i32
    scf.if %cond3A_100 {
      %dma_wait3A_526 = arith.constant 1 : i32
      %dma_wait3A_527 = arith.constant 1 : i32
      %dma_wait3A_528 = arith.constant 0 : i32
      %dma_wait3A_529 = arith.constant 0 : i32
      %dma_wait3A_530 = tpu.memref_slice %arg7[%dma_wait3A_526, %dma_wait3A_528, %dma_wait3A_529] : memref<2x448x128xf32, #tpu.memory_space<vmem>> -> memref<1x448x128xf32, #tpu.memory_space<vmem>>
      %dma_wait3A_531 = tpu.memref_squeeze %dma_wait3A_530 : memref<1x448x128xf32, #tpu.memory_space<vmem>> -> memref<448x128xf32, #tpu.memory_space<vmem>>
      %dma_wait3A_532 = arith.constant 0 : i32
      %dma_wait3A_533 = arith.constant 0 : i32
      %dma_wait3A_534 = tpu.memref_slice %arg4[%dma_wait3A_532, %dma_wait3A_533] : memref<401408x128xf32, #tpu.memory_space<hbm>> -> memref<448x128xf32, #tpu.memory_space<hbm>>
      %dma_wait3A_535 = tpu.memref_slice %arg9[%dma_wait3A_527] : memref<2x!tpu.dma_semaphore, #tpu.memory_space<semaphore_mem>> -> memref<1x!tpu.dma_semaphore, #tpu.memory_space<semaphore_mem>>
      %dma_wait3A_536 = tpu.memref_squeeze %dma_wait3A_535 : memref<1x!tpu.dma_semaphore, #tpu.memory_space<semaphore_mem>> -> memref<!tpu.dma_semaphore, #tpu.memory_space<semaphore_mem>>
      %dma_wait3A_537 = arith.constant 0 : i32
      %dma_wait3A_538 = arith.constant 0 : i32
      %dma_wait3A_539 = tpu.memref_slice %arg4[%dma_wait3A_537, %dma_wait3A_538] : memref<401408x128xf32, #tpu.memory_space<hbm>> -> memref<448x128xf32, #tpu.memory_space<hbm>>
      %dma_wait3A_540 = arith.constant 0 : i32
      %dma_wait3A_541 = arith.constant 0 : i32
      %dma_wait3A_542 = tpu.memref_slice %arg7[%dma_wait3A_526, %dma_wait3A_540, %dma_wait3A_541] : memref<2x448x128xf32, #tpu.memory_space<vmem>> -> memref<1x448x128xf32, #tpu.memory_space<vmem>>
      %dma_wait3A_543 = tpu.memref_squeeze %dma_wait3A_542 : memref<1x448x128xf32, #tpu.memory_space<vmem>> -> memref<448x128xf32, #tpu.memory_space<vmem>>
      tpu.wait_dma2 semaphore(%dma_wait3A_536 : memref<!tpu.dma_semaphore, #tpu.memory_space<semaphore_mem>>) src(%dma_wait3A_543 : memref<448x128xf32, #tpu.memory_space<vmem>>) dst(%dma_wait3A_539 : memref<448x128xf32, #tpu.memory_space<hbm>>)
    } else {
    }
    %gt3A_101 = arith.constant 7 : i32
    %gt3A_102 = arith.cmpi sgt, %select_n3A, %gt3A_101 : i32
    %convert_element_type3A_103 = arith.extui %gt3A_102 : i1 to i32
    %cond3A_104 = arith.constant 0 : i32
    %cond3A_105 = arith.cmpi ne, %convert_element_type3A_103, %cond3A_104 : i32
    scf.if %cond3A_105 {
      %add3A_526 = arith.constant 3136 : i32
      %add3A_527 = arith.addi %select_n3A_8, %add3A_526 : i32
      "tpu.region"() ({
        %run_scoped3A = tpu.sem_alloc : memref<!tpu.dma_semaphore, #tpu.memory_space<semaphore_mem>>
        %dma_start3A_538 = tpu.memref_slice %arg3[%add3A_527] : memref<401408xi32, #tpu.memory_space<hbm>> -> memref<448xi32, #tpu.memory_space<hbm>>
        %dma_start3A_539 = tpu.memref_slice %arg3[%add3A_527] : memref<401408xi32, #tpu.memory_space<hbm>> -> memref<448xi32, #tpu.memory_space<hbm>>
        tpu.enqueue_dma source(%dma_start3A_539 : memref<448xi32, #tpu.memory_space<hbm>>) target(%arg6 : memref<448xi32, #tpu.memory_space<vmem>>) target_semaphore(%run_scoped3A : memref<!tpu.dma_semaphore, #tpu.memory_space<semaphore_mem>>)
        %dma_wait3A_540 = tpu.memref_slice %arg3[%add3A_527] : memref<401408xi32, #tpu.memory_space<hbm>> -> memref<448xi32, #tpu.memory_space<hbm>>
        %dma_wait3A_541 = tpu.memref_slice %arg3[%add3A_527] : memref<401408xi32, #tpu.memory_space<hbm>> -> memref<448xi32, #tpu.memory_space<hbm>>
        tpu.wait_dma2 semaphore(%run_scoped3A : memref<!tpu.dma_semaphore, #tpu.memory_space<semaphore_mem>>) src(%dma_wait3A_541 : memref<448xi32, #tpu.memory_space<hbm>>) dst(%arg6 : memref<448xi32, #tpu.memory_space<vmem>>)
        tpu.yield
      }) : () -> ()
      %dma_start3A = arith.constant 1 : i32
      %dma_start3A_528 = arith.constant 1 : i32
      %dma_start3A_529 = arith.constant 0 : i32
      %dma_start3A_530 = arith.constant 0 : i32
      %dma_start3A_531 = tpu.memref_slice %arg7[%dma_start3A, %dma_start3A_529, %dma_start3A_530] : memref<2x448x128xf32, #tpu.memory_space<vmem>> -> memref<1x448x128xf32, #tpu.memory_space<vmem>>
      %dma_start3A_532 = tpu.memref_squeeze %dma_start3A_531 : memref<1x448x128xf32, #tpu.memory_space<vmem>> -> memref<448x128xf32, #tpu.memory_space<vmem>>
      %dma_start3A_533 = arith.constant 0 : i32
      %dma_start3A_534 = arith.constant 0 : i32
      %dma_start3A_535 = tpu.memref_slice %arg2[%dma_start3A_533, %dma_start3A_534] : memref<50000x128xf32, #tpu.memory_space<hbm>> -> memref<50000x128xf32, #tpu.memory_space<hbm>>
      %dma_start3A_536 = tpu.memref_slice %arg8[%dma_start3A_528] : memref<2x!tpu.dma_semaphore, #tpu.memory_space<semaphore_mem>> -> memref<1x!tpu.dma_semaphore, #tpu.memory_space<semaphore_mem>>
      %dma_start3A_537 = tpu.memref_squeeze %dma_start3A_536 : memref<1x!tpu.dma_semaphore, #tpu.memory_space<semaphore_mem>> -> memref<!tpu.dma_semaphore, #tpu.memory_space<semaphore_mem>>
      tpu.enqueue_indirect_dma source(%dma_start3A_535 : memref<50000x128xf32, #tpu.memory_space<hbm>>) target(%dma_start3A_532 : memref<448x128xf32, #tpu.memory_space<vmem>>) offsets(%arg6 : memref<448xi32, #tpu.memory_space<vmem>>) semaphore(%dma_start3A_537 : memref<!tpu.dma_semaphore, #tpu.memory_space<semaphore_mem>>)
    } else {
    }
    %gt3A_106 = arith.constant 6 : i32
    %gt3A_107 = arith.cmpi sgt, %select_n3A, %gt3A_106 : i32
    %convert_element_type3A_108 = arith.extui %gt3A_107 : i1 to i32
    %cond3A_109 = arith.constant 0 : i32
    %cond3A_110 = arith.cmpi ne, %convert_element_type3A_108, %cond3A_109 : i32
    scf.if %cond3A_110 {
      %dma_wait3A_526 = arith.constant 0 : i32
      %dma_wait3A_527 = arith.constant 0 : i32
      %dma_wait3A_528 = arith.constant 0 : i32
      %dma_wait3A_529 = arith.constant 0 : i32
      %dma_wait3A_530 = tpu.memref_slice %arg7[%dma_wait3A_526, %dma_wait3A_528, %dma_wait3A_529] : memref<2x448x128xf32, #tpu.memory_space<vmem>> -> memref<1x448x128xf32, #tpu.memory_space<vmem>>
      %dma_wait3A_531 = tpu.memref_squeeze %dma_wait3A_530 : memref<1x448x128xf32, #tpu.memory_space<vmem>> -> memref<448x128xf32, #tpu.memory_space<vmem>>
      %dma_wait3A_532 = arith.constant 0 : i32
      %dma_wait3A_533 = arith.constant 0 : i32
      %dma_wait3A_534 = tpu.memref_slice %arg2[%dma_wait3A_532, %dma_wait3A_533] : memref<50000x128xf32, #tpu.memory_space<hbm>> -> memref<448x128xf32, #tpu.memory_space<hbm>>
      %dma_wait3A_535 = tpu.memref_slice %arg8[%dma_wait3A_527] : memref<2x!tpu.dma_semaphore, #tpu.memory_space<semaphore_mem>> -> memref<1x!tpu.dma_semaphore, #tpu.memory_space<semaphore_mem>>
      %dma_wait3A_536 = tpu.memref_squeeze %dma_wait3A_535 : memref<1x!tpu.dma_semaphore, #tpu.memory_space<semaphore_mem>> -> memref<!tpu.dma_semaphore, #tpu.memory_space<semaphore_mem>>
      %dma_wait3A_537 = arith.constant 0 : i32
      %dma_wait3A_538 = arith.constant 0 : i32
      %dma_wait3A_539 = tpu.memref_slice %arg7[%dma_wait3A_526, %dma_wait3A_537, %dma_wait3A_538] : memref<2x448x128xf32, #tpu.memory_space<vmem>> -> memref<1x448x128xf32, #tpu.memory_space<vmem>>
      %dma_wait3A_540 = tpu.memref_squeeze %dma_wait3A_539 : memref<1x448x128xf32, #tpu.memory_space<vmem>> -> memref<448x128xf32, #tpu.memory_space<vmem>>
      %dma_wait3A_541 = arith.constant 0 : i32
      %dma_wait3A_542 = arith.constant 0 : i32
      %dma_wait3A_543 = tpu.memref_slice %arg2[%dma_wait3A_541, %dma_wait3A_542] : memref<50000x128xf32, #tpu.memory_space<hbm>> -> memref<448x128xf32, #tpu.memory_space<hbm>>
      tpu.wait_dma2 semaphore(%dma_wait3A_536 : memref<!tpu.dma_semaphore, #tpu.memory_space<semaphore_mem>>) src(%dma_wait3A_543 : memref<448x128xf32, #tpu.memory_space<hbm>>) dst(%dma_wait3A_540 : memref<448x128xf32, #tpu.memory_space<vmem>>)
      %add3A_544 = arith.constant 2688 : i32
      %add3A_545 = arith.addi %select_n3A_8, %add3A_544 : i32
      %dma_start3A = arith.constant 0 : i32
      %dma_start3A_546 = arith.constant 0 : i32
      %dma_start3A_547 = arith.constant 0 : i32
      %dma_start3A_548 = arith.constant 0 : i32
      %dma_start3A_549 = tpu.memref_slice %arg7[%dma_start3A, %dma_start3A_547, %dma_start3A_548] : memref<2x448x128xf32, #tpu.memory_space<vmem>> -> memref<1x448x128xf32, #tpu.memory_space<vmem>>
      %dma_start3A_550 = tpu.memref_squeeze %dma_start3A_549 : memref<1x448x128xf32, #tpu.memory_space<vmem>> -> memref<448x128xf32, #tpu.memory_space<vmem>>
      %dma_start3A_551 = arith.constant 0 : i32
      %dma_start3A_552 = tpu.memref_slice %arg4[%add3A_545, %dma_start3A_551] : memref<401408x128xf32, #tpu.memory_space<hbm>> -> memref<448x128xf32, #tpu.memory_space<hbm>>
      %dma_start3A_553 = tpu.memref_slice %arg9[%dma_start3A_546] : memref<2x!tpu.dma_semaphore, #tpu.memory_space<semaphore_mem>> -> memref<1x!tpu.dma_semaphore, #tpu.memory_space<semaphore_mem>>
      %dma_start3A_554 = tpu.memref_squeeze %dma_start3A_553 : memref<1x!tpu.dma_semaphore, #tpu.memory_space<semaphore_mem>> -> memref<!tpu.dma_semaphore, #tpu.memory_space<semaphore_mem>>
      %dma_start3A_555 = arith.constant 0 : i32
      %dma_start3A_556 = tpu.memref_slice %arg4[%add3A_545, %dma_start3A_555] : memref<401408x128xf32, #tpu.memory_space<hbm>> -> memref<448x128xf32, #tpu.memory_space<hbm>>
      %dma_start3A_557 = arith.constant 0 : i32
      %dma_start3A_558 = arith.constant 0 : i32
      %dma_start3A_559 = tpu.memref_slice %arg7[%dma_start3A, %dma_start3A_557, %dma_start3A_558] : memref<2x448x128xf32, #tpu.memory_space<vmem>> -> memref<1x448x128xf32, #tpu.memory_space<vmem>>
      %dma_start3A_560 = tpu.memref_squeeze %dma_start3A_559 : memref<1x448x128xf32, #tpu.memory_space<vmem>> -> memref<448x128xf32, #tpu.memory_space<vmem>>
      tpu.enqueue_dma source(%dma_start3A_560 : memref<448x128xf32, #tpu.memory_space<vmem>>) target(%dma_start3A_556 : memref<448x128xf32, #tpu.memory_space<hbm>>) target_semaphore(%dma_start3A_554 : memref<!tpu.dma_semaphore, #tpu.memory_space<semaphore_mem>>)
    } else {
    }
    %gt3A_111 = arith.constant 8 : i32
    %gt3A_112 = arith.cmpi sgt, %select_n3A, %gt3A_111 : i32
    %convert_element_type3A_113 = arith.extui %gt3A_112 : i1 to i32
    %cond3A_114 = arith.constant 0 : i32
    %cond3A_115 = arith.cmpi ne, %convert_element_type3A_113, %cond3A_114 : i32
    scf.if %cond3A_115 {
      %dma_wait3A_526 = arith.constant 0 : i32
      %dma_wait3A_527 = arith.constant 0 : i32
      %dma_wait3A_528 = arith.constant 0 : i32
      %dma_wait3A_529 = arith.constant 0 : i32
      %dma_wait3A_530 = tpu.memref_slice %arg7[%dma_wait3A_526, %dma_wait3A_528, %dma_wait3A_529] : memref<2x448x128xf32, #tpu.memory_space<vmem>> -> memref<1x448x128xf32, #tpu.memory_space<vmem>>
      %dma_wait3A_531 = tpu.memref_squeeze %dma_wait3A_530 : memref<1x448x128xf32, #tpu.memory_space<vmem>> -> memref<448x128xf32, #tpu.memory_space<vmem>>
      %dma_wait3A_532 = arith.constant 0 : i32
      %dma_wait3A_533 = arith.constant 0 : i32
      %dma_wait3A_534 = tpu.memref_slice %arg4[%dma_wait3A_532, %dma_wait3A_533] : memref<401408x128xf32, #tpu.memory_space<hbm>> -> memref<448x128xf32, #tpu.memory_space<hbm>>
      %dma_wait3A_535 = tpu.memref_slice %arg9[%dma_wait3A_527] : memref<2x!tpu.dma_semaphore, #tpu.memory_space<semaphore_mem>> -> memref<1x!tpu.dma_semaphore, #tpu.memory_space<semaphore_mem>>
      %dma_wait3A_536 = tpu.memref_squeeze %dma_wait3A_535 : memref<1x!tpu.dma_semaphore, #tpu.memory_space<semaphore_mem>> -> memref<!tpu.dma_semaphore, #tpu.memory_space<semaphore_mem>>
      %dma_wait3A_537 = arith.constant 0 : i32
      %dma_wait3A_538 = arith.constant 0 : i32
      %dma_wait3A_539 = tpu.memref_slice %arg4[%dma_wait3A_537, %dma_wait3A_538] : memref<401408x128xf32, #tpu.memory_space<hbm>> -> memref<448x128xf32, #tpu.memory_space<hbm>>
      %dma_wait3A_540 = arith.constant 0 : i32
      %dma_wait3A_541 = arith.constant 0 : i32
      %dma_wait3A_542 = tpu.memref_slice %arg7[%dma_wait3A_526, %dma_wait3A_540, %dma_wait3A_541] : memref<2x448x128xf32, #tpu.memory_space<vmem>> -> memref<1x448x128xf32, #tpu.memory_space<vmem>>
      %dma_wait3A_543 = tpu.memref_squeeze %dma_wait3A_542 : memref<1x448x128xf32, #tpu.memory_space<vmem>> -> memref<448x128xf32, #tpu.memory_space<vmem>>
      tpu.wait_dma2 semaphore(%dma_wait3A_536 : memref<!tpu.dma_semaphore, #tpu.memory_space<semaphore_mem>>) src(%dma_wait3A_543 : memref<448x128xf32, #tpu.memory_space<vmem>>) dst(%dma_wait3A_539 : memref<448x128xf32, #tpu.memory_space<hbm>>)
    } else {
    }
    %gt3A_116 = arith.constant 8 : i32
    %gt3A_117 = arith.cmpi sgt, %select_n3A, %gt3A_116 : i32
    %convert_element_type3A_118 = arith.extui %gt3A_117 : i1 to i32
    %cond3A_119 = arith.constant 0 : i32
    %cond3A_120 = arith.cmpi ne, %convert_element_type3A_118, %cond3A_119 : i32
    scf.if %cond3A_120 {
      %add3A_526 = arith.constant 3584 : i32
      %add3A_527 = arith.addi %select_n3A_8, %add3A_526 : i32
      "tpu.region"() ({
        %run_scoped3A = tpu.sem_alloc : memref<!tpu.dma_semaphore, #tpu.memory_space<semaphore_mem>>
        %dma_start3A_538 = tpu.memref_slice %arg3[%add3A_527] : memref<401408xi32, #tpu.memory_space<hbm>> -> memref<448xi32, #tpu.memory_space<hbm>>
        %dma_start3A_539 = tpu.memref_slice %arg3[%add3A_527] : memref<401408xi32, #tpu.memory_space<hbm>> -> memref<448xi32, #tpu.memory_space<hbm>>
        tpu.enqueue_dma source(%dma_start3A_539 : memref<448xi32, #tpu.memory_space<hbm>>) target(%arg5 : memref<448xi32, #tpu.memory_space<vmem>>) target_semaphore(%run_scoped3A : memref<!tpu.dma_semaphore, #tpu.memory_space<semaphore_mem>>)
        %dma_wait3A_540 = tpu.memref_slice %arg3[%add3A_527] : memref<401408xi32, #tpu.memory_space<hbm>> -> memref<448xi32, #tpu.memory_space<hbm>>
        %dma_wait3A_541 = tpu.memref_slice %arg3[%add3A_527] : memref<401408xi32, #tpu.memory_space<hbm>> -> memref<448xi32, #tpu.memory_space<hbm>>
        tpu.wait_dma2 semaphore(%run_scoped3A : memref<!tpu.dma_semaphore, #tpu.memory_space<semaphore_mem>>) src(%dma_wait3A_541 : memref<448xi32, #tpu.memory_space<hbm>>) dst(%arg5 : memref<448xi32, #tpu.memory_space<vmem>>)
        tpu.yield
      }) : () -> ()
      %dma_start3A = arith.constant 0 : i32
      %dma_start3A_528 = arith.constant 0 : i32
      %dma_start3A_529 = arith.constant 0 : i32
      %dma_start3A_530 = arith.constant 0 : i32
      %dma_start3A_531 = tpu.memref_slice %arg7[%dma_start3A, %dma_start3A_529, %dma_start3A_530] : memref<2x448x128xf32, #tpu.memory_space<vmem>> -> memref<1x448x128xf32, #tpu.memory_space<vmem>>
      %dma_start3A_532 = tpu.memref_squeeze %dma_start3A_531 : memref<1x448x128xf32, #tpu.memory_space<vmem>> -> memref<448x128xf32, #tpu.memory_space<vmem>>
      %dma_start3A_533 = arith.constant 0 : i32
      %dma_start3A_534 = arith.constant 0 : i32
      %dma_start3A_535 = tpu.memref_slice %arg2[%dma_start3A_533, %dma_start3A_534] : memref<50000x128xf32, #tpu.memory_space<hbm>> -> memref<50000x128xf32, #tpu.memory_space<hbm>>
      %dma_start3A_536 = tpu.memref_slice %arg8[%dma_start3A_528] : memref<2x!tpu.dma_semaphore, #tpu.memory_space<semaphore_mem>> -> memref<1x!tpu.dma_semaphore, #tpu.memory_space<semaphore_mem>>
      %dma_start3A_537 = tpu.memref_squeeze %dma_start3A_536 : memref<1x!tpu.dma_semaphore, #tpu.memory_space<semaphore_mem>> -> memref<!tpu.dma_semaphore, #tpu.memory_space<semaphore_mem>>
      tpu.enqueue_indirect_dma source(%dma_start3A_535 : memref<50000x128xf32, #tpu.memory_space<hbm>>) target(%dma_start3A_532 : memref<448x128xf32, #tpu.memory_space<vmem>>) offsets(%arg5 : memref<448xi32, #tpu.memory_space<vmem>>) semaphore(%dma_start3A_537 : memref<!tpu.dma_semaphore, #tpu.memory_space<semaphore_mem>>)
    } else {
    }
    %gt3A_121 = arith.constant 7 : i32
    %gt3A_122 = arith.cmpi sgt, %select_n3A, %gt3A_121 : i32
    %convert_element_type3A_123 = arith.extui %gt3A_122 : i1 to i32
    %cond3A_124 = arith.constant 0 : i32
    %cond3A_125 = arith.cmpi ne, %convert_element_type3A_123, %cond3A_124 : i32
    scf.if %cond3A_125 {
      %dma_wait3A_526 = arith.constant 1 : i32
      %dma_wait3A_527 = arith.constant 1 : i32
      %dma_wait3A_528 = arith.constant 0 : i32
      %dma_wait3A_529 = arith.constant 0 : i32
      %dma_wait3A_530 = tpu.memref_slice %arg7[%dma_wait3A_526, %dma_wait3A_528, %dma_wait3A_529] : memref<2x448x128xf32, #tpu.memory_space<vmem>> -> memref<1x448x128xf32, #tpu.memory_space<vmem>>
      %dma_wait3A_531 = tpu.memref_squeeze %dma_wait3A_530 : memref<1x448x128xf32, #tpu.memory_space<vmem>> -> memref<448x128xf32, #tpu.memory_space<vmem>>
      %dma_wait3A_532 = arith.constant 0 : i32
      %dma_wait3A_533 = arith.constant 0 : i32
      %dma_wait3A_534 = tpu.memref_slice %arg2[%dma_wait3A_532, %dma_wait3A_533] : memref<50000x128xf32, #tpu.memory_space<hbm>> -> memref<448x128xf32, #tpu.memory_space<hbm>>
      %dma_wait3A_535 = tpu.memref_slice %arg8[%dma_wait3A_527] : memref<2x!tpu.dma_semaphore, #tpu.memory_space<semaphore_mem>> -> memref<1x!tpu.dma_semaphore, #tpu.memory_space<semaphore_mem>>
      %dma_wait3A_536 = tpu.memref_squeeze %dma_wait3A_535 : memref<1x!tpu.dma_semaphore, #tpu.memory_space<semaphore_mem>> -> memref<!tpu.dma_semaphore, #tpu.memory_space<semaphore_mem>>
      %dma_wait3A_537 = arith.constant 0 : i32
      %dma_wait3A_538 = arith.constant 0 : i32
      %dma_wait3A_539 = tpu.memref_slice %arg7[%dma_wait3A_526, %dma_wait3A_537, %dma_wait3A_538] : memref<2x448x128xf32, #tpu.memory_space<vmem>> -> memref<1x448x128xf32, #tpu.memory_space<vmem>>
      %dma_wait3A_540 = tpu.memref_squeeze %dma_wait3A_539 : memref<1x448x128xf32, #tpu.memory_space<vmem>> -> memref<448x128xf32, #tpu.memory_space<vmem>>
      %dma_wait3A_541 = arith.constant 0 : i32
      %dma_wait3A_542 = arith.constant 0 : i32
      %dma_wait3A_543 = tpu.memref_slice %arg2[%dma_wait3A_541, %dma_wait3A_542] : memref<50000x128xf32, #tpu.memory_space<hbm>> -> memref<448x128xf32, #tpu.memory_space<hbm>>
      tpu.wait_dma2 semaphore(%dma_wait3A_536 : memref<!tpu.dma_semaphore, #tpu.memory_space<semaphore_mem>>) src(%dma_wait3A_543 : memref<448x128xf32, #tpu.memory_space<hbm>>) dst(%dma_wait3A_540 : memref<448x128xf32, #tpu.memory_space<vmem>>)
      %add3A_544 = arith.constant 3136 : i32
      %add3A_545 = arith.addi %select_n3A_8, %add3A_544 : i32
      %dma_start3A = arith.constant 1 : i32
      %dma_start3A_546 = arith.constant 1 : i32
      %dma_start3A_547 = arith.constant 0 : i32
      %dma_start3A_548 = arith.constant 0 : i32
      %dma_start3A_549 = tpu.memref_slice %arg7[%dma_start3A, %dma_start3A_547, %dma_start3A_548] : memref<2x448x128xf32, #tpu.memory_space<vmem>> -> memref<1x448x128xf32, #tpu.memory_space<vmem>>
      %dma_start3A_550 = tpu.memref_squeeze %dma_start3A_549 : memref<1x448x128xf32, #tpu.memory_space<vmem>> -> memref<448x128xf32, #tpu.memory_space<vmem>>
      %dma_start3A_551 = arith.constant 0 : i32
      %dma_start3A_552 = tpu.memref_slice %arg4[%add3A_545, %dma_start3A_551] : memref<401408x128xf32, #tpu.memory_space<hbm>> -> memref<448x128xf32, #tpu.memory_space<hbm>>
      %dma_start3A_553 = tpu.memref_slice %arg9[%dma_start3A_546] : memref<2x!tpu.dma_semaphore, #tpu.memory_space<semaphore_mem>> -> memref<1x!tpu.dma_semaphore, #tpu.memory_space<semaphore_mem>>
      %dma_start3A_554 = tpu.memref_squeeze %dma_start3A_553 : memref<1x!tpu.dma_semaphore, #tpu.memory_space<semaphore_mem>> -> memref<!tpu.dma_semaphore, #tpu.memory_space<semaphore_mem>>
      %dma_start3A_555 = arith.constant 0 : i32
      %dma_start3A_556 = tpu.memref_slice %arg4[%add3A_545, %dma_start3A_555] : memref<401408x128xf32, #tpu.memory_space<hbm>> -> memref<448x128xf32, #tpu.memory_space<hbm>>
      %dma_start3A_557 = arith.constant 0 : i32
      %dma_start3A_558 = arith.constant 0 : i32
      %dma_start3A_559 = tpu.memref_slice %arg7[%dma_start3A, %dma_start3A_557, %dma_start3A_558] : memref<2x448x128xf32, #tpu.memory_space<vmem>> -> memref<1x448x128xf32, #tpu.memory_space<vmem>>
      %dma_start3A_560 = tpu.memref_squeeze %dma_start3A_559 : memref<1x448x128xf32, #tpu.memory_space<vmem>> -> memref<448x128xf32, #tpu.memory_space<vmem>>
      tpu.enqueue_dma source(%dma_start3A_560 : memref<448x128xf32, #tpu.memory_space<vmem>>) target(%dma_start3A_556 : memref<448x128xf32, #tpu.memory_space<hbm>>) target_semaphore(%dma_start3A_554 : memref<!tpu.dma_semaphore, #tpu.memory_space<semaphore_mem>>)
    } else {
    }
    %gt3A_126 = arith.constant 9 : i32
    %gt3A_127 = arith.cmpi sgt, %select_n3A, %gt3A_126 : i32
    %convert_element_type3A_128 = arith.extui %gt3A_127 : i1 to i32
    %cond3A_129 = arith.constant 0 : i32
    %cond3A_130 = arith.cmpi ne, %convert_element_type3A_128, %cond3A_129 : i32
    scf.if %cond3A_130 {
      %dma_wait3A_526 = arith.constant 1 : i32
      %dma_wait3A_527 = arith.constant 1 : i32
      %dma_wait3A_528 = arith.constant 0 : i32
      %dma_wait3A_529 = arith.constant 0 : i32
      %dma_wait3A_530 = tpu.memref_slice %arg7[%dma_wait3A_526, %dma_wait3A_528, %dma_wait3A_529] : memref<2x448x128xf32, #tpu.memory_space<vmem>> -> memref<1x448x128xf32, #tpu.memory_space<vmem>>
      %dma_wait3A_531 = tpu.memref_squeeze %dma_wait3A_530 : memref<1x448x128xf32, #tpu.memory_space<vmem>> -> memref<448x128xf32, #tpu.memory_space<vmem>>
      %dma_wait3A_532 = arith.constant 0 : i32
      %dma_wait3A_533 = arith.constant 0 : i32
      %dma_wait3A_534 = tpu.memref_slice %arg4[%dma_wait3A_532, %dma_wait3A_533] : memref<401408x128xf32, #tpu.memory_space<hbm>> -> memref<448x128xf32, #tpu.memory_space<hbm>>
      %dma_wait3A_535 = tpu.memref_slice %arg9[%dma_wait3A_527] : memref<2x!tpu.dma_semaphore, #tpu.memory_space<semaphore_mem>> -> memref<1x!tpu.dma_semaphore, #tpu.memory_space<semaphore_mem>>
      %dma_wait3A_536 = tpu.memref_squeeze %dma_wait3A_535 : memref<1x!tpu.dma_semaphore, #tpu.memory_space<semaphore_mem>> -> memref<!tpu.dma_semaphore, #tpu.memory_space<semaphore_mem>>
      %dma_wait3A_537 = arith.constant 0 : i32
      %dma_wait3A_538 = arith.constant 0 : i32
      %dma_wait3A_539 = tpu.memref_slice %arg4[%dma_wait3A_537, %dma_wait3A_538] : memref<401408x128xf32, #tpu.memory_space<hbm>> -> memref<448x128xf32, #tpu.memory_space<hbm>>
      %dma_wait3A_540 = arith.constant 0 : i32
      %dma_wait3A_541 = arith.constant 0 : i32
      %dma_wait3A_542 = tpu.memref_slice %arg7[%dma_wait3A_526, %dma_wait3A_540, %dma_wait3A_541] : memref<2x448x128xf32, #tpu.memory_space<vmem>> -> memref<1x448x128xf32, #tpu.memory_space<vmem>>
      %dma_wait3A_543 = tpu.memref_squeeze %dma_wait3A_542 : memref<1x448x128xf32, #tpu.memory_space<vmem>> -> memref<448x128xf32, #tpu.memory_space<vmem>>
      tpu.wait_dma2 semaphore(%dma_wait3A_536 : memref<!tpu.dma_semaphore, #tpu.memory_space<semaphore_mem>>) src(%dma_wait3A_543 : memref<448x128xf32, #tpu.memory_space<vmem>>) dst(%dma_wait3A_539 : memref<448x128xf32, #tpu.memory_space<hbm>>)
    } else {
    }
    %gt3A_131 = arith.constant 9 : i32
    %gt3A_132 = arith.cmpi sgt, %select_n3A, %gt3A_131 : i32
    %convert_element_type3A_133 = arith.extui %gt3A_132 : i1 to i32
    %cond3A_134 = arith.constant 0 : i32
    %cond3A_135 = arith.cmpi ne, %convert_element_type3A_133, %cond3A_134 : i32
    scf.if %cond3A_135 {
      %add3A_526 = arith.constant 4032 : i32
      %add3A_527 = arith.addi %select_n3A_8, %add3A_526 : i32
      "tpu.region"() ({
        %run_scoped3A = tpu.sem_alloc : memref<!tpu.dma_semaphore, #tpu.memory_space<semaphore_mem>>
        %dma_start3A_538 = tpu.memref_slice %arg3[%add3A_527] : memref<401408xi32, #tpu.memory_space<hbm>> -> memref<448xi32, #tpu.memory_space<hbm>>
        %dma_start3A_539 = tpu.memref_slice %arg3[%add3A_527] : memref<401408xi32, #tpu.memory_space<hbm>> -> memref<448xi32, #tpu.memory_space<hbm>>
        tpu.enqueue_dma source(%dma_start3A_539 : memref<448xi32, #tpu.memory_space<hbm>>) target(%arg6 : memref<448xi32, #tpu.memory_space<vmem>>) target_semaphore(%run_scoped3A : memref<!tpu.dma_semaphore, #tpu.memory_space<semaphore_mem>>)
        %dma_wait3A_540 = tpu.memref_slice %arg3[%add3A_527] : memref<401408xi32, #tpu.memory_space<hbm>> -> memref<448xi32, #tpu.memory_space<hbm>>
        %dma_wait3A_541 = tpu.memref_slice %arg3[%add3A_527] : memref<401408xi32, #tpu.memory_space<hbm>> -> memref<448xi32, #tpu.memory_space<hbm>>
        tpu.wait_dma2 semaphore(%run_scoped3A : memref<!tpu.dma_semaphore, #tpu.memory_space<semaphore_mem>>) src(%dma_wait3A_541 : memref<448xi32, #tpu.memory_space<hbm>>) dst(%arg6 : memref<448xi32, #tpu.memory_space<vmem>>)
        tpu.yield
      }) : () -> ()
      %dma_start3A = arith.constant 1 : i32
      %dma_start3A_528 = arith.constant 1 : i32
      %dma_start3A_529 = arith.constant 0 : i32
      %dma_start3A_530 = arith.constant 0 : i32
      %dma_start3A_531 = tpu.memref_slice %arg7[%dma_start3A, %dma_start3A_529, %dma_start3A_530] : memref<2x448x128xf32, #tpu.memory_space<vmem>> -> memref<1x448x128xf32, #tpu.memory_space<vmem>>
      %dma_start3A_532 = tpu.memref_squeeze %dma_start3A_531 : memref<1x448x128xf32, #tpu.memory_space<vmem>> -> memref<448x128xf32, #tpu.memory_space<vmem>>
      %dma_start3A_533 = arith.constant 0 : i32
      %dma_start3A_534 = arith.constant 0 : i32
      %dma_start3A_535 = tpu.memref_slice %arg2[%dma_start3A_533, %dma_start3A_534] : memref<50000x128xf32, #tpu.memory_space<hbm>> -> memref<50000x128xf32, #tpu.memory_space<hbm>>
      %dma_start3A_536 = tpu.memref_slice %arg8[%dma_start3A_528] : memref<2x!tpu.dma_semaphore, #tpu.memory_space<semaphore_mem>> -> memref<1x!tpu.dma_semaphore, #tpu.memory_space<semaphore_mem>>
      %dma_start3A_537 = tpu.memref_squeeze %dma_start3A_536 : memref<1x!tpu.dma_semaphore, #tpu.memory_space<semaphore_mem>> -> memref<!tpu.dma_semaphore, #tpu.memory_space<semaphore_mem>>
      tpu.enqueue_indirect_dma source(%dma_start3A_535 : memref<50000x128xf32, #tpu.memory_space<hbm>>) target(%dma_start3A_532 : memref<448x128xf32, #tpu.memory_space<vmem>>) offsets(%arg6 : memref<448xi32, #tpu.memory_space<vmem>>) semaphore(%dma_start3A_537 : memref<!tpu.dma_semaphore, #tpu.memory_space<semaphore_mem>>)
    } else {
    }
    %gt3A_136 = arith.constant 8 : i32
    %gt3A_137 = arith.cmpi sgt, %select_n3A, %gt3A_136 : i32
    %convert_element_type3A_138 = arith.extui %gt3A_137 : i1 to i32
    %cond3A_139 = arith.constant 0 : i32
    %cond3A_140 = arith.cmpi ne, %convert_element_type3A_138, %cond3A_139 : i32
    scf.if %cond3A_140 {
      %dma_wait3A_526 = arith.constant 0 : i32
      %dma_wait3A_527 = arith.constant 0 : i32
      %dma_wait3A_528 = arith.constant 0 : i32
      %dma_wait3A_529 = arith.constant 0 : i32
      %dma_wait3A_530 = tpu.memref_slice %arg7[%dma_wait3A_526, %dma_wait3A_528, %dma_wait3A_529] : memref<2x448x128xf32, #tpu.memory_space<vmem>> -> memref<1x448x128xf32, #tpu.memory_space<vmem>>
      %dma_wait3A_531 = tpu.memref_squeeze %dma_wait3A_530 : memref<1x448x128xf32, #tpu.memory_space<vmem>> -> memref<448x128xf32, #tpu.memory_space<vmem>>
      %dma_wait3A_532 = arith.constant 0 : i32
      %dma_wait3A_533 = arith.constant 0 : i32
      %dma_wait3A_534 = tpu.memref_slice %arg2[%dma_wait3A_532, %dma_wait3A_533] : memref<50000x128xf32, #tpu.memory_space<hbm>> -> memref<448x128xf32, #tpu.memory_space<hbm>>
      %dma_wait3A_535 = tpu.memref_slice %arg8[%dma_wait3A_527] : memref<2x!tpu.dma_semaphore, #tpu.memory_space<semaphore_mem>> -> memref<1x!tpu.dma_semaphore, #tpu.memory_space<semaphore_mem>>
      %dma_wait3A_536 = tpu.memref_squeeze %dma_wait3A_535 : memref<1x!tpu.dma_semaphore, #tpu.memory_space<semaphore_mem>> -> memref<!tpu.dma_semaphore, #tpu.memory_space<semaphore_mem>>
      %dma_wait3A_537 = arith.constant 0 : i32
      %dma_wait3A_538 = arith.constant 0 : i32
      %dma_wait3A_539 = tpu.memref_slice %arg7[%dma_wait3A_526, %dma_wait3A_537, %dma_wait3A_538] : memref<2x448x128xf32, #tpu.memory_space<vmem>> -> memref<1x448x128xf32, #tpu.memory_space<vmem>>
      %dma_wait3A_540 = tpu.memref_squeeze %dma_wait3A_539 : memref<1x448x128xf32, #tpu.memory_space<vmem>> -> memref<448x128xf32, #tpu.memory_space<vmem>>
      %dma_wait3A_541 = arith.constant 0 : i32
      %dma_wait3A_542 = arith.constant 0 : i32
      %dma_wait3A_543 = tpu.memref_slice %arg2[%dma_wait3A_541, %dma_wait3A_542] : memref<50000x128xf32, #tpu.memory_space<hbm>> -> memref<448x128xf32, #tpu.memory_space<hbm>>
      tpu.wait_dma2 semaphore(%dma_wait3A_536 : memref<!tpu.dma_semaphore, #tpu.memory_space<semaphore_mem>>) src(%dma_wait3A_543 : memref<448x128xf32, #tpu.memory_space<hbm>>) dst(%dma_wait3A_540 : memref<448x128xf32, #tpu.memory_space<vmem>>)
      %add3A_544 = arith.constant 3584 : i32
      %add3A_545 = arith.addi %select_n3A_8, %add3A_544 : i32
      %dma_start3A = arith.constant 0 : i32
      %dma_start3A_546 = arith.constant 0 : i32
      %dma_start3A_547 = arith.constant 0 : i32
      %dma_start3A_548 = arith.constant 0 : i32
      %dma_start3A_549 = tpu.memref_slice %arg7[%dma_start3A, %dma_start3A_547, %dma_start3A_548] : memref<2x448x128xf32, #tpu.memory_space<vmem>> -> memref<1x448x128xf32, #tpu.memory_space<vmem>>
      %dma_start3A_550 = tpu.memref_squeeze %dma_start3A_549 : memref<1x448x128xf32, #tpu.memory_space<vmem>> -> memref<448x128xf32, #tpu.memory_space<vmem>>
      %dma_start3A_551 = arith.constant 0 : i32
      %dma_start3A_552 = tpu.memref_slice %arg4[%add3A_545, %dma_start3A_551] : memref<401408x128xf32, #tpu.memory_space<hbm>> -> memref<448x128xf32, #tpu.memory_space<hbm>>
      %dma_start3A_553 = tpu.memref_slice %arg9[%dma_start3A_546] : memref<2x!tpu.dma_semaphore, #tpu.memory_space<semaphore_mem>> -> memref<1x!tpu.dma_semaphore, #tpu.memory_space<semaphore_mem>>
      %dma_start3A_554 = tpu.memref_squeeze %dma_start3A_553 : memref<1x!tpu.dma_semaphore, #tpu.memory_space<semaphore_mem>> -> memref<!tpu.dma_semaphore, #tpu.memory_space<semaphore_mem>>
      %dma_start3A_555 = arith.constant 0 : i32
      %dma_start3A_556 = tpu.memref_slice %arg4[%add3A_545, %dma_start3A_555] : memref<401408x128xf32, #tpu.memory_space<hbm>> -> memref<448x128xf32, #tpu.memory_space<hbm>>
      %dma_start3A_557 = arith.constant 0 : i32
      %dma_start3A_558 = arith.constant 0 : i32
      %dma_start3A_559 = tpu.memref_slice %arg7[%dma_start3A, %dma_start3A_557, %dma_start3A_558] : memref<2x448x128xf32, #tpu.memory_space<vmem>> -> memref<1x448x128xf32, #tpu.memory_space<vmem>>
      %dma_start3A_560 = tpu.memref_squeeze %dma_start3A_559 : memref<1x448x128xf32, #tpu.memory_space<vmem>> -> memref<448x128xf32, #tpu.memory_space<vmem>>
      tpu.enqueue_dma source(%dma_start3A_560 : memref<448x128xf32, #tpu.memory_space<vmem>>) target(%dma_start3A_556 : memref<448x128xf32, #tpu.memory_space<hbm>>) target_semaphore(%dma_start3A_554 : memref<!tpu.dma_semaphore, #tpu.memory_space<semaphore_mem>>)
    } else {
    }
    %gt3A_141 = arith.constant 10 : i32
    %gt3A_142 = arith.cmpi sgt, %select_n3A, %gt3A_141 : i32
    %convert_element_type3A_143 = arith.extui %gt3A_142 : i1 to i32
    %cond3A_144 = arith.constant 0 : i32
    %cond3A_145 = arith.cmpi ne, %convert_element_type3A_143, %cond3A_144 : i32
    scf.if %cond3A_145 {
      %dma_wait3A_526 = arith.constant 0 : i32
      %dma_wait3A_527 = arith.constant 0 : i32
      %dma_wait3A_528 = arith.constant 0 : i32
      %dma_wait3A_529 = arith.constant 0 : i32
      %dma_wait3A_530 = tpu.memref_slice %arg7[%dma_wait3A_526, %dma_wait3A_528, %dma_wait3A_529] : memref<2x448x128xf32, #tpu.memory_space<vmem>> -> memref<1x448x128xf32, #tpu.memory_space<vmem>>
      %dma_wait3A_531 = tpu.memref_squeeze %dma_wait3A_530 : memref<1x448x128xf32, #tpu.memory_space<vmem>> -> memref<448x128xf32, #tpu.memory_space<vmem>>
      %dma_wait3A_532 = arith.constant 0 : i32
      %dma_wait3A_533 = arith.constant 0 : i32
      %dma_wait3A_534 = tpu.memref_slice %arg4[%dma_wait3A_532, %dma_wait3A_533] : memref<401408x128xf32, #tpu.memory_space<hbm>> -> memref<448x128xf32, #tpu.memory_space<hbm>>
      %dma_wait3A_535 = tpu.memref_slice %arg9[%dma_wait3A_527] : memref<2x!tpu.dma_semaphore, #tpu.memory_space<semaphore_mem>> -> memref<1x!tpu.dma_semaphore, #tpu.memory_space<semaphore_mem>>
      %dma_wait3A_536 = tpu.memref_squeeze %dma_wait3A_535 : memref<1x!tpu.dma_semaphore, #tpu.memory_space<semaphore_mem>> -> memref<!tpu.dma_semaphore, #tpu.memory_space<semaphore_mem>>
      %dma_wait3A_537 = arith.constant 0 : i32
      %dma_wait3A_538 = arith.constant 0 : i32
      %dma_wait3A_539 = tpu.memref_slice %arg4[%dma_wait3A_537, %dma_wait3A_538] : memref<401408x128xf32, #tpu.memory_space<hbm>> -> memref<448x128xf32, #tpu.memory_space<hbm>>
      %dma_wait3A_540 = arith.constant 0 : i32
      %dma_wait3A_541 = arith.constant 0 : i32
      %dma_wait3A_542 = tpu.memref_slice %arg7[%dma_wait3A_526, %dma_wait3A_540, %dma_wait3A_541] : memref<2x448x128xf32, #tpu.memory_space<vmem>> -> memref<1x448x128xf32, #tpu.memory_space<vmem>>
      %dma_wait3A_543 = tpu.memref_squeeze %dma_wait3A_542 : memref<1x448x128xf32, #tpu.memory_space<vmem>> -> memref<448x128xf32, #tpu.memory_space<vmem>>
      tpu.wait_dma2 semaphore(%dma_wait3A_536 : memref<!tpu.dma_semaphore, #tpu.memory_space<semaphore_mem>>) src(%dma_wait3A_543 : memref<448x128xf32, #tpu.memory_space<vmem>>) dst(%dma_wait3A_539 : memref<448x128xf32, #tpu.memory_space<hbm>>)
    } else {
    }
    %gt3A_146 = arith.constant 10 : i32
    %gt3A_147 = arith.cmpi sgt, %select_n3A, %gt3A_146 : i32
    %convert_element_type3A_148 = arith.extui %gt3A_147 : i1 to i32
    %cond3A_149 = arith.constant 0 : i32
    %cond3A_150 = arith.cmpi ne, %convert_element_type3A_148, %cond3A_149 : i32
    scf.if %cond3A_150 {
      %add3A_526 = arith.constant 4480 : i32
      %add3A_527 = arith.addi %select_n3A_8, %add3A_526 : i32
      "tpu.region"() ({
        %run_scoped3A = tpu.sem_alloc : memref<!tpu.dma_semaphore, #tpu.memory_space<semaphore_mem>>
        %dma_start3A_538 = tpu.memref_slice %arg3[%add3A_527] : memref<401408xi32, #tpu.memory_space<hbm>> -> memref<448xi32, #tpu.memory_space<hbm>>
        %dma_start3A_539 = tpu.memref_slice %arg3[%add3A_527] : memref<401408xi32, #tpu.memory_space<hbm>> -> memref<448xi32, #tpu.memory_space<hbm>>
        tpu.enqueue_dma source(%dma_start3A_539 : memref<448xi32, #tpu.memory_space<hbm>>) target(%arg5 : memref<448xi32, #tpu.memory_space<vmem>>) target_semaphore(%run_scoped3A : memref<!tpu.dma_semaphore, #tpu.memory_space<semaphore_mem>>)
        %dma_wait3A_540 = tpu.memref_slice %arg3[%add3A_527] : memref<401408xi32, #tpu.memory_space<hbm>> -> memref<448xi32, #tpu.memory_space<hbm>>
        %dma_wait3A_541 = tpu.memref_slice %arg3[%add3A_527] : memref<401408xi32, #tpu.memory_space<hbm>> -> memref<448xi32, #tpu.memory_space<hbm>>
        tpu.wait_dma2 semaphore(%run_scoped3A : memref<!tpu.dma_semaphore, #tpu.memory_space<semaphore_mem>>) src(%dma_wait3A_541 : memref<448xi32, #tpu.memory_space<hbm>>) dst(%arg5 : memref<448xi32, #tpu.memory_space<vmem>>)
        tpu.yield
      }) : () -> ()
      %dma_start3A = arith.constant 0 : i32
      %dma_start3A_528 = arith.constant 0 : i32
      %dma_start3A_529 = arith.constant 0 : i32
      %dma_start3A_530 = arith.constant 0 : i32
      %dma_start3A_531 = tpu.memref_slice %arg7[%dma_start3A, %dma_start3A_529, %dma_start3A_530] : memref<2x448x128xf32, #tpu.memory_space<vmem>> -> memref<1x448x128xf32, #tpu.memory_space<vmem>>
      %dma_start3A_532 = tpu.memref_squeeze %dma_start3A_531 : memref<1x448x128xf32, #tpu.memory_space<vmem>> -> memref<448x128xf32, #tpu.memory_space<vmem>>
      %dma_start3A_533 = arith.constant 0 : i32
      %dma_start3A_534 = arith.constant 0 : i32
      %dma_start3A_535 = tpu.memref_slice %arg2[%dma_start3A_533, %dma_start3A_534] : memref<50000x128xf32, #tpu.memory_space<hbm>> -> memref<50000x128xf32, #tpu.memory_space<hbm>>
      %dma_start3A_536 = tpu.memref_slice %arg8[%dma_start3A_528] : memref<2x!tpu.dma_semaphore, #tpu.memory_space<semaphore_mem>> -> memref<1x!tpu.dma_semaphore, #tpu.memory_space<semaphore_mem>>
      %dma_start3A_537 = tpu.memref_squeeze %dma_start3A_536 : memref<1x!tpu.dma_semaphore, #tpu.memory_space<semaphore_mem>> -> memref<!tpu.dma_semaphore, #tpu.memory_space<semaphore_mem>>
      tpu.enqueue_indirect_dma source(%dma_start3A_535 : memref<50000x128xf32, #tpu.memory_space<hbm>>) target(%dma_start3A_532 : memref<448x128xf32, #tpu.memory_space<vmem>>) offsets(%arg5 : memref<448xi32, #tpu.memory_space<vmem>>) semaphore(%dma_start3A_537 : memref<!tpu.dma_semaphore, #tpu.memory_space<semaphore_mem>>)
    } else {
    }
    %gt3A_151 = arith.constant 9 : i32
    %gt3A_152 = arith.cmpi sgt, %select_n3A, %gt3A_151 : i32
    %convert_element_type3A_153 = arith.extui %gt3A_152 : i1 to i32
    %cond3A_154 = arith.constant 0 : i32
    %cond3A_155 = arith.cmpi ne, %convert_element_type3A_153, %cond3A_154 : i32
    scf.if %cond3A_155 {
      %dma_wait3A_526 = arith.constant 1 : i32
      %dma_wait3A_527 = arith.constant 1 : i32
      %dma_wait3A_528 = arith.constant 0 : i32
      %dma_wait3A_529 = arith.constant 0 : i32
      %dma_wait3A_530 = tpu.memref_slice %arg7[%dma_wait3A_526, %dma_wait3A_528, %dma_wait3A_529] : memref<2x448x128xf32, #tpu.memory_space<vmem>> -> memref<1x448x128xf32, #tpu.memory_space<vmem>>
      %dma_wait3A_531 = tpu.memref_squeeze %dma_wait3A_530 : memref<1x448x128xf32, #tpu.memory_space<vmem>> -> memref<448x128xf32, #tpu.memory_space<vmem>>
      %dma_wait3A_532 = arith.constant 0 : i32
      %dma_wait3A_533 = arith.constant 0 : i32
      %dma_wait3A_534 = tpu.memref_slice %arg2[%dma_wait3A_532, %dma_wait3A_533] : memref<50000x128xf32, #tpu.memory_space<hbm>> -> memref<448x128xf32, #tpu.memory_space<hbm>>
      %dma_wait3A_535 = tpu.memref_slice %arg8[%dma_wait3A_527] : memref<2x!tpu.dma_semaphore, #tpu.memory_space<semaphore_mem>> -> memref<1x!tpu.dma_semaphore, #tpu.memory_space<semaphore_mem>>
      %dma_wait3A_536 = tpu.memref_squeeze %dma_wait3A_535 : memref<1x!tpu.dma_semaphore, #tpu.memory_space<semaphore_mem>> -> memref<!tpu.dma_semaphore, #tpu.memory_space<semaphore_mem>>
      %dma_wait3A_537 = arith.constant 0 : i32
      %dma_wait3A_538 = arith.constant 0 : i32
      %dma_wait3A_539 = tpu.memref_slice %arg7[%dma_wait3A_526, %dma_wait3A_537, %dma_wait3A_538] : memref<2x448x128xf32, #tpu.memory_space<vmem>> -> memref<1x448x128xf32, #tpu.memory_space<vmem>>
      %dma_wait3A_540 = tpu.memref_squeeze %dma_wait3A_539 : memref<1x448x128xf32, #tpu.memory_space<vmem>> -> memref<448x128xf32, #tpu.memory_space<vmem>>
      %dma_wait3A_541 = arith.constant 0 : i32
      %dma_wait3A_542 = arith.constant 0 : i32
      %dma_wait3A_543 = tpu.memref_slice %arg2[%dma_wait3A_541, %dma_wait3A_542] : memref<50000x128xf32, #tpu.memory_space<hbm>> -> memref<448x128xf32, #tpu.memory_space<hbm>>
      tpu.wait_dma2 semaphore(%dma_wait3A_536 : memref<!tpu.dma_semaphore, #tpu.memory_space<semaphore_mem>>) src(%dma_wait3A_543 : memref<448x128xf32, #tpu.memory_space<hbm>>) dst(%dma_wait3A_540 : memref<448x128xf32, #tpu.memory_space<vmem>>)
      %add3A_544 = arith.constant 4032 : i32
      %add3A_545 = arith.addi %select_n3A_8, %add3A_544 : i32
      %dma_start3A = arith.constant 1 : i32
      %dma_start3A_546 = arith.constant 1 : i32
      %dma_start3A_547 = arith.constant 0 : i32
      %dma_start3A_548 = arith.constant 0 : i32
      %dma_start3A_549 = tpu.memref_slice %arg7[%dma_start3A, %dma_start3A_547, %dma_start3A_548] : memref<2x448x128xf32, #tpu.memory_space<vmem>> -> memref<1x448x128xf32, #tpu.memory_space<vmem>>
      %dma_start3A_550 = tpu.memref_squeeze %dma_start3A_549 : memref<1x448x128xf32, #tpu.memory_space<vmem>> -> memref<448x128xf32, #tpu.memory_space<vmem>>
      %dma_start3A_551 = arith.constant 0 : i32
      %dma_start3A_552 = tpu.memref_slice %arg4[%add3A_545, %dma_start3A_551] : memref<401408x128xf32, #tpu.memory_space<hbm>> -> memref<448x128xf32, #tpu.memory_space<hbm>>
      %dma_start3A_553 = tpu.memref_slice %arg9[%dma_start3A_546] : memref<2x!tpu.dma_semaphore, #tpu.memory_space<semaphore_mem>> -> memref<1x!tpu.dma_semaphore, #tpu.memory_space<semaphore_mem>>
      %dma_start3A_554 = tpu.memref_squeeze %dma_start3A_553 : memref<1x!tpu.dma_semaphore, #tpu.memory_space<semaphore_mem>> -> memref<!tpu.dma_semaphore, #tpu.memory_space<semaphore_mem>>
      %dma_start3A_555 = arith.constant 0 : i32
      %dma_start3A_556 = tpu.memref_slice %arg4[%add3A_545, %dma_start3A_555] : memref<401408x128xf32, #tpu.memory_space<hbm>> -> memref<448x128xf32, #tpu.memory_space<hbm>>
      %dma_start3A_557 = arith.constant 0 : i32
      %dma_start3A_558 = arith.constant 0 : i32
      %dma_start3A_559 = tpu.memref_slice %arg7[%dma_start3A, %dma_start3A_557, %dma_start3A_558] : memref<2x448x128xf32, #tpu.memory_space<vmem>> -> memref<1x448x128xf32, #tpu.memory_space<vmem>>
      %dma_start3A_560 = tpu.memref_squeeze %dma_start3A_559 : memref<1x448x128xf32, #tpu.memory_space<vmem>> -> memref<448x128xf32, #tpu.memory_space<vmem>>
      tpu.enqueue_dma source(%dma_start3A_560 : memref<448x128xf32, #tpu.memory_space<vmem>>) target(%dma_start3A_556 : memref<448x128xf32, #tpu.memory_space<hbm>>) target_semaphore(%dma_start3A_554 : memref<!tpu.dma_semaphore, #tpu.memory_space<semaphore_mem>>)
    } else {
    }
    %gt3A_156 = arith.constant 11 : i32
    %gt3A_157 = arith.cmpi sgt, %select_n3A, %gt3A_156 : i32
    %convert_element_type3A_158 = arith.extui %gt3A_157 : i1 to i32
    %cond3A_159 = arith.constant 0 : i32
    %cond3A_160 = arith.cmpi ne, %convert_element_type3A_158, %cond3A_159 : i32
    scf.if %cond3A_160 {
      %dma_wait3A_526 = arith.constant 1 : i32
      %dma_wait3A_527 = arith.constant 1 : i32
      %dma_wait3A_528 = arith.constant 0 : i32
      %dma_wait3A_529 = arith.constant 0 : i32
      %dma_wait3A_530 = tpu.memref_slice %arg7[%dma_wait3A_526, %dma_wait3A_528, %dma_wait3A_529] : memref<2x448x128xf32, #tpu.memory_space<vmem>> -> memref<1x448x128xf32, #tpu.memory_space<vmem>>
      %dma_wait3A_531 = tpu.memref_squeeze %dma_wait3A_530 : memref<1x448x128xf32, #tpu.memory_space<vmem>> -> memref<448x128xf32, #tpu.memory_space<vmem>>
      %dma_wait3A_532 = arith.constant 0 : i32
      %dma_wait3A_533 = arith.constant 0 : i32
      %dma_wait3A_534 = tpu.memref_slice %arg4[%dma_wait3A_532, %dma_wait3A_533] : memref<401408x128xf32, #tpu.memory_space<hbm>> -> memref<448x128xf32, #tpu.memory_space<hbm>>
      %dma_wait3A_535 = tpu.memref_slice %arg9[%dma_wait3A_527] : memref<2x!tpu.dma_semaphore, #tpu.memory_space<semaphore_mem>> -> memref<1x!tpu.dma_semaphore, #tpu.memory_space<semaphore_mem>>
      %dma_wait3A_536 = tpu.memref_squeeze %dma_wait3A_535 : memref<1x!tpu.dma_semaphore, #tpu.memory_space<semaphore_mem>> -> memref<!tpu.dma_semaphore, #tpu.memory_space<semaphore_mem>>
      %dma_wait3A_537 = arith.constant 0 : i32
      %dma_wait3A_538 = arith.constant 0 : i32
      %dma_wait3A_539 = tpu.memref_slice %arg4[%dma_wait3A_537, %dma_wait3A_538] : memref<401408x128xf32, #tpu.memory_space<hbm>> -> memref<448x128xf32, #tpu.memory_space<hbm>>
      %dma_wait3A_540 = arith.constant 0 : i32
      %dma_wait3A_541 = arith.constant 0 : i32
      %dma_wait3A_542 = tpu.memref_slice %arg7[%dma_wait3A_526, %dma_wait3A_540, %dma_wait3A_541] : memref<2x448x128xf32, #tpu.memory_space<vmem>> -> memref<1x448x128xf32, #tpu.memory_space<vmem>>
      %dma_wait3A_543 = tpu.memref_squeeze %dma_wait3A_542 : memref<1x448x128xf32, #tpu.memory_space<vmem>> -> memref<448x128xf32, #tpu.memory_space<vmem>>
      tpu.wait_dma2 semaphore(%dma_wait3A_536 : memref<!tpu.dma_semaphore, #tpu.memory_space<semaphore_mem>>) src(%dma_wait3A_543 : memref<448x128xf32, #tpu.memory_space<vmem>>) dst(%dma_wait3A_539 : memref<448x128xf32, #tpu.memory_space<hbm>>)
    } else {
    }
    %gt3A_161 = arith.constant 11 : i32
    %gt3A_162 = arith.cmpi sgt, %select_n3A, %gt3A_161 : i32
    %convert_element_type3A_163 = arith.extui %gt3A_162 : i1 to i32
    %cond3A_164 = arith.constant 0 : i32
    %cond3A_165 = arith.cmpi ne, %convert_element_type3A_163, %cond3A_164 : i32
    scf.if %cond3A_165 {
      %add3A_526 = arith.constant 4928 : i32
      %add3A_527 = arith.addi %select_n3A_8, %add3A_526 : i32
      "tpu.region"() ({
        %run_scoped3A = tpu.sem_alloc : memref<!tpu.dma_semaphore, #tpu.memory_space<semaphore_mem>>
        %dma_start3A_538 = tpu.memref_slice %arg3[%add3A_527] : memref<401408xi32, #tpu.memory_space<hbm>> -> memref<448xi32, #tpu.memory_space<hbm>>
        %dma_start3A_539 = tpu.memref_slice %arg3[%add3A_527] : memref<401408xi32, #tpu.memory_space<hbm>> -> memref<448xi32, #tpu.memory_space<hbm>>
        tpu.enqueue_dma source(%dma_start3A_539 : memref<448xi32, #tpu.memory_space<hbm>>) target(%arg6 : memref<448xi32, #tpu.memory_space<vmem>>) target_semaphore(%run_scoped3A : memref<!tpu.dma_semaphore, #tpu.memory_space<semaphore_mem>>)
        %dma_wait3A_540 = tpu.memref_slice %arg3[%add3A_527] : memref<401408xi32, #tpu.memory_space<hbm>> -> memref<448xi32, #tpu.memory_space<hbm>>
        %dma_wait3A_541 = tpu.memref_slice %arg3[%add3A_527] : memref<401408xi32, #tpu.memory_space<hbm>> -> memref<448xi32, #tpu.memory_space<hbm>>
        tpu.wait_dma2 semaphore(%run_scoped3A : memref<!tpu.dma_semaphore, #tpu.memory_space<semaphore_mem>>) src(%dma_wait3A_541 : memref<448xi32, #tpu.memory_space<hbm>>) dst(%arg6 : memref<448xi32, #tpu.memory_space<vmem>>)
        tpu.yield
      }) : () -> ()
      %dma_start3A = arith.constant 1 : i32
      %dma_start3A_528 = arith.constant 1 : i32
      %dma_start3A_529 = arith.constant 0 : i32
      %dma_start3A_530 = arith.constant 0 : i32
      %dma_start3A_531 = tpu.memref_slice %arg7[%dma_start3A, %dma_start3A_529, %dma_start3A_530] : memref<2x448x128xf32, #tpu.memory_space<vmem>> -> memref<1x448x128xf32, #tpu.memory_space<vmem>>
      %dma_start3A_532 = tpu.memref_squeeze %dma_start3A_531 : memref<1x448x128xf32, #tpu.memory_space<vmem>> -> memref<448x128xf32, #tpu.memory_space<vmem>>
      %dma_start3A_533 = arith.constant 0 : i32
      %dma_start3A_534 = arith.constant 0 : i32
      %dma_start3A_535 = tpu.memref_slice %arg2[%dma_start3A_533, %dma_start3A_534] : memref<50000x128xf32, #tpu.memory_space<hbm>> -> memref<50000x128xf32, #tpu.memory_space<hbm>>
      %dma_start3A_536 = tpu.memref_slice %arg8[%dma_start3A_528] : memref<2x!tpu.dma_semaphore, #tpu.memory_space<semaphore_mem>> -> memref<1x!tpu.dma_semaphore, #tpu.memory_space<semaphore_mem>>
      %dma_start3A_537 = tpu.memref_squeeze %dma_start3A_536 : memref<1x!tpu.dma_semaphore, #tpu.memory_space<semaphore_mem>> -> memref<!tpu.dma_semaphore, #tpu.memory_space<semaphore_mem>>
      tpu.enqueue_indirect_dma source(%dma_start3A_535 : memref<50000x128xf32, #tpu.memory_space<hbm>>) target(%dma_start3A_532 : memref<448x128xf32, #tpu.memory_space<vmem>>) offsets(%arg6 : memref<448xi32, #tpu.memory_space<vmem>>) semaphore(%dma_start3A_537 : memref<!tpu.dma_semaphore, #tpu.memory_space<semaphore_mem>>)
    } else {
    }
    %gt3A_166 = arith.constant 10 : i32
    %gt3A_167 = arith.cmpi sgt, %select_n3A, %gt3A_166 : i32
    %convert_element_type3A_168 = arith.extui %gt3A_167 : i1 to i32
    %cond3A_169 = arith.constant 0 : i32
    %cond3A_170 = arith.cmpi ne, %convert_element_type3A_168, %cond3A_169 : i32
    scf.if %cond3A_170 {
      %dma_wait3A_526 = arith.constant 0 : i32
      %dma_wait3A_527 = arith.constant 0 : i32
      %dma_wait3A_528 = arith.constant 0 : i32
      %dma_wait3A_529 = arith.constant 0 : i32
      %dma_wait3A_530 = tpu.memref_slice %arg7[%dma_wait3A_526, %dma_wait3A_528, %dma_wait3A_529] : memref<2x448x128xf32, #tpu.memory_space<vmem>> -> memref<1x448x128xf32, #tpu.memory_space<vmem>>
      %dma_wait3A_531 = tpu.memref_squeeze %dma_wait3A_530 : memref<1x448x128xf32, #tpu.memory_space<vmem>> -> memref<448x128xf32, #tpu.memory_space<vmem>>
      %dma_wait3A_532 = arith.constant 0 : i32
      %dma_wait3A_533 = arith.constant 0 : i32
      %dma_wait3A_534 = tpu.memref_slice %arg2[%dma_wait3A_532, %dma_wait3A_533] : memref<50000x128xf32, #tpu.memory_space<hbm>> -> memref<448x128xf32, #tpu.memory_space<hbm>>
      %dma_wait3A_535 = tpu.memref_slice %arg8[%dma_wait3A_527] : memref<2x!tpu.dma_semaphore, #tpu.memory_space<semaphore_mem>> -> memref<1x!tpu.dma_semaphore, #tpu.memory_space<semaphore_mem>>
      %dma_wait3A_536 = tpu.memref_squeeze %dma_wait3A_535 : memref<1x!tpu.dma_semaphore, #tpu.memory_space<semaphore_mem>> -> memref<!tpu.dma_semaphore, #tpu.memory_space<semaphore_mem>>
      %dma_wait3A_537 = arith.constant 0 : i32
      %dma_wait3A_538 = arith.constant 0 : i32
      %dma_wait3A_539 = tpu.memref_slice %arg7[%dma_wait3A_526, %dma_wait3A_537, %dma_wait3A_538] : memref<2x448x128xf32, #tpu.memory_space<vmem>> -> memref<1x448x128xf32, #tpu.memory_space<vmem>>
      %dma_wait3A_540 = tpu.memref_squeeze %dma_wait3A_539 : memref<1x448x128xf32, #tpu.memory_space<vmem>> -> memref<448x128xf32, #tpu.memory_space<vmem>>
      %dma_wait3A_541 = arith.constant 0 : i32
      %dma_wait3A_542 = arith.constant 0 : i32
      %dma_wait3A_543 = tpu.memref_slice %arg2[%dma_wait3A_541, %dma_wait3A_542] : memref<50000x128xf32, #tpu.memory_space<hbm>> -> memref<448x128xf32, #tpu.memory_space<hbm>>
      tpu.wait_dma2 semaphore(%dma_wait3A_536 : memref<!tpu.dma_semaphore, #tpu.memory_space<semaphore_mem>>) src(%dma_wait3A_543 : memref<448x128xf32, #tpu.memory_space<hbm>>) dst(%dma_wait3A_540 : memref<448x128xf32, #tpu.memory_space<vmem>>)
      %add3A_544 = arith.constant 4480 : i32
      %add3A_545 = arith.addi %select_n3A_8, %add3A_544 : i32
      %dma_start3A = arith.constant 0 : i32
      %dma_start3A_546 = arith.constant 0 : i32
      %dma_start3A_547 = arith.constant 0 : i32
      %dma_start3A_548 = arith.constant 0 : i32
      %dma_start3A_549 = tpu.memref_slice %arg7[%dma_start3A, %dma_start3A_547, %dma_start3A_548] : memref<2x448x128xf32, #tpu.memory_space<vmem>> -> memref<1x448x128xf32, #tpu.memory_space<vmem>>
      %dma_start3A_550 = tpu.memref_squeeze %dma_start3A_549 : memref<1x448x128xf32, #tpu.memory_space<vmem>> -> memref<448x128xf32, #tpu.memory_space<vmem>>
      %dma_start3A_551 = arith.constant 0 : i32
      %dma_start3A_552 = tpu.memref_slice %arg4[%add3A_545, %dma_start3A_551] : memref<401408x128xf32, #tpu.memory_space<hbm>> -> memref<448x128xf32, #tpu.memory_space<hbm>>
      %dma_start3A_553 = tpu.memref_slice %arg9[%dma_start3A_546] : memref<2x!tpu.dma_semaphore, #tpu.memory_space<semaphore_mem>> -> memref<1x!tpu.dma_semaphore, #tpu.memory_space<semaphore_mem>>
      %dma_start3A_554 = tpu.memref_squeeze %dma_start3A_553 : memref<1x!tpu.dma_semaphore, #tpu.memory_space<semaphore_mem>> -> memref<!tpu.dma_semaphore, #tpu.memory_space<semaphore_mem>>
      %dma_start3A_555 = arith.constant 0 : i32
      %dma_start3A_556 = tpu.memref_slice %arg4[%add3A_545, %dma_start3A_555] : memref<401408x128xf32, #tpu.memory_space<hbm>> -> memref<448x128xf32, #tpu.memory_space<hbm>>
      %dma_start3A_557 = arith.constant 0 : i32
      %dma_start3A_558 = arith.constant 0 : i32
      %dma_start3A_559 = tpu.memref_slice %arg7[%dma_start3A, %dma_start3A_557, %dma_start3A_558] : memref<2x448x128xf32, #tpu.memory_space<vmem>> -> memref<1x448x128xf32, #tpu.memory_space<vmem>>
      %dma_start3A_560 = tpu.memref_squeeze %dma_start3A_559 : memref<1x448x128xf32, #tpu.memory_space<vmem>> -> memref<448x128xf32, #tpu.memory_space<vmem>>
      tpu.enqueue_dma source(%dma_start3A_560 : memref<448x128xf32, #tpu.memory_space<vmem>>) target(%dma_start3A_556 : memref<448x128xf32, #tpu.memory_space<hbm>>) target_semaphore(%dma_start3A_554 : memref<!tpu.dma_semaphore, #tpu.memory_space<semaphore_mem>>)
    } else {
    }
    %gt3A_171 = arith.constant 12 : i32
    %gt3A_172 = arith.cmpi sgt, %select_n3A, %gt3A_171 : i32
    %convert_element_type3A_173 = arith.extui %gt3A_172 : i1 to i32
    %cond3A_174 = arith.constant 0 : i32
    %cond3A_175 = arith.cmpi ne, %convert_element_type3A_173, %cond3A_174 : i32
    scf.if %cond3A_175 {
      %dma_wait3A_526 = arith.constant 0 : i32
      %dma_wait3A_527 = arith.constant 0 : i32
      %dma_wait3A_528 = arith.constant 0 : i32
      %dma_wait3A_529 = arith.constant 0 : i32
      %dma_wait3A_530 = tpu.memref_slice %arg7[%dma_wait3A_526, %dma_wait3A_528, %dma_wait3A_529] : memref<2x448x128xf32, #tpu.memory_space<vmem>> -> memref<1x448x128xf32, #tpu.memory_space<vmem>>
      %dma_wait3A_531 = tpu.memref_squeeze %dma_wait3A_530 : memref<1x448x128xf32, #tpu.memory_space<vmem>> -> memref<448x128xf32, #tpu.memory_space<vmem>>
      %dma_wait3A_532 = arith.constant 0 : i32
      %dma_wait3A_533 = arith.constant 0 : i32
      %dma_wait3A_534 = tpu.memref_slice %arg4[%dma_wait3A_532, %dma_wait3A_533] : memref<401408x128xf32, #tpu.memory_space<hbm>> -> memref<448x128xf32, #tpu.memory_space<hbm>>
      %dma_wait3A_535 = tpu.memref_slice %arg9[%dma_wait3A_527] : memref<2x!tpu.dma_semaphore, #tpu.memory_space<semaphore_mem>> -> memref<1x!tpu.dma_semaphore, #tpu.memory_space<semaphore_mem>>
      %dma_wait3A_536 = tpu.memref_squeeze %dma_wait3A_535 : memref<1x!tpu.dma_semaphore, #tpu.memory_space<semaphore_mem>> -> memref<!tpu.dma_semaphore, #tpu.memory_space<semaphore_mem>>
      %dma_wait3A_537 = arith.constant 0 : i32
      %dma_wait3A_538 = arith.constant 0 : i32
      %dma_wait3A_539 = tpu.memref_slice %arg4[%dma_wait3A_537, %dma_wait3A_538] : memref<401408x128xf32, #tpu.memory_space<hbm>> -> memref<448x128xf32, #tpu.memory_space<hbm>>
      %dma_wait3A_540 = arith.constant 0 : i32
      %dma_wait3A_541 = arith.constant 0 : i32
      %dma_wait3A_542 = tpu.memref_slice %arg7[%dma_wait3A_526, %dma_wait3A_540, %dma_wait3A_541] : memref<2x448x128xf32, #tpu.memory_space<vmem>> -> memref<1x448x128xf32, #tpu.memory_space<vmem>>
      %dma_wait3A_543 = tpu.memref_squeeze %dma_wait3A_542 : memref<1x448x128xf32, #tpu.memory_space<vmem>> -> memref<448x128xf32, #tpu.memory_space<vmem>>
      tpu.wait_dma2 semaphore(%dma_wait3A_536 : memref<!tpu.dma_semaphore, #tpu.memory_space<semaphore_mem>>) src(%dma_wait3A_543 : memref<448x128xf32, #tpu.memory_space<vmem>>) dst(%dma_wait3A_539 : memref<448x128xf32, #tpu.memory_space<hbm>>)
    } else {
    }
    %gt3A_176 = arith.constant 12 : i32
    %gt3A_177 = arith.cmpi sgt, %select_n3A, %gt3A_176 : i32
    %convert_element_type3A_178 = arith.extui %gt3A_177 : i1 to i32
    %cond3A_179 = arith.constant 0 : i32
    %cond3A_180 = arith.cmpi ne, %convert_element_type3A_178, %cond3A_179 : i32
    scf.if %cond3A_180 {
      %add3A_526 = arith.constant 5376 : i32
      %add3A_527 = arith.addi %select_n3A_8, %add3A_526 : i32
      "tpu.region"() ({
        %run_scoped3A = tpu.sem_alloc : memref<!tpu.dma_semaphore, #tpu.memory_space<semaphore_mem>>
        %dma_start3A_538 = tpu.memref_slice %arg3[%add3A_527] : memref<401408xi32, #tpu.memory_space<hbm>> -> memref<448xi32, #tpu.memory_space<hbm>>
        %dma_start3A_539 = tpu.memref_slice %arg3[%add3A_527] : memref<401408xi32, #tpu.memory_space<hbm>> -> memref<448xi32, #tpu.memory_space<hbm>>
        tpu.enqueue_dma source(%dma_start3A_539 : memref<448xi32, #tpu.memory_space<hbm>>) target(%arg5 : memref<448xi32, #tpu.memory_space<vmem>>) target_semaphore(%run_scoped3A : memref<!tpu.dma_semaphore, #tpu.memory_space<semaphore_mem>>)
        %dma_wait3A_540 = tpu.memref_slice %arg3[%add3A_527] : memref<401408xi32, #tpu.memory_space<hbm>> -> memref<448xi32, #tpu.memory_space<hbm>>
        %dma_wait3A_541 = tpu.memref_slice %arg3[%add3A_527] : memref<401408xi32, #tpu.memory_space<hbm>> -> memref<448xi32, #tpu.memory_space<hbm>>
        tpu.wait_dma2 semaphore(%run_scoped3A : memref<!tpu.dma_semaphore, #tpu.memory_space<semaphore_mem>>) src(%dma_wait3A_541 : memref<448xi32, #tpu.memory_space<hbm>>) dst(%arg5 : memref<448xi32, #tpu.memory_space<vmem>>)
        tpu.yield
      }) : () -> ()
      %dma_start3A = arith.constant 0 : i32
      %dma_start3A_528 = arith.constant 0 : i32
      %dma_start3A_529 = arith.constant 0 : i32
      %dma_start3A_530 = arith.constant 0 : i32
      %dma_start3A_531 = tpu.memref_slice %arg7[%dma_start3A, %dma_start3A_529, %dma_start3A_530] : memref<2x448x128xf32, #tpu.memory_space<vmem>> -> memref<1x448x128xf32, #tpu.memory_space<vmem>>
      %dma_start3A_532 = tpu.memref_squeeze %dma_start3A_531 : memref<1x448x128xf32, #tpu.memory_space<vmem>> -> memref<448x128xf32, #tpu.memory_space<vmem>>
      %dma_start3A_533 = arith.constant 0 : i32
      %dma_start3A_534 = arith.constant 0 : i32
      %dma_start3A_535 = tpu.memref_slice %arg2[%dma_start3A_533, %dma_start3A_534] : memref<50000x128xf32, #tpu.memory_space<hbm>> -> memref<50000x128xf32, #tpu.memory_space<hbm>>
      %dma_start3A_536 = tpu.memref_slice %arg8[%dma_start3A_528] : memref<2x!tpu.dma_semaphore, #tpu.memory_space<semaphore_mem>> -> memref<1x!tpu.dma_semaphore, #tpu.memory_space<semaphore_mem>>
      %dma_start3A_537 = tpu.memref_squeeze %dma_start3A_536 : memref<1x!tpu.dma_semaphore, #tpu.memory_space<semaphore_mem>> -> memref<!tpu.dma_semaphore, #tpu.memory_space<semaphore_mem>>
      tpu.enqueue_indirect_dma source(%dma_start3A_535 : memref<50000x128xf32, #tpu.memory_space<hbm>>) target(%dma_start3A_532 : memref<448x128xf32, #tpu.memory_space<vmem>>) offsets(%arg5 : memref<448xi32, #tpu.memory_space<vmem>>) semaphore(%dma_start3A_537 : memref<!tpu.dma_semaphore, #tpu.memory_space<semaphore_mem>>)
    } else {
    }
    %gt3A_181 = arith.constant 11 : i32
    %gt3A_182 = arith.cmpi sgt, %select_n3A, %gt3A_181 : i32
    %convert_element_type3A_183 = arith.extui %gt3A_182 : i1 to i32
    %cond3A_184 = arith.constant 0 : i32
    %cond3A_185 = arith.cmpi ne, %convert_element_type3A_183, %cond3A_184 : i32
    scf.if %cond3A_185 {
      %dma_wait3A_526 = arith.constant 1 : i32
      %dma_wait3A_527 = arith.constant 1 : i32
      %dma_wait3A_528 = arith.constant 0 : i32
      %dma_wait3A_529 = arith.constant 0 : i32
      %dma_wait3A_530 = tpu.memref_slice %arg7[%dma_wait3A_526, %dma_wait3A_528, %dma_wait3A_529] : memref<2x448x128xf32, #tpu.memory_space<vmem>> -> memref<1x448x128xf32, #tpu.memory_space<vmem>>
      %dma_wait3A_531 = tpu.memref_squeeze %dma_wait3A_530 : memref<1x448x128xf32, #tpu.memory_space<vmem>> -> memref<448x128xf32, #tpu.memory_space<vmem>>
      %dma_wait3A_532 = arith.constant 0 : i32
      %dma_wait3A_533 = arith.constant 0 : i32
      %dma_wait3A_534 = tpu.memref_slice %arg2[%dma_wait3A_532, %dma_wait3A_533] : memref<50000x128xf32, #tpu.memory_space<hbm>> -> memref<448x128xf32, #tpu.memory_space<hbm>>
      %dma_wait3A_535 = tpu.memref_slice %arg8[%dma_wait3A_527] : memref<2x!tpu.dma_semaphore, #tpu.memory_space<semaphore_mem>> -> memref<1x!tpu.dma_semaphore, #tpu.memory_space<semaphore_mem>>
      %dma_wait3A_536 = tpu.memref_squeeze %dma_wait3A_535 : memref<1x!tpu.dma_semaphore, #tpu.memory_space<semaphore_mem>> -> memref<!tpu.dma_semaphore, #tpu.memory_space<semaphore_mem>>
      %dma_wait3A_537 = arith.constant 0 : i32
      %dma_wait3A_538 = arith.constant 0 : i32
      %dma_wait3A_539 = tpu.memref_slice %arg7[%dma_wait3A_526, %dma_wait3A_537, %dma_wait3A_538] : memref<2x448x128xf32, #tpu.memory_space<vmem>> -> memref<1x448x128xf32, #tpu.memory_space<vmem>>
      %dma_wait3A_540 = tpu.memref_squeeze %dma_wait3A_539 : memref<1x448x128xf32, #tpu.memory_space<vmem>> -> memref<448x128xf32, #tpu.memory_space<vmem>>
      %dma_wait3A_541 = arith.constant 0 : i32
      %dma_wait3A_542 = arith.constant 0 : i32
      %dma_wait3A_543 = tpu.memref_slice %arg2[%dma_wait3A_541, %dma_wait3A_542] : memref<50000x128xf32, #tpu.memory_space<hbm>> -> memref<448x128xf32, #tpu.memory_space<hbm>>
      tpu.wait_dma2 semaphore(%dma_wait3A_536 : memref<!tpu.dma_semaphore, #tpu.memory_space<semaphore_mem>>) src(%dma_wait3A_543 : memref<448x128xf32, #tpu.memory_space<hbm>>) dst(%dma_wait3A_540 : memref<448x128xf32, #tpu.memory_space<vmem>>)
      %add3A_544 = arith.constant 4928 : i32
      %add3A_545 = arith.addi %select_n3A_8, %add3A_544 : i32
      %dma_start3A = arith.constant 1 : i32
      %dma_start3A_546 = arith.constant 1 : i32
      %dma_start3A_547 = arith.constant 0 : i32
      %dma_start3A_548 = arith.constant 0 : i32
      %dma_start3A_549 = tpu.memref_slice %arg7[%dma_start3A, %dma_start3A_547, %dma_start3A_548] : memref<2x448x128xf32, #tpu.memory_space<vmem>> -> memref<1x448x128xf32, #tpu.memory_space<vmem>>
      %dma_start3A_550 = tpu.memref_squeeze %dma_start3A_549 : memref<1x448x128xf32, #tpu.memory_space<vmem>> -> memref<448x128xf32, #tpu.memory_space<vmem>>
      %dma_start3A_551 = arith.constant 0 : i32
      %dma_start3A_552 = tpu.memref_slice %arg4[%add3A_545, %dma_start3A_551] : memref<401408x128xf32, #tpu.memory_space<hbm>> -> memref<448x128xf32, #tpu.memory_space<hbm>>
      %dma_start3A_553 = tpu.memref_slice %arg9[%dma_start3A_546] : memref<2x!tpu.dma_semaphore, #tpu.memory_space<semaphore_mem>> -> memref<1x!tpu.dma_semaphore, #tpu.memory_space<semaphore_mem>>
      %dma_start3A_554 = tpu.memref_squeeze %dma_start3A_553 : memref<1x!tpu.dma_semaphore, #tpu.memory_space<semaphore_mem>> -> memref<!tpu.dma_semaphore, #tpu.memory_space<semaphore_mem>>
      %dma_start3A_555 = arith.constant 0 : i32
      %dma_start3A_556 = tpu.memref_slice %arg4[%add3A_545, %dma_start3A_555] : memref<401408x128xf32, #tpu.memory_space<hbm>> -> memref<448x128xf32, #tpu.memory_space<hbm>>
      %dma_start3A_557 = arith.constant 0 : i32
      %dma_start3A_558 = arith.constant 0 : i32
      %dma_start3A_559 = tpu.memref_slice %arg7[%dma_start3A, %dma_start3A_557, %dma_start3A_558] : memref<2x448x128xf32, #tpu.memory_space<vmem>> -> memref<1x448x128xf32, #tpu.memory_space<vmem>>
      %dma_start3A_560 = tpu.memref_squeeze %dma_start3A_559 : memref<1x448x128xf32, #tpu.memory_space<vmem>> -> memref<448x128xf32, #tpu.memory_space<vmem>>
      tpu.enqueue_dma source(%dma_start3A_560 : memref<448x128xf32, #tpu.memory_space<vmem>>) target(%dma_start3A_556 : memref<448x128xf32, #tpu.memory_space<hbm>>) target_semaphore(%dma_start3A_554 : memref<!tpu.dma_semaphore, #tpu.memory_space<semaphore_mem>>)
    } else {
    }
    %gt3A_186 = arith.constant 13 : i32
    %gt3A_187 = arith.cmpi sgt, %select_n3A, %gt3A_186 : i32
    %convert_element_type3A_188 = arith.extui %gt3A_187 : i1 to i32
    %cond3A_189 = arith.constant 0 : i32
    %cond3A_190 = arith.cmpi ne, %convert_element_type3A_188, %cond3A_189 : i32
    scf.if %cond3A_190 {
      %dma_wait3A_526 = arith.constant 1 : i32
      %dma_wait3A_527 = arith.constant 1 : i32
      %dma_wait3A_528 = arith.constant 0 : i32
      %dma_wait3A_529 = arith.constant 0 : i32
      %dma_wait3A_530 = tpu.memref_slice %arg7[%dma_wait3A_526, %dma_wait3A_528, %dma_wait3A_529] : memref<2x448x128xf32, #tpu.memory_space<vmem>> -> memref<1x448x128xf32, #tpu.memory_space<vmem>>
      %dma_wait3A_531 = tpu.memref_squeeze %dma_wait3A_530 : memref<1x448x128xf32, #tpu.memory_space<vmem>> -> memref<448x128xf32, #tpu.memory_space<vmem>>
      %dma_wait3A_532 = arith.constant 0 : i32
      %dma_wait3A_533 = arith.constant 0 : i32
      %dma_wait3A_534 = tpu.memref_slice %arg4[%dma_wait3A_532, %dma_wait3A_533] : memref<401408x128xf32, #tpu.memory_space<hbm>> -> memref<448x128xf32, #tpu.memory_space<hbm>>
      %dma_wait3A_535 = tpu.memref_slice %arg9[%dma_wait3A_527] : memref<2x!tpu.dma_semaphore, #tpu.memory_space<semaphore_mem>> -> memref<1x!tpu.dma_semaphore, #tpu.memory_space<semaphore_mem>>
      %dma_wait3A_536 = tpu.memref_squeeze %dma_wait3A_535 : memref<1x!tpu.dma_semaphore, #tpu.memory_space<semaphore_mem>> -> memref<!tpu.dma_semaphore, #tpu.memory_space<semaphore_mem>>
      %dma_wait3A_537 = arith.constant 0 : i32
      %dma_wait3A_538 = arith.constant 0 : i32
      %dma_wait3A_539 = tpu.memref_slice %arg4[%dma_wait3A_537, %dma_wait3A_538] : memref<401408x128xf32, #tpu.memory_space<hbm>> -> memref<448x128xf32, #tpu.memory_space<hbm>>
      %dma_wait3A_540 = arith.constant 0 : i32
      %dma_wait3A_541 = arith.constant 0 : i32
      %dma_wait3A_542 = tpu.memref_slice %arg7[%dma_wait3A_526, %dma_wait3A_540, %dma_wait3A_541] : memref<2x448x128xf32, #tpu.memory_space<vmem>> -> memref<1x448x128xf32, #tpu.memory_space<vmem>>
      %dma_wait3A_543 = tpu.memref_squeeze %dma_wait3A_542 : memref<1x448x128xf32, #tpu.memory_space<vmem>> -> memref<448x128xf32, #tpu.memory_space<vmem>>
      tpu.wait_dma2 semaphore(%dma_wait3A_536 : memref<!tpu.dma_semaphore, #tpu.memory_space<semaphore_mem>>) src(%dma_wait3A_543 : memref<448x128xf32, #tpu.memory_space<vmem>>) dst(%dma_wait3A_539 : memref<448x128xf32, #tpu.memory_space<hbm>>)
    } else {
    }
    %gt3A_191 = arith.constant 13 : i32
    %gt3A_192 = arith.cmpi sgt, %select_n3A, %gt3A_191 : i32
    %convert_element_type3A_193 = arith.extui %gt3A_192 : i1 to i32
    %cond3A_194 = arith.constant 0 : i32
    %cond3A_195 = arith.cmpi ne, %convert_element_type3A_193, %cond3A_194 : i32
    scf.if %cond3A_195 {
      %add3A_526 = arith.constant 5824 : i32
      %add3A_527 = arith.addi %select_n3A_8, %add3A_526 : i32
      "tpu.region"() ({
        %run_scoped3A = tpu.sem_alloc : memref<!tpu.dma_semaphore, #tpu.memory_space<semaphore_mem>>
        %dma_start3A_538 = tpu.memref_slice %arg3[%add3A_527] : memref<401408xi32, #tpu.memory_space<hbm>> -> memref<448xi32, #tpu.memory_space<hbm>>
        %dma_start3A_539 = tpu.memref_slice %arg3[%add3A_527] : memref<401408xi32, #tpu.memory_space<hbm>> -> memref<448xi32, #tpu.memory_space<hbm>>
        tpu.enqueue_dma source(%dma_start3A_539 : memref<448xi32, #tpu.memory_space<hbm>>) target(%arg6 : memref<448xi32, #tpu.memory_space<vmem>>) target_semaphore(%run_scoped3A : memref<!tpu.dma_semaphore, #tpu.memory_space<semaphore_mem>>)
        %dma_wait3A_540 = tpu.memref_slice %arg3[%add3A_527] : memref<401408xi32, #tpu.memory_space<hbm>> -> memref<448xi32, #tpu.memory_space<hbm>>
        %dma_wait3A_541 = tpu.memref_slice %arg3[%add3A_527] : memref<401408xi32, #tpu.memory_space<hbm>> -> memref<448xi32, #tpu.memory_space<hbm>>
        tpu.wait_dma2 semaphore(%run_scoped3A : memref<!tpu.dma_semaphore, #tpu.memory_space<semaphore_mem>>) src(%dma_wait3A_541 : memref<448xi32, #tpu.memory_space<hbm>>) dst(%arg6 : memref<448xi32, #tpu.memory_space<vmem>>)
        tpu.yield
      }) : () -> ()
      %dma_start3A = arith.constant 1 : i32
      %dma_start3A_528 = arith.constant 1 : i32
      %dma_start3A_529 = arith.constant 0 : i32
      %dma_start3A_530 = arith.constant 0 : i32
      %dma_start3A_531 = tpu.memref_slice %arg7[%dma_start3A, %dma_start3A_529, %dma_start3A_530] : memref<2x448x128xf32, #tpu.memory_space<vmem>> -> memref<1x448x128xf32, #tpu.memory_space<vmem>>
      %dma_start3A_532 = tpu.memref_squeeze %dma_start3A_531 : memref<1x448x128xf32, #tpu.memory_space<vmem>> -> memref<448x128xf32, #tpu.memory_space<vmem>>
      %dma_start3A_533 = arith.constant 0 : i32
      %dma_start3A_534 = arith.constant 0 : i32
      %dma_start3A_535 = tpu.memref_slice %arg2[%dma_start3A_533, %dma_start3A_534] : memref<50000x128xf32, #tpu.memory_space<hbm>> -> memref<50000x128xf32, #tpu.memory_space<hbm>>
      %dma_start3A_536 = tpu.memref_slice %arg8[%dma_start3A_528] : memref<2x!tpu.dma_semaphore, #tpu.memory_space<semaphore_mem>> -> memref<1x!tpu.dma_semaphore, #tpu.memory_space<semaphore_mem>>
      %dma_start3A_537 = tpu.memref_squeeze %dma_start3A_536 : memref<1x!tpu.dma_semaphore, #tpu.memory_space<semaphore_mem>> -> memref<!tpu.dma_semaphore, #tpu.memory_space<semaphore_mem>>
      tpu.enqueue_indirect_dma source(%dma_start3A_535 : memref<50000x128xf32, #tpu.memory_space<hbm>>) target(%dma_start3A_532 : memref<448x128xf32, #tpu.memory_space<vmem>>) offsets(%arg6 : memref<448xi32, #tpu.memory_space<vmem>>) semaphore(%dma_start3A_537 : memref<!tpu.dma_semaphore, #tpu.memory_space<semaphore_mem>>)
    } else {
    }
    %gt3A_196 = arith.constant 12 : i32
    %gt3A_197 = arith.cmpi sgt, %select_n3A, %gt3A_196 : i32
    %convert_element_type3A_198 = arith.extui %gt3A_197 : i1 to i32
    %cond3A_199 = arith.constant 0 : i32
    %cond3A_200 = arith.cmpi ne, %convert_element_type3A_198, %cond3A_199 : i32
    scf.if %cond3A_200 {
      %dma_wait3A_526 = arith.constant 0 : i32
      %dma_wait3A_527 = arith.constant 0 : i32
      %dma_wait3A_528 = arith.constant 0 : i32
      %dma_wait3A_529 = arith.constant 0 : i32
      %dma_wait3A_530 = tpu.memref_slice %arg7[%dma_wait3A_526, %dma_wait3A_528, %dma_wait3A_529] : memref<2x448x128xf32, #tpu.memory_space<vmem>> -> memref<1x448x128xf32, #tpu.memory_space<vmem>>
      %dma_wait3A_531 = tpu.memref_squeeze %dma_wait3A_530 : memref<1x448x128xf32, #tpu.memory_space<vmem>> -> memref<448x128xf32, #tpu.memory_space<vmem>>
      %dma_wait3A_532 = arith.constant 0 : i32
      %dma_wait3A_533 = arith.constant 0 : i32
      %dma_wait3A_534 = tpu.memref_slice %arg2[%dma_wait3A_532, %dma_wait3A_533] : memref<50000x128xf32, #tpu.memory_space<hbm>> -> memref<448x128xf32, #tpu.memory_space<hbm>>
      %dma_wait3A_535 = tpu.memref_slice %arg8[%dma_wait3A_527] : memref<2x!tpu.dma_semaphore, #tpu.memory_space<semaphore_mem>> -> memref<1x!tpu.dma_semaphore, #tpu.memory_space<semaphore_mem>>
      %dma_wait3A_536 = tpu.memref_squeeze %dma_wait3A_535 : memref<1x!tpu.dma_semaphore, #tpu.memory_space<semaphore_mem>> -> memref<!tpu.dma_semaphore, #tpu.memory_space<semaphore_mem>>
      %dma_wait3A_537 = arith.constant 0 : i32
      %dma_wait3A_538 = arith.constant 0 : i32
      %dma_wait3A_539 = tpu.memref_slice %arg7[%dma_wait3A_526, %dma_wait3A_537, %dma_wait3A_538] : memref<2x448x128xf32, #tpu.memory_space<vmem>> -> memref<1x448x128xf32, #tpu.memory_space<vmem>>
      %dma_wait3A_540 = tpu.memref_squeeze %dma_wait3A_539 : memref<1x448x128xf32, #tpu.memory_space<vmem>> -> memref<448x128xf32, #tpu.memory_space<vmem>>
      %dma_wait3A_541 = arith.constant 0 : i32
      %dma_wait3A_542 = arith.constant 0 : i32
      %dma_wait3A_543 = tpu.memref_slice %arg2[%dma_wait3A_541, %dma_wait3A_542] : memref<50000x128xf32, #tpu.memory_space<hbm>> -> memref<448x128xf32, #tpu.memory_space<hbm>>
      tpu.wait_dma2 semaphore(%dma_wait3A_536 : memref<!tpu.dma_semaphore, #tpu.memory_space<semaphore_mem>>) src(%dma_wait3A_543 : memref<448x128xf32, #tpu.memory_space<hbm>>) dst(%dma_wait3A_540 : memref<448x128xf32, #tpu.memory_space<vmem>>)
      %add3A_544 = arith.constant 5376 : i32
      %add3A_545 = arith.addi %select_n3A_8, %add3A_544 : i32
      %dma_start3A = arith.constant 0 : i32
      %dma_start3A_546 = arith.constant 0 : i32
      %dma_start3A_547 = arith.constant 0 : i32
      %dma_start3A_548 = arith.constant 0 : i32
      %dma_start3A_549 = tpu.memref_slice %arg7[%dma_start3A, %dma_start3A_547, %dma_start3A_548] : memref<2x448x128xf32, #tpu.memory_space<vmem>> -> memref<1x448x128xf32, #tpu.memory_space<vmem>>
      %dma_start3A_550 = tpu.memref_squeeze %dma_start3A_549 : memref<1x448x128xf32, #tpu.memory_space<vmem>> -> memref<448x128xf32, #tpu.memory_space<vmem>>
      %dma_start3A_551 = arith.constant 0 : i32
      %dma_start3A_552 = tpu.memref_slice %arg4[%add3A_545, %dma_start3A_551] : memref<401408x128xf32, #tpu.memory_space<hbm>> -> memref<448x128xf32, #tpu.memory_space<hbm>>
      %dma_start3A_553 = tpu.memref_slice %arg9[%dma_start3A_546] : memref<2x!tpu.dma_semaphore, #tpu.memory_space<semaphore_mem>> -> memref<1x!tpu.dma_semaphore, #tpu.memory_space<semaphore_mem>>
      %dma_start3A_554 = tpu.memref_squeeze %dma_start3A_553 : memref<1x!tpu.dma_semaphore, #tpu.memory_space<semaphore_mem>> -> memref<!tpu.dma_semaphore, #tpu.memory_space<semaphore_mem>>
      %dma_start3A_555 = arith.constant 0 : i32
      %dma_start3A_556 = tpu.memref_slice %arg4[%add3A_545, %dma_start3A_555] : memref<401408x128xf32, #tpu.memory_space<hbm>> -> memref<448x128xf32, #tpu.memory_space<hbm>>
      %dma_start3A_557 = arith.constant 0 : i32
      %dma_start3A_558 = arith.constant 0 : i32
      %dma_start3A_559 = tpu.memref_slice %arg7[%dma_start3A, %dma_start3A_557, %dma_start3A_558] : memref<2x448x128xf32, #tpu.memory_space<vmem>> -> memref<1x448x128xf32, #tpu.memory_space<vmem>>
      %dma_start3A_560 = tpu.memref_squeeze %dma_start3A_559 : memref<1x448x128xf32, #tpu.memory_space<vmem>> -> memref<448x128xf32, #tpu.memory_space<vmem>>
      tpu.enqueue_dma source(%dma_start3A_560 : memref<448x128xf32, #tpu.memory_space<vmem>>) target(%dma_start3A_556 : memref<448x128xf32, #tpu.memory_space<hbm>>) target_semaphore(%dma_start3A_554 : memref<!tpu.dma_semaphore, #tpu.memory_space<semaphore_mem>>)
    } else {
    }
    %gt3A_201 = arith.constant 14 : i32
    %gt3A_202 = arith.cmpi sgt, %select_n3A, %gt3A_201 : i32
    %convert_element_type3A_203 = arith.extui %gt3A_202 : i1 to i32
    %cond3A_204 = arith.constant 0 : i32
    %cond3A_205 = arith.cmpi ne, %convert_element_type3A_203, %cond3A_204 : i32
    scf.if %cond3A_205 {
      %dma_wait3A_526 = arith.constant 0 : i32
      %dma_wait3A_527 = arith.constant 0 : i32
      %dma_wait3A_528 = arith.constant 0 : i32
      %dma_wait3A_529 = arith.constant 0 : i32
      %dma_wait3A_530 = tpu.memref_slice %arg7[%dma_wait3A_526, %dma_wait3A_528, %dma_wait3A_529] : memref<2x448x128xf32, #tpu.memory_space<vmem>> -> memref<1x448x128xf32, #tpu.memory_space<vmem>>
      %dma_wait3A_531 = tpu.memref_squeeze %dma_wait3A_530 : memref<1x448x128xf32, #tpu.memory_space<vmem>> -> memref<448x128xf32, #tpu.memory_space<vmem>>
      %dma_wait3A_532 = arith.constant 0 : i32
      %dma_wait3A_533 = arith.constant 0 : i32
      %dma_wait3A_534 = tpu.memref_slice %arg4[%dma_wait3A_532, %dma_wait3A_533] : memref<401408x128xf32, #tpu.memory_space<hbm>> -> memref<448x128xf32, #tpu.memory_space<hbm>>
      %dma_wait3A_535 = tpu.memref_slice %arg9[%dma_wait3A_527] : memref<2x!tpu.dma_semaphore, #tpu.memory_space<semaphore_mem>> -> memref<1x!tpu.dma_semaphore, #tpu.memory_space<semaphore_mem>>
      %dma_wait3A_536 = tpu.memref_squeeze %dma_wait3A_535 : memref<1x!tpu.dma_semaphore, #tpu.memory_space<semaphore_mem>> -> memref<!tpu.dma_semaphore, #tpu.memory_space<semaphore_mem>>
      %dma_wait3A_537 = arith.constant 0 : i32
      %dma_wait3A_538 = arith.constant 0 : i32
      %dma_wait3A_539 = tpu.memref_slice %arg4[%dma_wait3A_537, %dma_wait3A_538] : memref<401408x128xf32, #tpu.memory_space<hbm>> -> memref<448x128xf32, #tpu.memory_space<hbm>>
      %dma_wait3A_540 = arith.constant 0 : i32
      %dma_wait3A_541 = arith.constant 0 : i32
      %dma_wait3A_542 = tpu.memref_slice %arg7[%dma_wait3A_526, %dma_wait3A_540, %dma_wait3A_541] : memref<2x448x128xf32, #tpu.memory_space<vmem>> -> memref<1x448x128xf32, #tpu.memory_space<vmem>>
      %dma_wait3A_543 = tpu.memref_squeeze %dma_wait3A_542 : memref<1x448x128xf32, #tpu.memory_space<vmem>> -> memref<448x128xf32, #tpu.memory_space<vmem>>
      tpu.wait_dma2 semaphore(%dma_wait3A_536 : memref<!tpu.dma_semaphore, #tpu.memory_space<semaphore_mem>>) src(%dma_wait3A_543 : memref<448x128xf32, #tpu.memory_space<vmem>>) dst(%dma_wait3A_539 : memref<448x128xf32, #tpu.memory_space<hbm>>)
    } else {
    }
    %gt3A_206 = arith.constant 14 : i32
    %gt3A_207 = arith.cmpi sgt, %select_n3A, %gt3A_206 : i32
    %convert_element_type3A_208 = arith.extui %gt3A_207 : i1 to i32
    %cond3A_209 = arith.constant 0 : i32
    %cond3A_210 = arith.cmpi ne, %convert_element_type3A_208, %cond3A_209 : i32
    scf.if %cond3A_210 {
      %add3A_526 = arith.constant 6272 : i32
      %add3A_527 = arith.addi %select_n3A_8, %add3A_526 : i32
      "tpu.region"() ({
        %run_scoped3A = tpu.sem_alloc : memref<!tpu.dma_semaphore, #tpu.memory_space<semaphore_mem>>
        %dma_start3A_538 = tpu.memref_slice %arg3[%add3A_527] : memref<401408xi32, #tpu.memory_space<hbm>> -> memref<448xi32, #tpu.memory_space<hbm>>
        %dma_start3A_539 = tpu.memref_slice %arg3[%add3A_527] : memref<401408xi32, #tpu.memory_space<hbm>> -> memref<448xi32, #tpu.memory_space<hbm>>
        tpu.enqueue_dma source(%dma_start3A_539 : memref<448xi32, #tpu.memory_space<hbm>>) target(%arg5 : memref<448xi32, #tpu.memory_space<vmem>>) target_semaphore(%run_scoped3A : memref<!tpu.dma_semaphore, #tpu.memory_space<semaphore_mem>>)
        %dma_wait3A_540 = tpu.memref_slice %arg3[%add3A_527] : memref<401408xi32, #tpu.memory_space<hbm>> -> memref<448xi32, #tpu.memory_space<hbm>>
        %dma_wait3A_541 = tpu.memref_slice %arg3[%add3A_527] : memref<401408xi32, #tpu.memory_space<hbm>> -> memref<448xi32, #tpu.memory_space<hbm>>
        tpu.wait_dma2 semaphore(%run_scoped3A : memref<!tpu.dma_semaphore, #tpu.memory_space<semaphore_mem>>) src(%dma_wait3A_541 : memref<448xi32, #tpu.memory_space<hbm>>) dst(%arg5 : memref<448xi32, #tpu.memory_space<vmem>>)
        tpu.yield
      }) : () -> ()
      %dma_start3A = arith.constant 0 : i32
      %dma_start3A_528 = arith.constant 0 : i32
      %dma_start3A_529 = arith.constant 0 : i32
      %dma_start3A_530 = arith.constant 0 : i32
      %dma_start3A_531 = tpu.memref_slice %arg7[%dma_start3A, %dma_start3A_529, %dma_start3A_530] : memref<2x448x128xf32, #tpu.memory_space<vmem>> -> memref<1x448x128xf32, #tpu.memory_space<vmem>>
      %dma_start3A_532 = tpu.memref_squeeze %dma_start3A_531 : memref<1x448x128xf32, #tpu.memory_space<vmem>> -> memref<448x128xf32, #tpu.memory_space<vmem>>
      %dma_start3A_533 = arith.constant 0 : i32
      %dma_start3A_534 = arith.constant 0 : i32
      %dma_start3A_535 = tpu.memref_slice %arg2[%dma_start3A_533, %dma_start3A_534] : memref<50000x128xf32, #tpu.memory_space<hbm>> -> memref<50000x128xf32, #tpu.memory_space<hbm>>
      %dma_start3A_536 = tpu.memref_slice %arg8[%dma_start3A_528] : memref<2x!tpu.dma_semaphore, #tpu.memory_space<semaphore_mem>> -> memref<1x!tpu.dma_semaphore, #tpu.memory_space<semaphore_mem>>
      %dma_start3A_537 = tpu.memref_squeeze %dma_start3A_536 : memref<1x!tpu.dma_semaphore, #tpu.memory_space<semaphore_mem>> -> memref<!tpu.dma_semaphore, #tpu.memory_space<semaphore_mem>>
      tpu.enqueue_indirect_dma source(%dma_start3A_535 : memref<50000x128xf32, #tpu.memory_space<hbm>>) target(%dma_start3A_532 : memref<448x128xf32, #tpu.memory_space<vmem>>) offsets(%arg5 : memref<448xi32, #tpu.memory_space<vmem>>) semaphore(%dma_start3A_537 : memref<!tpu.dma_semaphore, #tpu.memory_space<semaphore_mem>>)
    } else {
    }
    %gt3A_211 = arith.constant 13 : i32
    %gt3A_212 = arith.cmpi sgt, %select_n3A, %gt3A_211 : i32
    %convert_element_type3A_213 = arith.extui %gt3A_212 : i1 to i32
    %cond3A_214 = arith.constant 0 : i32
    %cond3A_215 = arith.cmpi ne, %convert_element_type3A_213, %cond3A_214 : i32
    scf.if %cond3A_215 {
      %dma_wait3A_526 = arith.constant 1 : i32
      %dma_wait3A_527 = arith.constant 1 : i32
      %dma_wait3A_528 = arith.constant 0 : i32
      %dma_wait3A_529 = arith.constant 0 : i32
      %dma_wait3A_530 = tpu.memref_slice %arg7[%dma_wait3A_526, %dma_wait3A_528, %dma_wait3A_529] : memref<2x448x128xf32, #tpu.memory_space<vmem>> -> memref<1x448x128xf32, #tpu.memory_space<vmem>>
      %dma_wait3A_531 = tpu.memref_squeeze %dma_wait3A_530 : memref<1x448x128xf32, #tpu.memory_space<vmem>> -> memref<448x128xf32, #tpu.memory_space<vmem>>
      %dma_wait3A_532 = arith.constant 0 : i32
      %dma_wait3A_533 = arith.constant 0 : i32
      %dma_wait3A_534 = tpu.memref_slice %arg2[%dma_wait3A_532, %dma_wait3A_533] : memref<50000x128xf32, #tpu.memory_space<hbm>> -> memref<448x128xf32, #tpu.memory_space<hbm>>
      %dma_wait3A_535 = tpu.memref_slice %arg8[%dma_wait3A_527] : memref<2x!tpu.dma_semaphore, #tpu.memory_space<semaphore_mem>> -> memref<1x!tpu.dma_semaphore, #tpu.memory_space<semaphore_mem>>
      %dma_wait3A_536 = tpu.memref_squeeze %dma_wait3A_535 : memref<1x!tpu.dma_semaphore, #tpu.memory_space<semaphore_mem>> -> memref<!tpu.dma_semaphore, #tpu.memory_space<semaphore_mem>>
      %dma_wait3A_537 = arith.constant 0 : i32
      %dma_wait3A_538 = arith.constant 0 : i32
      %dma_wait3A_539 = tpu.memref_slice %arg7[%dma_wait3A_526, %dma_wait3A_537, %dma_wait3A_538] : memref<2x448x128xf32, #tpu.memory_space<vmem>> -> memref<1x448x128xf32, #tpu.memory_space<vmem>>
      %dma_wait3A_540 = tpu.memref_squeeze %dma_wait3A_539 : memref<1x448x128xf32, #tpu.memory_space<vmem>> -> memref<448x128xf32, #tpu.memory_space<vmem>>
      %dma_wait3A_541 = arith.constant 0 : i32
      %dma_wait3A_542 = arith.constant 0 : i32
      %dma_wait3A_543 = tpu.memref_slice %arg2[%dma_wait3A_541, %dma_wait3A_542] : memref<50000x128xf32, #tpu.memory_space<hbm>> -> memref<448x128xf32, #tpu.memory_space<hbm>>
      tpu.wait_dma2 semaphore(%dma_wait3A_536 : memref<!tpu.dma_semaphore, #tpu.memory_space<semaphore_mem>>) src(%dma_wait3A_543 : memref<448x128xf32, #tpu.memory_space<hbm>>) dst(%dma_wait3A_540 : memref<448x128xf32, #tpu.memory_space<vmem>>)
      %add3A_544 = arith.constant 5824 : i32
      %add3A_545 = arith.addi %select_n3A_8, %add3A_544 : i32
      %dma_start3A = arith.constant 1 : i32
      %dma_start3A_546 = arith.constant 1 : i32
      %dma_start3A_547 = arith.constant 0 : i32
      %dma_start3A_548 = arith.constant 0 : i32
      %dma_start3A_549 = tpu.memref_slice %arg7[%dma_start3A, %dma_start3A_547, %dma_start3A_548] : memref<2x448x128xf32, #tpu.memory_space<vmem>> -> memref<1x448x128xf32, #tpu.memory_space<vmem>>
      %dma_start3A_550 = tpu.memref_squeeze %dma_start3A_549 : memref<1x448x128xf32, #tpu.memory_space<vmem>> -> memref<448x128xf32, #tpu.memory_space<vmem>>
      %dma_start3A_551 = arith.constant 0 : i32
      %dma_start3A_552 = tpu.memref_slice %arg4[%add3A_545, %dma_start3A_551] : memref<401408x128xf32, #tpu.memory_space<hbm>> -> memref<448x128xf32, #tpu.memory_space<hbm>>
      %dma_start3A_553 = tpu.memref_slice %arg9[%dma_start3A_546] : memref<2x!tpu.dma_semaphore, #tpu.memory_space<semaphore_mem>> -> memref<1x!tpu.dma_semaphore, #tpu.memory_space<semaphore_mem>>
      %dma_start3A_554 = tpu.memref_squeeze %dma_start3A_553 : memref<1x!tpu.dma_semaphore, #tpu.memory_space<semaphore_mem>> -> memref<!tpu.dma_semaphore, #tpu.memory_space<semaphore_mem>>
      %dma_start3A_555 = arith.constant 0 : i32
      %dma_start3A_556 = tpu.memref_slice %arg4[%add3A_545, %dma_start3A_555] : memref<401408x128xf32, #tpu.memory_space<hbm>> -> memref<448x128xf32, #tpu.memory_space<hbm>>
      %dma_start3A_557 = arith.constant 0 : i32
      %dma_start3A_558 = arith.constant 0 : i32
      %dma_start3A_559 = tpu.memref_slice %arg7[%dma_start3A, %dma_start3A_557, %dma_start3A_558] : memref<2x448x128xf32, #tpu.memory_space<vmem>> -> memref<1x448x128xf32, #tpu.memory_space<vmem>>
      %dma_start3A_560 = tpu.memref_squeeze %dma_start3A_559 : memref<1x448x128xf32, #tpu.memory_space<vmem>> -> memref<448x128xf32, #tpu.memory_space<vmem>>
      tpu.enqueue_dma source(%dma_start3A_560 : memref<448x128xf32, #tpu.memory_space<vmem>>) target(%dma_start3A_556 : memref<448x128xf32, #tpu.memory_space<hbm>>) target_semaphore(%dma_start3A_554 : memref<!tpu.dma_semaphore, #tpu.memory_space<semaphore_mem>>)
    } else {
    }
    %gt3A_216 = arith.constant 15 : i32
    %gt3A_217 = arith.cmpi sgt, %select_n3A, %gt3A_216 : i32
    %convert_element_type3A_218 = arith.extui %gt3A_217 : i1 to i32
    %cond3A_219 = arith.constant 0 : i32
    %cond3A_220 = arith.cmpi ne, %convert_element_type3A_218, %cond3A_219 : i32
    scf.if %cond3A_220 {
      %dma_wait3A_526 = arith.constant 1 : i32
      %dma_wait3A_527 = arith.constant 1 : i32
      %dma_wait3A_528 = arith.constant 0 : i32
      %dma_wait3A_529 = arith.constant 0 : i32
      %dma_wait3A_530 = tpu.memref_slice %arg7[%dma_wait3A_526, %dma_wait3A_528, %dma_wait3A_529] : memref<2x448x128xf32, #tpu.memory_space<vmem>> -> memref<1x448x128xf32, #tpu.memory_space<vmem>>
      %dma_wait3A_531 = tpu.memref_squeeze %dma_wait3A_530 : memref<1x448x128xf32, #tpu.memory_space<vmem>> -> memref<448x128xf32, #tpu.memory_space<vmem>>
      %dma_wait3A_532 = arith.constant 0 : i32
      %dma_wait3A_533 = arith.constant 0 : i32
      %dma_wait3A_534 = tpu.memref_slice %arg4[%dma_wait3A_532, %dma_wait3A_533] : memref<401408x128xf32, #tpu.memory_space<hbm>> -> memref<448x128xf32, #tpu.memory_space<hbm>>
      %dma_wait3A_535 = tpu.memref_slice %arg9[%dma_wait3A_527] : memref<2x!tpu.dma_semaphore, #tpu.memory_space<semaphore_mem>> -> memref<1x!tpu.dma_semaphore, #tpu.memory_space<semaphore_mem>>
      %dma_wait3A_536 = tpu.memref_squeeze %dma_wait3A_535 : memref<1x!tpu.dma_semaphore, #tpu.memory_space<semaphore_mem>> -> memref<!tpu.dma_semaphore, #tpu.memory_space<semaphore_mem>>
      %dma_wait3A_537 = arith.constant 0 : i32
      %dma_wait3A_538 = arith.constant 0 : i32
      %dma_wait3A_539 = tpu.memref_slice %arg4[%dma_wait3A_537, %dma_wait3A_538] : memref<401408x128xf32, #tpu.memory_space<hbm>> -> memref<448x128xf32, #tpu.memory_space<hbm>>
      %dma_wait3A_540 = arith.constant 0 : i32
      %dma_wait3A_541 = arith.constant 0 : i32
      %dma_wait3A_542 = tpu.memref_slice %arg7[%dma_wait3A_526, %dma_wait3A_540, %dma_wait3A_541] : memref<2x448x128xf32, #tpu.memory_space<vmem>> -> memref<1x448x128xf32, #tpu.memory_space<vmem>>
      %dma_wait3A_543 = tpu.memref_squeeze %dma_wait3A_542 : memref<1x448x128xf32, #tpu.memory_space<vmem>> -> memref<448x128xf32, #tpu.memory_space<vmem>>
      tpu.wait_dma2 semaphore(%dma_wait3A_536 : memref<!tpu.dma_semaphore, #tpu.memory_space<semaphore_mem>>) src(%dma_wait3A_543 : memref<448x128xf32, #tpu.memory_space<vmem>>) dst(%dma_wait3A_539 : memref<448x128xf32, #tpu.memory_space<hbm>>)
    } else {
    }
    %gt3A_221 = arith.constant 15 : i32
    %gt3A_222 = arith.cmpi sgt, %select_n3A, %gt3A_221 : i32
    %convert_element_type3A_223 = arith.extui %gt3A_222 : i1 to i32
    %cond3A_224 = arith.constant 0 : i32
    %cond3A_225 = arith.cmpi ne, %convert_element_type3A_223, %cond3A_224 : i32
    scf.if %cond3A_225 {
      %add3A_526 = arith.constant 6720 : i32
      %add3A_527 = arith.addi %select_n3A_8, %add3A_526 : i32
      "tpu.region"() ({
        %run_scoped3A = tpu.sem_alloc : memref<!tpu.dma_semaphore, #tpu.memory_space<semaphore_mem>>
        %dma_start3A_538 = tpu.memref_slice %arg3[%add3A_527] : memref<401408xi32, #tpu.memory_space<hbm>> -> memref<448xi32, #tpu.memory_space<hbm>>
        %dma_start3A_539 = tpu.memref_slice %arg3[%add3A_527] : memref<401408xi32, #tpu.memory_space<hbm>> -> memref<448xi32, #tpu.memory_space<hbm>>
        tpu.enqueue_dma source(%dma_start3A_539 : memref<448xi32, #tpu.memory_space<hbm>>) target(%arg6 : memref<448xi32, #tpu.memory_space<vmem>>) target_semaphore(%run_scoped3A : memref<!tpu.dma_semaphore, #tpu.memory_space<semaphore_mem>>)
        %dma_wait3A_540 = tpu.memref_slice %arg3[%add3A_527] : memref<401408xi32, #tpu.memory_space<hbm>> -> memref<448xi32, #tpu.memory_space<hbm>>
        %dma_wait3A_541 = tpu.memref_slice %arg3[%add3A_527] : memref<401408xi32, #tpu.memory_space<hbm>> -> memref<448xi32, #tpu.memory_space<hbm>>
        tpu.wait_dma2 semaphore(%run_scoped3A : memref<!tpu.dma_semaphore, #tpu.memory_space<semaphore_mem>>) src(%dma_wait3A_541 : memref<448xi32, #tpu.memory_space<hbm>>) dst(%arg6 : memref<448xi32, #tpu.memory_space<vmem>>)
        tpu.yield
      }) : () -> ()
      %dma_start3A = arith.constant 1 : i32
      %dma_start3A_528 = arith.constant 1 : i32
      %dma_start3A_529 = arith.constant 0 : i32
      %dma_start3A_530 = arith.constant 0 : i32
      %dma_start3A_531 = tpu.memref_slice %arg7[%dma_start3A, %dma_start3A_529, %dma_start3A_530] : memref<2x448x128xf32, #tpu.memory_space<vmem>> -> memref<1x448x128xf32, #tpu.memory_space<vmem>>
      %dma_start3A_532 = tpu.memref_squeeze %dma_start3A_531 : memref<1x448x128xf32, #tpu.memory_space<vmem>> -> memref<448x128xf32, #tpu.memory_space<vmem>>
      %dma_start3A_533 = arith.constant 0 : i32
      %dma_start3A_534 = arith.constant 0 : i32
      %dma_start3A_535 = tpu.memref_slice %arg2[%dma_start3A_533, %dma_start3A_534] : memref<50000x128xf32, #tpu.memory_space<hbm>> -> memref<50000x128xf32, #tpu.memory_space<hbm>>
      %dma_start3A_536 = tpu.memref_slice %arg8[%dma_start3A_528] : memref<2x!tpu.dma_semaphore, #tpu.memory_space<semaphore_mem>> -> memref<1x!tpu.dma_semaphore, #tpu.memory_space<semaphore_mem>>
      %dma_start3A_537 = tpu.memref_squeeze %dma_start3A_536 : memref<1x!tpu.dma_semaphore, #tpu.memory_space<semaphore_mem>> -> memref<!tpu.dma_semaphore, #tpu.memory_space<semaphore_mem>>
      tpu.enqueue_indirect_dma source(%dma_start3A_535 : memref<50000x128xf32, #tpu.memory_space<hbm>>) target(%dma_start3A_532 : memref<448x128xf32, #tpu.memory_space<vmem>>) offsets(%arg6 : memref<448xi32, #tpu.memory_space<vmem>>) semaphore(%dma_start3A_537 : memref<!tpu.dma_semaphore, #tpu.memory_space<semaphore_mem>>)
    } else {
    }
    %gt3A_226 = arith.constant 14 : i32
    %gt3A_227 = arith.cmpi sgt, %select_n3A, %gt3A_226 : i32
    %convert_element_type3A_228 = arith.extui %gt3A_227 : i1 to i32
    %cond3A_229 = arith.constant 0 : i32
    %cond3A_230 = arith.cmpi ne, %convert_element_type3A_228, %cond3A_229 : i32
    scf.if %cond3A_230 {
      %dma_wait3A_526 = arith.constant 0 : i32
      %dma_wait3A_527 = arith.constant 0 : i32
      %dma_wait3A_528 = arith.constant 0 : i32
      %dma_wait3A_529 = arith.constant 0 : i32
      %dma_wait3A_530 = tpu.memref_slice %arg7[%dma_wait3A_526, %dma_wait3A_528, %dma_wait3A_529] : memref<2x448x128xf32, #tpu.memory_space<vmem>> -> memref<1x448x128xf32, #tpu.memory_space<vmem>>
      %dma_wait3A_531 = tpu.memref_squeeze %dma_wait3A_530 : memref<1x448x128xf32, #tpu.memory_space<vmem>> -> memref<448x128xf32, #tpu.memory_space<vmem>>
      %dma_wait3A_532 = arith.constant 0 : i32
      %dma_wait3A_533 = arith.constant 0 : i32
      %dma_wait3A_534 = tpu.memref_slice %arg2[%dma_wait3A_532, %dma_wait3A_533] : memref<50000x128xf32, #tpu.memory_space<hbm>> -> memref<448x128xf32, #tpu.memory_space<hbm>>
      %dma_wait3A_535 = tpu.memref_slice %arg8[%dma_wait3A_527] : memref<2x!tpu.dma_semaphore, #tpu.memory_space<semaphore_mem>> -> memref<1x!tpu.dma_semaphore, #tpu.memory_space<semaphore_mem>>
      %dma_wait3A_536 = tpu.memref_squeeze %dma_wait3A_535 : memref<1x!tpu.dma_semaphore, #tpu.memory_space<semaphore_mem>> -> memref<!tpu.dma_semaphore, #tpu.memory_space<semaphore_mem>>
      %dma_wait3A_537 = arith.constant 0 : i32
      %dma_wait3A_538 = arith.constant 0 : i32
      %dma_wait3A_539 = tpu.memref_slice %arg7[%dma_wait3A_526, %dma_wait3A_537, %dma_wait3A_538] : memref<2x448x128xf32, #tpu.memory_space<vmem>> -> memref<1x448x128xf32, #tpu.memory_space<vmem>>
      %dma_wait3A_540 = tpu.memref_squeeze %dma_wait3A_539 : memref<1x448x128xf32, #tpu.memory_space<vmem>> -> memref<448x128xf32, #tpu.memory_space<vmem>>
      %dma_wait3A_541 = arith.constant 0 : i32
      %dma_wait3A_542 = arith.constant 0 : i32
      %dma_wait3A_543 = tpu.memref_slice %arg2[%dma_wait3A_541, %dma_wait3A_542] : memref<50000x128xf32, #tpu.memory_space<hbm>> -> memref<448x128xf32, #tpu.memory_space<hbm>>
      tpu.wait_dma2 semaphore(%dma_wait3A_536 : memref<!tpu.dma_semaphore, #tpu.memory_space<semaphore_mem>>) src(%dma_wait3A_543 : memref<448x128xf32, #tpu.memory_space<hbm>>) dst(%dma_wait3A_540 : memref<448x128xf32, #tpu.memory_space<vmem>>)
      %add3A_544 = arith.constant 6272 : i32
      %add3A_545 = arith.addi %select_n3A_8, %add3A_544 : i32
      %dma_start3A = arith.constant 0 : i32
      %dma_start3A_546 = arith.constant 0 : i32
      %dma_start3A_547 = arith.constant 0 : i32
      %dma_start3A_548 = arith.constant 0 : i32
      %dma_start3A_549 = tpu.memref_slice %arg7[%dma_start3A, %dma_start3A_547, %dma_start3A_548] : memref<2x448x128xf32, #tpu.memory_space<vmem>> -> memref<1x448x128xf32, #tpu.memory_space<vmem>>
      %dma_start3A_550 = tpu.memref_squeeze %dma_start3A_549 : memref<1x448x128xf32, #tpu.memory_space<vmem>> -> memref<448x128xf32, #tpu.memory_space<vmem>>
      %dma_start3A_551 = arith.constant 0 : i32
      %dma_start3A_552 = tpu.memref_slice %arg4[%add3A_545, %dma_start3A_551] : memref<401408x128xf32, #tpu.memory_space<hbm>> -> memref<448x128xf32, #tpu.memory_space<hbm>>
      %dma_start3A_553 = tpu.memref_slice %arg9[%dma_start3A_546] : memref<2x!tpu.dma_semaphore, #tpu.memory_space<semaphore_mem>> -> memref<1x!tpu.dma_semaphore, #tpu.memory_space<semaphore_mem>>
      %dma_start3A_554 = tpu.memref_squeeze %dma_start3A_553 : memref<1x!tpu.dma_semaphore, #tpu.memory_space<semaphore_mem>> -> memref<!tpu.dma_semaphore, #tpu.memory_space<semaphore_mem>>
      %dma_start3A_555 = arith.constant 0 : i32
      %dma_start3A_556 = tpu.memref_slice %arg4[%add3A_545, %dma_start3A_555] : memref<401408x128xf32, #tpu.memory_space<hbm>> -> memref<448x128xf32, #tpu.memory_space<hbm>>
      %dma_start3A_557 = arith.constant 0 : i32
      %dma_start3A_558 = arith.constant 0 : i32
      %dma_start3A_559 = tpu.memref_slice %arg7[%dma_start3A, %dma_start3A_557, %dma_start3A_558] : memref<2x448x128xf32, #tpu.memory_space<vmem>> -> memref<1x448x128xf32, #tpu.memory_space<vmem>>
      %dma_start3A_560 = tpu.memref_squeeze %dma_start3A_559 : memref<1x448x128xf32, #tpu.memory_space<vmem>> -> memref<448x128xf32, #tpu.memory_space<vmem>>
      tpu.enqueue_dma source(%dma_start3A_560 : memref<448x128xf32, #tpu.memory_space<vmem>>) target(%dma_start3A_556 : memref<448x128xf32, #tpu.memory_space<hbm>>) target_semaphore(%dma_start3A_554 : memref<!tpu.dma_semaphore, #tpu.memory_space<semaphore_mem>>)
    } else {
    }
    %gt3A_231 = arith.constant 16 : i32
    %gt3A_232 = arith.cmpi sgt, %select_n3A, %gt3A_231 : i32
    %convert_element_type3A_233 = arith.extui %gt3A_232 : i1 to i32
    %cond3A_234 = arith.constant 0 : i32
    %cond3A_235 = arith.cmpi ne, %convert_element_type3A_233, %cond3A_234 : i32
    scf.if %cond3A_235 {
      %dma_wait3A_526 = arith.constant 0 : i32
      %dma_wait3A_527 = arith.constant 0 : i32
      %dma_wait3A_528 = arith.constant 0 : i32
      %dma_wait3A_529 = arith.constant 0 : i32
      %dma_wait3A_530 = tpu.memref_slice %arg7[%dma_wait3A_526, %dma_wait3A_528, %dma_wait3A_529] : memref<2x448x128xf32, #tpu.memory_space<vmem>> -> memref<1x448x128xf32, #tpu.memory_space<vmem>>
      %dma_wait3A_531 = tpu.memref_squeeze %dma_wait3A_530 : memref<1x448x128xf32, #tpu.memory_space<vmem>> -> memref<448x128xf32, #tpu.memory_space<vmem>>
      %dma_wait3A_532 = arith.constant 0 : i32
      %dma_wait3A_533 = arith.constant 0 : i32
      %dma_wait3A_534 = tpu.memref_slice %arg4[%dma_wait3A_532, %dma_wait3A_533] : memref<401408x128xf32, #tpu.memory_space<hbm>> -> memref<448x128xf32, #tpu.memory_space<hbm>>
      %dma_wait3A_535 = tpu.memref_slice %arg9[%dma_wait3A_527] : memref<2x!tpu.dma_semaphore, #tpu.memory_space<semaphore_mem>> -> memref<1x!tpu.dma_semaphore, #tpu.memory_space<semaphore_mem>>
      %dma_wait3A_536 = tpu.memref_squeeze %dma_wait3A_535 : memref<1x!tpu.dma_semaphore, #tpu.memory_space<semaphore_mem>> -> memref<!tpu.dma_semaphore, #tpu.memory_space<semaphore_mem>>
      %dma_wait3A_537 = arith.constant 0 : i32
      %dma_wait3A_538 = arith.constant 0 : i32
      %dma_wait3A_539 = tpu.memref_slice %arg4[%dma_wait3A_537, %dma_wait3A_538] : memref<401408x128xf32, #tpu.memory_space<hbm>> -> memref<448x128xf32, #tpu.memory_space<hbm>>
      %dma_wait3A_540 = arith.constant 0 : i32
      %dma_wait3A_541 = arith.constant 0 : i32
      %dma_wait3A_542 = tpu.memref_slice %arg7[%dma_wait3A_526, %dma_wait3A_540, %dma_wait3A_541] : memref<2x448x128xf32, #tpu.memory_space<vmem>> -> memref<1x448x128xf32, #tpu.memory_space<vmem>>
      %dma_wait3A_543 = tpu.memref_squeeze %dma_wait3A_542 : memref<1x448x128xf32, #tpu.memory_space<vmem>> -> memref<448x128xf32, #tpu.memory_space<vmem>>
      tpu.wait_dma2 semaphore(%dma_wait3A_536 : memref<!tpu.dma_semaphore, #tpu.memory_space<semaphore_mem>>) src(%dma_wait3A_543 : memref<448x128xf32, #tpu.memory_space<vmem>>) dst(%dma_wait3A_539 : memref<448x128xf32, #tpu.memory_space<hbm>>)
    } else {
    }
    %gt3A_236 = arith.constant 16 : i32
    %gt3A_237 = arith.cmpi sgt, %select_n3A, %gt3A_236 : i32
    %convert_element_type3A_238 = arith.extui %gt3A_237 : i1 to i32
    %cond3A_239 = arith.constant 0 : i32
    %cond3A_240 = arith.cmpi ne, %convert_element_type3A_238, %cond3A_239 : i32
    scf.if %cond3A_240 {
      %add3A_526 = arith.constant 7168 : i32
      %add3A_527 = arith.addi %select_n3A_8, %add3A_526 : i32
      "tpu.region"() ({
        %run_scoped3A = tpu.sem_alloc : memref<!tpu.dma_semaphore, #tpu.memory_space<semaphore_mem>>
        %dma_start3A_538 = tpu.memref_slice %arg3[%add3A_527] : memref<401408xi32, #tpu.memory_space<hbm>> -> memref<448xi32, #tpu.memory_space<hbm>>
        %dma_start3A_539 = tpu.memref_slice %arg3[%add3A_527] : memref<401408xi32, #tpu.memory_space<hbm>> -> memref<448xi32, #tpu.memory_space<hbm>>
        tpu.enqueue_dma source(%dma_start3A_539 : memref<448xi32, #tpu.memory_space<hbm>>) target(%arg5 : memref<448xi32, #tpu.memory_space<vmem>>) target_semaphore(%run_scoped3A : memref<!tpu.dma_semaphore, #tpu.memory_space<semaphore_mem>>)
        %dma_wait3A_540 = tpu.memref_slice %arg3[%add3A_527] : memref<401408xi32, #tpu.memory_space<hbm>> -> memref<448xi32, #tpu.memory_space<hbm>>
        %dma_wait3A_541 = tpu.memref_slice %arg3[%add3A_527] : memref<401408xi32, #tpu.memory_space<hbm>> -> memref<448xi32, #tpu.memory_space<hbm>>
        tpu.wait_dma2 semaphore(%run_scoped3A : memref<!tpu.dma_semaphore, #tpu.memory_space<semaphore_mem>>) src(%dma_wait3A_541 : memref<448xi32, #tpu.memory_space<hbm>>) dst(%arg5 : memref<448xi32, #tpu.memory_space<vmem>>)
        tpu.yield
      }) : () -> ()
      %dma_start3A = arith.constant 0 : i32
      %dma_start3A_528 = arith.constant 0 : i32
      %dma_start3A_529 = arith.constant 0 : i32
      %dma_start3A_530 = arith.constant 0 : i32
      %dma_start3A_531 = tpu.memref_slice %arg7[%dma_start3A, %dma_start3A_529, %dma_start3A_530] : memref<2x448x128xf32, #tpu.memory_space<vmem>> -> memref<1x448x128xf32, #tpu.memory_space<vmem>>
      %dma_start3A_532 = tpu.memref_squeeze %dma_start3A_531 : memref<1x448x128xf32, #tpu.memory_space<vmem>> -> memref<448x128xf32, #tpu.memory_space<vmem>>
      %dma_start3A_533 = arith.constant 0 : i32
      %dma_start3A_534 = arith.constant 0 : i32
      %dma_start3A_535 = tpu.memref_slice %arg2[%dma_start3A_533, %dma_start3A_534] : memref<50000x128xf32, #tpu.memory_space<hbm>> -> memref<50000x128xf32, #tpu.memory_space<hbm>>
      %dma_start3A_536 = tpu.memref_slice %arg8[%dma_start3A_528] : memref<2x!tpu.dma_semaphore, #tpu.memory_space<semaphore_mem>> -> memref<1x!tpu.dma_semaphore, #tpu.memory_space<semaphore_mem>>
      %dma_start3A_537 = tpu.memref_squeeze %dma_start3A_536 : memref<1x!tpu.dma_semaphore, #tpu.memory_space<semaphore_mem>> -> memref<!tpu.dma_semaphore, #tpu.memory_space<semaphore_mem>>
      tpu.enqueue_indirect_dma source(%dma_start3A_535 : memref<50000x128xf32, #tpu.memory_space<hbm>>) target(%dma_start3A_532 : memref<448x128xf32, #tpu.memory_space<vmem>>) offsets(%arg5 : memref<448xi32, #tpu.memory_space<vmem>>) semaphore(%dma_start3A_537 : memref<!tpu.dma_semaphore, #tpu.memory_space<semaphore_mem>>)
    } else {
    }
    %gt3A_241 = arith.constant 15 : i32
    %gt3A_242 = arith.cmpi sgt, %select_n3A, %gt3A_241 : i32
    %convert_element_type3A_243 = arith.extui %gt3A_242 : i1 to i32
    %cond3A_244 = arith.constant 0 : i32
    %cond3A_245 = arith.cmpi ne, %convert_element_type3A_243, %cond3A_244 : i32
    scf.if %cond3A_245 {
      %dma_wait3A_526 = arith.constant 1 : i32
      %dma_wait3A_527 = arith.constant 1 : i32
      %dma_wait3A_528 = arith.constant 0 : i32
      %dma_wait3A_529 = arith.constant 0 : i32
      %dma_wait3A_530 = tpu.memref_slice %arg7[%dma_wait3A_526, %dma_wait3A_528, %dma_wait3A_529] : memref<2x448x128xf32, #tpu.memory_space<vmem>> -> memref<1x448x128xf32, #tpu.memory_space<vmem>>
      %dma_wait3A_531 = tpu.memref_squeeze %dma_wait3A_530 : memref<1x448x128xf32, #tpu.memory_space<vmem>> -> memref<448x128xf32, #tpu.memory_space<vmem>>
      %dma_wait3A_532 = arith.constant 0 : i32
      %dma_wait3A_533 = arith.constant 0 : i32
      %dma_wait3A_534 = tpu.memref_slice %arg2[%dma_wait3A_532, %dma_wait3A_533] : memref<50000x128xf32, #tpu.memory_space<hbm>> -> memref<448x128xf32, #tpu.memory_space<hbm>>
      %dma_wait3A_535 = tpu.memref_slice %arg8[%dma_wait3A_527] : memref<2x!tpu.dma_semaphore, #tpu.memory_space<semaphore_mem>> -> memref<1x!tpu.dma_semaphore, #tpu.memory_space<semaphore_mem>>
      %dma_wait3A_536 = tpu.memref_squeeze %dma_wait3A_535 : memref<1x!tpu.dma_semaphore, #tpu.memory_space<semaphore_mem>> -> memref<!tpu.dma_semaphore, #tpu.memory_space<semaphore_mem>>
      %dma_wait3A_537 = arith.constant 0 : i32
      %dma_wait3A_538 = arith.constant 0 : i32
      %dma_wait3A_539 = tpu.memref_slice %arg7[%dma_wait3A_526, %dma_wait3A_537, %dma_wait3A_538] : memref<2x448x128xf32, #tpu.memory_space<vmem>> -> memref<1x448x128xf32, #tpu.memory_space<vmem>>
      %dma_wait3A_540 = tpu.memref_squeeze %dma_wait3A_539 : memref<1x448x128xf32, #tpu.memory_space<vmem>> -> memref<448x128xf32, #tpu.memory_space<vmem>>
      %dma_wait3A_541 = arith.constant 0 : i32
      %dma_wait3A_542 = arith.constant 0 : i32
      %dma_wait3A_543 = tpu.memref_slice %arg2[%dma_wait3A_541, %dma_wait3A_542] : memref<50000x128xf32, #tpu.memory_space<hbm>> -> memref<448x128xf32, #tpu.memory_space<hbm>>
      tpu.wait_dma2 semaphore(%dma_wait3A_536 : memref<!tpu.dma_semaphore, #tpu.memory_space<semaphore_mem>>) src(%dma_wait3A_543 : memref<448x128xf32, #tpu.memory_space<hbm>>) dst(%dma_wait3A_540 : memref<448x128xf32, #tpu.memory_space<vmem>>)
      %add3A_544 = arith.constant 6720 : i32
      %add3A_545 = arith.addi %select_n3A_8, %add3A_544 : i32
      %dma_start3A = arith.constant 1 : i32
      %dma_start3A_546 = arith.constant 1 : i32
      %dma_start3A_547 = arith.constant 0 : i32
      %dma_start3A_548 = arith.constant 0 : i32
      %dma_start3A_549 = tpu.memref_slice %arg7[%dma_start3A, %dma_start3A_547, %dma_start3A_548] : memref<2x448x128xf32, #tpu.memory_space<vmem>> -> memref<1x448x128xf32, #tpu.memory_space<vmem>>
      %dma_start3A_550 = tpu.memref_squeeze %dma_start3A_549 : memref<1x448x128xf32, #tpu.memory_space<vmem>> -> memref<448x128xf32, #tpu.memory_space<vmem>>
      %dma_start3A_551 = arith.constant 0 : i32
      %dma_start3A_552 = tpu.memref_slice %arg4[%add3A_545, %dma_start3A_551] : memref<401408x128xf32, #tpu.memory_space<hbm>> -> memref<448x128xf32, #tpu.memory_space<hbm>>
      %dma_start3A_553 = tpu.memref_slice %arg9[%dma_start3A_546] : memref<2x!tpu.dma_semaphore, #tpu.memory_space<semaphore_mem>> -> memref<1x!tpu.dma_semaphore, #tpu.memory_space<semaphore_mem>>
      %dma_start3A_554 = tpu.memref_squeeze %dma_start3A_553 : memref<1x!tpu.dma_semaphore, #tpu.memory_space<semaphore_mem>> -> memref<!tpu.dma_semaphore, #tpu.memory_space<semaphore_mem>>
      %dma_start3A_555 = arith.constant 0 : i32
      %dma_start3A_556 = tpu.memref_slice %arg4[%add3A_545, %dma_start3A_555] : memref<401408x128xf32, #tpu.memory_space<hbm>> -> memref<448x128xf32, #tpu.memory_space<hbm>>
      %dma_start3A_557 = arith.constant 0 : i32
      %dma_start3A_558 = arith.constant 0 : i32
      %dma_start3A_559 = tpu.memref_slice %arg7[%dma_start3A, %dma_start3A_557, %dma_start3A_558] : memref<2x448x128xf32, #tpu.memory_space<vmem>> -> memref<1x448x128xf32, #tpu.memory_space<vmem>>
      %dma_start3A_560 = tpu.memref_squeeze %dma_start3A_559 : memref<1x448x128xf32, #tpu.memory_space<vmem>> -> memref<448x128xf32, #tpu.memory_space<vmem>>
      tpu.enqueue_dma source(%dma_start3A_560 : memref<448x128xf32, #tpu.memory_space<vmem>>) target(%dma_start3A_556 : memref<448x128xf32, #tpu.memory_space<hbm>>) target_semaphore(%dma_start3A_554 : memref<!tpu.dma_semaphore, #tpu.memory_space<semaphore_mem>>)
    } else {
    }
    %gt3A_246 = arith.constant 17 : i32
    %gt3A_247 = arith.cmpi sgt, %select_n3A, %gt3A_246 : i32
    %convert_element_type3A_248 = arith.extui %gt3A_247 : i1 to i32
    %cond3A_249 = arith.constant 0 : i32
    %cond3A_250 = arith.cmpi ne, %convert_element_type3A_248, %cond3A_249 : i32
    scf.if %cond3A_250 {
      %dma_wait3A_526 = arith.constant 1 : i32
      %dma_wait3A_527 = arith.constant 1 : i32
      %dma_wait3A_528 = arith.constant 0 : i32
      %dma_wait3A_529 = arith.constant 0 : i32
      %dma_wait3A_530 = tpu.memref_slice %arg7[%dma_wait3A_526, %dma_wait3A_528, %dma_wait3A_529] : memref<2x448x128xf32, #tpu.memory_space<vmem>> -> memref<1x448x128xf32, #tpu.memory_space<vmem>>
      %dma_wait3A_531 = tpu.memref_squeeze %dma_wait3A_530 : memref<1x448x128xf32, #tpu.memory_space<vmem>> -> memref<448x128xf32, #tpu.memory_space<vmem>>
      %dma_wait3A_532 = arith.constant 0 : i32
      %dma_wait3A_533 = arith.constant 0 : i32
      %dma_wait3A_534 = tpu.memref_slice %arg4[%dma_wait3A_532, %dma_wait3A_533] : memref<401408x128xf32, #tpu.memory_space<hbm>> -> memref<448x128xf32, #tpu.memory_space<hbm>>
      %dma_wait3A_535 = tpu.memref_slice %arg9[%dma_wait3A_527] : memref<2x!tpu.dma_semaphore, #tpu.memory_space<semaphore_mem>> -> memref<1x!tpu.dma_semaphore, #tpu.memory_space<semaphore_mem>>
      %dma_wait3A_536 = tpu.memref_squeeze %dma_wait3A_535 : memref<1x!tpu.dma_semaphore, #tpu.memory_space<semaphore_mem>> -> memref<!tpu.dma_semaphore, #tpu.memory_space<semaphore_mem>>
      %dma_wait3A_537 = arith.constant 0 : i32
      %dma_wait3A_538 = arith.constant 0 : i32
      %dma_wait3A_539 = tpu.memref_slice %arg4[%dma_wait3A_537, %dma_wait3A_538] : memref<401408x128xf32, #tpu.memory_space<hbm>> -> memref<448x128xf32, #tpu.memory_space<hbm>>
      %dma_wait3A_540 = arith.constant 0 : i32
      %dma_wait3A_541 = arith.constant 0 : i32
      %dma_wait3A_542 = tpu.memref_slice %arg7[%dma_wait3A_526, %dma_wait3A_540, %dma_wait3A_541] : memref<2x448x128xf32, #tpu.memory_space<vmem>> -> memref<1x448x128xf32, #tpu.memory_space<vmem>>
      %dma_wait3A_543 = tpu.memref_squeeze %dma_wait3A_542 : memref<1x448x128xf32, #tpu.memory_space<vmem>> -> memref<448x128xf32, #tpu.memory_space<vmem>>
      tpu.wait_dma2 semaphore(%dma_wait3A_536 : memref<!tpu.dma_semaphore, #tpu.memory_space<semaphore_mem>>) src(%dma_wait3A_543 : memref<448x128xf32, #tpu.memory_space<vmem>>) dst(%dma_wait3A_539 : memref<448x128xf32, #tpu.memory_space<hbm>>)
    } else {
    }
    %gt3A_251 = arith.constant 17 : i32
    %gt3A_252 = arith.cmpi sgt, %select_n3A, %gt3A_251 : i32
    %convert_element_type3A_253 = arith.extui %gt3A_252 : i1 to i32
    %cond3A_254 = arith.constant 0 : i32
    %cond3A_255 = arith.cmpi ne, %convert_element_type3A_253, %cond3A_254 : i32
    scf.if %cond3A_255 {
      %add3A_526 = arith.constant 7616 : i32
      %add3A_527 = arith.addi %select_n3A_8, %add3A_526 : i32
      "tpu.region"() ({
        %run_scoped3A = tpu.sem_alloc : memref<!tpu.dma_semaphore, #tpu.memory_space<semaphore_mem>>
        %dma_start3A_538 = tpu.memref_slice %arg3[%add3A_527] : memref<401408xi32, #tpu.memory_space<hbm>> -> memref<448xi32, #tpu.memory_space<hbm>>
        %dma_start3A_539 = tpu.memref_slice %arg3[%add3A_527] : memref<401408xi32, #tpu.memory_space<hbm>> -> memref<448xi32, #tpu.memory_space<hbm>>
        tpu.enqueue_dma source(%dma_start3A_539 : memref<448xi32, #tpu.memory_space<hbm>>) target(%arg6 : memref<448xi32, #tpu.memory_space<vmem>>) target_semaphore(%run_scoped3A : memref<!tpu.dma_semaphore, #tpu.memory_space<semaphore_mem>>)
        %dma_wait3A_540 = tpu.memref_slice %arg3[%add3A_527] : memref<401408xi32, #tpu.memory_space<hbm>> -> memref<448xi32, #tpu.memory_space<hbm>>
        %dma_wait3A_541 = tpu.memref_slice %arg3[%add3A_527] : memref<401408xi32, #tpu.memory_space<hbm>> -> memref<448xi32, #tpu.memory_space<hbm>>
        tpu.wait_dma2 semaphore(%run_scoped3A : memref<!tpu.dma_semaphore, #tpu.memory_space<semaphore_mem>>) src(%dma_wait3A_541 : memref<448xi32, #tpu.memory_space<hbm>>) dst(%arg6 : memref<448xi32, #tpu.memory_space<vmem>>)
        tpu.yield
      }) : () -> ()
      %dma_start3A = arith.constant 1 : i32
      %dma_start3A_528 = arith.constant 1 : i32
      %dma_start3A_529 = arith.constant 0 : i32
      %dma_start3A_530 = arith.constant 0 : i32
      %dma_start3A_531 = tpu.memref_slice %arg7[%dma_start3A, %dma_start3A_529, %dma_start3A_530] : memref<2x448x128xf32, #tpu.memory_space<vmem>> -> memref<1x448x128xf32, #tpu.memory_space<vmem>>
      %dma_start3A_532 = tpu.memref_squeeze %dma_start3A_531 : memref<1x448x128xf32, #tpu.memory_space<vmem>> -> memref<448x128xf32, #tpu.memory_space<vmem>>
      %dma_start3A_533 = arith.constant 0 : i32
      %dma_start3A_534 = arith.constant 0 : i32
      %dma_start3A_535 = tpu.memref_slice %arg2[%dma_start3A_533, %dma_start3A_534] : memref<50000x128xf32, #tpu.memory_space<hbm>> -> memref<50000x128xf32, #tpu.memory_space<hbm>>
      %dma_start3A_536 = tpu.memref_slice %arg8[%dma_start3A_528] : memref<2x!tpu.dma_semaphore, #tpu.memory_space<semaphore_mem>> -> memref<1x!tpu.dma_semaphore, #tpu.memory_space<semaphore_mem>>
      %dma_start3A_537 = tpu.memref_squeeze %dma_start3A_536 : memref<1x!tpu.dma_semaphore, #tpu.memory_space<semaphore_mem>> -> memref<!tpu.dma_semaphore, #tpu.memory_space<semaphore_mem>>
      tpu.enqueue_indirect_dma source(%dma_start3A_535 : memref<50000x128xf32, #tpu.memory_space<hbm>>) target(%dma_start3A_532 : memref<448x128xf32, #tpu.memory_space<vmem>>) offsets(%arg6 : memref<448xi32, #tpu.memory_space<vmem>>) semaphore(%dma_start3A_537 : memref<!tpu.dma_semaphore, #tpu.memory_space<semaphore_mem>>)
    } else {
    }
    %gt3A_256 = arith.constant 16 : i32
    %gt3A_257 = arith.cmpi sgt, %select_n3A, %gt3A_256 : i32
    %convert_element_type3A_258 = arith.extui %gt3A_257 : i1 to i32
    %cond3A_259 = arith.constant 0 : i32
    %cond3A_260 = arith.cmpi ne, %convert_element_type3A_258, %cond3A_259 : i32
    scf.if %cond3A_260 {
      %dma_wait3A_526 = arith.constant 0 : i32
      %dma_wait3A_527 = arith.constant 0 : i32
      %dma_wait3A_528 = arith.constant 0 : i32
      %dma_wait3A_529 = arith.constant 0 : i32
      %dma_wait3A_530 = tpu.memref_slice %arg7[%dma_wait3A_526, %dma_wait3A_528, %dma_wait3A_529] : memref<2x448x128xf32, #tpu.memory_space<vmem>> -> memref<1x448x128xf32, #tpu.memory_space<vmem>>
      %dma_wait3A_531 = tpu.memref_squeeze %dma_wait3A_530 : memref<1x448x128xf32, #tpu.memory_space<vmem>> -> memref<448x128xf32, #tpu.memory_space<vmem>>
      %dma_wait3A_532 = arith.constant 0 : i32
      %dma_wait3A_533 = arith.constant 0 : i32
      %dma_wait3A_534 = tpu.memref_slice %arg2[%dma_wait3A_532, %dma_wait3A_533] : memref<50000x128xf32, #tpu.memory_space<hbm>> -> memref<448x128xf32, #tpu.memory_space<hbm>>
      %dma_wait3A_535 = tpu.memref_slice %arg8[%dma_wait3A_527] : memref<2x!tpu.dma_semaphore, #tpu.memory_space<semaphore_mem>> -> memref<1x!tpu.dma_semaphore, #tpu.memory_space<semaphore_mem>>
      %dma_wait3A_536 = tpu.memref_squeeze %dma_wait3A_535 : memref<1x!tpu.dma_semaphore, #tpu.memory_space<semaphore_mem>> -> memref<!tpu.dma_semaphore, #tpu.memory_space<semaphore_mem>>
      %dma_wait3A_537 = arith.constant 0 : i32
      %dma_wait3A_538 = arith.constant 0 : i32
      %dma_wait3A_539 = tpu.memref_slice %arg7[%dma_wait3A_526, %dma_wait3A_537, %dma_wait3A_538] : memref<2x448x128xf32, #tpu.memory_space<vmem>> -> memref<1x448x128xf32, #tpu.memory_space<vmem>>
      %dma_wait3A_540 = tpu.memref_squeeze %dma_wait3A_539 : memref<1x448x128xf32, #tpu.memory_space<vmem>> -> memref<448x128xf32, #tpu.memory_space<vmem>>
      %dma_wait3A_541 = arith.constant 0 : i32
      %dma_wait3A_542 = arith.constant 0 : i32
      %dma_wait3A_543 = tpu.memref_slice %arg2[%dma_wait3A_541, %dma_wait3A_542] : memref<50000x128xf32, #tpu.memory_space<hbm>> -> memref<448x128xf32, #tpu.memory_space<hbm>>
      tpu.wait_dma2 semaphore(%dma_wait3A_536 : memref<!tpu.dma_semaphore, #tpu.memory_space<semaphore_mem>>) src(%dma_wait3A_543 : memref<448x128xf32, #tpu.memory_space<hbm>>) dst(%dma_wait3A_540 : memref<448x128xf32, #tpu.memory_space<vmem>>)
      %add3A_544 = arith.constant 7168 : i32
      %add3A_545 = arith.addi %select_n3A_8, %add3A_544 : i32
      %dma_start3A = arith.constant 0 : i32
      %dma_start3A_546 = arith.constant 0 : i32
      %dma_start3A_547 = arith.constant 0 : i32
      %dma_start3A_548 = arith.constant 0 : i32
      %dma_start3A_549 = tpu.memref_slice %arg7[%dma_start3A, %dma_start3A_547, %dma_start3A_548] : memref<2x448x128xf32, #tpu.memory_space<vmem>> -> memref<1x448x128xf32, #tpu.memory_space<vmem>>
      %dma_start3A_550 = tpu.memref_squeeze %dma_start3A_549 : memref<1x448x128xf32, #tpu.memory_space<vmem>> -> memref<448x128xf32, #tpu.memory_space<vmem>>
      %dma_start3A_551 = arith.constant 0 : i32
      %dma_start3A_552 = tpu.memref_slice %arg4[%add3A_545, %dma_start3A_551] : memref<401408x128xf32, #tpu.memory_space<hbm>> -> memref<448x128xf32, #tpu.memory_space<hbm>>
      %dma_start3A_553 = tpu.memref_slice %arg9[%dma_start3A_546] : memref<2x!tpu.dma_semaphore, #tpu.memory_space<semaphore_mem>> -> memref<1x!tpu.dma_semaphore, #tpu.memory_space<semaphore_mem>>
      %dma_start3A_554 = tpu.memref_squeeze %dma_start3A_553 : memref<1x!tpu.dma_semaphore, #tpu.memory_space<semaphore_mem>> -> memref<!tpu.dma_semaphore, #tpu.memory_space<semaphore_mem>>
      %dma_start3A_555 = arith.constant 0 : i32
      %dma_start3A_556 = tpu.memref_slice %arg4[%add3A_545, %dma_start3A_555] : memref<401408x128xf32, #tpu.memory_space<hbm>> -> memref<448x128xf32, #tpu.memory_space<hbm>>
      %dma_start3A_557 = arith.constant 0 : i32
      %dma_start3A_558 = arith.constant 0 : i32
      %dma_start3A_559 = tpu.memref_slice %arg7[%dma_start3A, %dma_start3A_557, %dma_start3A_558] : memref<2x448x128xf32, #tpu.memory_space<vmem>> -> memref<1x448x128xf32, #tpu.memory_space<vmem>>
      %dma_start3A_560 = tpu.memref_squeeze %dma_start3A_559 : memref<1x448x128xf32, #tpu.memory_space<vmem>> -> memref<448x128xf32, #tpu.memory_space<vmem>>
      tpu.enqueue_dma source(%dma_start3A_560 : memref<448x128xf32, #tpu.memory_space<vmem>>) target(%dma_start3A_556 : memref<448x128xf32, #tpu.memory_space<hbm>>) target_semaphore(%dma_start3A_554 : memref<!tpu.dma_semaphore, #tpu.memory_space<semaphore_mem>>)
    } else {
    }
    %gt3A_261 = arith.constant 18 : i32
    %gt3A_262 = arith.cmpi sgt, %select_n3A, %gt3A_261 : i32
    %convert_element_type3A_263 = arith.extui %gt3A_262 : i1 to i32
    %cond3A_264 = arith.constant 0 : i32
    %cond3A_265 = arith.cmpi ne, %convert_element_type3A_263, %cond3A_264 : i32
    scf.if %cond3A_265 {
      %dma_wait3A_526 = arith.constant 0 : i32
      %dma_wait3A_527 = arith.constant 0 : i32
      %dma_wait3A_528 = arith.constant 0 : i32
      %dma_wait3A_529 = arith.constant 0 : i32
      %dma_wait3A_530 = tpu.memref_slice %arg7[%dma_wait3A_526, %dma_wait3A_528, %dma_wait3A_529] : memref<2x448x128xf32, #tpu.memory_space<vmem>> -> memref<1x448x128xf32, #tpu.memory_space<vmem>>
      %dma_wait3A_531 = tpu.memref_squeeze %dma_wait3A_530 : memref<1x448x128xf32, #tpu.memory_space<vmem>> -> memref<448x128xf32, #tpu.memory_space<vmem>>
      %dma_wait3A_532 = arith.constant 0 : i32
      %dma_wait3A_533 = arith.constant 0 : i32
      %dma_wait3A_534 = tpu.memref_slice %arg4[%dma_wait3A_532, %dma_wait3A_533] : memref<401408x128xf32, #tpu.memory_space<hbm>> -> memref<448x128xf32, #tpu.memory_space<hbm>>
      %dma_wait3A_535 = tpu.memref_slice %arg9[%dma_wait3A_527] : memref<2x!tpu.dma_semaphore, #tpu.memory_space<semaphore_mem>> -> memref<1x!tpu.dma_semaphore, #tpu.memory_space<semaphore_mem>>
      %dma_wait3A_536 = tpu.memref_squeeze %dma_wait3A_535 : memref<1x!tpu.dma_semaphore, #tpu.memory_space<semaphore_mem>> -> memref<!tpu.dma_semaphore, #tpu.memory_space<semaphore_mem>>
      %dma_wait3A_537 = arith.constant 0 : i32
      %dma_wait3A_538 = arith.constant 0 : i32
      %dma_wait3A_539 = tpu.memref_slice %arg4[%dma_wait3A_537, %dma_wait3A_538] : memref<401408x128xf32, #tpu.memory_space<hbm>> -> memref<448x128xf32, #tpu.memory_space<hbm>>
      %dma_wait3A_540 = arith.constant 0 : i32
      %dma_wait3A_541 = arith.constant 0 : i32
      %dma_wait3A_542 = tpu.memref_slice %arg7[%dma_wait3A_526, %dma_wait3A_540, %dma_wait3A_541] : memref<2x448x128xf32, #tpu.memory_space<vmem>> -> memref<1x448x128xf32, #tpu.memory_space<vmem>>
      %dma_wait3A_543 = tpu.memref_squeeze %dma_wait3A_542 : memref<1x448x128xf32, #tpu.memory_space<vmem>> -> memref<448x128xf32, #tpu.memory_space<vmem>>
      tpu.wait_dma2 semaphore(%dma_wait3A_536 : memref<!tpu.dma_semaphore, #tpu.memory_space<semaphore_mem>>) src(%dma_wait3A_543 : memref<448x128xf32, #tpu.memory_space<vmem>>) dst(%dma_wait3A_539 : memref<448x128xf32, #tpu.memory_space<hbm>>)
    } else {
    }
    %gt3A_266 = arith.constant 18 : i32
    %gt3A_267 = arith.cmpi sgt, %select_n3A, %gt3A_266 : i32
    %convert_element_type3A_268 = arith.extui %gt3A_267 : i1 to i32
    %cond3A_269 = arith.constant 0 : i32
    %cond3A_270 = arith.cmpi ne, %convert_element_type3A_268, %cond3A_269 : i32
    scf.if %cond3A_270 {
      %add3A_526 = arith.constant 8064 : i32
      %add3A_527 = arith.addi %select_n3A_8, %add3A_526 : i32
      "tpu.region"() ({
        %run_scoped3A = tpu.sem_alloc : memref<!tpu.dma_semaphore, #tpu.memory_space<semaphore_mem>>
        %dma_start3A_538 = tpu.memref_slice %arg3[%add3A_527] : memref<401408xi32, #tpu.memory_space<hbm>> -> memref<448xi32, #tpu.memory_space<hbm>>
        %dma_start3A_539 = tpu.memref_slice %arg3[%add3A_527] : memref<401408xi32, #tpu.memory_space<hbm>> -> memref<448xi32, #tpu.memory_space<hbm>>
        tpu.enqueue_dma source(%dma_start3A_539 : memref<448xi32, #tpu.memory_space<hbm>>) target(%arg5 : memref<448xi32, #tpu.memory_space<vmem>>) target_semaphore(%run_scoped3A : memref<!tpu.dma_semaphore, #tpu.memory_space<semaphore_mem>>)
        %dma_wait3A_540 = tpu.memref_slice %arg3[%add3A_527] : memref<401408xi32, #tpu.memory_space<hbm>> -> memref<448xi32, #tpu.memory_space<hbm>>
        %dma_wait3A_541 = tpu.memref_slice %arg3[%add3A_527] : memref<401408xi32, #tpu.memory_space<hbm>> -> memref<448xi32, #tpu.memory_space<hbm>>
        tpu.wait_dma2 semaphore(%run_scoped3A : memref<!tpu.dma_semaphore, #tpu.memory_space<semaphore_mem>>) src(%dma_wait3A_541 : memref<448xi32, #tpu.memory_space<hbm>>) dst(%arg5 : memref<448xi32, #tpu.memory_space<vmem>>)
        tpu.yield
      }) : () -> ()
      %dma_start3A = arith.constant 0 : i32
      %dma_start3A_528 = arith.constant 0 : i32
      %dma_start3A_529 = arith.constant 0 : i32
      %dma_start3A_530 = arith.constant 0 : i32
      %dma_start3A_531 = tpu.memref_slice %arg7[%dma_start3A, %dma_start3A_529, %dma_start3A_530] : memref<2x448x128xf32, #tpu.memory_space<vmem>> -> memref<1x448x128xf32, #tpu.memory_space<vmem>>
      %dma_start3A_532 = tpu.memref_squeeze %dma_start3A_531 : memref<1x448x128xf32, #tpu.memory_space<vmem>> -> memref<448x128xf32, #tpu.memory_space<vmem>>
      %dma_start3A_533 = arith.constant 0 : i32
      %dma_start3A_534 = arith.constant 0 : i32
      %dma_start3A_535 = tpu.memref_slice %arg2[%dma_start3A_533, %dma_start3A_534] : memref<50000x128xf32, #tpu.memory_space<hbm>> -> memref<50000x128xf32, #tpu.memory_space<hbm>>
      %dma_start3A_536 = tpu.memref_slice %arg8[%dma_start3A_528] : memref<2x!tpu.dma_semaphore, #tpu.memory_space<semaphore_mem>> -> memref<1x!tpu.dma_semaphore, #tpu.memory_space<semaphore_mem>>
      %dma_start3A_537 = tpu.memref_squeeze %dma_start3A_536 : memref<1x!tpu.dma_semaphore, #tpu.memory_space<semaphore_mem>> -> memref<!tpu.dma_semaphore, #tpu.memory_space<semaphore_mem>>
      tpu.enqueue_indirect_dma source(%dma_start3A_535 : memref<50000x128xf32, #tpu.memory_space<hbm>>) target(%dma_start3A_532 : memref<448x128xf32, #tpu.memory_space<vmem>>) offsets(%arg5 : memref<448xi32, #tpu.memory_space<vmem>>) semaphore(%dma_start3A_537 : memref<!tpu.dma_semaphore, #tpu.memory_space<semaphore_mem>>)
    } else {
    }
    %gt3A_271 = arith.constant 17 : i32
    %gt3A_272 = arith.cmpi sgt, %select_n3A, %gt3A_271 : i32
    %convert_element_type3A_273 = arith.extui %gt3A_272 : i1 to i32
    %cond3A_274 = arith.constant 0 : i32
    %cond3A_275 = arith.cmpi ne, %convert_element_type3A_273, %cond3A_274 : i32
    scf.if %cond3A_275 {
      %dma_wait3A_526 = arith.constant 1 : i32
      %dma_wait3A_527 = arith.constant 1 : i32
      %dma_wait3A_528 = arith.constant 0 : i32
      %dma_wait3A_529 = arith.constant 0 : i32
      %dma_wait3A_530 = tpu.memref_slice %arg7[%dma_wait3A_526, %dma_wait3A_528, %dma_wait3A_529] : memref<2x448x128xf32, #tpu.memory_space<vmem>> -> memref<1x448x128xf32, #tpu.memory_space<vmem>>
      %dma_wait3A_531 = tpu.memref_squeeze %dma_wait3A_530 : memref<1x448x128xf32, #tpu.memory_space<vmem>> -> memref<448x128xf32, #tpu.memory_space<vmem>>
      %dma_wait3A_532 = arith.constant 0 : i32
      %dma_wait3A_533 = arith.constant 0 : i32
      %dma_wait3A_534 = tpu.memref_slice %arg2[%dma_wait3A_532, %dma_wait3A_533] : memref<50000x128xf32, #tpu.memory_space<hbm>> -> memref<448x128xf32, #tpu.memory_space<hbm>>
      %dma_wait3A_535 = tpu.memref_slice %arg8[%dma_wait3A_527] : memref<2x!tpu.dma_semaphore, #tpu.memory_space<semaphore_mem>> -> memref<1x!tpu.dma_semaphore, #tpu.memory_space<semaphore_mem>>
      %dma_wait3A_536 = tpu.memref_squeeze %dma_wait3A_535 : memref<1x!tpu.dma_semaphore, #tpu.memory_space<semaphore_mem>> -> memref<!tpu.dma_semaphore, #tpu.memory_space<semaphore_mem>>
      %dma_wait3A_537 = arith.constant 0 : i32
      %dma_wait3A_538 = arith.constant 0 : i32
      %dma_wait3A_539 = tpu.memref_slice %arg7[%dma_wait3A_526, %dma_wait3A_537, %dma_wait3A_538] : memref<2x448x128xf32, #tpu.memory_space<vmem>> -> memref<1x448x128xf32, #tpu.memory_space<vmem>>
      %dma_wait3A_540 = tpu.memref_squeeze %dma_wait3A_539 : memref<1x448x128xf32, #tpu.memory_space<vmem>> -> memref<448x128xf32, #tpu.memory_space<vmem>>
      %dma_wait3A_541 = arith.constant 0 : i32
      %dma_wait3A_542 = arith.constant 0 : i32
      %dma_wait3A_543 = tpu.memref_slice %arg2[%dma_wait3A_541, %dma_wait3A_542] : memref<50000x128xf32, #tpu.memory_space<hbm>> -> memref<448x128xf32, #tpu.memory_space<hbm>>
      tpu.wait_dma2 semaphore(%dma_wait3A_536 : memref<!tpu.dma_semaphore, #tpu.memory_space<semaphore_mem>>) src(%dma_wait3A_543 : memref<448x128xf32, #tpu.memory_space<hbm>>) dst(%dma_wait3A_540 : memref<448x128xf32, #tpu.memory_space<vmem>>)
      %add3A_544 = arith.constant 7616 : i32
      %add3A_545 = arith.addi %select_n3A_8, %add3A_544 : i32
      %dma_start3A = arith.constant 1 : i32
      %dma_start3A_546 = arith.constant 1 : i32
      %dma_start3A_547 = arith.constant 0 : i32
      %dma_start3A_548 = arith.constant 0 : i32
      %dma_start3A_549 = tpu.memref_slice %arg7[%dma_start3A, %dma_start3A_547, %dma_start3A_548] : memref<2x448x128xf32, #tpu.memory_space<vmem>> -> memref<1x448x128xf32, #tpu.memory_space<vmem>>
      %dma_start3A_550 = tpu.memref_squeeze %dma_start3A_549 : memref<1x448x128xf32, #tpu.memory_space<vmem>> -> memref<448x128xf32, #tpu.memory_space<vmem>>
      %dma_start3A_551 = arith.constant 0 : i32
      %dma_start3A_552 = tpu.memref_slice %arg4[%add3A_545, %dma_start3A_551] : memref<401408x128xf32, #tpu.memory_space<hbm>> -> memref<448x128xf32, #tpu.memory_space<hbm>>
      %dma_start3A_553 = tpu.memref_slice %arg9[%dma_start3A_546] : memref<2x!tpu.dma_semaphore, #tpu.memory_space<semaphore_mem>> -> memref<1x!tpu.dma_semaphore, #tpu.memory_space<semaphore_mem>>
      %dma_start3A_554 = tpu.memref_squeeze %dma_start3A_553 : memref<1x!tpu.dma_semaphore, #tpu.memory_space<semaphore_mem>> -> memref<!tpu.dma_semaphore, #tpu.memory_space<semaphore_mem>>
      %dma_start3A_555 = arith.constant 0 : i32
      %dma_start3A_556 = tpu.memref_slice %arg4[%add3A_545, %dma_start3A_555] : memref<401408x128xf32, #tpu.memory_space<hbm>> -> memref<448x128xf32, #tpu.memory_space<hbm>>
      %dma_start3A_557 = arith.constant 0 : i32
      %dma_start3A_558 = arith.constant 0 : i32
      %dma_start3A_559 = tpu.memref_slice %arg7[%dma_start3A, %dma_start3A_557, %dma_start3A_558] : memref<2x448x128xf32, #tpu.memory_space<vmem>> -> memref<1x448x128xf32, #tpu.memory_space<vmem>>
      %dma_start3A_560 = tpu.memref_squeeze %dma_start3A_559 : memref<1x448x128xf32, #tpu.memory_space<vmem>> -> memref<448x128xf32, #tpu.memory_space<vmem>>
      tpu.enqueue_dma source(%dma_start3A_560 : memref<448x128xf32, #tpu.memory_space<vmem>>) target(%dma_start3A_556 : memref<448x128xf32, #tpu.memory_space<hbm>>) target_semaphore(%dma_start3A_554 : memref<!tpu.dma_semaphore, #tpu.memory_space<semaphore_mem>>)
    } else {
    }
    %gt3A_276 = arith.constant 19 : i32
    %gt3A_277 = arith.cmpi sgt, %select_n3A, %gt3A_276 : i32
    %convert_element_type3A_278 = arith.extui %gt3A_277 : i1 to i32
    %cond3A_279 = arith.constant 0 : i32
    %cond3A_280 = arith.cmpi ne, %convert_element_type3A_278, %cond3A_279 : i32
    scf.if %cond3A_280 {
      %dma_wait3A_526 = arith.constant 1 : i32
      %dma_wait3A_527 = arith.constant 1 : i32
      %dma_wait3A_528 = arith.constant 0 : i32
      %dma_wait3A_529 = arith.constant 0 : i32
      %dma_wait3A_530 = tpu.memref_slice %arg7[%dma_wait3A_526, %dma_wait3A_528, %dma_wait3A_529] : memref<2x448x128xf32, #tpu.memory_space<vmem>> -> memref<1x448x128xf32, #tpu.memory_space<vmem>>
      %dma_wait3A_531 = tpu.memref_squeeze %dma_wait3A_530 : memref<1x448x128xf32, #tpu.memory_space<vmem>> -> memref<448x128xf32, #tpu.memory_space<vmem>>
      %dma_wait3A_532 = arith.constant 0 : i32
      %dma_wait3A_533 = arith.constant 0 : i32
      %dma_wait3A_534 = tpu.memref_slice %arg4[%dma_wait3A_532, %dma_wait3A_533] : memref<401408x128xf32, #tpu.memory_space<hbm>> -> memref<448x128xf32, #tpu.memory_space<hbm>>
      %dma_wait3A_535 = tpu.memref_slice %arg9[%dma_wait3A_527] : memref<2x!tpu.dma_semaphore, #tpu.memory_space<semaphore_mem>> -> memref<1x!tpu.dma_semaphore, #tpu.memory_space<semaphore_mem>>
      %dma_wait3A_536 = tpu.memref_squeeze %dma_wait3A_535 : memref<1x!tpu.dma_semaphore, #tpu.memory_space<semaphore_mem>> -> memref<!tpu.dma_semaphore, #tpu.memory_space<semaphore_mem>>
      %dma_wait3A_537 = arith.constant 0 : i32
      %dma_wait3A_538 = arith.constant 0 : i32
      %dma_wait3A_539 = tpu.memref_slice %arg4[%dma_wait3A_537, %dma_wait3A_538] : memref<401408x128xf32, #tpu.memory_space<hbm>> -> memref<448x128xf32, #tpu.memory_space<hbm>>
      %dma_wait3A_540 = arith.constant 0 : i32
      %dma_wait3A_541 = arith.constant 0 : i32
      %dma_wait3A_542 = tpu.memref_slice %arg7[%dma_wait3A_526, %dma_wait3A_540, %dma_wait3A_541] : memref<2x448x128xf32, #tpu.memory_space<vmem>> -> memref<1x448x128xf32, #tpu.memory_space<vmem>>
      %dma_wait3A_543 = tpu.memref_squeeze %dma_wait3A_542 : memref<1x448x128xf32, #tpu.memory_space<vmem>> -> memref<448x128xf32, #tpu.memory_space<vmem>>
      tpu.wait_dma2 semaphore(%dma_wait3A_536 : memref<!tpu.dma_semaphore, #tpu.memory_space<semaphore_mem>>) src(%dma_wait3A_543 : memref<448x128xf32, #tpu.memory_space<vmem>>) dst(%dma_wait3A_539 : memref<448x128xf32, #tpu.memory_space<hbm>>)
    } else {
    }
    %gt3A_281 = arith.constant 19 : i32
    %gt3A_282 = arith.cmpi sgt, %select_n3A, %gt3A_281 : i32
    %convert_element_type3A_283 = arith.extui %gt3A_282 : i1 to i32
    %cond3A_284 = arith.constant 0 : i32
    %cond3A_285 = arith.cmpi ne, %convert_element_type3A_283, %cond3A_284 : i32
    scf.if %cond3A_285 {
      %add3A_526 = arith.constant 8512 : i32
      %add3A_527 = arith.addi %select_n3A_8, %add3A_526 : i32
      "tpu.region"() ({
        %run_scoped3A = tpu.sem_alloc : memref<!tpu.dma_semaphore, #tpu.memory_space<semaphore_mem>>
        %dma_start3A_538 = tpu.memref_slice %arg3[%add3A_527] : memref<401408xi32, #tpu.memory_space<hbm>> -> memref<448xi32, #tpu.memory_space<hbm>>
        %dma_start3A_539 = tpu.memref_slice %arg3[%add3A_527] : memref<401408xi32, #tpu.memory_space<hbm>> -> memref<448xi32, #tpu.memory_space<hbm>>
        tpu.enqueue_dma source(%dma_start3A_539 : memref<448xi32, #tpu.memory_space<hbm>>) target(%arg6 : memref<448xi32, #tpu.memory_space<vmem>>) target_semaphore(%run_scoped3A : memref<!tpu.dma_semaphore, #tpu.memory_space<semaphore_mem>>)
        %dma_wait3A_540 = tpu.memref_slice %arg3[%add3A_527] : memref<401408xi32, #tpu.memory_space<hbm>> -> memref<448xi32, #tpu.memory_space<hbm>>
        %dma_wait3A_541 = tpu.memref_slice %arg3[%add3A_527] : memref<401408xi32, #tpu.memory_space<hbm>> -> memref<448xi32, #tpu.memory_space<hbm>>
        tpu.wait_dma2 semaphore(%run_scoped3A : memref<!tpu.dma_semaphore, #tpu.memory_space<semaphore_mem>>) src(%dma_wait3A_541 : memref<448xi32, #tpu.memory_space<hbm>>) dst(%arg6 : memref<448xi32, #tpu.memory_space<vmem>>)
        tpu.yield
      }) : () -> ()
      %dma_start3A = arith.constant 1 : i32
      %dma_start3A_528 = arith.constant 1 : i32
      %dma_start3A_529 = arith.constant 0 : i32
      %dma_start3A_530 = arith.constant 0 : i32
      %dma_start3A_531 = tpu.memref_slice %arg7[%dma_start3A, %dma_start3A_529, %dma_start3A_530] : memref<2x448x128xf32, #tpu.memory_space<vmem>> -> memref<1x448x128xf32, #tpu.memory_space<vmem>>
      %dma_start3A_532 = tpu.memref_squeeze %dma_start3A_531 : memref<1x448x128xf32, #tpu.memory_space<vmem>> -> memref<448x128xf32, #tpu.memory_space<vmem>>
      %dma_start3A_533 = arith.constant 0 : i32
      %dma_start3A_534 = arith.constant 0 : i32
      %dma_start3A_535 = tpu.memref_slice %arg2[%dma_start3A_533, %dma_start3A_534] : memref<50000x128xf32, #tpu.memory_space<hbm>> -> memref<50000x128xf32, #tpu.memory_space<hbm>>
      %dma_start3A_536 = tpu.memref_slice %arg8[%dma_start3A_528] : memref<2x!tpu.dma_semaphore, #tpu.memory_space<semaphore_mem>> -> memref<1x!tpu.dma_semaphore, #tpu.memory_space<semaphore_mem>>
      %dma_start3A_537 = tpu.memref_squeeze %dma_start3A_536 : memref<1x!tpu.dma_semaphore, #tpu.memory_space<semaphore_mem>> -> memref<!tpu.dma_semaphore, #tpu.memory_space<semaphore_mem>>
      tpu.enqueue_indirect_dma source(%dma_start3A_535 : memref<50000x128xf32, #tpu.memory_space<hbm>>) target(%dma_start3A_532 : memref<448x128xf32, #tpu.memory_space<vmem>>) offsets(%arg6 : memref<448xi32, #tpu.memory_space<vmem>>) semaphore(%dma_start3A_537 : memref<!tpu.dma_semaphore, #tpu.memory_space<semaphore_mem>>)
    } else {
    }
    %gt3A_286 = arith.constant 18 : i32
    %gt3A_287 = arith.cmpi sgt, %select_n3A, %gt3A_286 : i32
    %convert_element_type3A_288 = arith.extui %gt3A_287 : i1 to i32
    %cond3A_289 = arith.constant 0 : i32
    %cond3A_290 = arith.cmpi ne, %convert_element_type3A_288, %cond3A_289 : i32
    scf.if %cond3A_290 {
      %dma_wait3A_526 = arith.constant 0 : i32
      %dma_wait3A_527 = arith.constant 0 : i32
      %dma_wait3A_528 = arith.constant 0 : i32
      %dma_wait3A_529 = arith.constant 0 : i32
      %dma_wait3A_530 = tpu.memref_slice %arg7[%dma_wait3A_526, %dma_wait3A_528, %dma_wait3A_529] : memref<2x448x128xf32, #tpu.memory_space<vmem>> -> memref<1x448x128xf32, #tpu.memory_space<vmem>>
      %dma_wait3A_531 = tpu.memref_squeeze %dma_wait3A_530 : memref<1x448x128xf32, #tpu.memory_space<vmem>> -> memref<448x128xf32, #tpu.memory_space<vmem>>
      %dma_wait3A_532 = arith.constant 0 : i32
      %dma_wait3A_533 = arith.constant 0 : i32
      %dma_wait3A_534 = tpu.memref_slice %arg2[%dma_wait3A_532, %dma_wait3A_533] : memref<50000x128xf32, #tpu.memory_space<hbm>> -> memref<448x128xf32, #tpu.memory_space<hbm>>
      %dma_wait3A_535 = tpu.memref_slice %arg8[%dma_wait3A_527] : memref<2x!tpu.dma_semaphore, #tpu.memory_space<semaphore_mem>> -> memref<1x!tpu.dma_semaphore, #tpu.memory_space<semaphore_mem>>
      %dma_wait3A_536 = tpu.memref_squeeze %dma_wait3A_535 : memref<1x!tpu.dma_semaphore, #tpu.memory_space<semaphore_mem>> -> memref<!tpu.dma_semaphore, #tpu.memory_space<semaphore_mem>>
      %dma_wait3A_537 = arith.constant 0 : i32
      %dma_wait3A_538 = arith.constant 0 : i32
      %dma_wait3A_539 = tpu.memref_slice %arg7[%dma_wait3A_526, %dma_wait3A_537, %dma_wait3A_538] : memref<2x448x128xf32, #tpu.memory_space<vmem>> -> memref<1x448x128xf32, #tpu.memory_space<vmem>>
      %dma_wait3A_540 = tpu.memref_squeeze %dma_wait3A_539 : memref<1x448x128xf32, #tpu.memory_space<vmem>> -> memref<448x128xf32, #tpu.memory_space<vmem>>
      %dma_wait3A_541 = arith.constant 0 : i32
      %dma_wait3A_542 = arith.constant 0 : i32
      %dma_wait3A_543 = tpu.memref_slice %arg2[%dma_wait3A_541, %dma_wait3A_542] : memref<50000x128xf32, #tpu.memory_space<hbm>> -> memref<448x128xf32, #tpu.memory_space<hbm>>
      tpu.wait_dma2 semaphore(%dma_wait3A_536 : memref<!tpu.dma_semaphore, #tpu.memory_space<semaphore_mem>>) src(%dma_wait3A_543 : memref<448x128xf32, #tpu.memory_space<hbm>>) dst(%dma_wait3A_540 : memref<448x128xf32, #tpu.memory_space<vmem>>)
      %add3A_544 = arith.constant 8064 : i32
      %add3A_545 = arith.addi %select_n3A_8, %add3A_544 : i32
      %dma_start3A = arith.constant 0 : i32
      %dma_start3A_546 = arith.constant 0 : i32
      %dma_start3A_547 = arith.constant 0 : i32
      %dma_start3A_548 = arith.constant 0 : i32
      %dma_start3A_549 = tpu.memref_slice %arg7[%dma_start3A, %dma_start3A_547, %dma_start3A_548] : memref<2x448x128xf32, #tpu.memory_space<vmem>> -> memref<1x448x128xf32, #tpu.memory_space<vmem>>
      %dma_start3A_550 = tpu.memref_squeeze %dma_start3A_549 : memref<1x448x128xf32, #tpu.memory_space<vmem>> -> memref<448x128xf32, #tpu.memory_space<vmem>>
      %dma_start3A_551 = arith.constant 0 : i32
      %dma_start3A_552 = tpu.memref_slice %arg4[%add3A_545, %dma_start3A_551] : memref<401408x128xf32, #tpu.memory_space<hbm>> -> memref<448x128xf32, #tpu.memory_space<hbm>>
      %dma_start3A_553 = tpu.memref_slice %arg9[%dma_start3A_546] : memref<2x!tpu.dma_semaphore, #tpu.memory_space<semaphore_mem>> -> memref<1x!tpu.dma_semaphore, #tpu.memory_space<semaphore_mem>>
      %dma_start3A_554 = tpu.memref_squeeze %dma_start3A_553 : memref<1x!tpu.dma_semaphore, #tpu.memory_space<semaphore_mem>> -> memref<!tpu.dma_semaphore, #tpu.memory_space<semaphore_mem>>
      %dma_start3A_555 = arith.constant 0 : i32
      %dma_start3A_556 = tpu.memref_slice %arg4[%add3A_545, %dma_start3A_555] : memref<401408x128xf32, #tpu.memory_space<hbm>> -> memref<448x128xf32, #tpu.memory_space<hbm>>
      %dma_start3A_557 = arith.constant 0 : i32
      %dma_start3A_558 = arith.constant 0 : i32
      %dma_start3A_559 = tpu.memref_slice %arg7[%dma_start3A, %dma_start3A_557, %dma_start3A_558] : memref<2x448x128xf32, #tpu.memory_space<vmem>> -> memref<1x448x128xf32, #tpu.memory_space<vmem>>
      %dma_start3A_560 = tpu.memref_squeeze %dma_start3A_559 : memref<1x448x128xf32, #tpu.memory_space<vmem>> -> memref<448x128xf32, #tpu.memory_space<vmem>>
      tpu.enqueue_dma source(%dma_start3A_560 : memref<448x128xf32, #tpu.memory_space<vmem>>) target(%dma_start3A_556 : memref<448x128xf32, #tpu.memory_space<hbm>>) target_semaphore(%dma_start3A_554 : memref<!tpu.dma_semaphore, #tpu.memory_space<semaphore_mem>>)
    } else {
    }
    %gt3A_291 = arith.constant 20 : i32
    %gt3A_292 = arith.cmpi sgt, %select_n3A, %gt3A_291 : i32
    %convert_element_type3A_293 = arith.extui %gt3A_292 : i1 to i32
    %cond3A_294 = arith.constant 0 : i32
    %cond3A_295 = arith.cmpi ne, %convert_element_type3A_293, %cond3A_294 : i32
    scf.if %cond3A_295 {
      %dma_wait3A_526 = arith.constant 0 : i32
      %dma_wait3A_527 = arith.constant 0 : i32
      %dma_wait3A_528 = arith.constant 0 : i32
      %dma_wait3A_529 = arith.constant 0 : i32
      %dma_wait3A_530 = tpu.memref_slice %arg7[%dma_wait3A_526, %dma_wait3A_528, %dma_wait3A_529] : memref<2x448x128xf32, #tpu.memory_space<vmem>> -> memref<1x448x128xf32, #tpu.memory_space<vmem>>
      %dma_wait3A_531 = tpu.memref_squeeze %dma_wait3A_530 : memref<1x448x128xf32, #tpu.memory_space<vmem>> -> memref<448x128xf32, #tpu.memory_space<vmem>>
      %dma_wait3A_532 = arith.constant 0 : i32
      %dma_wait3A_533 = arith.constant 0 : i32
      %dma_wait3A_534 = tpu.memref_slice %arg4[%dma_wait3A_532, %dma_wait3A_533] : memref<401408x128xf32, #tpu.memory_space<hbm>> -> memref<448x128xf32, #tpu.memory_space<hbm>>
      %dma_wait3A_535 = tpu.memref_slice %arg9[%dma_wait3A_527] : memref<2x!tpu.dma_semaphore, #tpu.memory_space<semaphore_mem>> -> memref<1x!tpu.dma_semaphore, #tpu.memory_space<semaphore_mem>>
      %dma_wait3A_536 = tpu.memref_squeeze %dma_wait3A_535 : memref<1x!tpu.dma_semaphore, #tpu.memory_space<semaphore_mem>> -> memref<!tpu.dma_semaphore, #tpu.memory_space<semaphore_mem>>
      %dma_wait3A_537 = arith.constant 0 : i32
      %dma_wait3A_538 = arith.constant 0 : i32
      %dma_wait3A_539 = tpu.memref_slice %arg4[%dma_wait3A_537, %dma_wait3A_538] : memref<401408x128xf32, #tpu.memory_space<hbm>> -> memref<448x128xf32, #tpu.memory_space<hbm>>
      %dma_wait3A_540 = arith.constant 0 : i32
      %dma_wait3A_541 = arith.constant 0 : i32
      %dma_wait3A_542 = tpu.memref_slice %arg7[%dma_wait3A_526, %dma_wait3A_540, %dma_wait3A_541] : memref<2x448x128xf32, #tpu.memory_space<vmem>> -> memref<1x448x128xf32, #tpu.memory_space<vmem>>
      %dma_wait3A_543 = tpu.memref_squeeze %dma_wait3A_542 : memref<1x448x128xf32, #tpu.memory_space<vmem>> -> memref<448x128xf32, #tpu.memory_space<vmem>>
      tpu.wait_dma2 semaphore(%dma_wait3A_536 : memref<!tpu.dma_semaphore, #tpu.memory_space<semaphore_mem>>) src(%dma_wait3A_543 : memref<448x128xf32, #tpu.memory_space<vmem>>) dst(%dma_wait3A_539 : memref<448x128xf32, #tpu.memory_space<hbm>>)
    } else {
    }
    %gt3A_296 = arith.constant 20 : i32
    %gt3A_297 = arith.cmpi sgt, %select_n3A, %gt3A_296 : i32
    %convert_element_type3A_298 = arith.extui %gt3A_297 : i1 to i32
    %cond3A_299 = arith.constant 0 : i32
    %cond3A_300 = arith.cmpi ne, %convert_element_type3A_298, %cond3A_299 : i32
    scf.if %cond3A_300 {
      %add3A_526 = arith.constant 8960 : i32
      %add3A_527 = arith.addi %select_n3A_8, %add3A_526 : i32
      "tpu.region"() ({
        %run_scoped3A = tpu.sem_alloc : memref<!tpu.dma_semaphore, #tpu.memory_space<semaphore_mem>>
        %dma_start3A_538 = tpu.memref_slice %arg3[%add3A_527] : memref<401408xi32, #tpu.memory_space<hbm>> -> memref<448xi32, #tpu.memory_space<hbm>>
        %dma_start3A_539 = tpu.memref_slice %arg3[%add3A_527] : memref<401408xi32, #tpu.memory_space<hbm>> -> memref<448xi32, #tpu.memory_space<hbm>>
        tpu.enqueue_dma source(%dma_start3A_539 : memref<448xi32, #tpu.memory_space<hbm>>) target(%arg5 : memref<448xi32, #tpu.memory_space<vmem>>) target_semaphore(%run_scoped3A : memref<!tpu.dma_semaphore, #tpu.memory_space<semaphore_mem>>)
        %dma_wait3A_540 = tpu.memref_slice %arg3[%add3A_527] : memref<401408xi32, #tpu.memory_space<hbm>> -> memref<448xi32, #tpu.memory_space<hbm>>
        %dma_wait3A_541 = tpu.memref_slice %arg3[%add3A_527] : memref<401408xi32, #tpu.memory_space<hbm>> -> memref<448xi32, #tpu.memory_space<hbm>>
        tpu.wait_dma2 semaphore(%run_scoped3A : memref<!tpu.dma_semaphore, #tpu.memory_space<semaphore_mem>>) src(%dma_wait3A_541 : memref<448xi32, #tpu.memory_space<hbm>>) dst(%arg5 : memref<448xi32, #tpu.memory_space<vmem>>)
        tpu.yield
      }) : () -> ()
      %dma_start3A = arith.constant 0 : i32
      %dma_start3A_528 = arith.constant 0 : i32
      %dma_start3A_529 = arith.constant 0 : i32
      %dma_start3A_530 = arith.constant 0 : i32
      %dma_start3A_531 = tpu.memref_slice %arg7[%dma_start3A, %dma_start3A_529, %dma_start3A_530] : memref<2x448x128xf32, #tpu.memory_space<vmem>> -> memref<1x448x128xf32, #tpu.memory_space<vmem>>
      %dma_start3A_532 = tpu.memref_squeeze %dma_start3A_531 : memref<1x448x128xf32, #tpu.memory_space<vmem>> -> memref<448x128xf32, #tpu.memory_space<vmem>>
      %dma_start3A_533 = arith.constant 0 : i32
      %dma_start3A_534 = arith.constant 0 : i32
      %dma_start3A_535 = tpu.memref_slice %arg2[%dma_start3A_533, %dma_start3A_534] : memref<50000x128xf32, #tpu.memory_space<hbm>> -> memref<50000x128xf32, #tpu.memory_space<hbm>>
      %dma_start3A_536 = tpu.memref_slice %arg8[%dma_start3A_528] : memref<2x!tpu.dma_semaphore, #tpu.memory_space<semaphore_mem>> -> memref<1x!tpu.dma_semaphore, #tpu.memory_space<semaphore_mem>>
      %dma_start3A_537 = tpu.memref_squeeze %dma_start3A_536 : memref<1x!tpu.dma_semaphore, #tpu.memory_space<semaphore_mem>> -> memref<!tpu.dma_semaphore, #tpu.memory_space<semaphore_mem>>
      tpu.enqueue_indirect_dma source(%dma_start3A_535 : memref<50000x128xf32, #tpu.memory_space<hbm>>) target(%dma_start3A_532 : memref<448x128xf32, #tpu.memory_space<vmem>>) offsets(%arg5 : memref<448xi32, #tpu.memory_space<vmem>>) semaphore(%dma_start3A_537 : memref<!tpu.dma_semaphore, #tpu.memory_space<semaphore_mem>>)
    } else {
    }
    %gt3A_301 = arith.constant 19 : i32
    %gt3A_302 = arith.cmpi sgt, %select_n3A, %gt3A_301 : i32
    %convert_element_type3A_303 = arith.extui %gt3A_302 : i1 to i32
    %cond3A_304 = arith.constant 0 : i32
    %cond3A_305 = arith.cmpi ne, %convert_element_type3A_303, %cond3A_304 : i32
    scf.if %cond3A_305 {
      %dma_wait3A_526 = arith.constant 1 : i32
      %dma_wait3A_527 = arith.constant 1 : i32
      %dma_wait3A_528 = arith.constant 0 : i32
      %dma_wait3A_529 = arith.constant 0 : i32
      %dma_wait3A_530 = tpu.memref_slice %arg7[%dma_wait3A_526, %dma_wait3A_528, %dma_wait3A_529] : memref<2x448x128xf32, #tpu.memory_space<vmem>> -> memref<1x448x128xf32, #tpu.memory_space<vmem>>
      %dma_wait3A_531 = tpu.memref_squeeze %dma_wait3A_530 : memref<1x448x128xf32, #tpu.memory_space<vmem>> -> memref<448x128xf32, #tpu.memory_space<vmem>>
      %dma_wait3A_532 = arith.constant 0 : i32
      %dma_wait3A_533 = arith.constant 0 : i32
      %dma_wait3A_534 = tpu.memref_slice %arg2[%dma_wait3A_532, %dma_wait3A_533] : memref<50000x128xf32, #tpu.memory_space<hbm>> -> memref<448x128xf32, #tpu.memory_space<hbm>>
      %dma_wait3A_535 = tpu.memref_slice %arg8[%dma_wait3A_527] : memref<2x!tpu.dma_semaphore, #tpu.memory_space<semaphore_mem>> -> memref<1x!tpu.dma_semaphore, #tpu.memory_space<semaphore_mem>>
      %dma_wait3A_536 = tpu.memref_squeeze %dma_wait3A_535 : memref<1x!tpu.dma_semaphore, #tpu.memory_space<semaphore_mem>> -> memref<!tpu.dma_semaphore, #tpu.memory_space<semaphore_mem>>
      %dma_wait3A_537 = arith.constant 0 : i32
      %dma_wait3A_538 = arith.constant 0 : i32
      %dma_wait3A_539 = tpu.memref_slice %arg7[%dma_wait3A_526, %dma_wait3A_537, %dma_wait3A_538] : memref<2x448x128xf32, #tpu.memory_space<vmem>> -> memref<1x448x128xf32, #tpu.memory_space<vmem>>
      %dma_wait3A_540 = tpu.memref_squeeze %dma_wait3A_539 : memref<1x448x128xf32, #tpu.memory_space<vmem>> -> memref<448x128xf32, #tpu.memory_space<vmem>>
      %dma_wait3A_541 = arith.constant 0 : i32
      %dma_wait3A_542 = arith.constant 0 : i32
      %dma_wait3A_543 = tpu.memref_slice %arg2[%dma_wait3A_541, %dma_wait3A_542] : memref<50000x128xf32, #tpu.memory_space<hbm>> -> memref<448x128xf32, #tpu.memory_space<hbm>>
      tpu.wait_dma2 semaphore(%dma_wait3A_536 : memref<!tpu.dma_semaphore, #tpu.memory_space<semaphore_mem>>) src(%dma_wait3A_543 : memref<448x128xf32, #tpu.memory_space<hbm>>) dst(%dma_wait3A_540 : memref<448x128xf32, #tpu.memory_space<vmem>>)
      %add3A_544 = arith.constant 8512 : i32
      %add3A_545 = arith.addi %select_n3A_8, %add3A_544 : i32
      %dma_start3A = arith.constant 1 : i32
      %dma_start3A_546 = arith.constant 1 : i32
      %dma_start3A_547 = arith.constant 0 : i32
      %dma_start3A_548 = arith.constant 0 : i32
      %dma_start3A_549 = tpu.memref_slice %arg7[%dma_start3A, %dma_start3A_547, %dma_start3A_548] : memref<2x448x128xf32, #tpu.memory_space<vmem>> -> memref<1x448x128xf32, #tpu.memory_space<vmem>>
      %dma_start3A_550 = tpu.memref_squeeze %dma_start3A_549 : memref<1x448x128xf32, #tpu.memory_space<vmem>> -> memref<448x128xf32, #tpu.memory_space<vmem>>
      %dma_start3A_551 = arith.constant 0 : i32
      %dma_start3A_552 = tpu.memref_slice %arg4[%add3A_545, %dma_start3A_551] : memref<401408x128xf32, #tpu.memory_space<hbm>> -> memref<448x128xf32, #tpu.memory_space<hbm>>
      %dma_start3A_553 = tpu.memref_slice %arg9[%dma_start3A_546] : memref<2x!tpu.dma_semaphore, #tpu.memory_space<semaphore_mem>> -> memref<1x!tpu.dma_semaphore, #tpu.memory_space<semaphore_mem>>
      %dma_start3A_554 = tpu.memref_squeeze %dma_start3A_553 : memref<1x!tpu.dma_semaphore, #tpu.memory_space<semaphore_mem>> -> memref<!tpu.dma_semaphore, #tpu.memory_space<semaphore_mem>>
      %dma_start3A_555 = arith.constant 0 : i32
      %dma_start3A_556 = tpu.memref_slice %arg4[%add3A_545, %dma_start3A_555] : memref<401408x128xf32, #tpu.memory_space<hbm>> -> memref<448x128xf32, #tpu.memory_space<hbm>>
      %dma_start3A_557 = arith.constant 0 : i32
      %dma_start3A_558 = arith.constant 0 : i32
      %dma_start3A_559 = tpu.memref_slice %arg7[%dma_start3A, %dma_start3A_557, %dma_start3A_558] : memref<2x448x128xf32, #tpu.memory_space<vmem>> -> memref<1x448x128xf32, #tpu.memory_space<vmem>>
      %dma_start3A_560 = tpu.memref_squeeze %dma_start3A_559 : memref<1x448x128xf32, #tpu.memory_space<vmem>> -> memref<448x128xf32, #tpu.memory_space<vmem>>
      tpu.enqueue_dma source(%dma_start3A_560 : memref<448x128xf32, #tpu.memory_space<vmem>>) target(%dma_start3A_556 : memref<448x128xf32, #tpu.memory_space<hbm>>) target_semaphore(%dma_start3A_554 : memref<!tpu.dma_semaphore, #tpu.memory_space<semaphore_mem>>)
    } else {
    }
    %gt3A_306 = arith.constant 21 : i32
    %gt3A_307 = arith.cmpi sgt, %select_n3A, %gt3A_306 : i32
    %convert_element_type3A_308 = arith.extui %gt3A_307 : i1 to i32
    %cond3A_309 = arith.constant 0 : i32
    %cond3A_310 = arith.cmpi ne, %convert_element_type3A_308, %cond3A_309 : i32
    scf.if %cond3A_310 {
      %dma_wait3A_526 = arith.constant 1 : i32
      %dma_wait3A_527 = arith.constant 1 : i32
      %dma_wait3A_528 = arith.constant 0 : i32
      %dma_wait3A_529 = arith.constant 0 : i32
      %dma_wait3A_530 = tpu.memref_slice %arg7[%dma_wait3A_526, %dma_wait3A_528, %dma_wait3A_529] : memref<2x448x128xf32, #tpu.memory_space<vmem>> -> memref<1x448x128xf32, #tpu.memory_space<vmem>>
      %dma_wait3A_531 = tpu.memref_squeeze %dma_wait3A_530 : memref<1x448x128xf32, #tpu.memory_space<vmem>> -> memref<448x128xf32, #tpu.memory_space<vmem>>
      %dma_wait3A_532 = arith.constant 0 : i32
      %dma_wait3A_533 = arith.constant 0 : i32
      %dma_wait3A_534 = tpu.memref_slice %arg4[%dma_wait3A_532, %dma_wait3A_533] : memref<401408x128xf32, #tpu.memory_space<hbm>> -> memref<448x128xf32, #tpu.memory_space<hbm>>
      %dma_wait3A_535 = tpu.memref_slice %arg9[%dma_wait3A_527] : memref<2x!tpu.dma_semaphore, #tpu.memory_space<semaphore_mem>> -> memref<1x!tpu.dma_semaphore, #tpu.memory_space<semaphore_mem>>
      %dma_wait3A_536 = tpu.memref_squeeze %dma_wait3A_535 : memref<1x!tpu.dma_semaphore, #tpu.memory_space<semaphore_mem>> -> memref<!tpu.dma_semaphore, #tpu.memory_space<semaphore_mem>>
      %dma_wait3A_537 = arith.constant 0 : i32
      %dma_wait3A_538 = arith.constant 0 : i32
      %dma_wait3A_539 = tpu.memref_slice %arg4[%dma_wait3A_537, %dma_wait3A_538] : memref<401408x128xf32, #tpu.memory_space<hbm>> -> memref<448x128xf32, #tpu.memory_space<hbm>>
      %dma_wait3A_540 = arith.constant 0 : i32
      %dma_wait3A_541 = arith.constant 0 : i32
      %dma_wait3A_542 = tpu.memref_slice %arg7[%dma_wait3A_526, %dma_wait3A_540, %dma_wait3A_541] : memref<2x448x128xf32, #tpu.memory_space<vmem>> -> memref<1x448x128xf32, #tpu.memory_space<vmem>>
      %dma_wait3A_543 = tpu.memref_squeeze %dma_wait3A_542 : memref<1x448x128xf32, #tpu.memory_space<vmem>> -> memref<448x128xf32, #tpu.memory_space<vmem>>
      tpu.wait_dma2 semaphore(%dma_wait3A_536 : memref<!tpu.dma_semaphore, #tpu.memory_space<semaphore_mem>>) src(%dma_wait3A_543 : memref<448x128xf32, #tpu.memory_space<vmem>>) dst(%dma_wait3A_539 : memref<448x128xf32, #tpu.memory_space<hbm>>)
    } else {
    }
    %gt3A_311 = arith.constant 21 : i32
    %gt3A_312 = arith.cmpi sgt, %select_n3A, %gt3A_311 : i32
    %convert_element_type3A_313 = arith.extui %gt3A_312 : i1 to i32
    %cond3A_314 = arith.constant 0 : i32
    %cond3A_315 = arith.cmpi ne, %convert_element_type3A_313, %cond3A_314 : i32
    scf.if %cond3A_315 {
      %add3A_526 = arith.constant 9408 : i32
      %add3A_527 = arith.addi %select_n3A_8, %add3A_526 : i32
      "tpu.region"() ({
        %run_scoped3A = tpu.sem_alloc : memref<!tpu.dma_semaphore, #tpu.memory_space<semaphore_mem>>
        %dma_start3A_538 = tpu.memref_slice %arg3[%add3A_527] : memref<401408xi32, #tpu.memory_space<hbm>> -> memref<448xi32, #tpu.memory_space<hbm>>
        %dma_start3A_539 = tpu.memref_slice %arg3[%add3A_527] : memref<401408xi32, #tpu.memory_space<hbm>> -> memref<448xi32, #tpu.memory_space<hbm>>
        tpu.enqueue_dma source(%dma_start3A_539 : memref<448xi32, #tpu.memory_space<hbm>>) target(%arg6 : memref<448xi32, #tpu.memory_space<vmem>>) target_semaphore(%run_scoped3A : memref<!tpu.dma_semaphore, #tpu.memory_space<semaphore_mem>>)
        %dma_wait3A_540 = tpu.memref_slice %arg3[%add3A_527] : memref<401408xi32, #tpu.memory_space<hbm>> -> memref<448xi32, #tpu.memory_space<hbm>>
        %dma_wait3A_541 = tpu.memref_slice %arg3[%add3A_527] : memref<401408xi32, #tpu.memory_space<hbm>> -> memref<448xi32, #tpu.memory_space<hbm>>
        tpu.wait_dma2 semaphore(%run_scoped3A : memref<!tpu.dma_semaphore, #tpu.memory_space<semaphore_mem>>) src(%dma_wait3A_541 : memref<448xi32, #tpu.memory_space<hbm>>) dst(%arg6 : memref<448xi32, #tpu.memory_space<vmem>>)
        tpu.yield
      }) : () -> ()
      %dma_start3A = arith.constant 1 : i32
      %dma_start3A_528 = arith.constant 1 : i32
      %dma_start3A_529 = arith.constant 0 : i32
      %dma_start3A_530 = arith.constant 0 : i32
      %dma_start3A_531 = tpu.memref_slice %arg7[%dma_start3A, %dma_start3A_529, %dma_start3A_530] : memref<2x448x128xf32, #tpu.memory_space<vmem>> -> memref<1x448x128xf32, #tpu.memory_space<vmem>>
      %dma_start3A_532 = tpu.memref_squeeze %dma_start3A_531 : memref<1x448x128xf32, #tpu.memory_space<vmem>> -> memref<448x128xf32, #tpu.memory_space<vmem>>
      %dma_start3A_533 = arith.constant 0 : i32
      %dma_start3A_534 = arith.constant 0 : i32
      %dma_start3A_535 = tpu.memref_slice %arg2[%dma_start3A_533, %dma_start3A_534] : memref<50000x128xf32, #tpu.memory_space<hbm>> -> memref<50000x128xf32, #tpu.memory_space<hbm>>
      %dma_start3A_536 = tpu.memref_slice %arg8[%dma_start3A_528] : memref<2x!tpu.dma_semaphore, #tpu.memory_space<semaphore_mem>> -> memref<1x!tpu.dma_semaphore, #tpu.memory_space<semaphore_mem>>
      %dma_start3A_537 = tpu.memref_squeeze %dma_start3A_536 : memref<1x!tpu.dma_semaphore, #tpu.memory_space<semaphore_mem>> -> memref<!tpu.dma_semaphore, #tpu.memory_space<semaphore_mem>>
      tpu.enqueue_indirect_dma source(%dma_start3A_535 : memref<50000x128xf32, #tpu.memory_space<hbm>>) target(%dma_start3A_532 : memref<448x128xf32, #tpu.memory_space<vmem>>) offsets(%arg6 : memref<448xi32, #tpu.memory_space<vmem>>) semaphore(%dma_start3A_537 : memref<!tpu.dma_semaphore, #tpu.memory_space<semaphore_mem>>)
    } else {
    }
    %gt3A_316 = arith.constant 20 : i32
    %gt3A_317 = arith.cmpi sgt, %select_n3A, %gt3A_316 : i32
    %convert_element_type3A_318 = arith.extui %gt3A_317 : i1 to i32
    %cond3A_319 = arith.constant 0 : i32
    %cond3A_320 = arith.cmpi ne, %convert_element_type3A_318, %cond3A_319 : i32
    scf.if %cond3A_320 {
      %dma_wait3A_526 = arith.constant 0 : i32
      %dma_wait3A_527 = arith.constant 0 : i32
      %dma_wait3A_528 = arith.constant 0 : i32
      %dma_wait3A_529 = arith.constant 0 : i32
      %dma_wait3A_530 = tpu.memref_slice %arg7[%dma_wait3A_526, %dma_wait3A_528, %dma_wait3A_529] : memref<2x448x128xf32, #tpu.memory_space<vmem>> -> memref<1x448x128xf32, #tpu.memory_space<vmem>>
      %dma_wait3A_531 = tpu.memref_squeeze %dma_wait3A_530 : memref<1x448x128xf32, #tpu.memory_space<vmem>> -> memref<448x128xf32, #tpu.memory_space<vmem>>
      %dma_wait3A_532 = arith.constant 0 : i32
      %dma_wait3A_533 = arith.constant 0 : i32
      %dma_wait3A_534 = tpu.memref_slice %arg2[%dma_wait3A_532, %dma_wait3A_533] : memref<50000x128xf32, #tpu.memory_space<hbm>> -> memref<448x128xf32, #tpu.memory_space<hbm>>
      %dma_wait3A_535 = tpu.memref_slice %arg8[%dma_wait3A_527] : memref<2x!tpu.dma_semaphore, #tpu.memory_space<semaphore_mem>> -> memref<1x!tpu.dma_semaphore, #tpu.memory_space<semaphore_mem>>
      %dma_wait3A_536 = tpu.memref_squeeze %dma_wait3A_535 : memref<1x!tpu.dma_semaphore, #tpu.memory_space<semaphore_mem>> -> memref<!tpu.dma_semaphore, #tpu.memory_space<semaphore_mem>>
      %dma_wait3A_537 = arith.constant 0 : i32
      %dma_wait3A_538 = arith.constant 0 : i32
      %dma_wait3A_539 = tpu.memref_slice %arg7[%dma_wait3A_526, %dma_wait3A_537, %dma_wait3A_538] : memref<2x448x128xf32, #tpu.memory_space<vmem>> -> memref<1x448x128xf32, #tpu.memory_space<vmem>>
      %dma_wait3A_540 = tpu.memref_squeeze %dma_wait3A_539 : memref<1x448x128xf32, #tpu.memory_space<vmem>> -> memref<448x128xf32, #tpu.memory_space<vmem>>
      %dma_wait3A_541 = arith.constant 0 : i32
      %dma_wait3A_542 = arith.constant 0 : i32
      %dma_wait3A_543 = tpu.memref_slice %arg2[%dma_wait3A_541, %dma_wait3A_542] : memref<50000x128xf32, #tpu.memory_space<hbm>> -> memref<448x128xf32, #tpu.memory_space<hbm>>
      tpu.wait_dma2 semaphore(%dma_wait3A_536 : memref<!tpu.dma_semaphore, #tpu.memory_space<semaphore_mem>>) src(%dma_wait3A_543 : memref<448x128xf32, #tpu.memory_space<hbm>>) dst(%dma_wait3A_540 : memref<448x128xf32, #tpu.memory_space<vmem>>)
      %add3A_544 = arith.constant 8960 : i32
      %add3A_545 = arith.addi %select_n3A_8, %add3A_544 : i32
      %dma_start3A = arith.constant 0 : i32
      %dma_start3A_546 = arith.constant 0 : i32
      %dma_start3A_547 = arith.constant 0 : i32
      %dma_start3A_548 = arith.constant 0 : i32
      %dma_start3A_549 = tpu.memref_slice %arg7[%dma_start3A, %dma_start3A_547, %dma_start3A_548] : memref<2x448x128xf32, #tpu.memory_space<vmem>> -> memref<1x448x128xf32, #tpu.memory_space<vmem>>
      %dma_start3A_550 = tpu.memref_squeeze %dma_start3A_549 : memref<1x448x128xf32, #tpu.memory_space<vmem>> -> memref<448x128xf32, #tpu.memory_space<vmem>>
      %dma_start3A_551 = arith.constant 0 : i32
      %dma_start3A_552 = tpu.memref_slice %arg4[%add3A_545, %dma_start3A_551] : memref<401408x128xf32, #tpu.memory_space<hbm>> -> memref<448x128xf32, #tpu.memory_space<hbm>>
      %dma_start3A_553 = tpu.memref_slice %arg9[%dma_start3A_546] : memref<2x!tpu.dma_semaphore, #tpu.memory_space<semaphore_mem>> -> memref<1x!tpu.dma_semaphore, #tpu.memory_space<semaphore_mem>>
      %dma_start3A_554 = tpu.memref_squeeze %dma_start3A_553 : memref<1x!tpu.dma_semaphore, #tpu.memory_space<semaphore_mem>> -> memref<!tpu.dma_semaphore, #tpu.memory_space<semaphore_mem>>
      %dma_start3A_555 = arith.constant 0 : i32
      %dma_start3A_556 = tpu.memref_slice %arg4[%add3A_545, %dma_start3A_555] : memref<401408x128xf32, #tpu.memory_space<hbm>> -> memref<448x128xf32, #tpu.memory_space<hbm>>
      %dma_start3A_557 = arith.constant 0 : i32
      %dma_start3A_558 = arith.constant 0 : i32
      %dma_start3A_559 = tpu.memref_slice %arg7[%dma_start3A, %dma_start3A_557, %dma_start3A_558] : memref<2x448x128xf32, #tpu.memory_space<vmem>> -> memref<1x448x128xf32, #tpu.memory_space<vmem>>
      %dma_start3A_560 = tpu.memref_squeeze %dma_start3A_559 : memref<1x448x128xf32, #tpu.memory_space<vmem>> -> memref<448x128xf32, #tpu.memory_space<vmem>>
      tpu.enqueue_dma source(%dma_start3A_560 : memref<448x128xf32, #tpu.memory_space<vmem>>) target(%dma_start3A_556 : memref<448x128xf32, #tpu.memory_space<hbm>>) target_semaphore(%dma_start3A_554 : memref<!tpu.dma_semaphore, #tpu.memory_space<semaphore_mem>>)
    } else {
    }
    %gt3A_321 = arith.constant 22 : i32
    %gt3A_322 = arith.cmpi sgt, %select_n3A, %gt3A_321 : i32
    %convert_element_type3A_323 = arith.extui %gt3A_322 : i1 to i32
    %cond3A_324 = arith.constant 0 : i32
    %cond3A_325 = arith.cmpi ne, %convert_element_type3A_323, %cond3A_324 : i32
    scf.if %cond3A_325 {
      %dma_wait3A_526 = arith.constant 0 : i32
      %dma_wait3A_527 = arith.constant 0 : i32
      %dma_wait3A_528 = arith.constant 0 : i32
      %dma_wait3A_529 = arith.constant 0 : i32
      %dma_wait3A_530 = tpu.memref_slice %arg7[%dma_wait3A_526, %dma_wait3A_528, %dma_wait3A_529] : memref<2x448x128xf32, #tpu.memory_space<vmem>> -> memref<1x448x128xf32, #tpu.memory_space<vmem>>
      %dma_wait3A_531 = tpu.memref_squeeze %dma_wait3A_530 : memref<1x448x128xf32, #tpu.memory_space<vmem>> -> memref<448x128xf32, #tpu.memory_space<vmem>>
      %dma_wait3A_532 = arith.constant 0 : i32
      %dma_wait3A_533 = arith.constant 0 : i32
      %dma_wait3A_534 = tpu.memref_slice %arg4[%dma_wait3A_532, %dma_wait3A_533] : memref<401408x128xf32, #tpu.memory_space<hbm>> -> memref<448x128xf32, #tpu.memory_space<hbm>>
      %dma_wait3A_535 = tpu.memref_slice %arg9[%dma_wait3A_527] : memref<2x!tpu.dma_semaphore, #tpu.memory_space<semaphore_mem>> -> memref<1x!tpu.dma_semaphore, #tpu.memory_space<semaphore_mem>>
      %dma_wait3A_536 = tpu.memref_squeeze %dma_wait3A_535 : memref<1x!tpu.dma_semaphore, #tpu.memory_space<semaphore_mem>> -> memref<!tpu.dma_semaphore, #tpu.memory_space<semaphore_mem>>
      %dma_wait3A_537 = arith.constant 0 : i32
      %dma_wait3A_538 = arith.constant 0 : i32
      %dma_wait3A_539 = tpu.memref_slice %arg4[%dma_wait3A_537, %dma_wait3A_538] : memref<401408x128xf32, #tpu.memory_space<hbm>> -> memref<448x128xf32, #tpu.memory_space<hbm>>
      %dma_wait3A_540 = arith.constant 0 : i32
      %dma_wait3A_541 = arith.constant 0 : i32
      %dma_wait3A_542 = tpu.memref_slice %arg7[%dma_wait3A_526, %dma_wait3A_540, %dma_wait3A_541] : memref<2x448x128xf32, #tpu.memory_space<vmem>> -> memref<1x448x128xf32, #tpu.memory_space<vmem>>
      %dma_wait3A_543 = tpu.memref_squeeze %dma_wait3A_542 : memref<1x448x128xf32, #tpu.memory_space<vmem>> -> memref<448x128xf32, #tpu.memory_space<vmem>>
      tpu.wait_dma2 semaphore(%dma_wait3A_536 : memref<!tpu.dma_semaphore, #tpu.memory_space<semaphore_mem>>) src(%dma_wait3A_543 : memref<448x128xf32, #tpu.memory_space<vmem>>) dst(%dma_wait3A_539 : memref<448x128xf32, #tpu.memory_space<hbm>>)
    } else {
    }
    %gt3A_326 = arith.constant 22 : i32
    %gt3A_327 = arith.cmpi sgt, %select_n3A, %gt3A_326 : i32
    %convert_element_type3A_328 = arith.extui %gt3A_327 : i1 to i32
    %cond3A_329 = arith.constant 0 : i32
    %cond3A_330 = arith.cmpi ne, %convert_element_type3A_328, %cond3A_329 : i32
    scf.if %cond3A_330 {
      %add3A_526 = arith.constant 9856 : i32
      %add3A_527 = arith.addi %select_n3A_8, %add3A_526 : i32
      "tpu.region"() ({
        %run_scoped3A = tpu.sem_alloc : memref<!tpu.dma_semaphore, #tpu.memory_space<semaphore_mem>>
        %dma_start3A_538 = tpu.memref_slice %arg3[%add3A_527] : memref<401408xi32, #tpu.memory_space<hbm>> -> memref<448xi32, #tpu.memory_space<hbm>>
        %dma_start3A_539 = tpu.memref_slice %arg3[%add3A_527] : memref<401408xi32, #tpu.memory_space<hbm>> -> memref<448xi32, #tpu.memory_space<hbm>>
        tpu.enqueue_dma source(%dma_start3A_539 : memref<448xi32, #tpu.memory_space<hbm>>) target(%arg5 : memref<448xi32, #tpu.memory_space<vmem>>) target_semaphore(%run_scoped3A : memref<!tpu.dma_semaphore, #tpu.memory_space<semaphore_mem>>)
        %dma_wait3A_540 = tpu.memref_slice %arg3[%add3A_527] : memref<401408xi32, #tpu.memory_space<hbm>> -> memref<448xi32, #tpu.memory_space<hbm>>
        %dma_wait3A_541 = tpu.memref_slice %arg3[%add3A_527] : memref<401408xi32, #tpu.memory_space<hbm>> -> memref<448xi32, #tpu.memory_space<hbm>>
        tpu.wait_dma2 semaphore(%run_scoped3A : memref<!tpu.dma_semaphore, #tpu.memory_space<semaphore_mem>>) src(%dma_wait3A_541 : memref<448xi32, #tpu.memory_space<hbm>>) dst(%arg5 : memref<448xi32, #tpu.memory_space<vmem>>)
        tpu.yield
      }) : () -> ()
      %dma_start3A = arith.constant 0 : i32
      %dma_start3A_528 = arith.constant 0 : i32
      %dma_start3A_529 = arith.constant 0 : i32
      %dma_start3A_530 = arith.constant 0 : i32
      %dma_start3A_531 = tpu.memref_slice %arg7[%dma_start3A, %dma_start3A_529, %dma_start3A_530] : memref<2x448x128xf32, #tpu.memory_space<vmem>> -> memref<1x448x128xf32, #tpu.memory_space<vmem>>
      %dma_start3A_532 = tpu.memref_squeeze %dma_start3A_531 : memref<1x448x128xf32, #tpu.memory_space<vmem>> -> memref<448x128xf32, #tpu.memory_space<vmem>>
      %dma_start3A_533 = arith.constant 0 : i32
      %dma_start3A_534 = arith.constant 0 : i32
      %dma_start3A_535 = tpu.memref_slice %arg2[%dma_start3A_533, %dma_start3A_534] : memref<50000x128xf32, #tpu.memory_space<hbm>> -> memref<50000x128xf32, #tpu.memory_space<hbm>>
      %dma_start3A_536 = tpu.memref_slice %arg8[%dma_start3A_528] : memref<2x!tpu.dma_semaphore, #tpu.memory_space<semaphore_mem>> -> memref<1x!tpu.dma_semaphore, #tpu.memory_space<semaphore_mem>>
      %dma_start3A_537 = tpu.memref_squeeze %dma_start3A_536 : memref<1x!tpu.dma_semaphore, #tpu.memory_space<semaphore_mem>> -> memref<!tpu.dma_semaphore, #tpu.memory_space<semaphore_mem>>
      tpu.enqueue_indirect_dma source(%dma_start3A_535 : memref<50000x128xf32, #tpu.memory_space<hbm>>) target(%dma_start3A_532 : memref<448x128xf32, #tpu.memory_space<vmem>>) offsets(%arg5 : memref<448xi32, #tpu.memory_space<vmem>>) semaphore(%dma_start3A_537 : memref<!tpu.dma_semaphore, #tpu.memory_space<semaphore_mem>>)
    } else {
    }
    %gt3A_331 = arith.constant 21 : i32
    %gt3A_332 = arith.cmpi sgt, %select_n3A, %gt3A_331 : i32
    %convert_element_type3A_333 = arith.extui %gt3A_332 : i1 to i32
    %cond3A_334 = arith.constant 0 : i32
    %cond3A_335 = arith.cmpi ne, %convert_element_type3A_333, %cond3A_334 : i32
    scf.if %cond3A_335 {
      %dma_wait3A_526 = arith.constant 1 : i32
      %dma_wait3A_527 = arith.constant 1 : i32
      %dma_wait3A_528 = arith.constant 0 : i32
      %dma_wait3A_529 = arith.constant 0 : i32
      %dma_wait3A_530 = tpu.memref_slice %arg7[%dma_wait3A_526, %dma_wait3A_528, %dma_wait3A_529] : memref<2x448x128xf32, #tpu.memory_space<vmem>> -> memref<1x448x128xf32, #tpu.memory_space<vmem>>
      %dma_wait3A_531 = tpu.memref_squeeze %dma_wait3A_530 : memref<1x448x128xf32, #tpu.memory_space<vmem>> -> memref<448x128xf32, #tpu.memory_space<vmem>>
      %dma_wait3A_532 = arith.constant 0 : i32
      %dma_wait3A_533 = arith.constant 0 : i32
      %dma_wait3A_534 = tpu.memref_slice %arg2[%dma_wait3A_532, %dma_wait3A_533] : memref<50000x128xf32, #tpu.memory_space<hbm>> -> memref<448x128xf32, #tpu.memory_space<hbm>>
      %dma_wait3A_535 = tpu.memref_slice %arg8[%dma_wait3A_527] : memref<2x!tpu.dma_semaphore, #tpu.memory_space<semaphore_mem>> -> memref<1x!tpu.dma_semaphore, #tpu.memory_space<semaphore_mem>>
      %dma_wait3A_536 = tpu.memref_squeeze %dma_wait3A_535 : memref<1x!tpu.dma_semaphore, #tpu.memory_space<semaphore_mem>> -> memref<!tpu.dma_semaphore, #tpu.memory_space<semaphore_mem>>
      %dma_wait3A_537 = arith.constant 0 : i32
      %dma_wait3A_538 = arith.constant 0 : i32
      %dma_wait3A_539 = tpu.memref_slice %arg7[%dma_wait3A_526, %dma_wait3A_537, %dma_wait3A_538] : memref<2x448x128xf32, #tpu.memory_space<vmem>> -> memref<1x448x128xf32, #tpu.memory_space<vmem>>
      %dma_wait3A_540 = tpu.memref_squeeze %dma_wait3A_539 : memref<1x448x128xf32, #tpu.memory_space<vmem>> -> memref<448x128xf32, #tpu.memory_space<vmem>>
      %dma_wait3A_541 = arith.constant 0 : i32
      %dma_wait3A_542 = arith.constant 0 : i32
      %dma_wait3A_543 = tpu.memref_slice %arg2[%dma_wait3A_541, %dma_wait3A_542] : memref<50000x128xf32, #tpu.memory_space<hbm>> -> memref<448x128xf32, #tpu.memory_space<hbm>>
      tpu.wait_dma2 semaphore(%dma_wait3A_536 : memref<!tpu.dma_semaphore, #tpu.memory_space<semaphore_mem>>) src(%dma_wait3A_543 : memref<448x128xf32, #tpu.memory_space<hbm>>) dst(%dma_wait3A_540 : memref<448x128xf32, #tpu.memory_space<vmem>>)
      %add3A_544 = arith.constant 9408 : i32
      %add3A_545 = arith.addi %select_n3A_8, %add3A_544 : i32
      %dma_start3A = arith.constant 1 : i32
      %dma_start3A_546 = arith.constant 1 : i32
      %dma_start3A_547 = arith.constant 0 : i32
      %dma_start3A_548 = arith.constant 0 : i32
      %dma_start3A_549 = tpu.memref_slice %arg7[%dma_start3A, %dma_start3A_547, %dma_start3A_548] : memref<2x448x128xf32, #tpu.memory_space<vmem>> -> memref<1x448x128xf32, #tpu.memory_space<vmem>>
      %dma_start3A_550 = tpu.memref_squeeze %dma_start3A_549 : memref<1x448x128xf32, #tpu.memory_space<vmem>> -> memref<448x128xf32, #tpu.memory_space<vmem>>
      %dma_start3A_551 = arith.constant 0 : i32
      %dma_start3A_552 = tpu.memref_slice %arg4[%add3A_545, %dma_start3A_551] : memref<401408x128xf32, #tpu.memory_space<hbm>> -> memref<448x128xf32, #tpu.memory_space<hbm>>
      %dma_start3A_553 = tpu.memref_slice %arg9[%dma_start3A_546] : memref<2x!tpu.dma_semaphore, #tpu.memory_space<semaphore_mem>> -> memref<1x!tpu.dma_semaphore, #tpu.memory_space<semaphore_mem>>
      %dma_start3A_554 = tpu.memref_squeeze %dma_start3A_553 : memref<1x!tpu.dma_semaphore, #tpu.memory_space<semaphore_mem>> -> memref<!tpu.dma_semaphore, #tpu.memory_space<semaphore_mem>>
      %dma_start3A_555 = arith.constant 0 : i32
      %dma_start3A_556 = tpu.memref_slice %arg4[%add3A_545, %dma_start3A_555] : memref<401408x128xf32, #tpu.memory_space<hbm>> -> memref<448x128xf32, #tpu.memory_space<hbm>>
      %dma_start3A_557 = arith.constant 0 : i32
      %dma_start3A_558 = arith.constant 0 : i32
      %dma_start3A_559 = tpu.memref_slice %arg7[%dma_start3A, %dma_start3A_557, %dma_start3A_558] : memref<2x448x128xf32, #tpu.memory_space<vmem>> -> memref<1x448x128xf32, #tpu.memory_space<vmem>>
      %dma_start3A_560 = tpu.memref_squeeze %dma_start3A_559 : memref<1x448x128xf32, #tpu.memory_space<vmem>> -> memref<448x128xf32, #tpu.memory_space<vmem>>
      tpu.enqueue_dma source(%dma_start3A_560 : memref<448x128xf32, #tpu.memory_space<vmem>>) target(%dma_start3A_556 : memref<448x128xf32, #tpu.memory_space<hbm>>) target_semaphore(%dma_start3A_554 : memref<!tpu.dma_semaphore, #tpu.memory_space<semaphore_mem>>)
    } else {
    }
    %gt3A_336 = arith.constant 23 : i32
    %gt3A_337 = arith.cmpi sgt, %select_n3A, %gt3A_336 : i32
    %convert_element_type3A_338 = arith.extui %gt3A_337 : i1 to i32
    %cond3A_339 = arith.constant 0 : i32
    %cond3A_340 = arith.cmpi ne, %convert_element_type3A_338, %cond3A_339 : i32
    scf.if %cond3A_340 {
      %dma_wait3A_526 = arith.constant 1 : i32
      %dma_wait3A_527 = arith.constant 1 : i32
      %dma_wait3A_528 = arith.constant 0 : i32
      %dma_wait3A_529 = arith.constant 0 : i32
      %dma_wait3A_530 = tpu.memref_slice %arg7[%dma_wait3A_526, %dma_wait3A_528, %dma_wait3A_529] : memref<2x448x128xf32, #tpu.memory_space<vmem>> -> memref<1x448x128xf32, #tpu.memory_space<vmem>>
      %dma_wait3A_531 = tpu.memref_squeeze %dma_wait3A_530 : memref<1x448x128xf32, #tpu.memory_space<vmem>> -> memref<448x128xf32, #tpu.memory_space<vmem>>
      %dma_wait3A_532 = arith.constant 0 : i32
      %dma_wait3A_533 = arith.constant 0 : i32
      %dma_wait3A_534 = tpu.memref_slice %arg4[%dma_wait3A_532, %dma_wait3A_533] : memref<401408x128xf32, #tpu.memory_space<hbm>> -> memref<448x128xf32, #tpu.memory_space<hbm>>
      %dma_wait3A_535 = tpu.memref_slice %arg9[%dma_wait3A_527] : memref<2x!tpu.dma_semaphore, #tpu.memory_space<semaphore_mem>> -> memref<1x!tpu.dma_semaphore, #tpu.memory_space<semaphore_mem>>
      %dma_wait3A_536 = tpu.memref_squeeze %dma_wait3A_535 : memref<1x!tpu.dma_semaphore, #tpu.memory_space<semaphore_mem>> -> memref<!tpu.dma_semaphore, #tpu.memory_space<semaphore_mem>>
      %dma_wait3A_537 = arith.constant 0 : i32
      %dma_wait3A_538 = arith.constant 0 : i32
      %dma_wait3A_539 = tpu.memref_slice %arg4[%dma_wait3A_537, %dma_wait3A_538] : memref<401408x128xf32, #tpu.memory_space<hbm>> -> memref<448x128xf32, #tpu.memory_space<hbm>>
      %dma_wait3A_540 = arith.constant 0 : i32
      %dma_wait3A_541 = arith.constant 0 : i32
      %dma_wait3A_542 = tpu.memref_slice %arg7[%dma_wait3A_526, %dma_wait3A_540, %dma_wait3A_541] : memref<2x448x128xf32, #tpu.memory_space<vmem>> -> memref<1x448x128xf32, #tpu.memory_space<vmem>>
      %dma_wait3A_543 = tpu.memref_squeeze %dma_wait3A_542 : memref<1x448x128xf32, #tpu.memory_space<vmem>> -> memref<448x128xf32, #tpu.memory_space<vmem>>
      tpu.wait_dma2 semaphore(%dma_wait3A_536 : memref<!tpu.dma_semaphore, #tpu.memory_space<semaphore_mem>>) src(%dma_wait3A_543 : memref<448x128xf32, #tpu.memory_space<vmem>>) dst(%dma_wait3A_539 : memref<448x128xf32, #tpu.memory_space<hbm>>)
    } else {
    }
    %gt3A_341 = arith.constant 23 : i32
    %gt3A_342 = arith.cmpi sgt, %select_n3A, %gt3A_341 : i32
    %convert_element_type3A_343 = arith.extui %gt3A_342 : i1 to i32
    %cond3A_344 = arith.constant 0 : i32
    %cond3A_345 = arith.cmpi ne, %convert_element_type3A_343, %cond3A_344 : i32
    scf.if %cond3A_345 {
      %add3A_526 = arith.constant 10304 : i32
      %add3A_527 = arith.addi %select_n3A_8, %add3A_526 : i32
      "tpu.region"() ({
        %run_scoped3A = tpu.sem_alloc : memref<!tpu.dma_semaphore, #tpu.memory_space<semaphore_mem>>
        %dma_start3A_538 = tpu.memref_slice %arg3[%add3A_527] : memref<401408xi32, #tpu.memory_space<hbm>> -> memref<448xi32, #tpu.memory_space<hbm>>
        %dma_start3A_539 = tpu.memref_slice %arg3[%add3A_527] : memref<401408xi32, #tpu.memory_space<hbm>> -> memref<448xi32, #tpu.memory_space<hbm>>
        tpu.enqueue_dma source(%dma_start3A_539 : memref<448xi32, #tpu.memory_space<hbm>>) target(%arg6 : memref<448xi32, #tpu.memory_space<vmem>>) target_semaphore(%run_scoped3A : memref<!tpu.dma_semaphore, #tpu.memory_space<semaphore_mem>>)
        %dma_wait3A_540 = tpu.memref_slice %arg3[%add3A_527] : memref<401408xi32, #tpu.memory_space<hbm>> -> memref<448xi32, #tpu.memory_space<hbm>>
        %dma_wait3A_541 = tpu.memref_slice %arg3[%add3A_527] : memref<401408xi32, #tpu.memory_space<hbm>> -> memref<448xi32, #tpu.memory_space<hbm>>
        tpu.wait_dma2 semaphore(%run_scoped3A : memref<!tpu.dma_semaphore, #tpu.memory_space<semaphore_mem>>) src(%dma_wait3A_541 : memref<448xi32, #tpu.memory_space<hbm>>) dst(%arg6 : memref<448xi32, #tpu.memory_space<vmem>>)
        tpu.yield
      }) : () -> ()
      %dma_start3A = arith.constant 1 : i32
      %dma_start3A_528 = arith.constant 1 : i32
      %dma_start3A_529 = arith.constant 0 : i32
      %dma_start3A_530 = arith.constant 0 : i32
      %dma_start3A_531 = tpu.memref_slice %arg7[%dma_start3A, %dma_start3A_529, %dma_start3A_530] : memref<2x448x128xf32, #tpu.memory_space<vmem>> -> memref<1x448x128xf32, #tpu.memory_space<vmem>>
      %dma_start3A_532 = tpu.memref_squeeze %dma_start3A_531 : memref<1x448x128xf32, #tpu.memory_space<vmem>> -> memref<448x128xf32, #tpu.memory_space<vmem>>
      %dma_start3A_533 = arith.constant 0 : i32
      %dma_start3A_534 = arith.constant 0 : i32
      %dma_start3A_535 = tpu.memref_slice %arg2[%dma_start3A_533, %dma_start3A_534] : memref<50000x128xf32, #tpu.memory_space<hbm>> -> memref<50000x128xf32, #tpu.memory_space<hbm>>
      %dma_start3A_536 = tpu.memref_slice %arg8[%dma_start3A_528] : memref<2x!tpu.dma_semaphore, #tpu.memory_space<semaphore_mem>> -> memref<1x!tpu.dma_semaphore, #tpu.memory_space<semaphore_mem>>
      %dma_start3A_537 = tpu.memref_squeeze %dma_start3A_536 : memref<1x!tpu.dma_semaphore, #tpu.memory_space<semaphore_mem>> -> memref<!tpu.dma_semaphore, #tpu.memory_space<semaphore_mem>>
      tpu.enqueue_indirect_dma source(%dma_start3A_535 : memref<50000x128xf32, #tpu.memory_space<hbm>>) target(%dma_start3A_532 : memref<448x128xf32, #tpu.memory_space<vmem>>) offsets(%arg6 : memref<448xi32, #tpu.memory_space<vmem>>) semaphore(%dma_start3A_537 : memref<!tpu.dma_semaphore, #tpu.memory_space<semaphore_mem>>)
    } else {
    }
    %gt3A_346 = arith.constant 22 : i32
    %gt3A_347 = arith.cmpi sgt, %select_n3A, %gt3A_346 : i32
    %convert_element_type3A_348 = arith.extui %gt3A_347 : i1 to i32
    %cond3A_349 = arith.constant 0 : i32
    %cond3A_350 = arith.cmpi ne, %convert_element_type3A_348, %cond3A_349 : i32
    scf.if %cond3A_350 {
      %dma_wait3A_526 = arith.constant 0 : i32
      %dma_wait3A_527 = arith.constant 0 : i32
      %dma_wait3A_528 = arith.constant 0 : i32
      %dma_wait3A_529 = arith.constant 0 : i32
      %dma_wait3A_530 = tpu.memref_slice %arg7[%dma_wait3A_526, %dma_wait3A_528, %dma_wait3A_529] : memref<2x448x128xf32, #tpu.memory_space<vmem>> -> memref<1x448x128xf32, #tpu.memory_space<vmem>>
      %dma_wait3A_531 = tpu.memref_squeeze %dma_wait3A_530 : memref<1x448x128xf32, #tpu.memory_space<vmem>> -> memref<448x128xf32, #tpu.memory_space<vmem>>
      %dma_wait3A_532 = arith.constant 0 : i32
      %dma_wait3A_533 = arith.constant 0 : i32
      %dma_wait3A_534 = tpu.memref_slice %arg2[%dma_wait3A_532, %dma_wait3A_533] : memref<50000x128xf32, #tpu.memory_space<hbm>> -> memref<448x128xf32, #tpu.memory_space<hbm>>
      %dma_wait3A_535 = tpu.memref_slice %arg8[%dma_wait3A_527] : memref<2x!tpu.dma_semaphore, #tpu.memory_space<semaphore_mem>> -> memref<1x!tpu.dma_semaphore, #tpu.memory_space<semaphore_mem>>
      %dma_wait3A_536 = tpu.memref_squeeze %dma_wait3A_535 : memref<1x!tpu.dma_semaphore, #tpu.memory_space<semaphore_mem>> -> memref<!tpu.dma_semaphore, #tpu.memory_space<semaphore_mem>>
      %dma_wait3A_537 = arith.constant 0 : i32
      %dma_wait3A_538 = arith.constant 0 : i32
      %dma_wait3A_539 = tpu.memref_slice %arg7[%dma_wait3A_526, %dma_wait3A_537, %dma_wait3A_538] : memref<2x448x128xf32, #tpu.memory_space<vmem>> -> memref<1x448x128xf32, #tpu.memory_space<vmem>>
      %dma_wait3A_540 = tpu.memref_squeeze %dma_wait3A_539 : memref<1x448x128xf32, #tpu.memory_space<vmem>> -> memref<448x128xf32, #tpu.memory_space<vmem>>
      %dma_wait3A_541 = arith.constant 0 : i32
      %dma_wait3A_542 = arith.constant 0 : i32
      %dma_wait3A_543 = tpu.memref_slice %arg2[%dma_wait3A_541, %dma_wait3A_542] : memref<50000x128xf32, #tpu.memory_space<hbm>> -> memref<448x128xf32, #tpu.memory_space<hbm>>
      tpu.wait_dma2 semaphore(%dma_wait3A_536 : memref<!tpu.dma_semaphore, #tpu.memory_space<semaphore_mem>>) src(%dma_wait3A_543 : memref<448x128xf32, #tpu.memory_space<hbm>>) dst(%dma_wait3A_540 : memref<448x128xf32, #tpu.memory_space<vmem>>)
      %add3A_544 = arith.constant 9856 : i32
      %add3A_545 = arith.addi %select_n3A_8, %add3A_544 : i32
      %dma_start3A = arith.constant 0 : i32
      %dma_start3A_546 = arith.constant 0 : i32
      %dma_start3A_547 = arith.constant 0 : i32
      %dma_start3A_548 = arith.constant 0 : i32
      %dma_start3A_549 = tpu.memref_slice %arg7[%dma_start3A, %dma_start3A_547, %dma_start3A_548] : memref<2x448x128xf32, #tpu.memory_space<vmem>> -> memref<1x448x128xf32, #tpu.memory_space<vmem>>
      %dma_start3A_550 = tpu.memref_squeeze %dma_start3A_549 : memref<1x448x128xf32, #tpu.memory_space<vmem>> -> memref<448x128xf32, #tpu.memory_space<vmem>>
      %dma_start3A_551 = arith.constant 0 : i32
      %dma_start3A_552 = tpu.memref_slice %arg4[%add3A_545, %dma_start3A_551] : memref<401408x128xf32, #tpu.memory_space<hbm>> -> memref<448x128xf32, #tpu.memory_space<hbm>>
      %dma_start3A_553 = tpu.memref_slice %arg9[%dma_start3A_546] : memref<2x!tpu.dma_semaphore, #tpu.memory_space<semaphore_mem>> -> memref<1x!tpu.dma_semaphore, #tpu.memory_space<semaphore_mem>>
      %dma_start3A_554 = tpu.memref_squeeze %dma_start3A_553 : memref<1x!tpu.dma_semaphore, #tpu.memory_space<semaphore_mem>> -> memref<!tpu.dma_semaphore, #tpu.memory_space<semaphore_mem>>
      %dma_start3A_555 = arith.constant 0 : i32
      %dma_start3A_556 = tpu.memref_slice %arg4[%add3A_545, %dma_start3A_555] : memref<401408x128xf32, #tpu.memory_space<hbm>> -> memref<448x128xf32, #tpu.memory_space<hbm>>
      %dma_start3A_557 = arith.constant 0 : i32
      %dma_start3A_558 = arith.constant 0 : i32
      %dma_start3A_559 = tpu.memref_slice %arg7[%dma_start3A, %dma_start3A_557, %dma_start3A_558] : memref<2x448x128xf32, #tpu.memory_space<vmem>> -> memref<1x448x128xf32, #tpu.memory_space<vmem>>
      %dma_start3A_560 = tpu.memref_squeeze %dma_start3A_559 : memref<1x448x128xf32, #tpu.memory_space<vmem>> -> memref<448x128xf32, #tpu.memory_space<vmem>>
      tpu.enqueue_dma source(%dma_start3A_560 : memref<448x128xf32, #tpu.memory_space<vmem>>) target(%dma_start3A_556 : memref<448x128xf32, #tpu.memory_space<hbm>>) target_semaphore(%dma_start3A_554 : memref<!tpu.dma_semaphore, #tpu.memory_space<semaphore_mem>>)
    } else {
    }
    %gt3A_351 = arith.constant 24 : i32
    %gt3A_352 = arith.cmpi sgt, %select_n3A, %gt3A_351 : i32
    %convert_element_type3A_353 = arith.extui %gt3A_352 : i1 to i32
    %cond3A_354 = arith.constant 0 : i32
    %cond3A_355 = arith.cmpi ne, %convert_element_type3A_353, %cond3A_354 : i32
    scf.if %cond3A_355 {
      %dma_wait3A_526 = arith.constant 0 : i32
      %dma_wait3A_527 = arith.constant 0 : i32
      %dma_wait3A_528 = arith.constant 0 : i32
      %dma_wait3A_529 = arith.constant 0 : i32
      %dma_wait3A_530 = tpu.memref_slice %arg7[%dma_wait3A_526, %dma_wait3A_528, %dma_wait3A_529] : memref<2x448x128xf32, #tpu.memory_space<vmem>> -> memref<1x448x128xf32, #tpu.memory_space<vmem>>
      %dma_wait3A_531 = tpu.memref_squeeze %dma_wait3A_530 : memref<1x448x128xf32, #tpu.memory_space<vmem>> -> memref<448x128xf32, #tpu.memory_space<vmem>>
      %dma_wait3A_532 = arith.constant 0 : i32
      %dma_wait3A_533 = arith.constant 0 : i32
      %dma_wait3A_534 = tpu.memref_slice %arg4[%dma_wait3A_532, %dma_wait3A_533] : memref<401408x128xf32, #tpu.memory_space<hbm>> -> memref<448x128xf32, #tpu.memory_space<hbm>>
      %dma_wait3A_535 = tpu.memref_slice %arg9[%dma_wait3A_527] : memref<2x!tpu.dma_semaphore, #tpu.memory_space<semaphore_mem>> -> memref<1x!tpu.dma_semaphore, #tpu.memory_space<semaphore_mem>>
      %dma_wait3A_536 = tpu.memref_squeeze %dma_wait3A_535 : memref<1x!tpu.dma_semaphore, #tpu.memory_space<semaphore_mem>> -> memref<!tpu.dma_semaphore, #tpu.memory_space<semaphore_mem>>
      %dma_wait3A_537 = arith.constant 0 : i32
      %dma_wait3A_538 = arith.constant 0 : i32
      %dma_wait3A_539 = tpu.memref_slice %arg4[%dma_wait3A_537, %dma_wait3A_538] : memref<401408x128xf32, #tpu.memory_space<hbm>> -> memref<448x128xf32, #tpu.memory_space<hbm>>
      %dma_wait3A_540 = arith.constant 0 : i32
      %dma_wait3A_541 = arith.constant 0 : i32
      %dma_wait3A_542 = tpu.memref_slice %arg7[%dma_wait3A_526, %dma_wait3A_540, %dma_wait3A_541] : memref<2x448x128xf32, #tpu.memory_space<vmem>> -> memref<1x448x128xf32, #tpu.memory_space<vmem>>
      %dma_wait3A_543 = tpu.memref_squeeze %dma_wait3A_542 : memref<1x448x128xf32, #tpu.memory_space<vmem>> -> memref<448x128xf32, #tpu.memory_space<vmem>>
      tpu.wait_dma2 semaphore(%dma_wait3A_536 : memref<!tpu.dma_semaphore, #tpu.memory_space<semaphore_mem>>) src(%dma_wait3A_543 : memref<448x128xf32, #tpu.memory_space<vmem>>) dst(%dma_wait3A_539 : memref<448x128xf32, #tpu.memory_space<hbm>>)
    } else {
    }
    %gt3A_356 = arith.constant 24 : i32
    %gt3A_357 = arith.cmpi sgt, %select_n3A, %gt3A_356 : i32
    %convert_element_type3A_358 = arith.extui %gt3A_357 : i1 to i32
    %cond3A_359 = arith.constant 0 : i32
    %cond3A_360 = arith.cmpi ne, %convert_element_type3A_358, %cond3A_359 : i32
    scf.if %cond3A_360 {
      %add3A_526 = arith.constant 10752 : i32
      %add3A_527 = arith.addi %select_n3A_8, %add3A_526 : i32
      "tpu.region"() ({
        %run_scoped3A = tpu.sem_alloc : memref<!tpu.dma_semaphore, #tpu.memory_space<semaphore_mem>>
        %dma_start3A_538 = tpu.memref_slice %arg3[%add3A_527] : memref<401408xi32, #tpu.memory_space<hbm>> -> memref<448xi32, #tpu.memory_space<hbm>>
        %dma_start3A_539 = tpu.memref_slice %arg3[%add3A_527] : memref<401408xi32, #tpu.memory_space<hbm>> -> memref<448xi32, #tpu.memory_space<hbm>>
        tpu.enqueue_dma source(%dma_start3A_539 : memref<448xi32, #tpu.memory_space<hbm>>) target(%arg5 : memref<448xi32, #tpu.memory_space<vmem>>) target_semaphore(%run_scoped3A : memref<!tpu.dma_semaphore, #tpu.memory_space<semaphore_mem>>)
        %dma_wait3A_540 = tpu.memref_slice %arg3[%add3A_527] : memref<401408xi32, #tpu.memory_space<hbm>> -> memref<448xi32, #tpu.memory_space<hbm>>
        %dma_wait3A_541 = tpu.memref_slice %arg3[%add3A_527] : memref<401408xi32, #tpu.memory_space<hbm>> -> memref<448xi32, #tpu.memory_space<hbm>>
        tpu.wait_dma2 semaphore(%run_scoped3A : memref<!tpu.dma_semaphore, #tpu.memory_space<semaphore_mem>>) src(%dma_wait3A_541 : memref<448xi32, #tpu.memory_space<hbm>>) dst(%arg5 : memref<448xi32, #tpu.memory_space<vmem>>)
        tpu.yield
      }) : () -> ()
      %dma_start3A = arith.constant 0 : i32
      %dma_start3A_528 = arith.constant 0 : i32
      %dma_start3A_529 = arith.constant 0 : i32
      %dma_start3A_530 = arith.constant 0 : i32
      %dma_start3A_531 = tpu.memref_slice %arg7[%dma_start3A, %dma_start3A_529, %dma_start3A_530] : memref<2x448x128xf32, #tpu.memory_space<vmem>> -> memref<1x448x128xf32, #tpu.memory_space<vmem>>
      %dma_start3A_532 = tpu.memref_squeeze %dma_start3A_531 : memref<1x448x128xf32, #tpu.memory_space<vmem>> -> memref<448x128xf32, #tpu.memory_space<vmem>>
      %dma_start3A_533 = arith.constant 0 : i32
      %dma_start3A_534 = arith.constant 0 : i32
      %dma_start3A_535 = tpu.memref_slice %arg2[%dma_start3A_533, %dma_start3A_534] : memref<50000x128xf32, #tpu.memory_space<hbm>> -> memref<50000x128xf32, #tpu.memory_space<hbm>>
      %dma_start3A_536 = tpu.memref_slice %arg8[%dma_start3A_528] : memref<2x!tpu.dma_semaphore, #tpu.memory_space<semaphore_mem>> -> memref<1x!tpu.dma_semaphore, #tpu.memory_space<semaphore_mem>>
      %dma_start3A_537 = tpu.memref_squeeze %dma_start3A_536 : memref<1x!tpu.dma_semaphore, #tpu.memory_space<semaphore_mem>> -> memref<!tpu.dma_semaphore, #tpu.memory_space<semaphore_mem>>
      tpu.enqueue_indirect_dma source(%dma_start3A_535 : memref<50000x128xf32, #tpu.memory_space<hbm>>) target(%dma_start3A_532 : memref<448x128xf32, #tpu.memory_space<vmem>>) offsets(%arg5 : memref<448xi32, #tpu.memory_space<vmem>>) semaphore(%dma_start3A_537 : memref<!tpu.dma_semaphore, #tpu.memory_space<semaphore_mem>>)
    } else {
    }
    %gt3A_361 = arith.constant 23 : i32
    %gt3A_362 = arith.cmpi sgt, %select_n3A, %gt3A_361 : i32
    %convert_element_type3A_363 = arith.extui %gt3A_362 : i1 to i32
    %cond3A_364 = arith.constant 0 : i32
    %cond3A_365 = arith.cmpi ne, %convert_element_type3A_363, %cond3A_364 : i32
    scf.if %cond3A_365 {
      %dma_wait3A_526 = arith.constant 1 : i32
      %dma_wait3A_527 = arith.constant 1 : i32
      %dma_wait3A_528 = arith.constant 0 : i32
      %dma_wait3A_529 = arith.constant 0 : i32
      %dma_wait3A_530 = tpu.memref_slice %arg7[%dma_wait3A_526, %dma_wait3A_528, %dma_wait3A_529] : memref<2x448x128xf32, #tpu.memory_space<vmem>> -> memref<1x448x128xf32, #tpu.memory_space<vmem>>
      %dma_wait3A_531 = tpu.memref_squeeze %dma_wait3A_530 : memref<1x448x128xf32, #tpu.memory_space<vmem>> -> memref<448x128xf32, #tpu.memory_space<vmem>>
      %dma_wait3A_532 = arith.constant 0 : i32
      %dma_wait3A_533 = arith.constant 0 : i32
      %dma_wait3A_534 = tpu.memref_slice %arg2[%dma_wait3A_532, %dma_wait3A_533] : memref<50000x128xf32, #tpu.memory_space<hbm>> -> memref<448x128xf32, #tpu.memory_space<hbm>>
      %dma_wait3A_535 = tpu.memref_slice %arg8[%dma_wait3A_527] : memref<2x!tpu.dma_semaphore, #tpu.memory_space<semaphore_mem>> -> memref<1x!tpu.dma_semaphore, #tpu.memory_space<semaphore_mem>>
      %dma_wait3A_536 = tpu.memref_squeeze %dma_wait3A_535 : memref<1x!tpu.dma_semaphore, #tpu.memory_space<semaphore_mem>> -> memref<!tpu.dma_semaphore, #tpu.memory_space<semaphore_mem>>
      %dma_wait3A_537 = arith.constant 0 : i32
      %dma_wait3A_538 = arith.constant 0 : i32
      %dma_wait3A_539 = tpu.memref_slice %arg7[%dma_wait3A_526, %dma_wait3A_537, %dma_wait3A_538] : memref<2x448x128xf32, #tpu.memory_space<vmem>> -> memref<1x448x128xf32, #tpu.memory_space<vmem>>
      %dma_wait3A_540 = tpu.memref_squeeze %dma_wait3A_539 : memref<1x448x128xf32, #tpu.memory_space<vmem>> -> memref<448x128xf32, #tpu.memory_space<vmem>>
      %dma_wait3A_541 = arith.constant 0 : i32
      %dma_wait3A_542 = arith.constant 0 : i32
      %dma_wait3A_543 = tpu.memref_slice %arg2[%dma_wait3A_541, %dma_wait3A_542] : memref<50000x128xf32, #tpu.memory_space<hbm>> -> memref<448x128xf32, #tpu.memory_space<hbm>>
      tpu.wait_dma2 semaphore(%dma_wait3A_536 : memref<!tpu.dma_semaphore, #tpu.memory_space<semaphore_mem>>) src(%dma_wait3A_543 : memref<448x128xf32, #tpu.memory_space<hbm>>) dst(%dma_wait3A_540 : memref<448x128xf32, #tpu.memory_space<vmem>>)
      %add3A_544 = arith.constant 10304 : i32
      %add3A_545 = arith.addi %select_n3A_8, %add3A_544 : i32
      %dma_start3A = arith.constant 1 : i32
      %dma_start3A_546 = arith.constant 1 : i32
      %dma_start3A_547 = arith.constant 0 : i32
      %dma_start3A_548 = arith.constant 0 : i32
      %dma_start3A_549 = tpu.memref_slice %arg7[%dma_start3A, %dma_start3A_547, %dma_start3A_548] : memref<2x448x128xf32, #tpu.memory_space<vmem>> -> memref<1x448x128xf32, #tpu.memory_space<vmem>>
      %dma_start3A_550 = tpu.memref_squeeze %dma_start3A_549 : memref<1x448x128xf32, #tpu.memory_space<vmem>> -> memref<448x128xf32, #tpu.memory_space<vmem>>
      %dma_start3A_551 = arith.constant 0 : i32
      %dma_start3A_552 = tpu.memref_slice %arg4[%add3A_545, %dma_start3A_551] : memref<401408x128xf32, #tpu.memory_space<hbm>> -> memref<448x128xf32, #tpu.memory_space<hbm>>
      %dma_start3A_553 = tpu.memref_slice %arg9[%dma_start3A_546] : memref<2x!tpu.dma_semaphore, #tpu.memory_space<semaphore_mem>> -> memref<1x!tpu.dma_semaphore, #tpu.memory_space<semaphore_mem>>
      %dma_start3A_554 = tpu.memref_squeeze %dma_start3A_553 : memref<1x!tpu.dma_semaphore, #tpu.memory_space<semaphore_mem>> -> memref<!tpu.dma_semaphore, #tpu.memory_space<semaphore_mem>>
      %dma_start3A_555 = arith.constant 0 : i32
      %dma_start3A_556 = tpu.memref_slice %arg4[%add3A_545, %dma_start3A_555] : memref<401408x128xf32, #tpu.memory_space<hbm>> -> memref<448x128xf32, #tpu.memory_space<hbm>>
      %dma_start3A_557 = arith.constant 0 : i32
      %dma_start3A_558 = arith.constant 0 : i32
      %dma_start3A_559 = tpu.memref_slice %arg7[%dma_start3A, %dma_start3A_557, %dma_start3A_558] : memref<2x448x128xf32, #tpu.memory_space<vmem>> -> memref<1x448x128xf32, #tpu.memory_space<vmem>>
      %dma_start3A_560 = tpu.memref_squeeze %dma_start3A_559 : memref<1x448x128xf32, #tpu.memory_space<vmem>> -> memref<448x128xf32, #tpu.memory_space<vmem>>
      tpu.enqueue_dma source(%dma_start3A_560 : memref<448x128xf32, #tpu.memory_space<vmem>>) target(%dma_start3A_556 : memref<448x128xf32, #tpu.memory_space<hbm>>) target_semaphore(%dma_start3A_554 : memref<!tpu.dma_semaphore, #tpu.memory_space<semaphore_mem>>)
    } else {
    }
    %gt3A_366 = arith.constant 25 : i32
    %gt3A_367 = arith.cmpi sgt, %select_n3A, %gt3A_366 : i32
    %convert_element_type3A_368 = arith.extui %gt3A_367 : i1 to i32
    %cond3A_369 = arith.constant 0 : i32
    %cond3A_370 = arith.cmpi ne, %convert_element_type3A_368, %cond3A_369 : i32
    scf.if %cond3A_370 {
      %dma_wait3A_526 = arith.constant 1 : i32
      %dma_wait3A_527 = arith.constant 1 : i32
      %dma_wait3A_528 = arith.constant 0 : i32
      %dma_wait3A_529 = arith.constant 0 : i32
      %dma_wait3A_530 = tpu.memref_slice %arg7[%dma_wait3A_526, %dma_wait3A_528, %dma_wait3A_529] : memref<2x448x128xf32, #tpu.memory_space<vmem>> -> memref<1x448x128xf32, #tpu.memory_space<vmem>>
      %dma_wait3A_531 = tpu.memref_squeeze %dma_wait3A_530 : memref<1x448x128xf32, #tpu.memory_space<vmem>> -> memref<448x128xf32, #tpu.memory_space<vmem>>
      %dma_wait3A_532 = arith.constant 0 : i32
      %dma_wait3A_533 = arith.constant 0 : i32
      %dma_wait3A_534 = tpu.memref_slice %arg4[%dma_wait3A_532, %dma_wait3A_533] : memref<401408x128xf32, #tpu.memory_space<hbm>> -> memref<448x128xf32, #tpu.memory_space<hbm>>
      %dma_wait3A_535 = tpu.memref_slice %arg9[%dma_wait3A_527] : memref<2x!tpu.dma_semaphore, #tpu.memory_space<semaphore_mem>> -> memref<1x!tpu.dma_semaphore, #tpu.memory_space<semaphore_mem>>
      %dma_wait3A_536 = tpu.memref_squeeze %dma_wait3A_535 : memref<1x!tpu.dma_semaphore, #tpu.memory_space<semaphore_mem>> -> memref<!tpu.dma_semaphore, #tpu.memory_space<semaphore_mem>>
      %dma_wait3A_537 = arith.constant 0 : i32
      %dma_wait3A_538 = arith.constant 0 : i32
      %dma_wait3A_539 = tpu.memref_slice %arg4[%dma_wait3A_537, %dma_wait3A_538] : memref<401408x128xf32, #tpu.memory_space<hbm>> -> memref<448x128xf32, #tpu.memory_space<hbm>>
      %dma_wait3A_540 = arith.constant 0 : i32
      %dma_wait3A_541 = arith.constant 0 : i32
      %dma_wait3A_542 = tpu.memref_slice %arg7[%dma_wait3A_526, %dma_wait3A_540, %dma_wait3A_541] : memref<2x448x128xf32, #tpu.memory_space<vmem>> -> memref<1x448x128xf32, #tpu.memory_space<vmem>>
      %dma_wait3A_543 = tpu.memref_squeeze %dma_wait3A_542 : memref<1x448x128xf32, #tpu.memory_space<vmem>> -> memref<448x128xf32, #tpu.memory_space<vmem>>
      tpu.wait_dma2 semaphore(%dma_wait3A_536 : memref<!tpu.dma_semaphore, #tpu.memory_space<semaphore_mem>>) src(%dma_wait3A_543 : memref<448x128xf32, #tpu.memory_space<vmem>>) dst(%dma_wait3A_539 : memref<448x128xf32, #tpu.memory_space<hbm>>)
    } else {
    }
    %gt3A_371 = arith.constant 25 : i32
    %gt3A_372 = arith.cmpi sgt, %select_n3A, %gt3A_371 : i32
    %convert_element_type3A_373 = arith.extui %gt3A_372 : i1 to i32
    %cond3A_374 = arith.constant 0 : i32
    %cond3A_375 = arith.cmpi ne, %convert_element_type3A_373, %cond3A_374 : i32
    scf.if %cond3A_375 {
      %add3A_526 = arith.constant 11200 : i32
      %add3A_527 = arith.addi %select_n3A_8, %add3A_526 : i32
      "tpu.region"() ({
        %run_scoped3A = tpu.sem_alloc : memref<!tpu.dma_semaphore, #tpu.memory_space<semaphore_mem>>
        %dma_start3A_538 = tpu.memref_slice %arg3[%add3A_527] : memref<401408xi32, #tpu.memory_space<hbm>> -> memref<448xi32, #tpu.memory_space<hbm>>
        %dma_start3A_539 = tpu.memref_slice %arg3[%add3A_527] : memref<401408xi32, #tpu.memory_space<hbm>> -> memref<448xi32, #tpu.memory_space<hbm>>
        tpu.enqueue_dma source(%dma_start3A_539 : memref<448xi32, #tpu.memory_space<hbm>>) target(%arg6 : memref<448xi32, #tpu.memory_space<vmem>>) target_semaphore(%run_scoped3A : memref<!tpu.dma_semaphore, #tpu.memory_space<semaphore_mem>>)
        %dma_wait3A_540 = tpu.memref_slice %arg3[%add3A_527] : memref<401408xi32, #tpu.memory_space<hbm>> -> memref<448xi32, #tpu.memory_space<hbm>>
        %dma_wait3A_541 = tpu.memref_slice %arg3[%add3A_527] : memref<401408xi32, #tpu.memory_space<hbm>> -> memref<448xi32, #tpu.memory_space<hbm>>
        tpu.wait_dma2 semaphore(%run_scoped3A : memref<!tpu.dma_semaphore, #tpu.memory_space<semaphore_mem>>) src(%dma_wait3A_541 : memref<448xi32, #tpu.memory_space<hbm>>) dst(%arg6 : memref<448xi32, #tpu.memory_space<vmem>>)
        tpu.yield
      }) : () -> ()
      %dma_start3A = arith.constant 1 : i32
      %dma_start3A_528 = arith.constant 1 : i32
      %dma_start3A_529 = arith.constant 0 : i32
      %dma_start3A_530 = arith.constant 0 : i32
      %dma_start3A_531 = tpu.memref_slice %arg7[%dma_start3A, %dma_start3A_529, %dma_start3A_530] : memref<2x448x128xf32, #tpu.memory_space<vmem>> -> memref<1x448x128xf32, #tpu.memory_space<vmem>>
      %dma_start3A_532 = tpu.memref_squeeze %dma_start3A_531 : memref<1x448x128xf32, #tpu.memory_space<vmem>> -> memref<448x128xf32, #tpu.memory_space<vmem>>
      %dma_start3A_533 = arith.constant 0 : i32
      %dma_start3A_534 = arith.constant 0 : i32
      %dma_start3A_535 = tpu.memref_slice %arg2[%dma_start3A_533, %dma_start3A_534] : memref<50000x128xf32, #tpu.memory_space<hbm>> -> memref<50000x128xf32, #tpu.memory_space<hbm>>
      %dma_start3A_536 = tpu.memref_slice %arg8[%dma_start3A_528] : memref<2x!tpu.dma_semaphore, #tpu.memory_space<semaphore_mem>> -> memref<1x!tpu.dma_semaphore, #tpu.memory_space<semaphore_mem>>
      %dma_start3A_537 = tpu.memref_squeeze %dma_start3A_536 : memref<1x!tpu.dma_semaphore, #tpu.memory_space<semaphore_mem>> -> memref<!tpu.dma_semaphore, #tpu.memory_space<semaphore_mem>>
      tpu.enqueue_indirect_dma source(%dma_start3A_535 : memref<50000x128xf32, #tpu.memory_space<hbm>>) target(%dma_start3A_532 : memref<448x128xf32, #tpu.memory_space<vmem>>) offsets(%arg6 : memref<448xi32, #tpu.memory_space<vmem>>) semaphore(%dma_start3A_537 : memref<!tpu.dma_semaphore, #tpu.memory_space<semaphore_mem>>)
    } else {
    }
    %gt3A_376 = arith.constant 24 : i32
    %gt3A_377 = arith.cmpi sgt, %select_n3A, %gt3A_376 : i32
    %convert_element_type3A_378 = arith.extui %gt3A_377 : i1 to i32
    %cond3A_379 = arith.constant 0 : i32
    %cond3A_380 = arith.cmpi ne, %convert_element_type3A_378, %cond3A_379 : i32
    scf.if %cond3A_380 {
      %dma_wait3A_526 = arith.constant 0 : i32
      %dma_wait3A_527 = arith.constant 0 : i32
      %dma_wait3A_528 = arith.constant 0 : i32
      %dma_wait3A_529 = arith.constant 0 : i32
      %dma_wait3A_530 = tpu.memref_slice %arg7[%dma_wait3A_526, %dma_wait3A_528, %dma_wait3A_529] : memref<2x448x128xf32, #tpu.memory_space<vmem>> -> memref<1x448x128xf32, #tpu.memory_space<vmem>>
      %dma_wait3A_531 = tpu.memref_squeeze %dma_wait3A_530 : memref<1x448x128xf32, #tpu.memory_space<vmem>> -> memref<448x128xf32, #tpu.memory_space<vmem>>
      %dma_wait3A_532 = arith.constant 0 : i32
      %dma_wait3A_533 = arith.constant 0 : i32
      %dma_wait3A_534 = tpu.memref_slice %arg2[%dma_wait3A_532, %dma_wait3A_533] : memref<50000x128xf32, #tpu.memory_space<hbm>> -> memref<448x128xf32, #tpu.memory_space<hbm>>
      %dma_wait3A_535 = tpu.memref_slice %arg8[%dma_wait3A_527] : memref<2x!tpu.dma_semaphore, #tpu.memory_space<semaphore_mem>> -> memref<1x!tpu.dma_semaphore, #tpu.memory_space<semaphore_mem>>
      %dma_wait3A_536 = tpu.memref_squeeze %dma_wait3A_535 : memref<1x!tpu.dma_semaphore, #tpu.memory_space<semaphore_mem>> -> memref<!tpu.dma_semaphore, #tpu.memory_space<semaphore_mem>>
      %dma_wait3A_537 = arith.constant 0 : i32
      %dma_wait3A_538 = arith.constant 0 : i32
      %dma_wait3A_539 = tpu.memref_slice %arg7[%dma_wait3A_526, %dma_wait3A_537, %dma_wait3A_538] : memref<2x448x128xf32, #tpu.memory_space<vmem>> -> memref<1x448x128xf32, #tpu.memory_space<vmem>>
      %dma_wait3A_540 = tpu.memref_squeeze %dma_wait3A_539 : memref<1x448x128xf32, #tpu.memory_space<vmem>> -> memref<448x128xf32, #tpu.memory_space<vmem>>
      %dma_wait3A_541 = arith.constant 0 : i32
      %dma_wait3A_542 = arith.constant 0 : i32
      %dma_wait3A_543 = tpu.memref_slice %arg2[%dma_wait3A_541, %dma_wait3A_542] : memref<50000x128xf32, #tpu.memory_space<hbm>> -> memref<448x128xf32, #tpu.memory_space<hbm>>
      tpu.wait_dma2 semaphore(%dma_wait3A_536 : memref<!tpu.dma_semaphore, #tpu.memory_space<semaphore_mem>>) src(%dma_wait3A_543 : memref<448x128xf32, #tpu.memory_space<hbm>>) dst(%dma_wait3A_540 : memref<448x128xf32, #tpu.memory_space<vmem>>)
      %add3A_544 = arith.constant 10752 : i32
      %add3A_545 = arith.addi %select_n3A_8, %add3A_544 : i32
      %dma_start3A = arith.constant 0 : i32
      %dma_start3A_546 = arith.constant 0 : i32
      %dma_start3A_547 = arith.constant 0 : i32
      %dma_start3A_548 = arith.constant 0 : i32
      %dma_start3A_549 = tpu.memref_slice %arg7[%dma_start3A, %dma_start3A_547, %dma_start3A_548] : memref<2x448x128xf32, #tpu.memory_space<vmem>> -> memref<1x448x128xf32, #tpu.memory_space<vmem>>
      %dma_start3A_550 = tpu.memref_squeeze %dma_start3A_549 : memref<1x448x128xf32, #tpu.memory_space<vmem>> -> memref<448x128xf32, #tpu.memory_space<vmem>>
      %dma_start3A_551 = arith.constant 0 : i32
      %dma_start3A_552 = tpu.memref_slice %arg4[%add3A_545, %dma_start3A_551] : memref<401408x128xf32, #tpu.memory_space<hbm>> -> memref<448x128xf32, #tpu.memory_space<hbm>>
      %dma_start3A_553 = tpu.memref_slice %arg9[%dma_start3A_546] : memref<2x!tpu.dma_semaphore, #tpu.memory_space<semaphore_mem>> -> memref<1x!tpu.dma_semaphore, #tpu.memory_space<semaphore_mem>>
      %dma_start3A_554 = tpu.memref_squeeze %dma_start3A_553 : memref<1x!tpu.dma_semaphore, #tpu.memory_space<semaphore_mem>> -> memref<!tpu.dma_semaphore, #tpu.memory_space<semaphore_mem>>
      %dma_start3A_555 = arith.constant 0 : i32
      %dma_start3A_556 = tpu.memref_slice %arg4[%add3A_545, %dma_start3A_555] : memref<401408x128xf32, #tpu.memory_space<hbm>> -> memref<448x128xf32, #tpu.memory_space<hbm>>
      %dma_start3A_557 = arith.constant 0 : i32
      %dma_start3A_558 = arith.constant 0 : i32
      %dma_start3A_559 = tpu.memref_slice %arg7[%dma_start3A, %dma_start3A_557, %dma_start3A_558] : memref<2x448x128xf32, #tpu.memory_space<vmem>> -> memref<1x448x128xf32, #tpu.memory_space<vmem>>
      %dma_start3A_560 = tpu.memref_squeeze %dma_start3A_559 : memref<1x448x128xf32, #tpu.memory_space<vmem>> -> memref<448x128xf32, #tpu.memory_space<vmem>>
      tpu.enqueue_dma source(%dma_start3A_560 : memref<448x128xf32, #tpu.memory_space<vmem>>) target(%dma_start3A_556 : memref<448x128xf32, #tpu.memory_space<hbm>>) target_semaphore(%dma_start3A_554 : memref<!tpu.dma_semaphore, #tpu.memory_space<semaphore_mem>>)
    } else {
    }
    %gt3A_381 = arith.constant 26 : i32
    %gt3A_382 = arith.cmpi sgt, %select_n3A, %gt3A_381 : i32
    %convert_element_type3A_383 = arith.extui %gt3A_382 : i1 to i32
    %cond3A_384 = arith.constant 0 : i32
    %cond3A_385 = arith.cmpi ne, %convert_element_type3A_383, %cond3A_384 : i32
    scf.if %cond3A_385 {
      %dma_wait3A_526 = arith.constant 0 : i32
      %dma_wait3A_527 = arith.constant 0 : i32
      %dma_wait3A_528 = arith.constant 0 : i32
      %dma_wait3A_529 = arith.constant 0 : i32
      %dma_wait3A_530 = tpu.memref_slice %arg7[%dma_wait3A_526, %dma_wait3A_528, %dma_wait3A_529] : memref<2x448x128xf32, #tpu.memory_space<vmem>> -> memref<1x448x128xf32, #tpu.memory_space<vmem>>
      %dma_wait3A_531 = tpu.memref_squeeze %dma_wait3A_530 : memref<1x448x128xf32, #tpu.memory_space<vmem>> -> memref<448x128xf32, #tpu.memory_space<vmem>>
      %dma_wait3A_532 = arith.constant 0 : i32
      %dma_wait3A_533 = arith.constant 0 : i32
      %dma_wait3A_534 = tpu.memref_slice %arg4[%dma_wait3A_532, %dma_wait3A_533] : memref<401408x128xf32, #tpu.memory_space<hbm>> -> memref<448x128xf32, #tpu.memory_space<hbm>>
      %dma_wait3A_535 = tpu.memref_slice %arg9[%dma_wait3A_527] : memref<2x!tpu.dma_semaphore, #tpu.memory_space<semaphore_mem>> -> memref<1x!tpu.dma_semaphore, #tpu.memory_space<semaphore_mem>>
      %dma_wait3A_536 = tpu.memref_squeeze %dma_wait3A_535 : memref<1x!tpu.dma_semaphore, #tpu.memory_space<semaphore_mem>> -> memref<!tpu.dma_semaphore, #tpu.memory_space<semaphore_mem>>
      %dma_wait3A_537 = arith.constant 0 : i32
      %dma_wait3A_538 = arith.constant 0 : i32
      %dma_wait3A_539 = tpu.memref_slice %arg4[%dma_wait3A_537, %dma_wait3A_538] : memref<401408x128xf32, #tpu.memory_space<hbm>> -> memref<448x128xf32, #tpu.memory_space<hbm>>
      %dma_wait3A_540 = arith.constant 0 : i32
      %dma_wait3A_541 = arith.constant 0 : i32
      %dma_wait3A_542 = tpu.memref_slice %arg7[%dma_wait3A_526, %dma_wait3A_540, %dma_wait3A_541] : memref<2x448x128xf32, #tpu.memory_space<vmem>> -> memref<1x448x128xf32, #tpu.memory_space<vmem>>
      %dma_wait3A_543 = tpu.memref_squeeze %dma_wait3A_542 : memref<1x448x128xf32, #tpu.memory_space<vmem>> -> memref<448x128xf32, #tpu.memory_space<vmem>>
      tpu.wait_dma2 semaphore(%dma_wait3A_536 : memref<!tpu.dma_semaphore, #tpu.memory_space<semaphore_mem>>) src(%dma_wait3A_543 : memref<448x128xf32, #tpu.memory_space<vmem>>) dst(%dma_wait3A_539 : memref<448x128xf32, #tpu.memory_space<hbm>>)
    } else {
    }
    %gt3A_386 = arith.constant 26 : i32
    %gt3A_387 = arith.cmpi sgt, %select_n3A, %gt3A_386 : i32
    %convert_element_type3A_388 = arith.extui %gt3A_387 : i1 to i32
    %cond3A_389 = arith.constant 0 : i32
    %cond3A_390 = arith.cmpi ne, %convert_element_type3A_388, %cond3A_389 : i32
    scf.if %cond3A_390 {
      %add3A_526 = arith.constant 11648 : i32
      %add3A_527 = arith.addi %select_n3A_8, %add3A_526 : i32
      "tpu.region"() ({
        %run_scoped3A = tpu.sem_alloc : memref<!tpu.dma_semaphore, #tpu.memory_space<semaphore_mem>>
        %dma_start3A_538 = tpu.memref_slice %arg3[%add3A_527] : memref<401408xi32, #tpu.memory_space<hbm>> -> memref<448xi32, #tpu.memory_space<hbm>>
        %dma_start3A_539 = tpu.memref_slice %arg3[%add3A_527] : memref<401408xi32, #tpu.memory_space<hbm>> -> memref<448xi32, #tpu.memory_space<hbm>>
        tpu.enqueue_dma source(%dma_start3A_539 : memref<448xi32, #tpu.memory_space<hbm>>) target(%arg5 : memref<448xi32, #tpu.memory_space<vmem>>) target_semaphore(%run_scoped3A : memref<!tpu.dma_semaphore, #tpu.memory_space<semaphore_mem>>)
        %dma_wait3A_540 = tpu.memref_slice %arg3[%add3A_527] : memref<401408xi32, #tpu.memory_space<hbm>> -> memref<448xi32, #tpu.memory_space<hbm>>
        %dma_wait3A_541 = tpu.memref_slice %arg3[%add3A_527] : memref<401408xi32, #tpu.memory_space<hbm>> -> memref<448xi32, #tpu.memory_space<hbm>>
        tpu.wait_dma2 semaphore(%run_scoped3A : memref<!tpu.dma_semaphore, #tpu.memory_space<semaphore_mem>>) src(%dma_wait3A_541 : memref<448xi32, #tpu.memory_space<hbm>>) dst(%arg5 : memref<448xi32, #tpu.memory_space<vmem>>)
        tpu.yield
      }) : () -> ()
      %dma_start3A = arith.constant 0 : i32
      %dma_start3A_528 = arith.constant 0 : i32
      %dma_start3A_529 = arith.constant 0 : i32
      %dma_start3A_530 = arith.constant 0 : i32
      %dma_start3A_531 = tpu.memref_slice %arg7[%dma_start3A, %dma_start3A_529, %dma_start3A_530] : memref<2x448x128xf32, #tpu.memory_space<vmem>> -> memref<1x448x128xf32, #tpu.memory_space<vmem>>
      %dma_start3A_532 = tpu.memref_squeeze %dma_start3A_531 : memref<1x448x128xf32, #tpu.memory_space<vmem>> -> memref<448x128xf32, #tpu.memory_space<vmem>>
      %dma_start3A_533 = arith.constant 0 : i32
      %dma_start3A_534 = arith.constant 0 : i32
      %dma_start3A_535 = tpu.memref_slice %arg2[%dma_start3A_533, %dma_start3A_534] : memref<50000x128xf32, #tpu.memory_space<hbm>> -> memref<50000x128xf32, #tpu.memory_space<hbm>>
      %dma_start3A_536 = tpu.memref_slice %arg8[%dma_start3A_528] : memref<2x!tpu.dma_semaphore, #tpu.memory_space<semaphore_mem>> -> memref<1x!tpu.dma_semaphore, #tpu.memory_space<semaphore_mem>>
      %dma_start3A_537 = tpu.memref_squeeze %dma_start3A_536 : memref<1x!tpu.dma_semaphore, #tpu.memory_space<semaphore_mem>> -> memref<!tpu.dma_semaphore, #tpu.memory_space<semaphore_mem>>
      tpu.enqueue_indirect_dma source(%dma_start3A_535 : memref<50000x128xf32, #tpu.memory_space<hbm>>) target(%dma_start3A_532 : memref<448x128xf32, #tpu.memory_space<vmem>>) offsets(%arg5 : memref<448xi32, #tpu.memory_space<vmem>>) semaphore(%dma_start3A_537 : memref<!tpu.dma_semaphore, #tpu.memory_space<semaphore_mem>>)
    } else {
    }
    %gt3A_391 = arith.constant 25 : i32
    %gt3A_392 = arith.cmpi sgt, %select_n3A, %gt3A_391 : i32
    %convert_element_type3A_393 = arith.extui %gt3A_392 : i1 to i32
    %cond3A_394 = arith.constant 0 : i32
    %cond3A_395 = arith.cmpi ne, %convert_element_type3A_393, %cond3A_394 : i32
    scf.if %cond3A_395 {
      %dma_wait3A_526 = arith.constant 1 : i32
      %dma_wait3A_527 = arith.constant 1 : i32
      %dma_wait3A_528 = arith.constant 0 : i32
      %dma_wait3A_529 = arith.constant 0 : i32
      %dma_wait3A_530 = tpu.memref_slice %arg7[%dma_wait3A_526, %dma_wait3A_528, %dma_wait3A_529] : memref<2x448x128xf32, #tpu.memory_space<vmem>> -> memref<1x448x128xf32, #tpu.memory_space<vmem>>
      %dma_wait3A_531 = tpu.memref_squeeze %dma_wait3A_530 : memref<1x448x128xf32, #tpu.memory_space<vmem>> -> memref<448x128xf32, #tpu.memory_space<vmem>>
      %dma_wait3A_532 = arith.constant 0 : i32
      %dma_wait3A_533 = arith.constant 0 : i32
      %dma_wait3A_534 = tpu.memref_slice %arg2[%dma_wait3A_532, %dma_wait3A_533] : memref<50000x128xf32, #tpu.memory_space<hbm>> -> memref<448x128xf32, #tpu.memory_space<hbm>>
      %dma_wait3A_535 = tpu.memref_slice %arg8[%dma_wait3A_527] : memref<2x!tpu.dma_semaphore, #tpu.memory_space<semaphore_mem>> -> memref<1x!tpu.dma_semaphore, #tpu.memory_space<semaphore_mem>>
      %dma_wait3A_536 = tpu.memref_squeeze %dma_wait3A_535 : memref<1x!tpu.dma_semaphore, #tpu.memory_space<semaphore_mem>> -> memref<!tpu.dma_semaphore, #tpu.memory_space<semaphore_mem>>
      %dma_wait3A_537 = arith.constant 0 : i32
      %dma_wait3A_538 = arith.constant 0 : i32
      %dma_wait3A_539 = tpu.memref_slice %arg7[%dma_wait3A_526, %dma_wait3A_537, %dma_wait3A_538] : memref<2x448x128xf32, #tpu.memory_space<vmem>> -> memref<1x448x128xf32, #tpu.memory_space<vmem>>
      %dma_wait3A_540 = tpu.memref_squeeze %dma_wait3A_539 : memref<1x448x128xf32, #tpu.memory_space<vmem>> -> memref<448x128xf32, #tpu.memory_space<vmem>>
      %dma_wait3A_541 = arith.constant 0 : i32
      %dma_wait3A_542 = arith.constant 0 : i32
      %dma_wait3A_543 = tpu.memref_slice %arg2[%dma_wait3A_541, %dma_wait3A_542] : memref<50000x128xf32, #tpu.memory_space<hbm>> -> memref<448x128xf32, #tpu.memory_space<hbm>>
      tpu.wait_dma2 semaphore(%dma_wait3A_536 : memref<!tpu.dma_semaphore, #tpu.memory_space<semaphore_mem>>) src(%dma_wait3A_543 : memref<448x128xf32, #tpu.memory_space<hbm>>) dst(%dma_wait3A_540 : memref<448x128xf32, #tpu.memory_space<vmem>>)
      %add3A_544 = arith.constant 11200 : i32
      %add3A_545 = arith.addi %select_n3A_8, %add3A_544 : i32
      %dma_start3A = arith.constant 1 : i32
      %dma_start3A_546 = arith.constant 1 : i32
      %dma_start3A_547 = arith.constant 0 : i32
      %dma_start3A_548 = arith.constant 0 : i32
      %dma_start3A_549 = tpu.memref_slice %arg7[%dma_start3A, %dma_start3A_547, %dma_start3A_548] : memref<2x448x128xf32, #tpu.memory_space<vmem>> -> memref<1x448x128xf32, #tpu.memory_space<vmem>>
      %dma_start3A_550 = tpu.memref_squeeze %dma_start3A_549 : memref<1x448x128xf32, #tpu.memory_space<vmem>> -> memref<448x128xf32, #tpu.memory_space<vmem>>
      %dma_start3A_551 = arith.constant 0 : i32
      %dma_start3A_552 = tpu.memref_slice %arg4[%add3A_545, %dma_start3A_551] : memref<401408x128xf32, #tpu.memory_space<hbm>> -> memref<448x128xf32, #tpu.memory_space<hbm>>
      %dma_start3A_553 = tpu.memref_slice %arg9[%dma_start3A_546] : memref<2x!tpu.dma_semaphore, #tpu.memory_space<semaphore_mem>> -> memref<1x!tpu.dma_semaphore, #tpu.memory_space<semaphore_mem>>
      %dma_start3A_554 = tpu.memref_squeeze %dma_start3A_553 : memref<1x!tpu.dma_semaphore, #tpu.memory_space<semaphore_mem>> -> memref<!tpu.dma_semaphore, #tpu.memory_space<semaphore_mem>>
      %dma_start3A_555 = arith.constant 0 : i32
      %dma_start3A_556 = tpu.memref_slice %arg4[%add3A_545, %dma_start3A_555] : memref<401408x128xf32, #tpu.memory_space<hbm>> -> memref<448x128xf32, #tpu.memory_space<hbm>>
      %dma_start3A_557 = arith.constant 0 : i32
      %dma_start3A_558 = arith.constant 0 : i32
      %dma_start3A_559 = tpu.memref_slice %arg7[%dma_start3A, %dma_start3A_557, %dma_start3A_558] : memref<2x448x128xf32, #tpu.memory_space<vmem>> -> memref<1x448x128xf32, #tpu.memory_space<vmem>>
      %dma_start3A_560 = tpu.memref_squeeze %dma_start3A_559 : memref<1x448x128xf32, #tpu.memory_space<vmem>> -> memref<448x128xf32, #tpu.memory_space<vmem>>
      tpu.enqueue_dma source(%dma_start3A_560 : memref<448x128xf32, #tpu.memory_space<vmem>>) target(%dma_start3A_556 : memref<448x128xf32, #tpu.memory_space<hbm>>) target_semaphore(%dma_start3A_554 : memref<!tpu.dma_semaphore, #tpu.memory_space<semaphore_mem>>)
    } else {
    }
    %gt3A_396 = arith.constant 27 : i32
    %gt3A_397 = arith.cmpi sgt, %select_n3A, %gt3A_396 : i32
    %convert_element_type3A_398 = arith.extui %gt3A_397 : i1 to i32
    %cond3A_399 = arith.constant 0 : i32
    %cond3A_400 = arith.cmpi ne, %convert_element_type3A_398, %cond3A_399 : i32
    scf.if %cond3A_400 {
      %dma_wait3A_526 = arith.constant 1 : i32
      %dma_wait3A_527 = arith.constant 1 : i32
      %dma_wait3A_528 = arith.constant 0 : i32
      %dma_wait3A_529 = arith.constant 0 : i32
      %dma_wait3A_530 = tpu.memref_slice %arg7[%dma_wait3A_526, %dma_wait3A_528, %dma_wait3A_529] : memref<2x448x128xf32, #tpu.memory_space<vmem>> -> memref<1x448x128xf32, #tpu.memory_space<vmem>>
      %dma_wait3A_531 = tpu.memref_squeeze %dma_wait3A_530 : memref<1x448x128xf32, #tpu.memory_space<vmem>> -> memref<448x128xf32, #tpu.memory_space<vmem>>
      %dma_wait3A_532 = arith.constant 0 : i32
      %dma_wait3A_533 = arith.constant 0 : i32
      %dma_wait3A_534 = tpu.memref_slice %arg4[%dma_wait3A_532, %dma_wait3A_533] : memref<401408x128xf32, #tpu.memory_space<hbm>> -> memref<448x128xf32, #tpu.memory_space<hbm>>
      %dma_wait3A_535 = tpu.memref_slice %arg9[%dma_wait3A_527] : memref<2x!tpu.dma_semaphore, #tpu.memory_space<semaphore_mem>> -> memref<1x!tpu.dma_semaphore, #tpu.memory_space<semaphore_mem>>
      %dma_wait3A_536 = tpu.memref_squeeze %dma_wait3A_535 : memref<1x!tpu.dma_semaphore, #tpu.memory_space<semaphore_mem>> -> memref<!tpu.dma_semaphore, #tpu.memory_space<semaphore_mem>>
      %dma_wait3A_537 = arith.constant 0 : i32
      %dma_wait3A_538 = arith.constant 0 : i32
      %dma_wait3A_539 = tpu.memref_slice %arg4[%dma_wait3A_537, %dma_wait3A_538] : memref<401408x128xf32, #tpu.memory_space<hbm>> -> memref<448x128xf32, #tpu.memory_space<hbm>>
      %dma_wait3A_540 = arith.constant 0 : i32
      %dma_wait3A_541 = arith.constant 0 : i32
      %dma_wait3A_542 = tpu.memref_slice %arg7[%dma_wait3A_526, %dma_wait3A_540, %dma_wait3A_541] : memref<2x448x128xf32, #tpu.memory_space<vmem>> -> memref<1x448x128xf32, #tpu.memory_space<vmem>>
      %dma_wait3A_543 = tpu.memref_squeeze %dma_wait3A_542 : memref<1x448x128xf32, #tpu.memory_space<vmem>> -> memref<448x128xf32, #tpu.memory_space<vmem>>
      tpu.wait_dma2 semaphore(%dma_wait3A_536 : memref<!tpu.dma_semaphore, #tpu.memory_space<semaphore_mem>>) src(%dma_wait3A_543 : memref<448x128xf32, #tpu.memory_space<vmem>>) dst(%dma_wait3A_539 : memref<448x128xf32, #tpu.memory_space<hbm>>)
    } else {
    }
    %gt3A_401 = arith.constant 27 : i32
    %gt3A_402 = arith.cmpi sgt, %select_n3A, %gt3A_401 : i32
    %convert_element_type3A_403 = arith.extui %gt3A_402 : i1 to i32
    %cond3A_404 = arith.constant 0 : i32
    %cond3A_405 = arith.cmpi ne, %convert_element_type3A_403, %cond3A_404 : i32
    scf.if %cond3A_405 {
      %add3A_526 = arith.constant 12096 : i32
      %add3A_527 = arith.addi %select_n3A_8, %add3A_526 : i32
      "tpu.region"() ({
        %run_scoped3A = tpu.sem_alloc : memref<!tpu.dma_semaphore, #tpu.memory_space<semaphore_mem>>
        %dma_start3A_538 = tpu.memref_slice %arg3[%add3A_527] : memref<401408xi32, #tpu.memory_space<hbm>> -> memref<448xi32, #tpu.memory_space<hbm>>
        %dma_start3A_539 = tpu.memref_slice %arg3[%add3A_527] : memref<401408xi32, #tpu.memory_space<hbm>> -> memref<448xi32, #tpu.memory_space<hbm>>
        tpu.enqueue_dma source(%dma_start3A_539 : memref<448xi32, #tpu.memory_space<hbm>>) target(%arg6 : memref<448xi32, #tpu.memory_space<vmem>>) target_semaphore(%run_scoped3A : memref<!tpu.dma_semaphore, #tpu.memory_space<semaphore_mem>>)
        %dma_wait3A_540 = tpu.memref_slice %arg3[%add3A_527] : memref<401408xi32, #tpu.memory_space<hbm>> -> memref<448xi32, #tpu.memory_space<hbm>>
        %dma_wait3A_541 = tpu.memref_slice %arg3[%add3A_527] : memref<401408xi32, #tpu.memory_space<hbm>> -> memref<448xi32, #tpu.memory_space<hbm>>
        tpu.wait_dma2 semaphore(%run_scoped3A : memref<!tpu.dma_semaphore, #tpu.memory_space<semaphore_mem>>) src(%dma_wait3A_541 : memref<448xi32, #tpu.memory_space<hbm>>) dst(%arg6 : memref<448xi32, #tpu.memory_space<vmem>>)
        tpu.yield
      }) : () -> ()
      %dma_start3A = arith.constant 1 : i32
      %dma_start3A_528 = arith.constant 1 : i32
      %dma_start3A_529 = arith.constant 0 : i32
      %dma_start3A_530 = arith.constant 0 : i32
      %dma_start3A_531 = tpu.memref_slice %arg7[%dma_start3A, %dma_start3A_529, %dma_start3A_530] : memref<2x448x128xf32, #tpu.memory_space<vmem>> -> memref<1x448x128xf32, #tpu.memory_space<vmem>>
      %dma_start3A_532 = tpu.memref_squeeze %dma_start3A_531 : memref<1x448x128xf32, #tpu.memory_space<vmem>> -> memref<448x128xf32, #tpu.memory_space<vmem>>
      %dma_start3A_533 = arith.constant 0 : i32
      %dma_start3A_534 = arith.constant 0 : i32
      %dma_start3A_535 = tpu.memref_slice %arg2[%dma_start3A_533, %dma_start3A_534] : memref<50000x128xf32, #tpu.memory_space<hbm>> -> memref<50000x128xf32, #tpu.memory_space<hbm>>
      %dma_start3A_536 = tpu.memref_slice %arg8[%dma_start3A_528] : memref<2x!tpu.dma_semaphore, #tpu.memory_space<semaphore_mem>> -> memref<1x!tpu.dma_semaphore, #tpu.memory_space<semaphore_mem>>
      %dma_start3A_537 = tpu.memref_squeeze %dma_start3A_536 : memref<1x!tpu.dma_semaphore, #tpu.memory_space<semaphore_mem>> -> memref<!tpu.dma_semaphore, #tpu.memory_space<semaphore_mem>>
      tpu.enqueue_indirect_dma source(%dma_start3A_535 : memref<50000x128xf32, #tpu.memory_space<hbm>>) target(%dma_start3A_532 : memref<448x128xf32, #tpu.memory_space<vmem>>) offsets(%arg6 : memref<448xi32, #tpu.memory_space<vmem>>) semaphore(%dma_start3A_537 : memref<!tpu.dma_semaphore, #tpu.memory_space<semaphore_mem>>)
    } else {
    }
    %gt3A_406 = arith.constant 26 : i32
    %gt3A_407 = arith.cmpi sgt, %select_n3A, %gt3A_406 : i32
    %convert_element_type3A_408 = arith.extui %gt3A_407 : i1 to i32
    %cond3A_409 = arith.constant 0 : i32
    %cond3A_410 = arith.cmpi ne, %convert_element_type3A_408, %cond3A_409 : i32
    scf.if %cond3A_410 {
      %dma_wait3A_526 = arith.constant 0 : i32
      %dma_wait3A_527 = arith.constant 0 : i32
      %dma_wait3A_528 = arith.constant 0 : i32
      %dma_wait3A_529 = arith.constant 0 : i32
      %dma_wait3A_530 = tpu.memref_slice %arg7[%dma_wait3A_526, %dma_wait3A_528, %dma_wait3A_529] : memref<2x448x128xf32, #tpu.memory_space<vmem>> -> memref<1x448x128xf32, #tpu.memory_space<vmem>>
      %dma_wait3A_531 = tpu.memref_squeeze %dma_wait3A_530 : memref<1x448x128xf32, #tpu.memory_space<vmem>> -> memref<448x128xf32, #tpu.memory_space<vmem>>
      %dma_wait3A_532 = arith.constant 0 : i32
      %dma_wait3A_533 = arith.constant 0 : i32
      %dma_wait3A_534 = tpu.memref_slice %arg2[%dma_wait3A_532, %dma_wait3A_533] : memref<50000x128xf32, #tpu.memory_space<hbm>> -> memref<448x128xf32, #tpu.memory_space<hbm>>
      %dma_wait3A_535 = tpu.memref_slice %arg8[%dma_wait3A_527] : memref<2x!tpu.dma_semaphore, #tpu.memory_space<semaphore_mem>> -> memref<1x!tpu.dma_semaphore, #tpu.memory_space<semaphore_mem>>
      %dma_wait3A_536 = tpu.memref_squeeze %dma_wait3A_535 : memref<1x!tpu.dma_semaphore, #tpu.memory_space<semaphore_mem>> -> memref<!tpu.dma_semaphore, #tpu.memory_space<semaphore_mem>>
      %dma_wait3A_537 = arith.constant 0 : i32
      %dma_wait3A_538 = arith.constant 0 : i32
      %dma_wait3A_539 = tpu.memref_slice %arg7[%dma_wait3A_526, %dma_wait3A_537, %dma_wait3A_538] : memref<2x448x128xf32, #tpu.memory_space<vmem>> -> memref<1x448x128xf32, #tpu.memory_space<vmem>>
      %dma_wait3A_540 = tpu.memref_squeeze %dma_wait3A_539 : memref<1x448x128xf32, #tpu.memory_space<vmem>> -> memref<448x128xf32, #tpu.memory_space<vmem>>
      %dma_wait3A_541 = arith.constant 0 : i32
      %dma_wait3A_542 = arith.constant 0 : i32
      %dma_wait3A_543 = tpu.memref_slice %arg2[%dma_wait3A_541, %dma_wait3A_542] : memref<50000x128xf32, #tpu.memory_space<hbm>> -> memref<448x128xf32, #tpu.memory_space<hbm>>
      tpu.wait_dma2 semaphore(%dma_wait3A_536 : memref<!tpu.dma_semaphore, #tpu.memory_space<semaphore_mem>>) src(%dma_wait3A_543 : memref<448x128xf32, #tpu.memory_space<hbm>>) dst(%dma_wait3A_540 : memref<448x128xf32, #tpu.memory_space<vmem>>)
      %add3A_544 = arith.constant 11648 : i32
      %add3A_545 = arith.addi %select_n3A_8, %add3A_544 : i32
      %dma_start3A = arith.constant 0 : i32
      %dma_start3A_546 = arith.constant 0 : i32
      %dma_start3A_547 = arith.constant 0 : i32
      %dma_start3A_548 = arith.constant 0 : i32
      %dma_start3A_549 = tpu.memref_slice %arg7[%dma_start3A, %dma_start3A_547, %dma_start3A_548] : memref<2x448x128xf32, #tpu.memory_space<vmem>> -> memref<1x448x128xf32, #tpu.memory_space<vmem>>
      %dma_start3A_550 = tpu.memref_squeeze %dma_start3A_549 : memref<1x448x128xf32, #tpu.memory_space<vmem>> -> memref<448x128xf32, #tpu.memory_space<vmem>>
      %dma_start3A_551 = arith.constant 0 : i32
      %dma_start3A_552 = tpu.memref_slice %arg4[%add3A_545, %dma_start3A_551] : memref<401408x128xf32, #tpu.memory_space<hbm>> -> memref<448x128xf32, #tpu.memory_space<hbm>>
      %dma_start3A_553 = tpu.memref_slice %arg9[%dma_start3A_546] : memref<2x!tpu.dma_semaphore, #tpu.memory_space<semaphore_mem>> -> memref<1x!tpu.dma_semaphore, #tpu.memory_space<semaphore_mem>>
      %dma_start3A_554 = tpu.memref_squeeze %dma_start3A_553 : memref<1x!tpu.dma_semaphore, #tpu.memory_space<semaphore_mem>> -> memref<!tpu.dma_semaphore, #tpu.memory_space<semaphore_mem>>
      %dma_start3A_555 = arith.constant 0 : i32
      %dma_start3A_556 = tpu.memref_slice %arg4[%add3A_545, %dma_start3A_555] : memref<401408x128xf32, #tpu.memory_space<hbm>> -> memref<448x128xf32, #tpu.memory_space<hbm>>
      %dma_start3A_557 = arith.constant 0 : i32
      %dma_start3A_558 = arith.constant 0 : i32
      %dma_start3A_559 = tpu.memref_slice %arg7[%dma_start3A, %dma_start3A_557, %dma_start3A_558] : memref<2x448x128xf32, #tpu.memory_space<vmem>> -> memref<1x448x128xf32, #tpu.memory_space<vmem>>
      %dma_start3A_560 = tpu.memref_squeeze %dma_start3A_559 : memref<1x448x128xf32, #tpu.memory_space<vmem>> -> memref<448x128xf32, #tpu.memory_space<vmem>>
      tpu.enqueue_dma source(%dma_start3A_560 : memref<448x128xf32, #tpu.memory_space<vmem>>) target(%dma_start3A_556 : memref<448x128xf32, #tpu.memory_space<hbm>>) target_semaphore(%dma_start3A_554 : memref<!tpu.dma_semaphore, #tpu.memory_space<semaphore_mem>>)
    } else {
    }
    %gt3A_411 = arith.constant 28 : i32
    %gt3A_412 = arith.cmpi sgt, %select_n3A, %gt3A_411 : i32
    %convert_element_type3A_413 = arith.extui %gt3A_412 : i1 to i32
    %cond3A_414 = arith.constant 0 : i32
    %cond3A_415 = arith.cmpi ne, %convert_element_type3A_413, %cond3A_414 : i32
    scf.if %cond3A_415 {
      %dma_wait3A_526 = arith.constant 0 : i32
      %dma_wait3A_527 = arith.constant 0 : i32
      %dma_wait3A_528 = arith.constant 0 : i32
      %dma_wait3A_529 = arith.constant 0 : i32
      %dma_wait3A_530 = tpu.memref_slice %arg7[%dma_wait3A_526, %dma_wait3A_528, %dma_wait3A_529] : memref<2x448x128xf32, #tpu.memory_space<vmem>> -> memref<1x448x128xf32, #tpu.memory_space<vmem>>
      %dma_wait3A_531 = tpu.memref_squeeze %dma_wait3A_530 : memref<1x448x128xf32, #tpu.memory_space<vmem>> -> memref<448x128xf32, #tpu.memory_space<vmem>>
      %dma_wait3A_532 = arith.constant 0 : i32
      %dma_wait3A_533 = arith.constant 0 : i32
      %dma_wait3A_534 = tpu.memref_slice %arg4[%dma_wait3A_532, %dma_wait3A_533] : memref<401408x128xf32, #tpu.memory_space<hbm>> -> memref<448x128xf32, #tpu.memory_space<hbm>>
      %dma_wait3A_535 = tpu.memref_slice %arg9[%dma_wait3A_527] : memref<2x!tpu.dma_semaphore, #tpu.memory_space<semaphore_mem>> -> memref<1x!tpu.dma_semaphore, #tpu.memory_space<semaphore_mem>>
      %dma_wait3A_536 = tpu.memref_squeeze %dma_wait3A_535 : memref<1x!tpu.dma_semaphore, #tpu.memory_space<semaphore_mem>> -> memref<!tpu.dma_semaphore, #tpu.memory_space<semaphore_mem>>
      %dma_wait3A_537 = arith.constant 0 : i32
      %dma_wait3A_538 = arith.constant 0 : i32
      %dma_wait3A_539 = tpu.memref_slice %arg4[%dma_wait3A_537, %dma_wait3A_538] : memref<401408x128xf32, #tpu.memory_space<hbm>> -> memref<448x128xf32, #tpu.memory_space<hbm>>
      %dma_wait3A_540 = arith.constant 0 : i32
      %dma_wait3A_541 = arith.constant 0 : i32
      %dma_wait3A_542 = tpu.memref_slice %arg7[%dma_wait3A_526, %dma_wait3A_540, %dma_wait3A_541] : memref<2x448x128xf32, #tpu.memory_space<vmem>> -> memref<1x448x128xf32, #tpu.memory_space<vmem>>
      %dma_wait3A_543 = tpu.memref_squeeze %dma_wait3A_542 : memref<1x448x128xf32, #tpu.memory_space<vmem>> -> memref<448x128xf32, #tpu.memory_space<vmem>>
      tpu.wait_dma2 semaphore(%dma_wait3A_536 : memref<!tpu.dma_semaphore, #tpu.memory_space<semaphore_mem>>) src(%dma_wait3A_543 : memref<448x128xf32, #tpu.memory_space<vmem>>) dst(%dma_wait3A_539 : memref<448x128xf32, #tpu.memory_space<hbm>>)
    } else {
    }
    %gt3A_416 = arith.constant 28 : i32
    %gt3A_417 = arith.cmpi sgt, %select_n3A, %gt3A_416 : i32
    %convert_element_type3A_418 = arith.extui %gt3A_417 : i1 to i32
    %cond3A_419 = arith.constant 0 : i32
    %cond3A_420 = arith.cmpi ne, %convert_element_type3A_418, %cond3A_419 : i32
    scf.if %cond3A_420 {
      %add3A_526 = arith.constant 12544 : i32
      %add3A_527 = arith.addi %select_n3A_8, %add3A_526 : i32
      "tpu.region"() ({
        %run_scoped3A = tpu.sem_alloc : memref<!tpu.dma_semaphore, #tpu.memory_space<semaphore_mem>>
        %dma_start3A_538 = tpu.memref_slice %arg3[%add3A_527] : memref<401408xi32, #tpu.memory_space<hbm>> -> memref<448xi32, #tpu.memory_space<hbm>>
        %dma_start3A_539 = tpu.memref_slice %arg3[%add3A_527] : memref<401408xi32, #tpu.memory_space<hbm>> -> memref<448xi32, #tpu.memory_space<hbm>>
        tpu.enqueue_dma source(%dma_start3A_539 : memref<448xi32, #tpu.memory_space<hbm>>) target(%arg5 : memref<448xi32, #tpu.memory_space<vmem>>) target_semaphore(%run_scoped3A : memref<!tpu.dma_semaphore, #tpu.memory_space<semaphore_mem>>)
        %dma_wait3A_540 = tpu.memref_slice %arg3[%add3A_527] : memref<401408xi32, #tpu.memory_space<hbm>> -> memref<448xi32, #tpu.memory_space<hbm>>
        %dma_wait3A_541 = tpu.memref_slice %arg3[%add3A_527] : memref<401408xi32, #tpu.memory_space<hbm>> -> memref<448xi32, #tpu.memory_space<hbm>>
        tpu.wait_dma2 semaphore(%run_scoped3A : memref<!tpu.dma_semaphore, #tpu.memory_space<semaphore_mem>>) src(%dma_wait3A_541 : memref<448xi32, #tpu.memory_space<hbm>>) dst(%arg5 : memref<448xi32, #tpu.memory_space<vmem>>)
        tpu.yield
      }) : () -> ()
      %dma_start3A = arith.constant 0 : i32
      %dma_start3A_528 = arith.constant 0 : i32
      %dma_start3A_529 = arith.constant 0 : i32
      %dma_start3A_530 = arith.constant 0 : i32
      %dma_start3A_531 = tpu.memref_slice %arg7[%dma_start3A, %dma_start3A_529, %dma_start3A_530] : memref<2x448x128xf32, #tpu.memory_space<vmem>> -> memref<1x448x128xf32, #tpu.memory_space<vmem>>
      %dma_start3A_532 = tpu.memref_squeeze %dma_start3A_531 : memref<1x448x128xf32, #tpu.memory_space<vmem>> -> memref<448x128xf32, #tpu.memory_space<vmem>>
      %dma_start3A_533 = arith.constant 0 : i32
      %dma_start3A_534 = arith.constant 0 : i32
      %dma_start3A_535 = tpu.memref_slice %arg2[%dma_start3A_533, %dma_start3A_534] : memref<50000x128xf32, #tpu.memory_space<hbm>> -> memref<50000x128xf32, #tpu.memory_space<hbm>>
      %dma_start3A_536 = tpu.memref_slice %arg8[%dma_start3A_528] : memref<2x!tpu.dma_semaphore, #tpu.memory_space<semaphore_mem>> -> memref<1x!tpu.dma_semaphore, #tpu.memory_space<semaphore_mem>>
      %dma_start3A_537 = tpu.memref_squeeze %dma_start3A_536 : memref<1x!tpu.dma_semaphore, #tpu.memory_space<semaphore_mem>> -> memref<!tpu.dma_semaphore, #tpu.memory_space<semaphore_mem>>
      tpu.enqueue_indirect_dma source(%dma_start3A_535 : memref<50000x128xf32, #tpu.memory_space<hbm>>) target(%dma_start3A_532 : memref<448x128xf32, #tpu.memory_space<vmem>>) offsets(%arg5 : memref<448xi32, #tpu.memory_space<vmem>>) semaphore(%dma_start3A_537 : memref<!tpu.dma_semaphore, #tpu.memory_space<semaphore_mem>>)
    } else {
    }
    %gt3A_421 = arith.constant 27 : i32
    %gt3A_422 = arith.cmpi sgt, %select_n3A, %gt3A_421 : i32
    %convert_element_type3A_423 = arith.extui %gt3A_422 : i1 to i32
    %cond3A_424 = arith.constant 0 : i32
    %cond3A_425 = arith.cmpi ne, %convert_element_type3A_423, %cond3A_424 : i32
    scf.if %cond3A_425 {
      %dma_wait3A_526 = arith.constant 1 : i32
      %dma_wait3A_527 = arith.constant 1 : i32
      %dma_wait3A_528 = arith.constant 0 : i32
      %dma_wait3A_529 = arith.constant 0 : i32
      %dma_wait3A_530 = tpu.memref_slice %arg7[%dma_wait3A_526, %dma_wait3A_528, %dma_wait3A_529] : memref<2x448x128xf32, #tpu.memory_space<vmem>> -> memref<1x448x128xf32, #tpu.memory_space<vmem>>
      %dma_wait3A_531 = tpu.memref_squeeze %dma_wait3A_530 : memref<1x448x128xf32, #tpu.memory_space<vmem>> -> memref<448x128xf32, #tpu.memory_space<vmem>>
      %dma_wait3A_532 = arith.constant 0 : i32
      %dma_wait3A_533 = arith.constant 0 : i32
      %dma_wait3A_534 = tpu.memref_slice %arg2[%dma_wait3A_532, %dma_wait3A_533] : memref<50000x128xf32, #tpu.memory_space<hbm>> -> memref<448x128xf32, #tpu.memory_space<hbm>>
      %dma_wait3A_535 = tpu.memref_slice %arg8[%dma_wait3A_527] : memref<2x!tpu.dma_semaphore, #tpu.memory_space<semaphore_mem>> -> memref<1x!tpu.dma_semaphore, #tpu.memory_space<semaphore_mem>>
      %dma_wait3A_536 = tpu.memref_squeeze %dma_wait3A_535 : memref<1x!tpu.dma_semaphore, #tpu.memory_space<semaphore_mem>> -> memref<!tpu.dma_semaphore, #tpu.memory_space<semaphore_mem>>
      %dma_wait3A_537 = arith.constant 0 : i32
      %dma_wait3A_538 = arith.constant 0 : i32
      %dma_wait3A_539 = tpu.memref_slice %arg7[%dma_wait3A_526, %dma_wait3A_537, %dma_wait3A_538] : memref<2x448x128xf32, #tpu.memory_space<vmem>> -> memref<1x448x128xf32, #tpu.memory_space<vmem>>
      %dma_wait3A_540 = tpu.memref_squeeze %dma_wait3A_539 : memref<1x448x128xf32, #tpu.memory_space<vmem>> -> memref<448x128xf32, #tpu.memory_space<vmem>>
      %dma_wait3A_541 = arith.constant 0 : i32
      %dma_wait3A_542 = arith.constant 0 : i32
      %dma_wait3A_543 = tpu.memref_slice %arg2[%dma_wait3A_541, %dma_wait3A_542] : memref<50000x128xf32, #tpu.memory_space<hbm>> -> memref<448x128xf32, #tpu.memory_space<hbm>>
      tpu.wait_dma2 semaphore(%dma_wait3A_536 : memref<!tpu.dma_semaphore, #tpu.memory_space<semaphore_mem>>) src(%dma_wait3A_543 : memref<448x128xf32, #tpu.memory_space<hbm>>) dst(%dma_wait3A_540 : memref<448x128xf32, #tpu.memory_space<vmem>>)
      %add3A_544 = arith.constant 12096 : i32
      %add3A_545 = arith.addi %select_n3A_8, %add3A_544 : i32
      %dma_start3A = arith.constant 1 : i32
      %dma_start3A_546 = arith.constant 1 : i32
      %dma_start3A_547 = arith.constant 0 : i32
      %dma_start3A_548 = arith.constant 0 : i32
      %dma_start3A_549 = tpu.memref_slice %arg7[%dma_start3A, %dma_start3A_547, %dma_start3A_548] : memref<2x448x128xf32, #tpu.memory_space<vmem>> -> memref<1x448x128xf32, #tpu.memory_space<vmem>>
      %dma_start3A_550 = tpu.memref_squeeze %dma_start3A_549 : memref<1x448x128xf32, #tpu.memory_space<vmem>> -> memref<448x128xf32, #tpu.memory_space<vmem>>
      %dma_start3A_551 = arith.constant 0 : i32
      %dma_start3A_552 = tpu.memref_slice %arg4[%add3A_545, %dma_start3A_551] : memref<401408x128xf32, #tpu.memory_space<hbm>> -> memref<448x128xf32, #tpu.memory_space<hbm>>
      %dma_start3A_553 = tpu.memref_slice %arg9[%dma_start3A_546] : memref<2x!tpu.dma_semaphore, #tpu.memory_space<semaphore_mem>> -> memref<1x!tpu.dma_semaphore, #tpu.memory_space<semaphore_mem>>
      %dma_start3A_554 = tpu.memref_squeeze %dma_start3A_553 : memref<1x!tpu.dma_semaphore, #tpu.memory_space<semaphore_mem>> -> memref<!tpu.dma_semaphore, #tpu.memory_space<semaphore_mem>>
      %dma_start3A_555 = arith.constant 0 : i32
      %dma_start3A_556 = tpu.memref_slice %arg4[%add3A_545, %dma_start3A_555] : memref<401408x128xf32, #tpu.memory_space<hbm>> -> memref<448x128xf32, #tpu.memory_space<hbm>>
      %dma_start3A_557 = arith.constant 0 : i32
      %dma_start3A_558 = arith.constant 0 : i32
      %dma_start3A_559 = tpu.memref_slice %arg7[%dma_start3A, %dma_start3A_557, %dma_start3A_558] : memref<2x448x128xf32, #tpu.memory_space<vmem>> -> memref<1x448x128xf32, #tpu.memory_space<vmem>>
      %dma_start3A_560 = tpu.memref_squeeze %dma_start3A_559 : memref<1x448x128xf32, #tpu.memory_space<vmem>> -> memref<448x128xf32, #tpu.memory_space<vmem>>
      tpu.enqueue_dma source(%dma_start3A_560 : memref<448x128xf32, #tpu.memory_space<vmem>>) target(%dma_start3A_556 : memref<448x128xf32, #tpu.memory_space<hbm>>) target_semaphore(%dma_start3A_554 : memref<!tpu.dma_semaphore, #tpu.memory_space<semaphore_mem>>)
    } else {
    }
    %gt3A_426 = arith.constant 29 : i32
    %gt3A_427 = arith.cmpi sgt, %select_n3A, %gt3A_426 : i32
    %convert_element_type3A_428 = arith.extui %gt3A_427 : i1 to i32
    %cond3A_429 = arith.constant 0 : i32
    %cond3A_430 = arith.cmpi ne, %convert_element_type3A_428, %cond3A_429 : i32
    scf.if %cond3A_430 {
      %dma_wait3A_526 = arith.constant 1 : i32
      %dma_wait3A_527 = arith.constant 1 : i32
      %dma_wait3A_528 = arith.constant 0 : i32
      %dma_wait3A_529 = arith.constant 0 : i32
      %dma_wait3A_530 = tpu.memref_slice %arg7[%dma_wait3A_526, %dma_wait3A_528, %dma_wait3A_529] : memref<2x448x128xf32, #tpu.memory_space<vmem>> -> memref<1x448x128xf32, #tpu.memory_space<vmem>>
      %dma_wait3A_531 = tpu.memref_squeeze %dma_wait3A_530 : memref<1x448x128xf32, #tpu.memory_space<vmem>> -> memref<448x128xf32, #tpu.memory_space<vmem>>
      %dma_wait3A_532 = arith.constant 0 : i32
      %dma_wait3A_533 = arith.constant 0 : i32
      %dma_wait3A_534 = tpu.memref_slice %arg4[%dma_wait3A_532, %dma_wait3A_533] : memref<401408x128xf32, #tpu.memory_space<hbm>> -> memref<448x128xf32, #tpu.memory_space<hbm>>
      %dma_wait3A_535 = tpu.memref_slice %arg9[%dma_wait3A_527] : memref<2x!tpu.dma_semaphore, #tpu.memory_space<semaphore_mem>> -> memref<1x!tpu.dma_semaphore, #tpu.memory_space<semaphore_mem>>
      %dma_wait3A_536 = tpu.memref_squeeze %dma_wait3A_535 : memref<1x!tpu.dma_semaphore, #tpu.memory_space<semaphore_mem>> -> memref<!tpu.dma_semaphore, #tpu.memory_space<semaphore_mem>>
      %dma_wait3A_537 = arith.constant 0 : i32
      %dma_wait3A_538 = arith.constant 0 : i32
      %dma_wait3A_539 = tpu.memref_slice %arg4[%dma_wait3A_537, %dma_wait3A_538] : memref<401408x128xf32, #tpu.memory_space<hbm>> -> memref<448x128xf32, #tpu.memory_space<hbm>>
      %dma_wait3A_540 = arith.constant 0 : i32
      %dma_wait3A_541 = arith.constant 0 : i32
      %dma_wait3A_542 = tpu.memref_slice %arg7[%dma_wait3A_526, %dma_wait3A_540, %dma_wait3A_541] : memref<2x448x128xf32, #tpu.memory_space<vmem>> -> memref<1x448x128xf32, #tpu.memory_space<vmem>>
      %dma_wait3A_543 = tpu.memref_squeeze %dma_wait3A_542 : memref<1x448x128xf32, #tpu.memory_space<vmem>> -> memref<448x128xf32, #tpu.memory_space<vmem>>
      tpu.wait_dma2 semaphore(%dma_wait3A_536 : memref<!tpu.dma_semaphore, #tpu.memory_space<semaphore_mem>>) src(%dma_wait3A_543 : memref<448x128xf32, #tpu.memory_space<vmem>>) dst(%dma_wait3A_539 : memref<448x128xf32, #tpu.memory_space<hbm>>)
    } else {
    }
    %gt3A_431 = arith.constant 29 : i32
    %gt3A_432 = arith.cmpi sgt, %select_n3A, %gt3A_431 : i32
    %convert_element_type3A_433 = arith.extui %gt3A_432 : i1 to i32
    %cond3A_434 = arith.constant 0 : i32
    %cond3A_435 = arith.cmpi ne, %convert_element_type3A_433, %cond3A_434 : i32
    scf.if %cond3A_435 {
      %add3A_526 = arith.constant 12992 : i32
      %add3A_527 = arith.addi %select_n3A_8, %add3A_526 : i32
      "tpu.region"() ({
        %run_scoped3A = tpu.sem_alloc : memref<!tpu.dma_semaphore, #tpu.memory_space<semaphore_mem>>
        %dma_start3A_538 = tpu.memref_slice %arg3[%add3A_527] : memref<401408xi32, #tpu.memory_space<hbm>> -> memref<448xi32, #tpu.memory_space<hbm>>
        %dma_start3A_539 = tpu.memref_slice %arg3[%add3A_527] : memref<401408xi32, #tpu.memory_space<hbm>> -> memref<448xi32, #tpu.memory_space<hbm>>
        tpu.enqueue_dma source(%dma_start3A_539 : memref<448xi32, #tpu.memory_space<hbm>>) target(%arg6 : memref<448xi32, #tpu.memory_space<vmem>>) target_semaphore(%run_scoped3A : memref<!tpu.dma_semaphore, #tpu.memory_space<semaphore_mem>>)
        %dma_wait3A_540 = tpu.memref_slice %arg3[%add3A_527] : memref<401408xi32, #tpu.memory_space<hbm>> -> memref<448xi32, #tpu.memory_space<hbm>>
        %dma_wait3A_541 = tpu.memref_slice %arg3[%add3A_527] : memref<401408xi32, #tpu.memory_space<hbm>> -> memref<448xi32, #tpu.memory_space<hbm>>
        tpu.wait_dma2 semaphore(%run_scoped3A : memref<!tpu.dma_semaphore, #tpu.memory_space<semaphore_mem>>) src(%dma_wait3A_541 : memref<448xi32, #tpu.memory_space<hbm>>) dst(%arg6 : memref<448xi32, #tpu.memory_space<vmem>>)
        tpu.yield
      }) : () -> ()
      %dma_start3A = arith.constant 1 : i32
      %dma_start3A_528 = arith.constant 1 : i32
      %dma_start3A_529 = arith.constant 0 : i32
      %dma_start3A_530 = arith.constant 0 : i32
      %dma_start3A_531 = tpu.memref_slice %arg7[%dma_start3A, %dma_start3A_529, %dma_start3A_530] : memref<2x448x128xf32, #tpu.memory_space<vmem>> -> memref<1x448x128xf32, #tpu.memory_space<vmem>>
      %dma_start3A_532 = tpu.memref_squeeze %dma_start3A_531 : memref<1x448x128xf32, #tpu.memory_space<vmem>> -> memref<448x128xf32, #tpu.memory_space<vmem>>
      %dma_start3A_533 = arith.constant 0 : i32
      %dma_start3A_534 = arith.constant 0 : i32
      %dma_start3A_535 = tpu.memref_slice %arg2[%dma_start3A_533, %dma_start3A_534] : memref<50000x128xf32, #tpu.memory_space<hbm>> -> memref<50000x128xf32, #tpu.memory_space<hbm>>
      %dma_start3A_536 = tpu.memref_slice %arg8[%dma_start3A_528] : memref<2x!tpu.dma_semaphore, #tpu.memory_space<semaphore_mem>> -> memref<1x!tpu.dma_semaphore, #tpu.memory_space<semaphore_mem>>
      %dma_start3A_537 = tpu.memref_squeeze %dma_start3A_536 : memref<1x!tpu.dma_semaphore, #tpu.memory_space<semaphore_mem>> -> memref<!tpu.dma_semaphore, #tpu.memory_space<semaphore_mem>>
      tpu.enqueue_indirect_dma source(%dma_start3A_535 : memref<50000x128xf32, #tpu.memory_space<hbm>>) target(%dma_start3A_532 : memref<448x128xf32, #tpu.memory_space<vmem>>) offsets(%arg6 : memref<448xi32, #tpu.memory_space<vmem>>) semaphore(%dma_start3A_537 : memref<!tpu.dma_semaphore, #tpu.memory_space<semaphore_mem>>)
    } else {
    }
    %gt3A_436 = arith.constant 28 : i32
    %gt3A_437 = arith.cmpi sgt, %select_n3A, %gt3A_436 : i32
    %convert_element_type3A_438 = arith.extui %gt3A_437 : i1 to i32
    %cond3A_439 = arith.constant 0 : i32
    %cond3A_440 = arith.cmpi ne, %convert_element_type3A_438, %cond3A_439 : i32
    scf.if %cond3A_440 {
      %dma_wait3A_526 = arith.constant 0 : i32
      %dma_wait3A_527 = arith.constant 0 : i32
      %dma_wait3A_528 = arith.constant 0 : i32
      %dma_wait3A_529 = arith.constant 0 : i32
      %dma_wait3A_530 = tpu.memref_slice %arg7[%dma_wait3A_526, %dma_wait3A_528, %dma_wait3A_529] : memref<2x448x128xf32, #tpu.memory_space<vmem>> -> memref<1x448x128xf32, #tpu.memory_space<vmem>>
      %dma_wait3A_531 = tpu.memref_squeeze %dma_wait3A_530 : memref<1x448x128xf32, #tpu.memory_space<vmem>> -> memref<448x128xf32, #tpu.memory_space<vmem>>
      %dma_wait3A_532 = arith.constant 0 : i32
      %dma_wait3A_533 = arith.constant 0 : i32
      %dma_wait3A_534 = tpu.memref_slice %arg2[%dma_wait3A_532, %dma_wait3A_533] : memref<50000x128xf32, #tpu.memory_space<hbm>> -> memref<448x128xf32, #tpu.memory_space<hbm>>
      %dma_wait3A_535 = tpu.memref_slice %arg8[%dma_wait3A_527] : memref<2x!tpu.dma_semaphore, #tpu.memory_space<semaphore_mem>> -> memref<1x!tpu.dma_semaphore, #tpu.memory_space<semaphore_mem>>
      %dma_wait3A_536 = tpu.memref_squeeze %dma_wait3A_535 : memref<1x!tpu.dma_semaphore, #tpu.memory_space<semaphore_mem>> -> memref<!tpu.dma_semaphore, #tpu.memory_space<semaphore_mem>>
      %dma_wait3A_537 = arith.constant 0 : i32
      %dma_wait3A_538 = arith.constant 0 : i32
      %dma_wait3A_539 = tpu.memref_slice %arg7[%dma_wait3A_526, %dma_wait3A_537, %dma_wait3A_538] : memref<2x448x128xf32, #tpu.memory_space<vmem>> -> memref<1x448x128xf32, #tpu.memory_space<vmem>>
      %dma_wait3A_540 = tpu.memref_squeeze %dma_wait3A_539 : memref<1x448x128xf32, #tpu.memory_space<vmem>> -> memref<448x128xf32, #tpu.memory_space<vmem>>
      %dma_wait3A_541 = arith.constant 0 : i32
      %dma_wait3A_542 = arith.constant 0 : i32
      %dma_wait3A_543 = tpu.memref_slice %arg2[%dma_wait3A_541, %dma_wait3A_542] : memref<50000x128xf32, #tpu.memory_space<hbm>> -> memref<448x128xf32, #tpu.memory_space<hbm>>
      tpu.wait_dma2 semaphore(%dma_wait3A_536 : memref<!tpu.dma_semaphore, #tpu.memory_space<semaphore_mem>>) src(%dma_wait3A_543 : memref<448x128xf32, #tpu.memory_space<hbm>>) dst(%dma_wait3A_540 : memref<448x128xf32, #tpu.memory_space<vmem>>)
      %add3A_544 = arith.constant 12544 : i32
      %add3A_545 = arith.addi %select_n3A_8, %add3A_544 : i32
      %dma_start3A = arith.constant 0 : i32
      %dma_start3A_546 = arith.constant 0 : i32
      %dma_start3A_547 = arith.constant 0 : i32
      %dma_start3A_548 = arith.constant 0 : i32
      %dma_start3A_549 = tpu.memref_slice %arg7[%dma_start3A, %dma_start3A_547, %dma_start3A_548] : memref<2x448x128xf32, #tpu.memory_space<vmem>> -> memref<1x448x128xf32, #tpu.memory_space<vmem>>
      %dma_start3A_550 = tpu.memref_squeeze %dma_start3A_549 : memref<1x448x128xf32, #tpu.memory_space<vmem>> -> memref<448x128xf32, #tpu.memory_space<vmem>>
      %dma_start3A_551 = arith.constant 0 : i32
      %dma_start3A_552 = tpu.memref_slice %arg4[%add3A_545, %dma_start3A_551] : memref<401408x128xf32, #tpu.memory_space<hbm>> -> memref<448x128xf32, #tpu.memory_space<hbm>>
      %dma_start3A_553 = tpu.memref_slice %arg9[%dma_start3A_546] : memref<2x!tpu.dma_semaphore, #tpu.memory_space<semaphore_mem>> -> memref<1x!tpu.dma_semaphore, #tpu.memory_space<semaphore_mem>>
      %dma_start3A_554 = tpu.memref_squeeze %dma_start3A_553 : memref<1x!tpu.dma_semaphore, #tpu.memory_space<semaphore_mem>> -> memref<!tpu.dma_semaphore, #tpu.memory_space<semaphore_mem>>
      %dma_start3A_555 = arith.constant 0 : i32
      %dma_start3A_556 = tpu.memref_slice %arg4[%add3A_545, %dma_start3A_555] : memref<401408x128xf32, #tpu.memory_space<hbm>> -> memref<448x128xf32, #tpu.memory_space<hbm>>
      %dma_start3A_557 = arith.constant 0 : i32
      %dma_start3A_558 = arith.constant 0 : i32
      %dma_start3A_559 = tpu.memref_slice %arg7[%dma_start3A, %dma_start3A_557, %dma_start3A_558] : memref<2x448x128xf32, #tpu.memory_space<vmem>> -> memref<1x448x128xf32, #tpu.memory_space<vmem>>
      %dma_start3A_560 = tpu.memref_squeeze %dma_start3A_559 : memref<1x448x128xf32, #tpu.memory_space<vmem>> -> memref<448x128xf32, #tpu.memory_space<vmem>>
      tpu.enqueue_dma source(%dma_start3A_560 : memref<448x128xf32, #tpu.memory_space<vmem>>) target(%dma_start3A_556 : memref<448x128xf32, #tpu.memory_space<hbm>>) target_semaphore(%dma_start3A_554 : memref<!tpu.dma_semaphore, #tpu.memory_space<semaphore_mem>>)
    } else {
    }
    %gt3A_441 = arith.constant 30 : i32
    %gt3A_442 = arith.cmpi sgt, %select_n3A, %gt3A_441 : i32
    %convert_element_type3A_443 = arith.extui %gt3A_442 : i1 to i32
    %cond3A_444 = arith.constant 0 : i32
    %cond3A_445 = arith.cmpi ne, %convert_element_type3A_443, %cond3A_444 : i32
    scf.if %cond3A_445 {
      %dma_wait3A_526 = arith.constant 0 : i32
      %dma_wait3A_527 = arith.constant 0 : i32
      %dma_wait3A_528 = arith.constant 0 : i32
      %dma_wait3A_529 = arith.constant 0 : i32
      %dma_wait3A_530 = tpu.memref_slice %arg7[%dma_wait3A_526, %dma_wait3A_528, %dma_wait3A_529] : memref<2x448x128xf32, #tpu.memory_space<vmem>> -> memref<1x448x128xf32, #tpu.memory_space<vmem>>
      %dma_wait3A_531 = tpu.memref_squeeze %dma_wait3A_530 : memref<1x448x128xf32, #tpu.memory_space<vmem>> -> memref<448x128xf32, #tpu.memory_space<vmem>>
      %dma_wait3A_532 = arith.constant 0 : i32
      %dma_wait3A_533 = arith.constant 0 : i32
      %dma_wait3A_534 = tpu.memref_slice %arg4[%dma_wait3A_532, %dma_wait3A_533] : memref<401408x128xf32, #tpu.memory_space<hbm>> -> memref<448x128xf32, #tpu.memory_space<hbm>>
      %dma_wait3A_535 = tpu.memref_slice %arg9[%dma_wait3A_527] : memref<2x!tpu.dma_semaphore, #tpu.memory_space<semaphore_mem>> -> memref<1x!tpu.dma_semaphore, #tpu.memory_space<semaphore_mem>>
      %dma_wait3A_536 = tpu.memref_squeeze %dma_wait3A_535 : memref<1x!tpu.dma_semaphore, #tpu.memory_space<semaphore_mem>> -> memref<!tpu.dma_semaphore, #tpu.memory_space<semaphore_mem>>
      %dma_wait3A_537 = arith.constant 0 : i32
      %dma_wait3A_538 = arith.constant 0 : i32
      %dma_wait3A_539 = tpu.memref_slice %arg4[%dma_wait3A_537, %dma_wait3A_538] : memref<401408x128xf32, #tpu.memory_space<hbm>> -> memref<448x128xf32, #tpu.memory_space<hbm>>
      %dma_wait3A_540 = arith.constant 0 : i32
      %dma_wait3A_541 = arith.constant 0 : i32
      %dma_wait3A_542 = tpu.memref_slice %arg7[%dma_wait3A_526, %dma_wait3A_540, %dma_wait3A_541] : memref<2x448x128xf32, #tpu.memory_space<vmem>> -> memref<1x448x128xf32, #tpu.memory_space<vmem>>
      %dma_wait3A_543 = tpu.memref_squeeze %dma_wait3A_542 : memref<1x448x128xf32, #tpu.memory_space<vmem>> -> memref<448x128xf32, #tpu.memory_space<vmem>>
      tpu.wait_dma2 semaphore(%dma_wait3A_536 : memref<!tpu.dma_semaphore, #tpu.memory_space<semaphore_mem>>) src(%dma_wait3A_543 : memref<448x128xf32, #tpu.memory_space<vmem>>) dst(%dma_wait3A_539 : memref<448x128xf32, #tpu.memory_space<hbm>>)
    } else {
    }
    %gt3A_446 = arith.constant 30 : i32
    %gt3A_447 = arith.cmpi sgt, %select_n3A, %gt3A_446 : i32
    %convert_element_type3A_448 = arith.extui %gt3A_447 : i1 to i32
    %cond3A_449 = arith.constant 0 : i32
    %cond3A_450 = arith.cmpi ne, %convert_element_type3A_448, %cond3A_449 : i32
    scf.if %cond3A_450 {
      %add3A_526 = arith.constant 13440 : i32
      %add3A_527 = arith.addi %select_n3A_8, %add3A_526 : i32
      "tpu.region"() ({
        %run_scoped3A = tpu.sem_alloc : memref<!tpu.dma_semaphore, #tpu.memory_space<semaphore_mem>>
        %dma_start3A_538 = tpu.memref_slice %arg3[%add3A_527] : memref<401408xi32, #tpu.memory_space<hbm>> -> memref<448xi32, #tpu.memory_space<hbm>>
        %dma_start3A_539 = tpu.memref_slice %arg3[%add3A_527] : memref<401408xi32, #tpu.memory_space<hbm>> -> memref<448xi32, #tpu.memory_space<hbm>>
        tpu.enqueue_dma source(%dma_start3A_539 : memref<448xi32, #tpu.memory_space<hbm>>) target(%arg5 : memref<448xi32, #tpu.memory_space<vmem>>) target_semaphore(%run_scoped3A : memref<!tpu.dma_semaphore, #tpu.memory_space<semaphore_mem>>)
        %dma_wait3A_540 = tpu.memref_slice %arg3[%add3A_527] : memref<401408xi32, #tpu.memory_space<hbm>> -> memref<448xi32, #tpu.memory_space<hbm>>
        %dma_wait3A_541 = tpu.memref_slice %arg3[%add3A_527] : memref<401408xi32, #tpu.memory_space<hbm>> -> memref<448xi32, #tpu.memory_space<hbm>>
        tpu.wait_dma2 semaphore(%run_scoped3A : memref<!tpu.dma_semaphore, #tpu.memory_space<semaphore_mem>>) src(%dma_wait3A_541 : memref<448xi32, #tpu.memory_space<hbm>>) dst(%arg5 : memref<448xi32, #tpu.memory_space<vmem>>)
        tpu.yield
      }) : () -> ()
      %dma_start3A = arith.constant 0 : i32
      %dma_start3A_528 = arith.constant 0 : i32
      %dma_start3A_529 = arith.constant 0 : i32
      %dma_start3A_530 = arith.constant 0 : i32
      %dma_start3A_531 = tpu.memref_slice %arg7[%dma_start3A, %dma_start3A_529, %dma_start3A_530] : memref<2x448x128xf32, #tpu.memory_space<vmem>> -> memref<1x448x128xf32, #tpu.memory_space<vmem>>
      %dma_start3A_532 = tpu.memref_squeeze %dma_start3A_531 : memref<1x448x128xf32, #tpu.memory_space<vmem>> -> memref<448x128xf32, #tpu.memory_space<vmem>>
      %dma_start3A_533 = arith.constant 0 : i32
      %dma_start3A_534 = arith.constant 0 : i32
      %dma_start3A_535 = tpu.memref_slice %arg2[%dma_start3A_533, %dma_start3A_534] : memref<50000x128xf32, #tpu.memory_space<hbm>> -> memref<50000x128xf32, #tpu.memory_space<hbm>>
      %dma_start3A_536 = tpu.memref_slice %arg8[%dma_start3A_528] : memref<2x!tpu.dma_semaphore, #tpu.memory_space<semaphore_mem>> -> memref<1x!tpu.dma_semaphore, #tpu.memory_space<semaphore_mem>>
      %dma_start3A_537 = tpu.memref_squeeze %dma_start3A_536 : memref<1x!tpu.dma_semaphore, #tpu.memory_space<semaphore_mem>> -> memref<!tpu.dma_semaphore, #tpu.memory_space<semaphore_mem>>
      tpu.enqueue_indirect_dma source(%dma_start3A_535 : memref<50000x128xf32, #tpu.memory_space<hbm>>) target(%dma_start3A_532 : memref<448x128xf32, #tpu.memory_space<vmem>>) offsets(%arg5 : memref<448xi32, #tpu.memory_space<vmem>>) semaphore(%dma_start3A_537 : memref<!tpu.dma_semaphore, #tpu.memory_space<semaphore_mem>>)
    } else {
    }
    %gt3A_451 = arith.constant 29 : i32
    %gt3A_452 = arith.cmpi sgt, %select_n3A, %gt3A_451 : i32
    %convert_element_type3A_453 = arith.extui %gt3A_452 : i1 to i32
    %cond3A_454 = arith.constant 0 : i32
    %cond3A_455 = arith.cmpi ne, %convert_element_type3A_453, %cond3A_454 : i32
    scf.if %cond3A_455 {
      %dma_wait3A_526 = arith.constant 1 : i32
      %dma_wait3A_527 = arith.constant 1 : i32
      %dma_wait3A_528 = arith.constant 0 : i32
      %dma_wait3A_529 = arith.constant 0 : i32
      %dma_wait3A_530 = tpu.memref_slice %arg7[%dma_wait3A_526, %dma_wait3A_528, %dma_wait3A_529] : memref<2x448x128xf32, #tpu.memory_space<vmem>> -> memref<1x448x128xf32, #tpu.memory_space<vmem>>
      %dma_wait3A_531 = tpu.memref_squeeze %dma_wait3A_530 : memref<1x448x128xf32, #tpu.memory_space<vmem>> -> memref<448x128xf32, #tpu.memory_space<vmem>>
      %dma_wait3A_532 = arith.constant 0 : i32
      %dma_wait3A_533 = arith.constant 0 : i32
      %dma_wait3A_534 = tpu.memref_slice %arg2[%dma_wait3A_532, %dma_wait3A_533] : memref<50000x128xf32, #tpu.memory_space<hbm>> -> memref<448x128xf32, #tpu.memory_space<hbm>>
      %dma_wait3A_535 = tpu.memref_slice %arg8[%dma_wait3A_527] : memref<2x!tpu.dma_semaphore, #tpu.memory_space<semaphore_mem>> -> memref<1x!tpu.dma_semaphore, #tpu.memory_space<semaphore_mem>>
      %dma_wait3A_536 = tpu.memref_squeeze %dma_wait3A_535 : memref<1x!tpu.dma_semaphore, #tpu.memory_space<semaphore_mem>> -> memref<!tpu.dma_semaphore, #tpu.memory_space<semaphore_mem>>
      %dma_wait3A_537 = arith.constant 0 : i32
      %dma_wait3A_538 = arith.constant 0 : i32
      %dma_wait3A_539 = tpu.memref_slice %arg7[%dma_wait3A_526, %dma_wait3A_537, %dma_wait3A_538] : memref<2x448x128xf32, #tpu.memory_space<vmem>> -> memref<1x448x128xf32, #tpu.memory_space<vmem>>
      %dma_wait3A_540 = tpu.memref_squeeze %dma_wait3A_539 : memref<1x448x128xf32, #tpu.memory_space<vmem>> -> memref<448x128xf32, #tpu.memory_space<vmem>>
      %dma_wait3A_541 = arith.constant 0 : i32
      %dma_wait3A_542 = arith.constant 0 : i32
      %dma_wait3A_543 = tpu.memref_slice %arg2[%dma_wait3A_541, %dma_wait3A_542] : memref<50000x128xf32, #tpu.memory_space<hbm>> -> memref<448x128xf32, #tpu.memory_space<hbm>>
      tpu.wait_dma2 semaphore(%dma_wait3A_536 : memref<!tpu.dma_semaphore, #tpu.memory_space<semaphore_mem>>) src(%dma_wait3A_543 : memref<448x128xf32, #tpu.memory_space<hbm>>) dst(%dma_wait3A_540 : memref<448x128xf32, #tpu.memory_space<vmem>>)
      %add3A_544 = arith.constant 12992 : i32
      %add3A_545 = arith.addi %select_n3A_8, %add3A_544 : i32
      %dma_start3A = arith.constant 1 : i32
      %dma_start3A_546 = arith.constant 1 : i32
      %dma_start3A_547 = arith.constant 0 : i32
      %dma_start3A_548 = arith.constant 0 : i32
      %dma_start3A_549 = tpu.memref_slice %arg7[%dma_start3A, %dma_start3A_547, %dma_start3A_548] : memref<2x448x128xf32, #tpu.memory_space<vmem>> -> memref<1x448x128xf32, #tpu.memory_space<vmem>>
      %dma_start3A_550 = tpu.memref_squeeze %dma_start3A_549 : memref<1x448x128xf32, #tpu.memory_space<vmem>> -> memref<448x128xf32, #tpu.memory_space<vmem>>
      %dma_start3A_551 = arith.constant 0 : i32
      %dma_start3A_552 = tpu.memref_slice %arg4[%add3A_545, %dma_start3A_551] : memref<401408x128xf32, #tpu.memory_space<hbm>> -> memref<448x128xf32, #tpu.memory_space<hbm>>
      %dma_start3A_553 = tpu.memref_slice %arg9[%dma_start3A_546] : memref<2x!tpu.dma_semaphore, #tpu.memory_space<semaphore_mem>> -> memref<1x!tpu.dma_semaphore, #tpu.memory_space<semaphore_mem>>
      %dma_start3A_554 = tpu.memref_squeeze %dma_start3A_553 : memref<1x!tpu.dma_semaphore, #tpu.memory_space<semaphore_mem>> -> memref<!tpu.dma_semaphore, #tpu.memory_space<semaphore_mem>>
      %dma_start3A_555 = arith.constant 0 : i32
      %dma_start3A_556 = tpu.memref_slice %arg4[%add3A_545, %dma_start3A_555] : memref<401408x128xf32, #tpu.memory_space<hbm>> -> memref<448x128xf32, #tpu.memory_space<hbm>>
      %dma_start3A_557 = arith.constant 0 : i32
      %dma_start3A_558 = arith.constant 0 : i32
      %dma_start3A_559 = tpu.memref_slice %arg7[%dma_start3A, %dma_start3A_557, %dma_start3A_558] : memref<2x448x128xf32, #tpu.memory_space<vmem>> -> memref<1x448x128xf32, #tpu.memory_space<vmem>>
      %dma_start3A_560 = tpu.memref_squeeze %dma_start3A_559 : memref<1x448x128xf32, #tpu.memory_space<vmem>> -> memref<448x128xf32, #tpu.memory_space<vmem>>
      tpu.enqueue_dma source(%dma_start3A_560 : memref<448x128xf32, #tpu.memory_space<vmem>>) target(%dma_start3A_556 : memref<448x128xf32, #tpu.memory_space<hbm>>) target_semaphore(%dma_start3A_554 : memref<!tpu.dma_semaphore, #tpu.memory_space<semaphore_mem>>)
    } else {
    }
    %gt3A_456 = arith.constant 31 : i32
    %gt3A_457 = arith.cmpi sgt, %select_n3A, %gt3A_456 : i32
    %convert_element_type3A_458 = arith.extui %gt3A_457 : i1 to i32
    %cond3A_459 = arith.constant 0 : i32
    %cond3A_460 = arith.cmpi ne, %convert_element_type3A_458, %cond3A_459 : i32
    scf.if %cond3A_460 {
      %dma_wait3A_526 = arith.constant 1 : i32
      %dma_wait3A_527 = arith.constant 1 : i32
      %dma_wait3A_528 = arith.constant 0 : i32
      %dma_wait3A_529 = arith.constant 0 : i32
      %dma_wait3A_530 = tpu.memref_slice %arg7[%dma_wait3A_526, %dma_wait3A_528, %dma_wait3A_529] : memref<2x448x128xf32, #tpu.memory_space<vmem>> -> memref<1x448x128xf32, #tpu.memory_space<vmem>>
      %dma_wait3A_531 = tpu.memref_squeeze %dma_wait3A_530 : memref<1x448x128xf32, #tpu.memory_space<vmem>> -> memref<448x128xf32, #tpu.memory_space<vmem>>
      %dma_wait3A_532 = arith.constant 0 : i32
      %dma_wait3A_533 = arith.constant 0 : i32
      %dma_wait3A_534 = tpu.memref_slice %arg4[%dma_wait3A_532, %dma_wait3A_533] : memref<401408x128xf32, #tpu.memory_space<hbm>> -> memref<448x128xf32, #tpu.memory_space<hbm>>
      %dma_wait3A_535 = tpu.memref_slice %arg9[%dma_wait3A_527] : memref<2x!tpu.dma_semaphore, #tpu.memory_space<semaphore_mem>> -> memref<1x!tpu.dma_semaphore, #tpu.memory_space<semaphore_mem>>
      %dma_wait3A_536 = tpu.memref_squeeze %dma_wait3A_535 : memref<1x!tpu.dma_semaphore, #tpu.memory_space<semaphore_mem>> -> memref<!tpu.dma_semaphore, #tpu.memory_space<semaphore_mem>>
      %dma_wait3A_537 = arith.constant 0 : i32
      %dma_wait3A_538 = arith.constant 0 : i32
      %dma_wait3A_539 = tpu.memref_slice %arg4[%dma_wait3A_537, %dma_wait3A_538] : memref<401408x128xf32, #tpu.memory_space<hbm>> -> memref<448x128xf32, #tpu.memory_space<hbm>>
      %dma_wait3A_540 = arith.constant 0 : i32
      %dma_wait3A_541 = arith.constant 0 : i32
      %dma_wait3A_542 = tpu.memref_slice %arg7[%dma_wait3A_526, %dma_wait3A_540, %dma_wait3A_541] : memref<2x448x128xf32, #tpu.memory_space<vmem>> -> memref<1x448x128xf32, #tpu.memory_space<vmem>>
      %dma_wait3A_543 = tpu.memref_squeeze %dma_wait3A_542 : memref<1x448x128xf32, #tpu.memory_space<vmem>> -> memref<448x128xf32, #tpu.memory_space<vmem>>
      tpu.wait_dma2 semaphore(%dma_wait3A_536 : memref<!tpu.dma_semaphore, #tpu.memory_space<semaphore_mem>>) src(%dma_wait3A_543 : memref<448x128xf32, #tpu.memory_space<vmem>>) dst(%dma_wait3A_539 : memref<448x128xf32, #tpu.memory_space<hbm>>)
    } else {
    }
    %gt3A_461 = arith.constant 31 : i32
    %gt3A_462 = arith.cmpi sgt, %select_n3A, %gt3A_461 : i32
    %convert_element_type3A_463 = arith.extui %gt3A_462 : i1 to i32
    %cond3A_464 = arith.constant 0 : i32
    %cond3A_465 = arith.cmpi ne, %convert_element_type3A_463, %cond3A_464 : i32
    scf.if %cond3A_465 {
      %add3A_526 = arith.constant 13888 : i32
      %add3A_527 = arith.addi %select_n3A_8, %add3A_526 : i32
      "tpu.region"() ({
        %run_scoped3A = tpu.sem_alloc : memref<!tpu.dma_semaphore, #tpu.memory_space<semaphore_mem>>
        %dma_start3A_538 = tpu.memref_slice %arg3[%add3A_527] : memref<401408xi32, #tpu.memory_space<hbm>> -> memref<448xi32, #tpu.memory_space<hbm>>
        %dma_start3A_539 = tpu.memref_slice %arg3[%add3A_527] : memref<401408xi32, #tpu.memory_space<hbm>> -> memref<448xi32, #tpu.memory_space<hbm>>
        tpu.enqueue_dma source(%dma_start3A_539 : memref<448xi32, #tpu.memory_space<hbm>>) target(%arg6 : memref<448xi32, #tpu.memory_space<vmem>>) target_semaphore(%run_scoped3A : memref<!tpu.dma_semaphore, #tpu.memory_space<semaphore_mem>>)
        %dma_wait3A_540 = tpu.memref_slice %arg3[%add3A_527] : memref<401408xi32, #tpu.memory_space<hbm>> -> memref<448xi32, #tpu.memory_space<hbm>>
        %dma_wait3A_541 = tpu.memref_slice %arg3[%add3A_527] : memref<401408xi32, #tpu.memory_space<hbm>> -> memref<448xi32, #tpu.memory_space<hbm>>
        tpu.wait_dma2 semaphore(%run_scoped3A : memref<!tpu.dma_semaphore, #tpu.memory_space<semaphore_mem>>) src(%dma_wait3A_541 : memref<448xi32, #tpu.memory_space<hbm>>) dst(%arg6 : memref<448xi32, #tpu.memory_space<vmem>>)
        tpu.yield
      }) : () -> ()
      %dma_start3A = arith.constant 1 : i32
      %dma_start3A_528 = arith.constant 1 : i32
      %dma_start3A_529 = arith.constant 0 : i32
      %dma_start3A_530 = arith.constant 0 : i32
      %dma_start3A_531 = tpu.memref_slice %arg7[%dma_start3A, %dma_start3A_529, %dma_start3A_530] : memref<2x448x128xf32, #tpu.memory_space<vmem>> -> memref<1x448x128xf32, #tpu.memory_space<vmem>>
      %dma_start3A_532 = tpu.memref_squeeze %dma_start3A_531 : memref<1x448x128xf32, #tpu.memory_space<vmem>> -> memref<448x128xf32, #tpu.memory_space<vmem>>
      %dma_start3A_533 = arith.constant 0 : i32
      %dma_start3A_534 = arith.constant 0 : i32
      %dma_start3A_535 = tpu.memref_slice %arg2[%dma_start3A_533, %dma_start3A_534] : memref<50000x128xf32, #tpu.memory_space<hbm>> -> memref<50000x128xf32, #tpu.memory_space<hbm>>
      %dma_start3A_536 = tpu.memref_slice %arg8[%dma_start3A_528] : memref<2x!tpu.dma_semaphore, #tpu.memory_space<semaphore_mem>> -> memref<1x!tpu.dma_semaphore, #tpu.memory_space<semaphore_mem>>
      %dma_start3A_537 = tpu.memref_squeeze %dma_start3A_536 : memref<1x!tpu.dma_semaphore, #tpu.memory_space<semaphore_mem>> -> memref<!tpu.dma_semaphore, #tpu.memory_space<semaphore_mem>>
      tpu.enqueue_indirect_dma source(%dma_start3A_535 : memref<50000x128xf32, #tpu.memory_space<hbm>>) target(%dma_start3A_532 : memref<448x128xf32, #tpu.memory_space<vmem>>) offsets(%arg6 : memref<448xi32, #tpu.memory_space<vmem>>) semaphore(%dma_start3A_537 : memref<!tpu.dma_semaphore, #tpu.memory_space<semaphore_mem>>)
    } else {
    }
    %gt3A_466 = arith.constant 30 : i32
    %gt3A_467 = arith.cmpi sgt, %select_n3A, %gt3A_466 : i32
    %convert_element_type3A_468 = arith.extui %gt3A_467 : i1 to i32
    %cond3A_469 = arith.constant 0 : i32
    %cond3A_470 = arith.cmpi ne, %convert_element_type3A_468, %cond3A_469 : i32
    scf.if %cond3A_470 {
      %dma_wait3A_526 = arith.constant 0 : i32
      %dma_wait3A_527 = arith.constant 0 : i32
      %dma_wait3A_528 = arith.constant 0 : i32
      %dma_wait3A_529 = arith.constant 0 : i32
      %dma_wait3A_530 = tpu.memref_slice %arg7[%dma_wait3A_526, %dma_wait3A_528, %dma_wait3A_529] : memref<2x448x128xf32, #tpu.memory_space<vmem>> -> memref<1x448x128xf32, #tpu.memory_space<vmem>>
      %dma_wait3A_531 = tpu.memref_squeeze %dma_wait3A_530 : memref<1x448x128xf32, #tpu.memory_space<vmem>> -> memref<448x128xf32, #tpu.memory_space<vmem>>
      %dma_wait3A_532 = arith.constant 0 : i32
      %dma_wait3A_533 = arith.constant 0 : i32
      %dma_wait3A_534 = tpu.memref_slice %arg2[%dma_wait3A_532, %dma_wait3A_533] : memref<50000x128xf32, #tpu.memory_space<hbm>> -> memref<448x128xf32, #tpu.memory_space<hbm>>
      %dma_wait3A_535 = tpu.memref_slice %arg8[%dma_wait3A_527] : memref<2x!tpu.dma_semaphore, #tpu.memory_space<semaphore_mem>> -> memref<1x!tpu.dma_semaphore, #tpu.memory_space<semaphore_mem>>
      %dma_wait3A_536 = tpu.memref_squeeze %dma_wait3A_535 : memref<1x!tpu.dma_semaphore, #tpu.memory_space<semaphore_mem>> -> memref<!tpu.dma_semaphore, #tpu.memory_space<semaphore_mem>>
      %dma_wait3A_537 = arith.constant 0 : i32
      %dma_wait3A_538 = arith.constant 0 : i32
      %dma_wait3A_539 = tpu.memref_slice %arg7[%dma_wait3A_526, %dma_wait3A_537, %dma_wait3A_538] : memref<2x448x128xf32, #tpu.memory_space<vmem>> -> memref<1x448x128xf32, #tpu.memory_space<vmem>>
      %dma_wait3A_540 = tpu.memref_squeeze %dma_wait3A_539 : memref<1x448x128xf32, #tpu.memory_space<vmem>> -> memref<448x128xf32, #tpu.memory_space<vmem>>
      %dma_wait3A_541 = arith.constant 0 : i32
      %dma_wait3A_542 = arith.constant 0 : i32
      %dma_wait3A_543 = tpu.memref_slice %arg2[%dma_wait3A_541, %dma_wait3A_542] : memref<50000x128xf32, #tpu.memory_space<hbm>> -> memref<448x128xf32, #tpu.memory_space<hbm>>
      tpu.wait_dma2 semaphore(%dma_wait3A_536 : memref<!tpu.dma_semaphore, #tpu.memory_space<semaphore_mem>>) src(%dma_wait3A_543 : memref<448x128xf32, #tpu.memory_space<hbm>>) dst(%dma_wait3A_540 : memref<448x128xf32, #tpu.memory_space<vmem>>)
      %add3A_544 = arith.constant 13440 : i32
      %add3A_545 = arith.addi %select_n3A_8, %add3A_544 : i32
      %dma_start3A = arith.constant 0 : i32
      %dma_start3A_546 = arith.constant 0 : i32
      %dma_start3A_547 = arith.constant 0 : i32
      %dma_start3A_548 = arith.constant 0 : i32
      %dma_start3A_549 = tpu.memref_slice %arg7[%dma_start3A, %dma_start3A_547, %dma_start3A_548] : memref<2x448x128xf32, #tpu.memory_space<vmem>> -> memref<1x448x128xf32, #tpu.memory_space<vmem>>
      %dma_start3A_550 = tpu.memref_squeeze %dma_start3A_549 : memref<1x448x128xf32, #tpu.memory_space<vmem>> -> memref<448x128xf32, #tpu.memory_space<vmem>>
      %dma_start3A_551 = arith.constant 0 : i32
      %dma_start3A_552 = tpu.memref_slice %arg4[%add3A_545, %dma_start3A_551] : memref<401408x128xf32, #tpu.memory_space<hbm>> -> memref<448x128xf32, #tpu.memory_space<hbm>>
      %dma_start3A_553 = tpu.memref_slice %arg9[%dma_start3A_546] : memref<2x!tpu.dma_semaphore, #tpu.memory_space<semaphore_mem>> -> memref<1x!tpu.dma_semaphore, #tpu.memory_space<semaphore_mem>>
      %dma_start3A_554 = tpu.memref_squeeze %dma_start3A_553 : memref<1x!tpu.dma_semaphore, #tpu.memory_space<semaphore_mem>> -> memref<!tpu.dma_semaphore, #tpu.memory_space<semaphore_mem>>
      %dma_start3A_555 = arith.constant 0 : i32
      %dma_start3A_556 = tpu.memref_slice %arg4[%add3A_545, %dma_start3A_555] : memref<401408x128xf32, #tpu.memory_space<hbm>> -> memref<448x128xf32, #tpu.memory_space<hbm>>
      %dma_start3A_557 = arith.constant 0 : i32
      %dma_start3A_558 = arith.constant 0 : i32
      %dma_start3A_559 = tpu.memref_slice %arg7[%dma_start3A, %dma_start3A_557, %dma_start3A_558] : memref<2x448x128xf32, #tpu.memory_space<vmem>> -> memref<1x448x128xf32, #tpu.memory_space<vmem>>
      %dma_start3A_560 = tpu.memref_squeeze %dma_start3A_559 : memref<1x448x128xf32, #tpu.memory_space<vmem>> -> memref<448x128xf32, #tpu.memory_space<vmem>>
      tpu.enqueue_dma source(%dma_start3A_560 : memref<448x128xf32, #tpu.memory_space<vmem>>) target(%dma_start3A_556 : memref<448x128xf32, #tpu.memory_space<hbm>>) target_semaphore(%dma_start3A_554 : memref<!tpu.dma_semaphore, #tpu.memory_space<semaphore_mem>>)
    } else {
    }
    %gt3A_471 = arith.constant 32 : i32
    %gt3A_472 = arith.cmpi sgt, %select_n3A, %gt3A_471 : i32
    %convert_element_type3A_473 = arith.extui %gt3A_472 : i1 to i32
    %cond3A_474 = arith.constant 0 : i32
    %cond3A_475 = arith.cmpi ne, %convert_element_type3A_473, %cond3A_474 : i32
    scf.if %cond3A_475 {
      %dma_wait3A_526 = arith.constant 0 : i32
      %dma_wait3A_527 = arith.constant 0 : i32
      %dma_wait3A_528 = arith.constant 0 : i32
      %dma_wait3A_529 = arith.constant 0 : i32
      %dma_wait3A_530 = tpu.memref_slice %arg7[%dma_wait3A_526, %dma_wait3A_528, %dma_wait3A_529] : memref<2x448x128xf32, #tpu.memory_space<vmem>> -> memref<1x448x128xf32, #tpu.memory_space<vmem>>
      %dma_wait3A_531 = tpu.memref_squeeze %dma_wait3A_530 : memref<1x448x128xf32, #tpu.memory_space<vmem>> -> memref<448x128xf32, #tpu.memory_space<vmem>>
      %dma_wait3A_532 = arith.constant 0 : i32
      %dma_wait3A_533 = arith.constant 0 : i32
      %dma_wait3A_534 = tpu.memref_slice %arg4[%dma_wait3A_532, %dma_wait3A_533] : memref<401408x128xf32, #tpu.memory_space<hbm>> -> memref<448x128xf32, #tpu.memory_space<hbm>>
      %dma_wait3A_535 = tpu.memref_slice %arg9[%dma_wait3A_527] : memref<2x!tpu.dma_semaphore, #tpu.memory_space<semaphore_mem>> -> memref<1x!tpu.dma_semaphore, #tpu.memory_space<semaphore_mem>>
      %dma_wait3A_536 = tpu.memref_squeeze %dma_wait3A_535 : memref<1x!tpu.dma_semaphore, #tpu.memory_space<semaphore_mem>> -> memref<!tpu.dma_semaphore, #tpu.memory_space<semaphore_mem>>
      %dma_wait3A_537 = arith.constant 0 : i32
      %dma_wait3A_538 = arith.constant 0 : i32
      %dma_wait3A_539 = tpu.memref_slice %arg4[%dma_wait3A_537, %dma_wait3A_538] : memref<401408x128xf32, #tpu.memory_space<hbm>> -> memref<448x128xf32, #tpu.memory_space<hbm>>
      %dma_wait3A_540 = arith.constant 0 : i32
      %dma_wait3A_541 = arith.constant 0 : i32
      %dma_wait3A_542 = tpu.memref_slice %arg7[%dma_wait3A_526, %dma_wait3A_540, %dma_wait3A_541] : memref<2x448x128xf32, #tpu.memory_space<vmem>> -> memref<1x448x128xf32, #tpu.memory_space<vmem>>
      %dma_wait3A_543 = tpu.memref_squeeze %dma_wait3A_542 : memref<1x448x128xf32, #tpu.memory_space<vmem>> -> memref<448x128xf32, #tpu.memory_space<vmem>>
      tpu.wait_dma2 semaphore(%dma_wait3A_536 : memref<!tpu.dma_semaphore, #tpu.memory_space<semaphore_mem>>) src(%dma_wait3A_543 : memref<448x128xf32, #tpu.memory_space<vmem>>) dst(%dma_wait3A_539 : memref<448x128xf32, #tpu.memory_space<hbm>>)
    } else {
    }
    %gt3A_476 = arith.constant 32 : i32
    %gt3A_477 = arith.cmpi sgt, %select_n3A, %gt3A_476 : i32
    %convert_element_type3A_478 = arith.extui %gt3A_477 : i1 to i32
    %cond3A_479 = arith.constant 0 : i32
    %cond3A_480 = arith.cmpi ne, %convert_element_type3A_478, %cond3A_479 : i32
    scf.if %cond3A_480 {
      %add3A_526 = arith.constant 14336 : i32
      %add3A_527 = arith.addi %select_n3A_8, %add3A_526 : i32
      "tpu.region"() ({
        %run_scoped3A = tpu.sem_alloc : memref<!tpu.dma_semaphore, #tpu.memory_space<semaphore_mem>>
        %dma_start3A_538 = tpu.memref_slice %arg3[%add3A_527] : memref<401408xi32, #tpu.memory_space<hbm>> -> memref<448xi32, #tpu.memory_space<hbm>>
        %dma_start3A_539 = tpu.memref_slice %arg3[%add3A_527] : memref<401408xi32, #tpu.memory_space<hbm>> -> memref<448xi32, #tpu.memory_space<hbm>>
        tpu.enqueue_dma source(%dma_start3A_539 : memref<448xi32, #tpu.memory_space<hbm>>) target(%arg5 : memref<448xi32, #tpu.memory_space<vmem>>) target_semaphore(%run_scoped3A : memref<!tpu.dma_semaphore, #tpu.memory_space<semaphore_mem>>)
        %dma_wait3A_540 = tpu.memref_slice %arg3[%add3A_527] : memref<401408xi32, #tpu.memory_space<hbm>> -> memref<448xi32, #tpu.memory_space<hbm>>
        %dma_wait3A_541 = tpu.memref_slice %arg3[%add3A_527] : memref<401408xi32, #tpu.memory_space<hbm>> -> memref<448xi32, #tpu.memory_space<hbm>>
        tpu.wait_dma2 semaphore(%run_scoped3A : memref<!tpu.dma_semaphore, #tpu.memory_space<semaphore_mem>>) src(%dma_wait3A_541 : memref<448xi32, #tpu.memory_space<hbm>>) dst(%arg5 : memref<448xi32, #tpu.memory_space<vmem>>)
        tpu.yield
      }) : () -> ()
      %dma_start3A = arith.constant 0 : i32
      %dma_start3A_528 = arith.constant 0 : i32
      %dma_start3A_529 = arith.constant 0 : i32
      %dma_start3A_530 = arith.constant 0 : i32
      %dma_start3A_531 = tpu.memref_slice %arg7[%dma_start3A, %dma_start3A_529, %dma_start3A_530] : memref<2x448x128xf32, #tpu.memory_space<vmem>> -> memref<1x448x128xf32, #tpu.memory_space<vmem>>
      %dma_start3A_532 = tpu.memref_squeeze %dma_start3A_531 : memref<1x448x128xf32, #tpu.memory_space<vmem>> -> memref<448x128xf32, #tpu.memory_space<vmem>>
      %dma_start3A_533 = arith.constant 0 : i32
      %dma_start3A_534 = arith.constant 0 : i32
      %dma_start3A_535 = tpu.memref_slice %arg2[%dma_start3A_533, %dma_start3A_534] : memref<50000x128xf32, #tpu.memory_space<hbm>> -> memref<50000x128xf32, #tpu.memory_space<hbm>>
      %dma_start3A_536 = tpu.memref_slice %arg8[%dma_start3A_528] : memref<2x!tpu.dma_semaphore, #tpu.memory_space<semaphore_mem>> -> memref<1x!tpu.dma_semaphore, #tpu.memory_space<semaphore_mem>>
      %dma_start3A_537 = tpu.memref_squeeze %dma_start3A_536 : memref<1x!tpu.dma_semaphore, #tpu.memory_space<semaphore_mem>> -> memref<!tpu.dma_semaphore, #tpu.memory_space<semaphore_mem>>
      tpu.enqueue_indirect_dma source(%dma_start3A_535 : memref<50000x128xf32, #tpu.memory_space<hbm>>) target(%dma_start3A_532 : memref<448x128xf32, #tpu.memory_space<vmem>>) offsets(%arg5 : memref<448xi32, #tpu.memory_space<vmem>>) semaphore(%dma_start3A_537 : memref<!tpu.dma_semaphore, #tpu.memory_space<semaphore_mem>>)
    } else {
    }
    %gt3A_481 = arith.constant 31 : i32
    %gt3A_482 = arith.cmpi sgt, %select_n3A, %gt3A_481 : i32
    %convert_element_type3A_483 = arith.extui %gt3A_482 : i1 to i32
    %cond3A_484 = arith.constant 0 : i32
    %cond3A_485 = arith.cmpi ne, %convert_element_type3A_483, %cond3A_484 : i32
    scf.if %cond3A_485 {
      %dma_wait3A_526 = arith.constant 1 : i32
      %dma_wait3A_527 = arith.constant 1 : i32
      %dma_wait3A_528 = arith.constant 0 : i32
      %dma_wait3A_529 = arith.constant 0 : i32
      %dma_wait3A_530 = tpu.memref_slice %arg7[%dma_wait3A_526, %dma_wait3A_528, %dma_wait3A_529] : memref<2x448x128xf32, #tpu.memory_space<vmem>> -> memref<1x448x128xf32, #tpu.memory_space<vmem>>
      %dma_wait3A_531 = tpu.memref_squeeze %dma_wait3A_530 : memref<1x448x128xf32, #tpu.memory_space<vmem>> -> memref<448x128xf32, #tpu.memory_space<vmem>>
      %dma_wait3A_532 = arith.constant 0 : i32
      %dma_wait3A_533 = arith.constant 0 : i32
      %dma_wait3A_534 = tpu.memref_slice %arg2[%dma_wait3A_532, %dma_wait3A_533] : memref<50000x128xf32, #tpu.memory_space<hbm>> -> memref<448x128xf32, #tpu.memory_space<hbm>>
      %dma_wait3A_535 = tpu.memref_slice %arg8[%dma_wait3A_527] : memref<2x!tpu.dma_semaphore, #tpu.memory_space<semaphore_mem>> -> memref<1x!tpu.dma_semaphore, #tpu.memory_space<semaphore_mem>>
      %dma_wait3A_536 = tpu.memref_squeeze %dma_wait3A_535 : memref<1x!tpu.dma_semaphore, #tpu.memory_space<semaphore_mem>> -> memref<!tpu.dma_semaphore, #tpu.memory_space<semaphore_mem>>
      %dma_wait3A_537 = arith.constant 0 : i32
      %dma_wait3A_538 = arith.constant 0 : i32
      %dma_wait3A_539 = tpu.memref_slice %arg7[%dma_wait3A_526, %dma_wait3A_537, %dma_wait3A_538] : memref<2x448x128xf32, #tpu.memory_space<vmem>> -> memref<1x448x128xf32, #tpu.memory_space<vmem>>
      %dma_wait3A_540 = tpu.memref_squeeze %dma_wait3A_539 : memref<1x448x128xf32, #tpu.memory_space<vmem>> -> memref<448x128xf32, #tpu.memory_space<vmem>>
      %dma_wait3A_541 = arith.constant 0 : i32
      %dma_wait3A_542 = arith.constant 0 : i32
      %dma_wait3A_543 = tpu.memref_slice %arg2[%dma_wait3A_541, %dma_wait3A_542] : memref<50000x128xf32, #tpu.memory_space<hbm>> -> memref<448x128xf32, #tpu.memory_space<hbm>>
      tpu.wait_dma2 semaphore(%dma_wait3A_536 : memref<!tpu.dma_semaphore, #tpu.memory_space<semaphore_mem>>) src(%dma_wait3A_543 : memref<448x128xf32, #tpu.memory_space<hbm>>) dst(%dma_wait3A_540 : memref<448x128xf32, #tpu.memory_space<vmem>>)
      %add3A_544 = arith.constant 13888 : i32
      %add3A_545 = arith.addi %select_n3A_8, %add3A_544 : i32
      %dma_start3A = arith.constant 1 : i32
      %dma_start3A_546 = arith.constant 1 : i32
      %dma_start3A_547 = arith.constant 0 : i32
      %dma_start3A_548 = arith.constant 0 : i32
      %dma_start3A_549 = tpu.memref_slice %arg7[%dma_start3A, %dma_start3A_547, %dma_start3A_548] : memref<2x448x128xf32, #tpu.memory_space<vmem>> -> memref<1x448x128xf32, #tpu.memory_space<vmem>>
      %dma_start3A_550 = tpu.memref_squeeze %dma_start3A_549 : memref<1x448x128xf32, #tpu.memory_space<vmem>> -> memref<448x128xf32, #tpu.memory_space<vmem>>
      %dma_start3A_551 = arith.constant 0 : i32
      %dma_start3A_552 = tpu.memref_slice %arg4[%add3A_545, %dma_start3A_551] : memref<401408x128xf32, #tpu.memory_space<hbm>> -> memref<448x128xf32, #tpu.memory_space<hbm>>
      %dma_start3A_553 = tpu.memref_slice %arg9[%dma_start3A_546] : memref<2x!tpu.dma_semaphore, #tpu.memory_space<semaphore_mem>> -> memref<1x!tpu.dma_semaphore, #tpu.memory_space<semaphore_mem>>
      %dma_start3A_554 = tpu.memref_squeeze %dma_start3A_553 : memref<1x!tpu.dma_semaphore, #tpu.memory_space<semaphore_mem>> -> memref<!tpu.dma_semaphore, #tpu.memory_space<semaphore_mem>>
      %dma_start3A_555 = arith.constant 0 : i32
      %dma_start3A_556 = tpu.memref_slice %arg4[%add3A_545, %dma_start3A_555] : memref<401408x128xf32, #tpu.memory_space<hbm>> -> memref<448x128xf32, #tpu.memory_space<hbm>>
      %dma_start3A_557 = arith.constant 0 : i32
      %dma_start3A_558 = arith.constant 0 : i32
      %dma_start3A_559 = tpu.memref_slice %arg7[%dma_start3A, %dma_start3A_557, %dma_start3A_558] : memref<2x448x128xf32, #tpu.memory_space<vmem>> -> memref<1x448x128xf32, #tpu.memory_space<vmem>>
      %dma_start3A_560 = tpu.memref_squeeze %dma_start3A_559 : memref<1x448x128xf32, #tpu.memory_space<vmem>> -> memref<448x128xf32, #tpu.memory_space<vmem>>
      tpu.enqueue_dma source(%dma_start3A_560 : memref<448x128xf32, #tpu.memory_space<vmem>>) target(%dma_start3A_556 : memref<448x128xf32, #tpu.memory_space<hbm>>) target_semaphore(%dma_start3A_554 : memref<!tpu.dma_semaphore, #tpu.memory_space<semaphore_mem>>)
    } else {
    }
    %gt3A_486 = arith.constant 32 : i32
    %gt3A_487 = arith.cmpi sgt, %select_n3A, %gt3A_486 : i32
    %convert_element_type3A_488 = arith.extui %gt3A_487 : i1 to i32
    %cond3A_489 = arith.constant 0 : i32
    %cond3A_490 = arith.cmpi ne, %convert_element_type3A_488, %cond3A_489 : i32
    scf.if %cond3A_490 {
      %dma_wait3A_526 = arith.constant 0 : i32
      %dma_wait3A_527 = arith.constant 0 : i32
      %dma_wait3A_528 = arith.constant 0 : i32
      %dma_wait3A_529 = arith.constant 0 : i32
      %dma_wait3A_530 = tpu.memref_slice %arg7[%dma_wait3A_526, %dma_wait3A_528, %dma_wait3A_529] : memref<2x448x128xf32, #tpu.memory_space<vmem>> -> memref<1x448x128xf32, #tpu.memory_space<vmem>>
      %dma_wait3A_531 = tpu.memref_squeeze %dma_wait3A_530 : memref<1x448x128xf32, #tpu.memory_space<vmem>> -> memref<448x128xf32, #tpu.memory_space<vmem>>
      %dma_wait3A_532 = arith.constant 0 : i32
      %dma_wait3A_533 = arith.constant 0 : i32
      %dma_wait3A_534 = tpu.memref_slice %arg2[%dma_wait3A_532, %dma_wait3A_533] : memref<50000x128xf32, #tpu.memory_space<hbm>> -> memref<448x128xf32, #tpu.memory_space<hbm>>
      %dma_wait3A_535 = tpu.memref_slice %arg8[%dma_wait3A_527] : memref<2x!tpu.dma_semaphore, #tpu.memory_space<semaphore_mem>> -> memref<1x!tpu.dma_semaphore, #tpu.memory_space<semaphore_mem>>
      %dma_wait3A_536 = tpu.memref_squeeze %dma_wait3A_535 : memref<1x!tpu.dma_semaphore, #tpu.memory_space<semaphore_mem>> -> memref<!tpu.dma_semaphore, #tpu.memory_space<semaphore_mem>>
      %dma_wait3A_537 = arith.constant 0 : i32
      %dma_wait3A_538 = arith.constant 0 : i32
      %dma_wait3A_539 = tpu.memref_slice %arg7[%dma_wait3A_526, %dma_wait3A_537, %dma_wait3A_538] : memref<2x448x128xf32, #tpu.memory_space<vmem>> -> memref<1x448x128xf32, #tpu.memory_space<vmem>>
      %dma_wait3A_540 = tpu.memref_squeeze %dma_wait3A_539 : memref<1x448x128xf32, #tpu.memory_space<vmem>> -> memref<448x128xf32, #tpu.memory_space<vmem>>
      %dma_wait3A_541 = arith.constant 0 : i32
      %dma_wait3A_542 = arith.constant 0 : i32
      %dma_wait3A_543 = tpu.memref_slice %arg2[%dma_wait3A_541, %dma_wait3A_542] : memref<50000x128xf32, #tpu.memory_space<hbm>> -> memref<448x128xf32, #tpu.memory_space<hbm>>
      tpu.wait_dma2 semaphore(%dma_wait3A_536 : memref<!tpu.dma_semaphore, #tpu.memory_space<semaphore_mem>>) src(%dma_wait3A_543 : memref<448x128xf32, #tpu.memory_space<hbm>>) dst(%dma_wait3A_540 : memref<448x128xf32, #tpu.memory_space<vmem>>)
      %add3A_544 = arith.constant 14336 : i32
      %add3A_545 = arith.addi %select_n3A_8, %add3A_544 : i32
      %dma_start3A = arith.constant 0 : i32
      %dma_start3A_546 = arith.constant 0 : i32
      %dma_start3A_547 = arith.constant 0 : i32
      %dma_start3A_548 = arith.constant 0 : i32
      %dma_start3A_549 = tpu.memref_slice %arg7[%dma_start3A, %dma_start3A_547, %dma_start3A_548] : memref<2x448x128xf32, #tpu.memory_space<vmem>> -> memref<1x448x128xf32, #tpu.memory_space<vmem>>
      %dma_start3A_550 = tpu.memref_squeeze %dma_start3A_549 : memref<1x448x128xf32, #tpu.memory_space<vmem>> -> memref<448x128xf32, #tpu.memory_space<vmem>>
      %dma_start3A_551 = arith.constant 0 : i32
      %dma_start3A_552 = tpu.memref_slice %arg4[%add3A_545, %dma_start3A_551] : memref<401408x128xf32, #tpu.memory_space<hbm>> -> memref<448x128xf32, #tpu.memory_space<hbm>>
      %dma_start3A_553 = tpu.memref_slice %arg9[%dma_start3A_546] : memref<2x!tpu.dma_semaphore, #tpu.memory_space<semaphore_mem>> -> memref<1x!tpu.dma_semaphore, #tpu.memory_space<semaphore_mem>>
      %dma_start3A_554 = tpu.memref_squeeze %dma_start3A_553 : memref<1x!tpu.dma_semaphore, #tpu.memory_space<semaphore_mem>> -> memref<!tpu.dma_semaphore, #tpu.memory_space<semaphore_mem>>
      %dma_start3A_555 = arith.constant 0 : i32
      %dma_start3A_556 = tpu.memref_slice %arg4[%add3A_545, %dma_start3A_555] : memref<401408x128xf32, #tpu.memory_space<hbm>> -> memref<448x128xf32, #tpu.memory_space<hbm>>
      %dma_start3A_557 = arith.constant 0 : i32
      %dma_start3A_558 = arith.constant 0 : i32
      %dma_start3A_559 = tpu.memref_slice %arg7[%dma_start3A, %dma_start3A_557, %dma_start3A_558] : memref<2x448x128xf32, #tpu.memory_space<vmem>> -> memref<1x448x128xf32, #tpu.memory_space<vmem>>
      %dma_start3A_560 = tpu.memref_squeeze %dma_start3A_559 : memref<1x448x128xf32, #tpu.memory_space<vmem>> -> memref<448x128xf32, #tpu.memory_space<vmem>>
      tpu.enqueue_dma source(%dma_start3A_560 : memref<448x128xf32, #tpu.memory_space<vmem>>) target(%dma_start3A_556 : memref<448x128xf32, #tpu.memory_space<hbm>>) target_semaphore(%dma_start3A_554 : memref<!tpu.dma_semaphore, #tpu.memory_space<semaphore_mem>>)
    } else {
    }
    %dma_wait3A = arith.constant 0 : i32
    %dma_wait3A_491 = arith.constant 0 : i32
    %dma_wait3A_492 = arith.constant 0 : i32
    %dma_wait3A_493 = arith.constant 0 : i32
    %dma_wait3A_494 = tpu.memref_slice %arg7[%dma_wait3A, %dma_wait3A_492, %dma_wait3A_493] : memref<2x448x128xf32, #tpu.memory_space<vmem>> -> memref<1x448x128xf32, #tpu.memory_space<vmem>>
    %dma_wait3A_495 = tpu.memref_squeeze %dma_wait3A_494 : memref<1x448x128xf32, #tpu.memory_space<vmem>> -> memref<448x128xf32, #tpu.memory_space<vmem>>
    %dma_wait3A_496 = arith.constant 0 : i32
    %dma_wait3A_497 = arith.constant 0 : i32
    %dma_wait3A_498 = tpu.memref_slice %arg4[%dma_wait3A_496, %dma_wait3A_497] : memref<401408x128xf32, #tpu.memory_space<hbm>> -> memref<448x128xf32, #tpu.memory_space<hbm>>
    %dma_wait3A_499 = tpu.memref_slice %arg9[%dma_wait3A_491] : memref<2x!tpu.dma_semaphore, #tpu.memory_space<semaphore_mem>> -> memref<1x!tpu.dma_semaphore, #tpu.memory_space<semaphore_mem>>
    %dma_wait3A_500 = tpu.memref_squeeze %dma_wait3A_499 : memref<1x!tpu.dma_semaphore, #tpu.memory_space<semaphore_mem>> -> memref<!tpu.dma_semaphore, #tpu.memory_space<semaphore_mem>>
    %dma_wait3A_501 = arith.constant 0 : i32
    %dma_wait3A_502 = arith.constant 0 : i32
    %dma_wait3A_503 = tpu.memref_slice %arg4[%dma_wait3A_501, %dma_wait3A_502] : memref<401408x128xf32, #tpu.memory_space<hbm>> -> memref<448x128xf32, #tpu.memory_space<hbm>>
    %dma_wait3A_504 = arith.constant 0 : i32
    %dma_wait3A_505 = arith.constant 0 : i32
    %dma_wait3A_506 = tpu.memref_slice %arg7[%dma_wait3A, %dma_wait3A_504, %dma_wait3A_505] : memref<2x448x128xf32, #tpu.memory_space<vmem>> -> memref<1x448x128xf32, #tpu.memory_space<vmem>>
    %dma_wait3A_507 = tpu.memref_squeeze %dma_wait3A_506 : memref<1x448x128xf32, #tpu.memory_space<vmem>> -> memref<448x128xf32, #tpu.memory_space<vmem>>
    tpu.wait_dma2 semaphore(%dma_wait3A_500 : memref<!tpu.dma_semaphore, #tpu.memory_space<semaphore_mem>>) src(%dma_wait3A_507 : memref<448x128xf32, #tpu.memory_space<vmem>>) dst(%dma_wait3A_503 : memref<448x128xf32, #tpu.memory_space<hbm>>)
    %dma_wait3A_508 = arith.constant 1 : i32
    %dma_wait3A_509 = arith.constant 1 : i32
    %dma_wait3A_510 = arith.constant 0 : i32
    %dma_wait3A_511 = arith.constant 0 : i32
    %dma_wait3A_512 = tpu.memref_slice %arg7[%dma_wait3A_508, %dma_wait3A_510, %dma_wait3A_511] : memref<2x448x128xf32, #tpu.memory_space<vmem>> -> memref<1x448x128xf32, #tpu.memory_space<vmem>>
    %dma_wait3A_513 = tpu.memref_squeeze %dma_wait3A_512 : memref<1x448x128xf32, #tpu.memory_space<vmem>> -> memref<448x128xf32, #tpu.memory_space<vmem>>
    %dma_wait3A_514 = arith.constant 0 : i32
    %dma_wait3A_515 = arith.constant 0 : i32
    %dma_wait3A_516 = tpu.memref_slice %arg4[%dma_wait3A_514, %dma_wait3A_515] : memref<401408x128xf32, #tpu.memory_space<hbm>> -> memref<448x128xf32, #tpu.memory_space<hbm>>
    %dma_wait3A_517 = tpu.memref_slice %arg9[%dma_wait3A_509] : memref<2x!tpu.dma_semaphore, #tpu.memory_space<semaphore_mem>> -> memref<1x!tpu.dma_semaphore, #tpu.memory_space<semaphore_mem>>
    %dma_wait3A_518 = tpu.memref_squeeze %dma_wait3A_517 : memref<1x!tpu.dma_semaphore, #tpu.memory_space<semaphore_mem>> -> memref<!tpu.dma_semaphore, #tpu.memory_space<semaphore_mem>>
    %dma_wait3A_519 = arith.constant 0 : i32
    %dma_wait3A_520 = arith.constant 0 : i32
    %dma_wait3A_521 = tpu.memref_slice %arg4[%dma_wait3A_519, %dma_wait3A_520] : memref<401408x128xf32, #tpu.memory_space<hbm>> -> memref<448x128xf32, #tpu.memory_space<hbm>>
    %dma_wait3A_522 = arith.constant 0 : i32
    %dma_wait3A_523 = arith.constant 0 : i32
    %dma_wait3A_524 = tpu.memref_slice %arg7[%dma_wait3A_508, %dma_wait3A_522, %dma_wait3A_523] : memref<2x448x128xf32, #tpu.memory_space<vmem>> -> memref<1x448x128xf32, #tpu.memory_space<vmem>>
    %dma_wait3A_525 = tpu.memref_squeeze %dma_wait3A_524 : memref<1x448x128xf32, #tpu.memory_space<vmem>> -> memref<448x128xf32, #tpu.memory_space<vmem>>
    tpu.wait_dma2 semaphore(%dma_wait3A_518 : memref<!tpu.dma_semaphore, #tpu.memory_space<semaphore_mem>>) src(%dma_wait3A_525 : memref<448x128xf32, #tpu.memory_space<vmem>>) dst(%dma_wait3A_521 : memref<448x128xf32, #tpu.memory_space<hbm>>)
    return
  }
}

module attributes {stable_mosaic.version = 14 : i64} {
  func.func @_h_matmul_body(%arg0: i32, %arg1: memref<5000x128xf32, #tpu.memory_space<vmem>>, %arg2: memref<128x128xf32, #tpu.memory_space<vmem>>, %arg3: memref<5000x128xf32, #tpu.memory_space<vmem>>) attributes {dimension_semantics = [#tpu.dimension_semantics<arbitrary>], iteration_bounds = array<i64: 10>, scalar_prefetch = 0 : i64, scratch_operands = 0 : i64, tpu.core_type = #tpu.core_type<tc>, window_params = [{transform_indices = @transform_0, window_bounds = array<i64: 5000, 128>}, {pipeline_mode = #tpu.pipeline_mode<synchronous>, transform_indices = @transform_1, window_bounds = array<i64: 128, 128>}, {transform_indices = @transform_2, window_bounds = array<i64: 5000, 128>}]} {
    %get3A = arith.constant 0 : index
    %get3A_0 = arith.constant 0 : index
    %get3A_1 = vector.load %arg1[%get3A, %get3A_0] : memref<5000x128xf32, #tpu.memory_space<vmem>>, vector<5000x128xf32>
    %get3A_2 = arith.constant 0 : index
    %get3A_3 = arith.constant 0 : index
    %get3A_4 = vector.load %arg2[%get3A_2, %get3A_3] : memref<128x128xf32, #tpu.memory_space<vmem>>, vector<128x128xf32>
    %dot_general3A = arith.constant dense<0.000000e+00> : vector<5000x128xf32>
    %dot_general3A_5 = tpu.matmul %get3A_1, %get3A_4, %dot_general3A {dimension_numbers = #tpu.dot_dimension_numbers<[1], [0], [0], [1], [0, 0, 1, 1], [], []>, transpose_lhs_hint = false} : vector<5000x128xf32>, vector<128x128xf32>, vector<5000x128xf32> -> vector<5000x128xf32>
    %swap3A = arith.constant 0 : index
    %swap3A_6 = arith.constant 0 : index
    %swap3A_7 = vector.load %arg3[%swap3A, %swap3A_6] : memref<5000x128xf32, #tpu.memory_space<vmem>>, vector<5000x128xf32>
    tpu.vector_store %arg3[%swap3A, %swap3A_6], %dot_general3A_5 {strides = array<i32>} : memref<5000x128xf32, #tpu.memory_space<vmem>>, vector<5000x128xf32>,
    return
  }
  func.func @transform_0(%arg0: i32) -> (i32, i32) {
    %c0_i32 = arith.constant 0 : i32
    %c0_i32_0 = arith.constant 0 : i32
    return %arg0, %c0_i32 : i32, i32
  }
  func.func @transform_1(%arg0: i32) -> (i32, i32) {
    %c0_i32 = arith.constant 0 : i32
    %c0_i32_0 = arith.constant 0 : i32
    %c0_i32_1 = arith.constant 0 : i32
    return %c0_i32, %c0_i32_0 : i32, i32
  }
  func.func @transform_2(%arg0: i32) -> (i32, i32) {
    %c0_i32 = arith.constant 0 : i32
    %c0_i32_0 = arith.constant 0 : i32
    return %arg0, %c0_i32 : i32, i32
  }
}

module attributes {stable_mosaic.version = 14 : i64} {
  func.func @_mlp_max_body(%arg0: i32, %arg1: memref<8000x128xf32, #tpu.memory_space<vmem>>, %arg2: memref<1x3x8000xf32, #tpu.memory_space<vmem>>, %arg3: memref<3x128xf32, #tpu.memory_space<vmem>>, %arg4: memref<1x128xf32, #tpu.memory_space<vmem>>, %arg5: memref<128x128xbf16, #tpu.memory_space<vmem>>, %arg6: memref<1x128xf32, #tpu.memory_space<vmem>>, %arg7: memref<1000x128xf32, #tpu.memory_space<vmem>>) attributes {dimension_semantics = [#tpu.dimension_semantics<arbitrary>], iteration_bounds = array<i64: 50>, scalar_prefetch = 0 : i64, scratch_operands = 0 : i64, tpu.core_type = #tpu.core_type<tc>, window_params = [{transform_indices = @transform_0, window_bounds = array<i64: 8000, 128>}, {transform_indices = @transform_1, window_bounds = array<i64: 1, 3, 8000>}, {pipeline_mode = #tpu.pipeline_mode<synchronous>, transform_indices = @transform_2, window_bounds = array<i64: 3, 128>}, {pipeline_mode = #tpu.pipeline_mode<synchronous>, transform_indices = @transform_3, window_bounds = array<i64: 1, 128>}, {pipeline_mode = #tpu.pipeline_mode<synchronous>, transform_indices = @transform_4, window_bounds = array<i64: 128, 128>}, {pipeline_mode = #tpu.pipeline_mode<synchronous>, transform_indices = @transform_5, window_bounds = array<i64: 1, 128>}, {transform_indices = @transform_6, window_bounds = array<i64: 1000, 128>}]} {
    %get3A = arith.constant 0 : index
    %get3A_0 = arith.constant 0 : index
    %get3A_1 = arith.constant 0 : index
    %get3A_2 = vector.load %arg2[%get3A, %get3A_0, %get3A_1] : memref<1x3x8000xf32, #tpu.memory_space<vmem>>, vector<1x3x8000xf32>
    %get3A_3 = vector.shape_cast %get3A_2 : vector<1x3x8000xf32> to vector<3x8000xf32>
    %get3A_4 = arith.constant 0 : index
    %get3A_5 = arith.constant 0 : index
    %get3A_6 = vector.load %arg3[%get3A_4, %get3A_5] : memref<3x128xf32, #tpu.memory_space<vmem>>, vector<3x128xf32>
    %dot_general3A = arith.constant dense<0.000000e+00> : vector<8000x128xf32>
    %dot_general3A_7 = tpu.matmul %get3A_3, %get3A_6, %dot_general3A {dimension_numbers = #tpu.dot_dimension_numbers<[0], [0], [1], [1], [0, 1, 1, 1], [], []>, transpose_lhs_hint = false} : vector<3x8000xf32>, vector<3x128xf32>, vector<8000x128xf32> -> vector<8000x128xf32>
    %get3A_8 = arith.constant 0 : index
    %get3A_9 = arith.constant 0 : index
    %get3A_10 = vector.load %arg1[%get3A_8, %get3A_9] : memref<8000x128xf32, #tpu.memory_space<vmem>>, vector<8000x128xf32>
    %get3A_11 = arith.constant 0 : index
    %get3A_12 = arith.constant 0 : index
    %get3A_13 = vector.load %arg4[%get3A_11, %get3A_12] : memref<1x128xf32, #tpu.memory_space<vmem>>, vector<1x128xf32>
    %add3A = vector.broadcast %get3A_13 : vector<1x128xf32> to vector<8000x128xf32>
    %add3A_14 = arith.addf %get3A_10, %add3A : vector<8000x128xf32>
    %add3A_15 = arith.addf %add3A_14, %dot_general3A_7 : vector<8000x128xf32>
    %ge3A = arith.constant 0.000000e+00 : f32
    %ge3A_16 = vector.broadcast %ge3A : f32 to vector<8000x128xf32>
    %ge3A_17 = arith.cmpf oge, %add3A_15, %ge3A_16 : vector<8000x128xf32>
    %mul3A = arith.constant 0.00999999977 : f32
    %mul3A_18 = vector.broadcast %mul3A : f32 to vector<8000x128xf32>
    %mul3A_19 = arith.mulf %mul3A_18, %add3A_15 : vector<8000x128xf32>
    %select_n3A = arith.select %ge3A_17, %add3A_15, %mul3A_19 : vector<8000x128xi1>, vector<8000x128xf32>
    %convert_element_type3A = arith.truncf %select_n3A : vector<8000x128xf32> to vector<8000x128xbf16>
    %get3A_20 = arith.constant 0 : index
    %get3A_21 = arith.constant 0 : index
    %get3A_22 = vector.load %arg5[%get3A_20, %get3A_21] : memref<128x128xbf16, #tpu.memory_space<vmem>>, vector<128x128xbf16>
    %dot_general3A_23 = arith.constant dense<0.000000e+00> : vector<8000x128xf32>
    %dot_general3A_24 = tpu.matmul %convert_element_type3A, %get3A_22, %dot_general3A_23 {dimension_numbers = #tpu.dot_dimension_numbers<[1], [0], [0], [1], [0, 0, 1, 1], [], []>, transpose_lhs_hint = false} : vector<8000x128xbf16>, vector<128x128xbf16>, vector<8000x128xf32> -> vector<8000x128xf32>
    %reshape3A = vector.shape_cast %dot_general3A_24 : vector<8000x128xf32> to vector<1000x8x128xf32>
    %reduce_max3A = arith.constant dense<0xFF800000> : vector<1000x128xf32>
    %reduce_max3A_25 = vector.multi_reduction <maximumf>, %reshape3A, %reduce_max3A [1] : vector<1000x8x128xf32> to vector<1000x128xf32>
    %get3A_26 = arith.constant 0 : index
    %get3A_27 = arith.constant 0 : index
    %get3A_28 = vector.load %arg6[%get3A_26, %get3A_27] : memref<1x128xf32, #tpu.memory_space<vmem>>, vector<1x128xf32>
    %add3A_29 = vector.broadcast %get3A_28 : vector<1x128xf32> to vector<1000x128xf32>
    %add3A_30 = arith.addf %reduce_max3A_25, %add3A_29 : vector<1000x128xf32>
    %swap3A = arith.constant 0 : index
    %swap3A_31 = arith.constant 0 : index
    %swap3A_32 = vector.load %arg7[%swap3A, %swap3A_31] : memref<1000x128xf32, #tpu.memory_space<vmem>>, vector<1000x128xf32>
    tpu.vector_store %arg7[%swap3A, %swap3A_31], %add3A_30 {strides = array<i32>} : memref<1000x128xf32, #tpu.memory_space<vmem>>, vector<1000x128xf32>,
    return
  }
  func.func @transform_0(%arg0: i32) -> (i32, i32) {
    %c0_i32 = arith.constant 0 : i32
    %c0_i32_0 = arith.constant 0 : i32
    return %arg0, %c0_i32 : i32, i32
  }
  func.func @transform_1(%arg0: i32) -> (i32, i32, i32) {
    %c0_i32 = arith.constant 0 : i32
    %c0_i32_0 = arith.constant 0 : i32
    %c0_i32_1 = arith.constant 0 : i32
    return %arg0, %c0_i32, %c0_i32_0 : i32, i32, i32
  }
  func.func @transform_2(%arg0: i32) -> (i32, i32) {
    %c0_i32 = arith.constant 0 : i32
    %c0_i32_0 = arith.constant 0 : i32
    %c0_i32_1 = arith.constant 0 : i32
    return %c0_i32, %c0_i32_0 : i32, i32
  }
  func.func @transform_3(%arg0: i32) -> (i32, i32) {
    %c0_i32 = arith.constant 0 : i32
    %c0_i32_0 = arith.constant 0 : i32
    %c0_i32_1 = arith.constant 0 : i32
    return %c0_i32, %c0_i32_0 : i32, i32
  }
  func.func @transform_4(%arg0: i32) -> (i32, i32) {
    %c0_i32 = arith.constant 0 : i32
    %c0_i32_0 = arith.constant 0 : i32
    %c0_i32_1 = arith.constant 0 : i32
    return %c0_i32, %c0_i32_0 : i32, i32
  }
  func.func @transform_5(%arg0: i32) -> (i32, i32) {
    %c0_i32 = arith.constant 0 : i32
    %c0_i32_0 = arith.constant 0 : i32
    %c0_i32_1 = arith.constant 0 : i32
    return %c0_i32, %c0_i32_0 : i32, i32
  }
  func.func @transform_6(%arg0: i32) -> (i32, i32) {
    %c0_i32 = arith.constant 0 : i32
    %c0_i32_0 = arith.constant 0 : i32
    return %arg0, %c0_i32 : i32, i32
  }
}

</mosaic_0001>

<sc_bundles>
// kernel: kernel.5.cloned.1.call-start
scs
__scs_entry_jumppad:
0x0: {  	(pc) =	sbr.rel $0x88, $3  }
0x1: {  	(tag) =	ssettag $0x0;
	lr =	simm.s32 $0x1  }
0x2: {  	[smem:$0x3F9A] =	sst lr;
	_ =	strace $0xD0000000  }
0x3: {  	_ = 	snop  }
0x4: {  	_ = 	snop  }
0x5: {  	_ = 	snop  }
0x6: {  	_ = 	snop  }
0x7: {  	_ = 	snop  }
__scs_overlays_trampoline_lowered:
0x8: {  	[smem:$0x3FA9] =	sst s0  }
0x9: {  	[smem:$0x3FAA] =	sst s1  }
0xa: {  	[smem:$0x3FAB] =	sst s2  }
0xb: {  	[smem:$0x3FAC] =	sst s3  }
0xc: {  	[smem:$0x3FAD] =	sst s4  }
0xd: {  	[smem:$0x3FAE] =	sst s5  }
0xe: {  	[smem:$0x3FAF] =	sst s6  }
0xf: {  	[smem:$0x3FB0] =	sst s7  }
0x10: {  	[smem:$0x3FB1] =	sst s8  }
0x11: {  	[smem:$0x3FB2] =	sst s9;
	s0 =	simm.s32 @!p0 $0x0  }
0x12: {  	s1 =	sld [smem:$0x3F98];
	s0 =	simm.s32 @p0 $0x1  }
0x13: {  	[smem:$0x3FB3] =	sst s0;
	s0 =	simm.s32 @!p1 $0x0  }
0x14: {  	s2 =	sld [smem:$0x3F97];
	s0 =	simm.s32 @p1 $0x1  }
0x15: {  	[smem:$0x3FB4] =	sst s0;
	s0 =	simm.s32 @!p2 $0x0  }
0x16: {  	s3 =	sld [smem:$0x3FDB];
	s0 =	simm.s32 @p2 $0x1  }
0x17: {  	s4 =	simm.s32 $0x1BF5;
	[smem:$0x3FB6] =	sst s0  }
0x18: {  	s0 =	sld [smem:$0x3F99];
	_ =	swait.ge [sflag:s4], $0x0  }
0x19: {  	s7 =	sld [smem:$0x3F9A]  }
0x1a: {  	s8 =	sadd.s32 $0xFFFFE003, lr  }
0x1b: {  	s9 =	sadd.s32 $0xFFFFFEF7, lr;
	s5 =	simm.s32 $0xFFFFFFFF;
	p2 =	slt.u32 s8, $0xFFFFF086  }
0x1c: {  	p1 =	slt.u32 s9, $0xF7A;
	s5 =	simm.s32 @!p2 $0x0  }
0x1d: {  	s5 =	simm.s32 @p1 $0x1;
	p0 =	seq.s32 s7, s2  }
0x1e: {  	s7 =	smul.u32 @!p0 $0xF7A, s2;
	p2 =	seq.s32 @!p0 s5, $0x0  }
0x1f: {  	s9 =	smul.u32 $0xF7A, s1;
	s8 =	simm.s32 @!p0 $0x1BF5;
	p2 =	por !p2, p0  }
0x20: {  	[sflag:s8] =	ssyncset.s32 @!p0 $0xFFFFF086;
	s6 =	sadd.s32 @!p0 s3, s7;
	s7 =	simm.s32 @!p0 $0x108  }
0x21: {  	s3 =	sadd.s32 s3, s9;
	s6 =	sadd.s32 @!p0 $0x88, s6;
	s7 =	simm.s32 @p2 $0x1082  }
0x22: {  	[simem:s7], [sflag:s8] =	dma.local @!p0 [hbm:s6], $0xF7A  }
0x23: {  	s9 =	sor.u32 $0xD0000000, s2;
	s6 =	simm.s32 $0x108;
	_ =	swait.ge @!p0 [sflag:s8], $0x0  }
0x24: {  	s3 =	sadd.s32 $0x88, s3;
	s6 =	simm.s32 @!p1 $0x1082;
	[sflag:s4] =	ssyncset.s32 $0xFFFFF086  }
0x25: {  	[simem:s6], [sflag:s4] =	dma.local [hbm:s3], $0xF7A  }
0x26: {  	[smem:$0x3F9A] =	sst s1;
	(tag) =	ssettag s2;
	_ =	strace s9  }
0x27: {  	s1 =	sld [smem:$0x3FAA]  }
0x28: {  	s2 =	sld [smem:$0x3FAB]  }
0x29: {  	s4 =	sld [smem:$0x3FAD]  }
0x2a: {  	p0 =	seq.s32 s5, $0x0;
	s5 =	sld [smem:$0x3FAE]  }
0x2b: {  	s6 =	sld [smem:$0x3FAF]  }
0x2c: {  	s7 =	sld [smem:$0x3FB0]  }
0x2d: {  	s3 =	simm.s32 $0x108;
	s8 =	sld [smem:$0x3FB1]  }
0x2e: {  	s3 =	simm.s32 @!p0 $0x1082;
	s9 =	sld [smem:$0x3FB2]  }
0x2f: {  	lr =	sadd.s32 s0, s3;
	s0 =	sld [smem:$0x3FA9]  }
0x30: {  	s3 =	sld [smem:$0x3FAC]  }
0x31: {  	[smem:$0x3FB5] =	sst s10  }
0x32: {  	s10 =	sld [smem:$0x3FB3];
	_ =	sdelay $0x3  }
0x33: {  	p0 =	seq.s32 s10, $0x1;
	s10 =	sld [smem:$0x3FB5];
	_ =	sdelay $0x3  }
0x34: {  	[smem:$0x3FB5] =	sst s10  }
0x35: {  	s10 =	sld [smem:$0x3FB4];
	_ =	sdelay $0x3  }
0x36: {  	p1 =	seq.s32 s10, $0x1;
	s10 =	sld [smem:$0x3FB5];
	_ =	sdelay $0x3  }
0x37: {  	[smem:$0x3FB5] =	sst s10  }
0x38: {  	s10 =	sld [smem:$0x3FB6]  }
0x39: {  	_ = 	snop;
	(pc) =	sbr.ind lr, $3  }
0x3a: {  	_ = 	snop  }
0x3b: {  	_ = 	snop  }
0x3c: {  	p2 =	seq.s32 s10, $0x1;
	s10 =	sld [smem:$0x3FB5]  }
0x3d: {  	_ =	shalt  }
0x3e: {  	_ =	shalt  }
0x3f: {  	_ =	shalt  }
0x40: {  	_ =	shalt  }
0x41: {  	_ =	shalt  }
0x42: {  	_ =	shalt  }
0x43: {  	_ =	shalt  }
0x44: {  	_ =	shalt  }
0x45: {  	_ =	shalt  }
0x46: {  	_ =	shalt  }
0x47: {  	_ =	shalt  }
0x48: {  	_ =	shalt  }
0x49: {  	_ =	shalt  }
0x4a: {  	_ =	shalt  }
0x4b: {  	_ =	shalt  }
0x4c: {  	_ =	shalt  }
0x4d: {  	_ =	shalt  }
0x4e: {  	_ =	shalt  }
0x4f: {  	_ =	shalt  }
0x50: {  	_ =	shalt  }
0x51: {  	_ =	shalt  }
0x52: {  	_ =	shalt  }
0x53: {  	_ =	shalt  }
0x54: {  	_ =	shalt  }
0x55: {  	_ =	shalt  }
0x56: {  	_ =	shalt  }
0x57: {  	_ =	shalt  }
0x58: {  	_ =	shalt  }
0x59: {  	_ =	shalt  }
0x5a: {  	_ =	shalt  }
0x5b: {  	_ =	shalt  }
0x5c: {  	_ =	shalt  }
0x5d: {  	_ =	shalt  }
0x5e: {  	_ =	shalt  }
0x5f: {  	_ =	shalt  }
0x60: {  	_ =	shalt  }
0x61: {  	_ =	shalt  }
0x62: {  	_ =	shalt  }
0x63: {  	_ =	shalt  }
0x64: {  	_ =	shalt  }
0x65: {  	_ =	shalt  }
0x66: {  	_ =	shalt  }
0x67: {  	_ =	shalt  }
0x68: {  	_ =	shalt  }
0x69: {  	_ =	shalt  }
0x6a: {  	_ =	shalt  }
0x6b: {  	_ =	shalt  }
0x6c: {  	_ =	shalt  }
0x6d: {  	_ =	shalt  }
0x6e: {  	_ =	shalt  }
0x6f: {  	_ =	shalt  }
0x70: {  	_ =	shalt  }
0x71: {  	_ =	shalt  }
0x72: {  	_ =	shalt  }
0x73: {  	_ =	shalt  }
0x74: {  	_ =	shalt  }
0x75: {  	_ =	shalt  }
0x76: {  	_ =	shalt  }
0x77: {  	_ =	shalt  }
0x78: {  	_ =	shalt  }
0x79: {  	_ =	shalt  }
0x7a: {  	_ =	shalt  }
0x7b: {  	_ =	shalt  }
0x7c: {  	_ =	shalt  }
0x7d: {  	_ =	shalt  }
0x7e: {  	_ =	shalt  }
0x7f: {  	_ =	shalt  }
0x80: {  	_ =	shalt  }
0x81: {  	_ =	shalt  }
0x82: {  	_ =	shalt  }
0x83: {  	_ =	shalt  }
0x84: {  	_ =	shalt  }
0x85: {  	_ =	shalt  }
0x86: {  	_ =	shalt  }
0x87: {  	_ =	shalt  }
.Lfunc_end0:
.L_simem_size_0:
called_computation_lowered:
.L_overlay_start_0:
0x88: {  	s2 =	sld [smem:$0x3FD9]  }
0x89: {  	s3 =	sld [smem:$0x3FFE];
	_ =	sdelay $0x1  }
0x8a: {  	s1 =	srdreg.scid  }
0x8b: {  	s0 =	sand.u32 $0x1, s1  }
0x8c: {  	s17 =	sshll.u32 s0, $0xA;
	s2 =	sadd.s32 s3, s2  }
0x8d: {  	s2 =	sadd.s32 s2, s17  }
0x8e: {  	[smem:$0x3FC1] =	sst s2  }
0x8f: {  	_ = 	snop  }
0x90: {  	s2 =	sld [smem:$0x3FD0];
	(tm) =	ssettm $0x1  }
0x91: {  	s18 =	sld [smem:$0x3FFB];
	_ =	sdelay $0x3  }
0x92: {  	_ =	strace s18  }
0x93: {  	s3 =	sld [smem:$0x3FFC];
	_ =	sdelay $0x3  }
0x94: {  	_ =	strace s3  }
0x95: {  	s3 =	sld [smem:$0x3FFD];
	_ =	sdelay $0x3  }
0x96: {  	_ =	strace s3  }
0x97: {  	_ =	strace $0x8FFFFFFF  }
0x98: {  	s19 =	sld [smem:$0x3FDB];
	_ =	sdelay $0x1  }
0x99: {  	s4 =	simm.s32 $_scs_section_size  }
0x9a: {  	s5 =	simm.s32 $_size__tile_overlayer_lowered;
	s6 =	simm.s32 $_tile_overlayer_lowered  }
0x9b: {  	s22 =	simm.s32 $0x1BFF;
	s21 =	sshll.u32 s6, $0x1;
	s3 =	sadd.s32 s4, s19  }
0x9c: {  	s7 =	simm.s32 $0x0;
	s20 =	sshll.u32 s5, $0x1;
	s5 =	sadd.s32 s21, s3  }
0x9d: {  	[timem:s7], [sflag:s22] =	dma.local [hbm:s5], s20  }
0x9e: {  	_ =	swait.ge [sflag:s22], s20  }
0x9f: {  	s4 =	ssub.s32 $0x0, s20;
	[sflag:s22] =	ssyncset.done $0x0  }
0xa0: {  	[sflag:s22] =	ssyncadd.s32 s4;
	_ =	sdelay $0x1  }
0xa1: {  	s23 =	simm.s32 $0x1B8B  }
0xa2: {  	_ =	swait.ge [sflag:s23], $0x1  }
0xa3: {  	[sflag:s23] =	ssyncset.done $0x0  }
0xa4: {  	s25 =	simm.s32 $0x1B8E;
	s24 =	sld [smem:$0x3FFE];
	[sflag:s23] =	ssyncadd.s32 $0xFFFFFFFF  }
0xa5: {  	s26 =	simm.s32 $execute0_lowered;
	[smem:$0x3FD2] =	sst s25  }
0xa6: {  	s5 =	sshll.u32 s26, $0x1;
	_ =	strace $0x80000046;
	[dreg:$0x1] =	wrdreg $0xFFFFFFFF  }
0xa7: {  	s28 =	simm.s32 $_size_execute0_lowered;
	s3 =	sadd.s32 s3, s5;
	[dreg:$0x0] =	wrdreg $0x0  }
0xa8: {  	s5 =	sshll.u32 s28, $0x1;
	[dreg:$0x2] =	wrdreg s3  }
0xa9: {  	[dreg:$0x3] =	wrdreg s5  }
0xaa: {  	[dreg:$0x4] =	wrdreg $0xC0  }
0xab: {  	_ =	task [dreg:s7], $0x5FFFF  }
0xac: {  	[dreg:$0x1] =	wrdreg $0xFFFFFFFF  }
0xad: {  	[dreg:$0x0] =	wrdreg $0x60  }
0xae: {  	[dreg:$0x2] =	wrdreg s2  }
0xaf: {  	[dreg:$0x3] =	wrdreg s24  }
0xb0: {  	[dreg:$0x4] =	wrdreg $0x9  }
0xb1: {  	_ =	task.clear_ibuf [dreg:s7], $0x5FFFF;
	_ =	strace $0x90000046  }
0xb2: {  	s29 =	simm.s32 $0x9;
	_ =	strace $0x80000048  }
0xb3: {  	_ =	swait.ge [sflag:s29], $0x1  }
0xb4: {  	[sflag:s29] =	ssyncadd.s32 $0xFFFFFFFF  }
0xb5: {  	_ =	strace $0x90000048  }
0xb6: {  	_ =	sfence  }
0xb7: {  	s30 =	sld [smem:$0x0];
	_ =	sdelay $0x2  }
0xb8: {  	s31 =	sshll.u32 s1, $0xD;
	s1 =	sshrl.u32 s1, $0x2  }
0xb9: {  	s3 =	sand.u32 $0x4000, s31;
	s1 =	sadd.s32 s1, s30  }
0xba: {  	s0 =	sor.u32 s3, s0;
	s1 =	sshll.u32 s1, $0x11  }
0xbb: {  	s0 =	sor.u32 s1, s0  }
0xbc: {  	s0 =	sadd.s32 $0x8F2B, s0  }
0xbd: {  	[sflag:s0] =	ssyncadd.remote.s32 $0x1  }
0xbe: {  	_ =	sfence.sel $0xFFFF  }
0xbf: {  	[dreg:$0x0] =	wrdreg $0xFFFFFFFF;
	(pc) =	sbr.abs _section_cstart, $3  }
0xc0: {  	[dreg:$0x1] =	wrdreg $0xFFFFFFFF  }
0xc1: {  	_ =	task.clear_ibuf [dreg:s7], $0x2FFFF;
	_ =	strace $0x9FFFFFFF  }
0xc2: {  	(tm) =	ssettm $0x7FFFFFFF  }
0xc3: {  	_ =	shalt  }
tec
execute0_lowered:
.L_overlay_start_1:
0x0: {  	(tag) =	ssettag $0x1  }
0x1: {  	s5 =	stileid.u32  }
0x2: {  	s1 =	srdreg.scid;
	s4 =	smul.u32 $0x2840, s5  }
0x3: {  	s1 =	sand.u32 $0x1, s1;
	s5 =	smul.u32 $0x39C0, s5  }
0x4: {  	s0 =	rddreg [dreg:$0x1];
	p0 =	seq.s32 s1, $0x0;
	s4 =	sadd.s32 $0x39C00, s4  }
0x5: {  	s6 =	sadd.s32 $0xE00, s0;
	s4 =	smov.u32 @p0 s5;
	s5 =	sshrl.u32 s5, $0x3  }
0x6: {  	s2 =	rddreg [dreg:$0x0];
	s3 =	simm.s32 $0x0;
	s5 =	sadd.s32 s6, s5  }
0x7: {  	[smem:$0x7FF] =	sst s3;
	s10 =	sadd.s32 $0x508, s5  }
0x8: {  	_ =	strace $0x80000047;
	s11 =	sadd.s32 $0x540, s5;
	[dreg:$0xc] =	wrdreg s10  }
0x9: {  	s12 =	sadd.s32 $0x578, s5;
	[dreg:$0xd] =	wrdreg s11  }
0xa: {  	s13 =	sadd.s32 $0x5B0, s5;
	[dreg:$0xe] =	wrdreg s12  }
0xb: {  	s14 =	sadd.s32 $0x5E8, s5;
	[dreg:$0xf] =	wrdreg s13  }
0xc: {  	s15 =	sadd.s32 $0x620, s5;
	[dreg:$0x10] =	wrdreg s14  }
0xd: {  	s16 =	sadd.s32 $0x658, s5;
	[dreg:$0x11] =	wrdreg s15  }
0xe: {  	s17 =	sadd.s32 $0x690, s5;
	[dreg:$0x12] =	wrdreg s16  }
0xf: {  	s8 =	sshll.u32 s4, $0x4;
	s18 =	sadd.s32 $0x6C8, s5;
	[dreg:$0x13] =	wrdreg s17  }
0x10: {  	s0 =	sadd.s32 s8, s0;
	s19 =	sadd.s32 $0x700, s5;
	[dreg:$0x14] =	wrdreg s18  }
0x11: {  	s8 =	sadd.s32 $0xD200, s0;
	[dreg:$0x15] =	wrdreg s19  }
0x12: {  	s21 =	sadd.s32 $0xEE00, s0;
	[dreg:$0x3] =	wrdreg s8  }
0x13: {  	s22 =	sadd.s32 $0x10A00, s0;
	[dreg:$0x4] =	wrdreg s21  }
0x14: {  	s23 =	sadd.s32 $0x12600, s0;
	[dreg:$0x5] =	wrdreg s22  }
0x15: {  	s24 =	sadd.s32 $0x14200, s0;
	[dreg:$0x6] =	wrdreg s23  }
0x16: {  	s7 =	ssub.s32 $0x2, s1;
	s25 =	sadd.s32 $0x15E00, s0;
	[dreg:$0x7] =	wrdreg s24  }
0x17: {  	s9 =	sshrl.u32 s7, $0x1;
	s26 =	sadd.s32 $0x17A00, s0;
	[dreg:$0x8] =	wrdreg s25  }
0x18: {  	s7 =	ssub.s32 s7, s9;
	s9 =	sadd.s32 $0x1B200, s0;
	[dreg:$0x9] =	wrdreg s26  }
0x19: {  	s20 =	sadd.s32 $0x1CE00, s0;
	[dreg:$0xb] =	wrdreg s9  }
0x1a: {  	s4 =	sshrl.u32 s4, $0x3;
	s5 =	sadd.s32 $0x29200, s0;
	[dreg:$0x16] =	wrdreg s20  }
0x1b: {  	s4 =	sadd.s32 s6, s4;
	s6 =	sadd.s32 $0x2AE00, s0;
	[dreg:$0x1d] =	wrdreg s5  }
0x1c: {  	s10 =	sadd.s32 $0x30200, s0;
	[dreg:$0x1e] =	wrdreg s6  }
0x1d: {  	s11 =	sadd.s32 $0x31E00, s0;
	[smem:$0x7EC] =	sst s10  }
0x1e: {  	s12 =	sadd.s32 $0x35600, s0;
	[smem:$0x7ED] =	sst s11  }
0x1f: {  	s13 =	sadd.s32 $0x37200, s0;
	[smem:$0x7EE] =	sst s12  }
0x20: {  	s14 =	sadd.s32 $0x38E00, s0;
	[smem:$0x7EF] =	sst s13  }
0x21: {  	s15 =	sadd.s32 $0x3AA00, s0;
	[smem:$0x7F0] =	sst s14  }
0x22: {  	p0 =	sne.s32 s1, $0x0;
	s16 =	sadd.s32 $0x3C600, s0;
	[smem:$0x7F1] =	sst s15  }
0x23: {  	s17 =	sadd.s32 $0x3E200, s0;
	s18 =	sadd.s32 $0x3FE00, s0;
	[smem:$0x7F2] =	sst s16  }
0x24: {  	s19 =	sadd.s32 $0x41A00, s0;
	s28 =	sadd.s32 $0x3B8, s4;
	[smem:$0x7F3] =	sst s17  }
0x25: {  	s29 =	sadd.s32 $0x3F0, s4;
	s30 =	sadd.s32 $0x428, s4;
	[smem:$0x7F4] =	sst s18  }
0x26: {  	s31 =	sadd.s32 $0x460, s4;
	s8 =	sadd.s32 $0x19600, s0;
	[smem:$0x7F5] =	sst s19  }
0x27: {  	s1 =	sadd.s32 $0x4D0, s4;
	s21 =	sadd.s32 $0x1EA00, s0;
	[dreg:$0xa] =	wrdreg s8  }
0x28: {  	s22 =	sadd.s32 $0x20600, s0;
	s23 =	sadd.s32 $0x22200, s0;
	[dreg:$0x17] =	wrdreg s21  }
0x29: {  	s24 =	sadd.s32 $0x23E00, s0;
	s25 =	sadd.s32 $0x25A00, s0;
	[dreg:$0x18] =	wrdreg s22  }
0x2a: {  	s26 =	sadd.s32 $0x27600, s0;
	s9 =	sadd.s32 $0x2E600, s0;
	[dreg:$0x19] =	wrdreg s23  }
0x2b: {  	s6 =	sadd.s32 $0x33A00, s0;
	s20 =	sadd.s32 $0x43600, s0;
	[dreg:$0x1a] =	wrdreg s24  }
0x2c: {  	s19 =	smax.u32 s7, $0x1;
	s7 =	sadd.s32 $0x188, s4;
	[dreg:$0x1b] =	wrdreg s25  }
0x2d: {  	s10 =	sadd.s32 $0x230, s4;
	s11 =	sadd.s32 $0x268, s4;
	[dreg:$0x1c] =	wrdreg s26  }
0x2e: {  	s12 =	sadd.s32 $0x2A0, s4;
	s13 =	sadd.s32 $0x2D8, s4;
	[smem:$0x7EB] =	sst s9  }
0x2f: {  	s14 =	simm.s32 $0x5;
	s8 =	sadd.s32 $0x2CA00, s0;
	[smem:$0x7F6] =	sst s20  }
0x30: {  	s15 =	simm.s32 $0x1C0;
	s0 =	sadd.s32 $0x45200, s0;
	[dreg:$0x1f] =	wrdreg s8  }
0x31: {  	s16 =	simm.s32 $0x400;
	s21 =	sadd.s32 $0x38, s4;
	[smem:$0x7F7] =	sst s0  }
0x32: {  	s17 =	simm.s32 $0x200;
	s22 =	sadd.s32 $0x70, s4;
	[smem:$0x7F8] =	sst s21  }
0x33: {  	s5 =	simm.s32 $0x4;
	s23 =	sadd.s32 $0xA8, s4;
	[smem:$0x7F9] =	sst s22  }
0x34: {  	s24 =	sadd.s32 $0xE0, s4;
	s25 =	sadd.s32 $0x118, s4;
	[smem:$0x7FA] =	sst s23  }
.Ltmp0:
0x35: {  	s26 =	sadd.s32 $0x150, s4;
	[smem:$0x7FB] =	sst s24;
	(pc) =	sbr.rel .LBB2_1-.Ltmp0, $4  }
0x36: {  	s9 =	sadd.s32 $0x1F8, s4;
	s20 =	simm.s32 $0xE400;
	[smem:$0x7FC] =	sst s25  }
0x37: {  	[smem:$0x7FD] =	sst s26;
	s8 =	sadd.s32 $0x1C0, s4;
	s24 =	sadd.s32 $0x310, s4  }
0x38: {  	s25 =	sadd.s32 $0x348, s4;
	s26 =	sadd.s32 $0x380, s4;
	s0 =	sadd.s32 $0x498, s4  }
0x39: {  	s21 =	simm.s32 $0x1;
	s22 =	simm.s32 $0x3;
	s23 =	simm.s32 $0x2  }
.LBB2_3:
0x3a: {  	_ =	swait.ge [sflag:s21], $0xE000  }
0x3b: {  	[sflag:s21] =	ssyncset.done $0x0  }
0x3c: {  	s19 =	sadd.s32 $0xFFFFFFFF, s19;
	[sflag:s21] =	ssyncadd.s32 $0xFFFF2000  }
0x3d: {  	[hbm4b:s18+s3] =	stream.linear.scatter [tilespmem:s16], [sflag:$0x3], $0xE000, $0x38;
	[tilespmem:$0x1C400] =	vst v63  }
0x3e: {  	p1 =	sne.s32 s19, $0x0;
	_ =	swait.ge [sflag:s22], $0xE000  }
.Ltmp1:
0x3f: {  	[sflag:s22] =	ssyncset.done $0x0;
	(pc) =	sbr.rel @!p1 .LBB2_4-.Ltmp1, $4  }
0x40: {  	[sflag:s22] =	ssyncadd.s32 $0xFFFF2000  }
0x41: {  	_ =	swait.ge [sflag:s5], $0xE000  }
0x42: {  	[sflag:s5] =	ssyncset.done $0x0  }
0x43: {  	[sflag:s5] =	ssyncadd.s32 $0xFFFF2000  }
.LBB2_1:
0x44: {  	[tilespmem:s3], [sflag:$0x5] =	stream.linear.gather [hbm4b:s4+s3], $0x1C0, $0x38;
	[tilespmem:$0x1C400] =	vst v63  }
0x45: {  	_ =	swait.ge [sflag:s14], $0x1C0  }
0x46: {  	[sflag:s14] =	ssyncset.done $0x0  }
0x47: {  	s18 =	sld [smem:$0x7F8];
	[sflag:s14] =	ssyncadd.s32 $0xFFFFFE40  }
0x48: {  	[tilespmem:s16], [sflag:$0x1] =	stream.indirect.gather [hbm4b:s2+s15], $0x80, s3, s15, $0xb8;
	[tilespmem:$0x1C400] =	vst v63  }
0x49: {  	_ = 	snop  }
0x4a: {  	[tilespmem:s17], [sflag:$0x5] =	stream.linear.gather [hbm4b:s18+s3], $0x1C0, $0x38;
	[tilespmem:$0x1C400] =	vst v63  }
0x4b: {  	_ =	swait.ge [sflag:s14], $0x1C0  }
0x4c: {  	[sflag:s14] =	ssyncset.done $0x0  }
0x4d: {  	[sflag:s14] =	ssyncadd.s32 $0xFFFFFE40  }
0x4e: {  	[tilespmem:s20], [sflag:$0x2] =	stream.indirect.gather [hbm4b:s2+s15], $0x80, s17, s15, $0xb8;
	[tilespmem:$0x1C400] =	vst v63  }
0x4f: {  	_ =	swait.ge [sflag:s21], $0xE000  }
0x50: {  	[sflag:s21] =	ssyncset.done $0x0  }
0x51: {  	s18 =	rddreg [dreg:$0x3];
	[sflag:s21] =	ssyncadd.s32 $0xFFFF2000  }
0x52: {  	[hbm4b:s18+s3] =	stream.linear.scatter [tilespmem:s16], [sflag:$0x3], $0xE000, $0x38;
	[tilespmem:$0x1C400] =	vst v63  }
0x53: {  	_ =	swait.ge [sflag:s22], $0xE000  }
0x54: {  	s18 =	sld [smem:$0x7F9]  }
0x55: {  	[sflag:s22] =	ssyncset.done $0x0  }
0x56: {  	[sflag:s22] =	ssyncadd.s32 $0xFFFF2000  }
0x57: {  	[tilespmem:s3], [sflag:$0x5] =	stream.linear.gather [hbm4b:s18+s3], $0x1C0, $0x38;
	[tilespmem:$0x1C400] =	vst v63  }
0x58: {  	_ =	swait.ge [sflag:s14], $0x1C0  }
0x59: {  	[sflag:s14] =	ssyncset.done $0x0  }
0x5a: {  	[sflag:s14] =	ssyncadd.s32 $0xFFFFFE40  }
0x5b: {  	[tilespmem:s16], [sflag:$0x1] =	stream.indirect.gather [hbm4b:s2+s15], $0x80, s3, s15, $0xb8;
	[tilespmem:$0x1C400] =	vst v63  }
0x5c: {  	_ =	swait.ge [sflag:s23], $0xE000  }
0x5d: {  	[sflag:s23] =	ssyncset.done $0x0  }
0x5e: {  	s18 =	rddreg [dreg:$0x4];
	[sflag:s23] =	ssyncadd.s32 $0xFFFF2000  }
0x5f: {  	[hbm4b:s18+s3] =	stream.linear.scatter [tilespmem:s20], [sflag:$0x4], $0xE000, $0x38;
	[tilespmem:$0x1C400] =	vst v63  }
0x60: {  	_ =	swait.ge [sflag:s5], $0xE000  }
0x61: {  	s18 =	sld [smem:$0x7FA]  }
0x62: {  	[sflag:s5] =	ssyncset.done $0x0  }
0x63: {  	[sflag:s5] =	ssyncadd.s32 $0xFFFF2000  }
0x64: {  	[tilespmem:s17], [sflag:$0x5] =	stream.linear.gather [hbm4b:s18+s3], $0x1C0, $0x38;
	[tilespmem:$0x1C400] =	vst v63  }
0x65: {  	_ =	swait.ge [sflag:s14], $0x1C0  }
0x66: {  	[sflag:s14] =	ssyncset.done $0x0  }
0x67: {  	[sflag:s14] =	ssyncadd.s32 $0xFFFFFE40  }
0x68: {  	[tilespmem:s20], [sflag:$0x2] =	stream.indirect.gather [hbm4b:s2+s15], $0x80, s17, s15, $0xb8;
	[tilespmem:$0x1C400] =	vst v63  }
0x69: {  	_ =	swait.ge [sflag:s21], $0xE000  }
0x6a: {  	[sflag:s21] =	ssyncset.done $0x0  }
0x6b: {  	s18 =	rddreg [dreg:$0x5];
	[sflag:s21] =	ssyncadd.s32 $0xFFFF2000  }
0x6c: {  	[hbm4b:s18+s3] =	stream.linear.scatter [tilespmem:s16], [sflag:$0x3], $0xE000, $0x38;
	[tilespmem:$0x1C400] =	vst v63  }
0x6d: {  	_ =	swait.ge [sflag:s22], $0xE000  }
0x6e: {  	s18 =	sld [smem:$0x7FB]  }
0x6f: {  	[sflag:s22] =	ssyncset.done $0x0  }
0x70: {  	[sflag:s22] =	ssyncadd.s32 $0xFFFF2000  }
0x71: {  	[tilespmem:s3], [sflag:$0x5] =	stream.linear.gather [hbm4b:s18+s3], $0x1C0, $0x38;
	[tilespmem:$0x1C400] =	vst v63  }
0x72: {  	_ =	swait.ge [sflag:s14], $0x1C0  }
0x73: {  	[sflag:s14] =	ssyncset.done $0x0  }
0x74: {  	[sflag:s14] =	ssyncadd.s32 $0xFFFFFE40  }
0x75: {  	[tilespmem:s16], [sflag:$0x1] =	stream.indirect.gather [hbm4b:s2+s15], $0x80, s3, s15, $0xb8;
	[tilespmem:$0x1C400] =	vst v63  }
0x76: {  	_ =	swait.ge [sflag:s23], $0xE000  }
0x77: {  	[sflag:s23] =	ssyncset.done $0x0  }
0x78: {  	s18 =	rddreg [dreg:$0x6];
	[sflag:s23] =	ssyncadd.s32 $0xFFFF2000  }
0x79: {  	[hbm4b:s18+s3] =	stream.linear.scatter [tilespmem:s20], [sflag:$0x4], $0xE000, $0x38;
	[tilespmem:$0x1C400] =	vst v63  }
0x7a: {  	_ =	swait.ge [sflag:s5], $0xE000  }
0x7b: {  	s18 =	sld [smem:$0x7FC]  }
0x7c: {  	[sflag:s5] =	ssyncset.done $0x0  }
0x7d: {  	[sflag:s5] =	ssyncadd.s32 $0xFFFF2000  }
0x7e: {  	[tilespmem:s17], [sflag:$0x5] =	stream.linear.gather [hbm4b:s18+s3], $0x1C0, $0x38;
	[tilespmem:$0x1C400] =	vst v63  }
0x7f: {  	_ =	swait.ge [sflag:s14], $0x1C0  }
0x80: {  	[sflag:s14] =	ssyncset.done $0x0  }
0x81: {  	[sflag:s14] =	ssyncadd.s32 $0xFFFFFE40  }
0x82: {  	[tilespmem:s20], [sflag:$0x2] =	stream.indirect.gather [hbm4b:s2+s15], $0x80, s17, s15, $0xb8;
	[tilespmem:$0x1C400] =	vst v63  }
0x83: {  	_ =	swait.ge [sflag:s21], $0xE000  }
0x84: {  	[sflag:s21] =	ssyncset.done $0x0  }
0x85: {  	s18 =	rddreg [dreg:$0x7];
	[sflag:s21] =	ssyncadd.s32 $0xFFFF2000  }
0x86: {  	[hbm4b:s18+s3] =	stream.linear.scatter [tilespmem:s16], [sflag:$0x3], $0xE000, $0x38;
	[tilespmem:$0x1C400] =	vst v63  }
0x87: {  	_ =	swait.ge [sflag:s22], $0xE000  }
0x88: {  	s18 =	sld [smem:$0x7FD]  }
0x89: {  	[sflag:s22] =	ssyncset.done $0x0  }
0x8a: {  	[sflag:s22] =	ssyncadd.s32 $0xFFFF2000  }
0x8b: {  	[tilespmem:s3], [sflag:$0x5] =	stream.linear.gather [hbm4b:s18+s3], $0x1C0, $0x38;
	[tilespmem:$0x1C400] =	vst v63  }
0x8c: {  	_ =	swait.ge [sflag:s14], $0x1C0  }
0x8d: {  	[sflag:s14] =	ssyncset.done $0x0  }
0x8e: {  	[sflag:s14] =	ssyncadd.s32 $0xFFFFFE40  }
0x8f: {  	[tilespmem:s16], [sflag:$0x1] =	stream.indirect.gather [hbm4b:s2+s15], $0x80, s3, s15, $0xb8;
	[tilespmem:$0x1C400] =	vst v63  }
0x90: {  	_ =	swait.ge [sflag:s23], $0xE000  }
0x91: {  	[sflag:s23] =	ssyncset.done $0x0  }
0x92: {  	s18 =	rddreg [dreg:$0x8];
	[sflag:s23] =	ssyncadd.s32 $0xFFFF2000  }
0x93: {  	[hbm4b:s18+s3] =	stream.linear.scatter [tilespmem:s20], [sflag:$0x4], $0xE000, $0x38;
	[tilespmem:$0x1C400] =	vst v63  }
0x94: {  	_ =	swait.ge [sflag:s5], $0xE000  }
0x95: {  	[sflag:s5] =	ssyncset.done $0x0  }
0x96: {  	[sflag:s5] =	ssyncadd.s32 $0xFFFF2000  }
0x97: {  	[tilespmem:s17], [sflag:$0x5] =	stream.linear.gather [hbm4b:s7+s3], $0x1C0, $0x38;
	[tilespmem:$0x1C400] =	vst v63  }
0x98: {  	_ =	swait.ge [sflag:s14], $0x1C0  }
0x99: {  	[sflag:s14] =	ssyncset.done $0x0  }
0x9a: {  	[sflag:s14] =	ssyncadd.s32 $0xFFFFFE40  }
0x9b: {  	[tilespmem:s20], [sflag:$0x2] =	stream.indirect.gather [hbm4b:s2+s15], $0x80, s17, s15, $0xb8;
	[tilespmem:$0x1C400] =	vst v63  }
0x9c: {  	_ =	swait.ge [sflag:s21], $0xE000  }
0x9d: {  	[sflag:s21] =	ssyncset.done $0x0  }
0x9e: {  	s18 =	rddreg [dreg:$0x9];
	[sflag:s21] =	ssyncadd.s32 $0xFFFF2000  }
0x9f: {  	[hbm4b:s18+s3] =	stream.linear.scatter [tilespmem:s16], [sflag:$0x3], $0xE000, $0x38;
	[tilespmem:$0x1C400] =	vst v63  }
0xa0: {  	_ =	swait.ge [sflag:s22], $0xE000  }
0xa1: {  	[sflag:s22] =	ssyncset.done $0x0  }
0xa2: {  	[sflag:s22] =	ssyncadd.s32 $0xFFFF2000  }
0xa3: {  	[tilespmem:s3], [sflag:$0x5] =	stream.linear.gather [hbm4b:s8+s3], $0x1C0, $0x38;
	[tilespmem:$0x1C400] =	vst v63  }
0xa4: {  	_ =	swait.ge [sflag:s14], $0x1C0  }
0xa5: {  	[sflag:s14] =	ssyncset.done $0x0  }
0xa6: {  	[sflag:s14] =	ssyncadd.s32 $0xFFFFFE40  }
0xa7: {  	[tilespmem:s16], [sflag:$0x1] =	stream.indirect.gather [hbm4b:s2+s15], $0x80, s3, s15, $0xb8;
	[tilespmem:$0x1C400] =	vst v63  }
0xa8: {  	_ =	swait.ge [sflag:s23], $0xE000  }
0xa9: {  	[sflag:s23] =	ssyncset.done $0x0  }
0xaa: {  	s18 =	rddreg [dreg:$0xa];
	[sflag:s23] =	ssyncadd.s32 $0xFFFF2000  }
0xab: {  	[hbm4b:s18+s3] =	stream.linear.scatter [tilespmem:s20], [sflag:$0x4], $0xE000, $0x38;
	[tilespmem:$0x1C400] =	vst v63  }
0xac: {  	_ =	swait.ge [sflag:s5], $0xE000  }
0xad: {  	[sflag:s5] =	ssyncset.done $0x0  }
0xae: {  	[sflag:s5] =	ssyncadd.s32 $0xFFFF2000  }
0xaf: {  	[tilespmem:s17], [sflag:$0x5] =	stream.linear.gather [hbm4b:s9+s3], $0x1C0, $0x38;
	[tilespmem:$0x1C400] =	vst v63  }
0xb0: {  	_ =	swait.ge [sflag:s14], $0x1C0  }
0xb1: {  	[sflag:s14] =	ssyncset.done $0x0  }
0xb2: {  	[sflag:s14] =	ssyncadd.s32 $0xFFFFFE40  }
0xb3: {  	[tilespmem:s20], [sflag:$0x2] =	stream.indirect.gather [hbm4b:s2+s15], $0x80, s17, s15, $0xb8;
	[tilespmem:$0x1C400] =	vst v63  }
0xb4: {  	_ =	swait.ge [sflag:s21], $0xE000  }
0xb5: {  	[sflag:s21] =	ssyncset.done $0x0  }
0xb6: {  	s18 =	rddreg [dreg:$0xb];
	[sflag:s21] =	ssyncadd.s32 $0xFFFF2000  }
0xb7: {  	[hbm4b:s18+s3] =	stream.linear.scatter [tilespmem:s16], [sflag:$0x3], $0xE000, $0x38;
	[tilespmem:$0x1C400] =	vst v63  }
0xb8: {  	_ =	swait.ge [sflag:s22], $0xE000  }
0xb9: {  	[sflag:s22] =	ssyncset.done $0x0  }
0xba: {  	[sflag:s22] =	ssyncadd.s32 $0xFFFF2000  }
0xbb: {  	[tilespmem:s3], [sflag:$0x5] =	stream.linear.gather [hbm4b:s10+s3], $0x1C0, $0x38;
	[tilespmem:$0x1C400] =	vst v63  }
0xbc: {  	_ =	swait.ge [sflag:s14], $0x1C0  }
0xbd: {  	[sflag:s14] =	ssyncset.done $0x0  }
0xbe: {  	[sflag:s14] =	ssyncadd.s32 $0xFFFFFE40  }
0xbf: {  	[tilespmem:s16], [sflag:$0x1] =	stream.indirect.gather [hbm4b:s2+s15], $0x80, s3, s15, $0xb8;
	[tilespmem:$0x1C400] =	vst v63  }
0xc0: {  	_ =	swait.ge [sflag:s23], $0xE000  }
0xc1: {  	[sflag:s23] =	ssyncset.done $0x0  }
0xc2: {  	s18 =	rddreg [dreg:$0x16];
	[sflag:s23] =	ssyncadd.s32 $0xFFFF2000  }
0xc3: {  	[hbm4b:s18+s3] =	stream.linear.scatter [tilespmem:s20], [sflag:$0x4], $0xE000, $0x38;
	[tilespmem:$0x1C400] =	vst v63  }
0xc4: {  	_ =	swait.ge [sflag:s5], $0xE000  }
0xc5: {  	[sflag:s5] =	ssyncset.done $0x0  }
0xc6: {  	[sflag:s5] =	ssyncadd.s32 $0xFFFF2000  }
0xc7: {  	[tilespmem:s17], [sflag:$0x5] =	stream.linear.gather [hbm4b:s11+s3], $0x1C0, $0x38;
	[tilespmem:$0x1C400] =	vst v63  }
0xc8: {  	_ =	swait.ge [sflag:s14], $0x1C0  }
0xc9: {  	[sflag:s14] =	ssyncset.done $0x0  }
0xca: {  	[sflag:s14] =	ssyncadd.s32 $0xFFFFFE40  }
0xcb: {  	[tilespmem:s20], [sflag:$0x2] =	stream.indirect.gather [hbm4b:s2+s15], $0x80, s17, s15, $0xb8;
	[tilespmem:$0x1C400] =	vst v63  }
0xcc: {  	_ =	swait.ge [sflag:s21], $0xE000  }
0xcd: {  	[sflag:s21] =	ssyncset.done $0x0  }
0xce: {  	s18 =	rddreg [dreg:$0x17];
	[sflag:s21] =	ssyncadd.s32 $0xFFFF2000  }
0xcf: {  	[hbm4b:s18+s3] =	stream.linear.scatter [tilespmem:s16], [sflag:$0x3], $0xE000, $0x38;
	[tilespmem:$0x1C400] =	vst v63  }
0xd0: {  	_ =	swait.ge [sflag:s22], $0xE000  }
0xd1: {  	[sflag:s22] =	ssyncset.done $0x0  }
0xd2: {  	[sflag:s22] =	ssyncadd.s32 $0xFFFF2000  }
0xd3: {  	[tilespmem:s3], [sflag:$0x5] =	stream.linear.gather [hbm4b:s12+s3], $0x1C0, $0x38;
	[tilespmem:$0x1C400] =	vst v63  }
0xd4: {  	_ =	swait.ge [sflag:s14], $0x1C0  }
0xd5: {  	[sflag:s14] =	ssyncset.done $0x0  }
0xd6: {  	[sflag:s14] =	ssyncadd.s32 $0xFFFFFE40  }
0xd7: {  	[tilespmem:s16], [sflag:$0x1] =	stream.indirect.gather [hbm4b:s2+s15], $0x80, s3, s15, $0xb8;
	[tilespmem:$0x1C400] =	vst v63  }
0xd8: {  	_ =	swait.ge [sflag:s23], $0xE000  }
0xd9: {  	[sflag:s23] =	ssyncset.done $0x0  }
0xda: {  	s18 =	rddreg [dreg:$0x18];
	[sflag:s23] =	ssyncadd.s32 $0xFFFF2000  }
0xdb: {  	[hbm4b:s18+s3] =	stream.linear.scatter [tilespmem:s20], [sflag:$0x4], $0xE000, $0x38;
	[tilespmem:$0x1C400] =	vst v63  }
0xdc: {  	_ =	swait.ge [sflag:s5], $0xE000  }
0xdd: {  	[sflag:s5] =	ssyncset.done $0x0  }
0xde: {  	[sflag:s5] =	ssyncadd.s32 $0xFFFF2000  }
0xdf: {  	[tilespmem:s17], [sflag:$0x5] =	stream.linear.gather [hbm4b:s13+s3], $0x1C0, $0x38;
	[tilespmem:$0x1C400] =	vst v63  }
0xe0: {  	_ =	swait.ge [sflag:s14], $0x1C0  }
0xe1: {  	[sflag:s14] =	ssyncset.done $0x0  }
0xe2: {  	[sflag:s14] =	ssyncadd.s32 $0xFFFFFE40  }
0xe3: {  	[tilespmem:s20], [sflag:$0x2] =	stream.indirect.gather [hbm4b:s2+s15], $0x80, s17, s15, $0xb8;
	[tilespmem:$0x1C400] =	vst v63  }
0xe4: {  	_ =	swait.ge [sflag:s21], $0xE000  }
0xe5: {  	[sflag:s21] =	ssyncset.done $0x0  }
0xe6: {  	s18 =	rddreg [dreg:$0x19];
	[sflag:s21] =	ssyncadd.s32 $0xFFFF2000  }
0xe7: {  	[hbm4b:s18+s3] =	stream.linear.scatter [tilespmem:s16], [sflag:$0x3], $0xE000, $0x38;
	[tilespmem:$0x1C400] =	vst v63  }
0xe8: {  	_ =	swait.ge [sflag:s22], $0xE000  }
0xe9: {  	[sflag:s22] =	ssyncset.done $0x0  }
0xea: {  	[sflag:s22] =	ssyncadd.s32 $0xFFFF2000  }
0xeb: {  	[tilespmem:s3], [sflag:$0x5] =	stream.linear.gather [hbm4b:s24+s3], $0x1C0, $0x38;
	[tilespmem:$0x1C400] =	vst v63  }
0xec: {  	_ =	swait.ge [sflag:s14], $0x1C0  }
0xed: {  	[sflag:s14] =	ssyncset.done $0x0  }
0xee: {  	[sflag:s14] =	ssyncadd.s32 $0xFFFFFE40  }
0xef: {  	[tilespmem:s16], [sflag:$0x1] =	stream.indirect.gather [hbm4b:s2+s15], $0x80, s3, s15, $0xb8;
	[tilespmem:$0x1C400] =	vst v63  }
0xf0: {  	_ =	swait.ge [sflag:s23], $0xE000  }
0xf1: {  	[sflag:s23] =	ssyncset.done $0x0  }
0xf2: {  	s18 =	rddreg [dreg:$0x1a];
	[sflag:s23] =	ssyncadd.s32 $0xFFFF2000  }
0xf3: {  	[hbm4b:s18+s3] =	stream.linear.scatter [tilespmem:s20], [sflag:$0x4], $0xE000, $0x38;
	[tilespmem:$0x1C400] =	vst v63  }
0xf4: {  	_ =	swait.ge [sflag:s5], $0xE000  }
0xf5: {  	[sflag:s5] =	ssyncset.done $0x0  }
0xf6: {  	[sflag:s5] =	ssyncadd.s32 $0xFFFF2000  }
0xf7: {  	[tilespmem:s17], [sflag:$0x5] =	stream.linear.gather [hbm4b:s25+s3], $0x1C0, $0x38;
	[tilespmem:$0x1C400] =	vst v63  }
0xf8: {  	_ =	swait.ge [sflag:s14], $0x1C0  }
0xf9: {  	[sflag:s14] =	ssyncset.done $0x0  }
0xfa: {  	[sflag:s14] =	ssyncadd.s32 $0xFFFFFE40  }
0xfb: {  	[tilespmem:s20], [sflag:$0x2] =	stream.indirect.gather [hbm4b:s2+s15], $0x80, s17, s15, $0xb8;
	[tilespmem:$0x1C400] =	vst v63  }
0xfc: {  	_ =	swait.ge [sflag:s21], $0xE000  }
0xfd: {  	[sflag:s21] =	ssyncset.done $0x0  }
0xfe: {  	s18 =	rddreg [dreg:$0x1b];
	[sflag:s21] =	ssyncadd.s32 $0xFFFF2000  }
0xff: {  	[hbm4b:s18+s3] =	stream.linear.scatter [tilespmem:s16], [sflag:$0x3], $0xE000, $0x38;
	[tilespmem:$0x1C400] =	vst v63  }
0x100: {  	_ =	swait.ge [sflag:s22], $0xE000  }
0x101: {  	[sflag:s22] =	ssyncset.done $0x0  }
0x102: {  	[sflag:s22] =	ssyncadd.s32 $0xFFFF2000  }
0x103: {  	[tilespmem:s3], [sflag:$0x5] =	stream.linear.gather [hbm4b:s26+s3], $0x1C0, $0x38;
	[tilespmem:$0x1C400] =	vst v63  }
0x104: {  	_ =	swait.ge [sflag:s14], $0x1C0  }
0x105: {  	[sflag:s14] =	ssyncset.done $0x0  }
0x106: {  	[sflag:s14] =	ssyncadd.s32 $0xFFFFFE40  }
0x107: {  	[tilespmem:s16], [sflag:$0x1] =	stream.indirect.gather [hbm4b:s2+s15], $0x80, s3, s15, $0xb8;
	[tilespmem:$0x1C400] =	vst v63  }
0x108: {  	_ =	swait.ge [sflag:s23], $0xE000  }
0x109: {  	[sflag:s23] =	ssyncset.done $0x0  }
0x10a: {  	s18 =	rddreg [dreg:$0x1c];
	[sflag:s23] =	ssyncadd.s32 $0xFFFF2000  }
0x10b: {  	[hbm4b:s18+s3] =	stream.linear.scatter [tilespmem:s20], [sflag:$0x4], $0xE000, $0x38;
	[tilespmem:$0x1C400] =	vst v63  }
0x10c: {  	_ =	swait.ge [sflag:s5], $0xE000  }
0x10d: {  	[sflag:s5] =	ssyncset.done $0x0  }
0x10e: {  	[sflag:s5] =	ssyncadd.s32 $0xFFFF2000  }
0x10f: {  	[tilespmem:s17], [sflag:$0x5] =	stream.linear.gather [hbm4b:s28+s3], $0x1C0, $0x38;
	[tilespmem:$0x1C400] =	vst v63  }
0x110: {  	_ =	swait.ge [sflag:s14], $0x1C0  }
0x111: {  	[sflag:s14] =	ssyncset.done $0x0  }
0x112: {  	[sflag:s14] =	ssyncadd.s32 $0xFFFFFE40  }
0x113: {  	[tilespmem:s20], [sflag:$0x2] =	stream.indirect.gather [hbm4b:s2+s15], $0x80, s17, s15, $0xb8;
	[tilespmem:$0x1C400] =	vst v63  }
0x114: {  	_ =	swait.ge [sflag:s21], $0xE000  }
0x115: {  	[sflag:s21] =	ssyncset.done $0x0  }
0x116: {  	s18 =	rddreg [dreg:$0x1d];
	[sflag:s21] =	ssyncadd.s32 $0xFFFF2000  }
0x117: {  	[hbm4b:s18+s3] =	stream.linear.scatter [tilespmem:s16], [sflag:$0x3], $0xE000, $0x38;
	[tilespmem:$0x1C400] =	vst v63  }
0x118: {  	_ =	swait.ge [sflag:s22], $0xE000  }
0x119: {  	[sflag:s22] =	ssyncset.done $0x0  }
0x11a: {  	[sflag:s22] =	ssyncadd.s32 $0xFFFF2000  }
0x11b: {  	[tilespmem:s3], [sflag:$0x5] =	stream.linear.gather [hbm4b:s29+s3], $0x1C0, $0x38;
	[tilespmem:$0x1C400] =	vst v63  }
0x11c: {  	_ =	swait.ge [sflag:s14], $0x1C0  }
0x11d: {  	[sflag:s14] =	ssyncset.done $0x0  }
0x11e: {  	[sflag:s14] =	ssyncadd.s32 $0xFFFFFE40  }
0x11f: {  	[tilespmem:s16], [sflag:$0x1] =	stream.indirect.gather [hbm4b:s2+s15], $0x80, s3, s15, $0xb8;
	[tilespmem:$0x1C400] =	vst v63  }
0x120: {  	_ =	swait.ge [sflag:s23], $0xE000  }
0x121: {  	[sflag:s23] =	ssyncset.done $0x0  }
0x122: {  	s18 =	rddreg [dreg:$0x1e];
	[sflag:s23] =	ssyncadd.s32 $0xFFFF2000  }
0x123: {  	[hbm4b:s18+s3] =	stream.linear.scatter [tilespmem:s20], [sflag:$0x4], $0xE000, $0x38;
	[tilespmem:$0x1C400] =	vst v63  }
0x124: {  	_ =	swait.ge [sflag:s5], $0xE000  }
0x125: {  	[sflag:s5] =	ssyncset.done $0x0  }
0x126: {  	[sflag:s5] =	ssyncadd.s32 $0xFFFF2000  }
0x127: {  	[tilespmem:s17], [sflag:$0x5] =	stream.linear.gather [hbm4b:s30+s3], $0x1C0, $0x38;
	[tilespmem:$0x1C400] =	vst v63  }
0x128: {  	_ =	swait.ge [sflag:s14], $0x1C0  }
0x129: {  	[sflag:s14] =	ssyncset.done $0x0  }
0x12a: {  	[sflag:s14] =	ssyncadd.s32 $0xFFFFFE40  }
0x12b: {  	[tilespmem:s20], [sflag:$0x2] =	stream.indirect.gather [hbm4b:s2+s15], $0x80, s17, s15, $0xb8;
	[tilespmem:$0x1C400] =	vst v63  }
0x12c: {  	_ =	swait.ge [sflag:s21], $0xE000  }
0x12d: {  	[sflag:s21] =	ssyncset.done $0x0  }
0x12e: {  	s18 =	rddreg [dreg:$0x1f];
	[sflag:s21] =	ssyncadd.s32 $0xFFFF2000  }
0x12f: {  	[hbm4b:s18+s3] =	stream.linear.scatter [tilespmem:s16], [sflag:$0x3], $0xE000, $0x38;
	[tilespmem:$0x1C400] =	vst v63  }
0x130: {  	_ =	swait.ge [sflag:s22], $0xE000  }
0x131: {  	[sflag:s22] =	ssyncset.done $0x0  }
0x132: {  	[sflag:s22] =	ssyncadd.s32 $0xFFFF2000  }
0x133: {  	[tilespmem:s3], [sflag:$0x5] =	stream.linear.gather [hbm4b:s31+s3], $0x1C0, $0x38;
	[tilespmem:$0x1C400] =	vst v63  }
0x134: {  	_ =	swait.ge [sflag:s14], $0x1C0  }
0x135: {  	[sflag:s14] =	ssyncset.done $0x0  }
0x136: {  	[sflag:s14] =	ssyncadd.s32 $0xFFFFFE40  }
0x137: {  	[tilespmem:s16], [sflag:$0x1] =	stream.indirect.gather [hbm4b:s2+s15], $0x80, s3, s15, $0xb8;
	[tilespmem:$0x1C400] =	vst v63  }
0x138: {  	_ =	swait.ge [sflag:s23], $0xE000  }
0x139: {  	s18 =	sld [smem:$0x7EB]  }
0x13a: {  	[sflag:s23] =	ssyncset.done $0x0  }
0x13b: {  	[sflag:s23] =	ssyncadd.s32 $0xFFFF2000  }
0x13c: {  	[hbm4b:s18+s3] =	stream.linear.scatter [tilespmem:s20], [sflag:$0x4], $0xE000, $0x38;
	[tilespmem:$0x1C400] =	vst v63  }
0x13d: {  	_ =	swait.ge [sflag:s5], $0xE000  }
0x13e: {  	[sflag:s5] =	ssyncset.done $0x0  }
0x13f: {  	[sflag:s5] =	ssyncadd.s32 $0xFFFF2000  }
0x140: {  	[tilespmem:s17], [sflag:$0x5] =	stream.linear.gather [hbm4b:s0+s3], $0x1C0, $0x38;
	[tilespmem:$0x1C400] =	vst v63  }
0x141: {  	_ =	swait.ge [sflag:s14], $0x1C0  }
0x142: {  	[sflag:s14] =	ssyncset.done $0x0  }
0x143: {  	[sflag:s14] =	ssyncadd.s32 $0xFFFFFE40  }
0x144: {  	[tilespmem:s20], [sflag:$0x2] =	stream.indirect.gather [hbm4b:s2+s15], $0x80, s17, s15, $0xb8;
	[tilespmem:$0x1C400] =	vst v63  }
0x145: {  	_ =	swait.ge [sflag:s21], $0xE000  }
0x146: {  	s18 =	sld [smem:$0x7EC]  }
0x147: {  	[sflag:s21] =	ssyncset.done $0x0  }
0x148: {  	[sflag:s21] =	ssyncadd.s32 $0xFFFF2000  }
0x149: {  	[hbm4b:s18+s3] =	stream.linear.scatter [tilespmem:s16], [sflag:$0x3], $0xE000, $0x38;
	[tilespmem:$0x1C400] =	vst v63  }
0x14a: {  	_ =	swait.ge [sflag:s22], $0xE000  }
0x14b: {  	[sflag:s22] =	ssyncset.done $0x0  }
0x14c: {  	[sflag:s22] =	ssyncadd.s32 $0xFFFF2000  }
0x14d: {  	[tilespmem:s3], [sflag:$0x5] =	stream.linear.gather [hbm4b:s1+s3], $0x1C0, $0x38;
	[tilespmem:$0x1C400] =	vst v63  }
0x14e: {  	_ =	swait.ge [sflag:s14], $0x1C0  }
0x14f: {  	[sflag:s14] =	ssyncset.done $0x0  }
0x150: {  	[sflag:s14] =	ssyncadd.s32 $0xFFFFFE40  }
0x151: {  	[tilespmem:s16], [sflag:$0x1] =	stream.indirect.gather [hbm4b:s2+s15], $0x80, s3, s15, $0xb8;
	[tilespmem:$0x1C400] =	vst v63  }
0x152: {  	_ =	swait.ge [sflag:s23], $0xE000  }
.Ltmp2:
0x153: {  	s18 =	sld [smem:$0x7ED];
	(pc) =	sbr.rel @p0 .LBB2_3-.Ltmp2, $4  }
0x154: {  	[sflag:s23] =	ssyncset.done $0x0  }
0x155: {  	[sflag:s23] =	ssyncadd.s32 $0xFFFF2000  }
0x156: {  	[hbm4b:s18+s3] =	stream.linear.scatter [tilespmem:s20], [sflag:$0x4], $0xE000, $0x38;
	[tilespmem:$0x1C400] =	vst v63  }
0x157: {  	s18 =	smov.u32 s6  }
0x158: {  	_ =	swait.ge [sflag:s5], $0xE000  }
0x159: {  	[sflag:s5] =	ssyncset.done $0x0  }
0x15a: {  	s18 =	rddreg [dreg:$0xc];
	[sflag:s5] =	ssyncadd.s32 $0xFFFF2000  }
0x15b: {  	[tilespmem:s17], [sflag:$0x5] =	stream.linear.gather [hbm4b:s18+s3], $0x1C0, $0x38;
	[tilespmem:$0x1C400] =	vst v63  }
0x15c: {  	_ =	swait.ge [sflag:s14], $0x1C0  }
0x15d: {  	[sflag:s14] =	ssyncset.done $0x0  }
0x15e: {  	[sflag:s14] =	ssyncadd.s32 $0xFFFFFE40  }
0x15f: {  	[tilespmem:s20], [sflag:$0x2] =	stream.indirect.gather [hbm4b:s2+s15], $0x80, s17, s15, $0xb8;
	[tilespmem:$0x1C400] =	vst v63  }
0x160: {  	_ =	swait.ge [sflag:s21], $0xE000  }
0x161: {  	[sflag:s21] =	ssyncset.done $0x0  }
0x162: {  	[sflag:s21] =	ssyncadd.s32 $0xFFFF2000  }
0x163: {  	[hbm4b:s6+s3] =	stream.linear.scatter [tilespmem:s16], [sflag:$0x3], $0xE000, $0x38;
	[tilespmem:$0x1C400] =	vst v63  }
0x164: {  	_ =	swait.ge [sflag:s22], $0xE000  }
0x165: {  	[sflag:s22] =	ssyncset.done $0x0  }
0x166: {  	s18 =	rddreg [dreg:$0xd];
	[sflag:s22] =	ssyncadd.s32 $0xFFFF2000  }
0x167: {  	[tilespmem:s3], [sflag:$0x5] =	stream.linear.gather [hbm4b:s18+s3], $0x1C0, $0x38;
	[tilespmem:$0x1C400] =	vst v63  }
0x168: {  	_ =	swait.ge [sflag:s14], $0x1C0  }
0x169: {  	[sflag:s14] =	ssyncset.done $0x0  }
0x16a: {  	[sflag:s14] =	ssyncadd.s32 $0xFFFFFE40  }
0x16b: {  	[tilespmem:s16], [sflag:$0x1] =	stream.indirect.gather [hbm4b:s2+s15], $0x80, s3, s15, $0xb8;
	[tilespmem:$0x1C400] =	vst v63  }
0x16c: {  	_ =	swait.ge [sflag:s23], $0xE000  }
0x16d: {  	s18 =	sld [smem:$0x7EE]  }
0x16e: {  	[sflag:s23] =	ssyncset.done $0x0  }
0x16f: {  	[sflag:s23] =	ssyncadd.s32 $0xFFFF2000  }
0x170: {  	[hbm4b:s18+s3] =	stream.linear.scatter [tilespmem:s20], [sflag:$0x4], $0xE000, $0x38;
	[tilespmem:$0x1C400] =	vst v63  }
0x171: {  	_ =	swait.ge [sflag:s5], $0xE000  }
0x172: {  	[sflag:s5] =	ssyncset.done $0x0  }
0x173: {  	s18 =	rddreg [dreg:$0xe];
	[sflag:s5] =	ssyncadd.s32 $0xFFFF2000  }
0x174: {  	[tilespmem:s17], [sflag:$0x5] =	stream.linear.gather [hbm4b:s18+s3], $0x1C0, $0x38;
	[tilespmem:$0x1C400] =	vst v63  }
0x175: {  	_ =	swait.ge [sflag:s14], $0x1C0  }
0x176: {  	[sflag:s14] =	ssyncset.done $0x0  }
0x177: {  	[sflag:s14] =	ssyncadd.s32 $0xFFFFFE40  }
0x178: {  	[tilespmem:s20], [sflag:$0x2] =	stream.indirect.gather [hbm4b:s2+s15], $0x80, s17, s15, $0xb8;
	[tilespmem:$0x1C400] =	vst v63  }
0x179: {  	_ =	swait.ge [sflag:s21], $0xE000  }
0x17a: {  	s18 =	sld [smem:$0x7EF]  }
0x17b: {  	[sflag:s21] =	ssyncset.done $0x0  }
0x17c: {  	[sflag:s21] =	ssyncadd.s32 $0xFFFF2000  }
0x17d: {  	[hbm4b:s18+s3] =	stream.linear.scatter [tilespmem:s16], [sflag:$0x3], $0xE000, $0x38;
	[tilespmem:$0x1C400] =	vst v63  }
0x17e: {  	_ =	swait.ge [sflag:s22], $0xE000  }
0x17f: {  	[sflag:s22] =	ssyncset.done $0x0  }
0x180: {  	s18 =	rddreg [dreg:$0xf];
	[sflag:s22] =	ssyncadd.s32 $0xFFFF2000  }
0x181: {  	[tilespmem:s3], [sflag:$0x5] =	stream.linear.gather [hbm4b:s18+s3], $0x1C0, $0x38;
	[tilespmem:$0x1C400] =	vst v63  }
0x182: {  	_ =	swait.ge [sflag:s14], $0x1C0  }
0x183: {  	[sflag:s14] =	ssyncset.done $0x0  }
0x184: {  	[sflag:s14] =	ssyncadd.s32 $0xFFFFFE40  }
0x185: {  	[tilespmem:s16], [sflag:$0x1] =	stream.indirect.gather [hbm4b:s2+s15], $0x80, s3, s15, $0xb8;
	[tilespmem:$0x1C400] =	vst v63  }
0x186: {  	_ =	swait.ge [sflag:s23], $0xE000  }
0x187: {  	s18 =	sld [smem:$0x7F0]  }
0x188: {  	[sflag:s23] =	ssyncset.done $0x0  }
0x189: {  	[sflag:s23] =	ssyncadd.s32 $0xFFFF2000  }
0x18a: {  	[hbm4b:s18+s3] =	stream.linear.scatter [tilespmem:s20], [sflag:$0x4], $0xE000, $0x38;
	[tilespmem:$0x1C400] =	vst v63  }
0x18b: {  	_ =	swait.ge [sflag:s5], $0xE000  }
0x18c: {  	[sflag:s5] =	ssyncset.done $0x0  }
0x18d: {  	s18 =	rddreg [dreg:$0x10];
	[sflag:s5] =	ssyncadd.s32 $0xFFFF2000  }
0x18e: {  	[tilespmem:s17], [sflag:$0x5] =	stream.linear.gather [hbm4b:s18+s3], $0x1C0, $0x38;
	[tilespmem:$0x1C400] =	vst v63  }
0x18f: {  	_ =	swait.ge [sflag:s14], $0x1C0  }
0x190: {  	[sflag:s14] =	ssyncset.done $0x0  }
0x191: {  	[sflag:s14] =	ssyncadd.s32 $0xFFFFFE40  }
0x192: {  	[tilespmem:s20], [sflag:$0x2] =	stream.indirect.gather [hbm4b:s2+s15], $0x80, s17, s15, $0xb8;
	[tilespmem:$0x1C400] =	vst v63  }
0x193: {  	_ =	swait.ge [sflag:s21], $0xE000  }
0x194: {  	s18 =	sld [smem:$0x7F1]  }
0x195: {  	[sflag:s21] =	ssyncset.done $0x0  }
0x196: {  	[sflag:s21] =	ssyncadd.s32 $0xFFFF2000  }
0x197: {  	[hbm4b:s18+s3] =	stream.linear.scatter [tilespmem:s16], [sflag:$0x3], $0xE000, $0x38;
	[tilespmem:$0x1C400] =	vst v63  }
0x198: {  	_ =	swait.ge [sflag:s22], $0xE000  }
0x199: {  	[sflag:s22] =	ssyncset.done $0x0  }
0x19a: {  	s18 =	rddreg [dreg:$0x11];
	[sflag:s22] =	ssyncadd.s32 $0xFFFF2000  }
0x19b: {  	[tilespmem:s3], [sflag:$0x5] =	stream.linear.gather [hbm4b:s18+s3], $0x1C0, $0x38;
	[tilespmem:$0x1C400] =	vst v63  }
0x19c: {  	_ =	swait.ge [sflag:s14], $0x1C0  }
0x19d: {  	[sflag:s14] =	ssyncset.done $0x0  }
0x19e: {  	[sflag:s14] =	ssyncadd.s32 $0xFFFFFE40  }
0x19f: {  	[tilespmem:s16], [sflag:$0x1] =	stream.indirect.gather [hbm4b:s2+s15], $0x80, s3, s15, $0xb8;
	[tilespmem:$0x1C400] =	vst v63  }
0x1a0: {  	_ =	swait.ge [sflag:s23], $0xE000  }
0x1a1: {  	s18 =	sld [smem:$0x7F2]  }
0x1a2: {  	[sflag:s23] =	ssyncset.done $0x0  }
0x1a3: {  	[sflag:s23] =	ssyncadd.s32 $0xFFFF2000  }
0x1a4: {  	[hbm4b:s18+s3] =	stream.linear.scatter [tilespmem:s20], [sflag:$0x4], $0xE000, $0x38;
	[tilespmem:$0x1C400] =	vst v63  }
0x1a5: {  	_ =	swait.ge [sflag:s5], $0xE000  }
0x1a6: {  	[sflag:s5] =	ssyncset.done $0x0  }
0x1a7: {  	s18 =	rddreg [dreg:$0x12];
	[sflag:s5] =	ssyncadd.s32 $0xFFFF2000  }
0x1a8: {  	[tilespmem:s17], [sflag:$0x5] =	stream.linear.gather [hbm4b:s18+s3], $0x1C0, $0x38;
	[tilespmem:$0x1C400] =	vst v63  }
0x1a9: {  	_ =	swait.ge [sflag:s14], $0x1C0  }
0x1aa: {  	[sflag:s14] =	ssyncset.done $0x0  }
0x1ab: {  	[sflag:s14] =	ssyncadd.s32 $0xFFFFFE40  }
0x1ac: {  	[tilespmem:s20], [sflag:$0x2] =	stream.indirect.gather [hbm4b:s2+s15], $0x80, s17, s15, $0xb8;
	[tilespmem:$0x1C400] =	vst v63  }
0x1ad: {  	_ =	swait.ge [sflag:s21], $0xE000  }
0x1ae: {  	s18 =	sld [smem:$0x7F3]  }
0x1af: {  	[sflag:s21] =	ssyncset.done $0x0  }
0x1b0: {  	[sflag:s21] =	ssyncadd.s32 $0xFFFF2000  }
0x1b1: {  	[hbm4b:s18+s3] =	stream.linear.scatter [tilespmem:s16], [sflag:$0x3], $0xE000, $0x38;
	[tilespmem:$0x1C400] =	vst v63  }
0x1b2: {  	_ =	swait.ge [sflag:s22], $0xE000  }
0x1b3: {  	[sflag:s22] =	ssyncset.done $0x0  }
0x1b4: {  	s18 =	rddreg [dreg:$0x13];
	[sflag:s22] =	ssyncadd.s32 $0xFFFF2000  }
0x1b5: {  	[tilespmem:s3], [sflag:$0x5] =	stream.linear.gather [hbm4b:s18+s3], $0x1C0, $0x38;
	[tilespmem:$0x1C400] =	vst v63  }
0x1b6: {  	_ =	swait.ge [sflag:s14], $0x1C0  }
0x1b7: {  	[sflag:s14] =	ssyncset.done $0x0  }
0x1b8: {  	[sflag:s14] =	ssyncadd.s32 $0xFFFFFE40  }
0x1b9: {  	[tilespmem:s16], [sflag:$0x1] =	stream.indirect.gather [hbm4b:s2+s15], $0x80, s3, s15, $0xb8;
	[tilespmem:$0x1C400] =	vst v63  }
0x1ba: {  	_ =	swait.ge [sflag:s23], $0xE000  }
0x1bb: {  	s18 =	sld [smem:$0x7F4]  }
0x1bc: {  	[sflag:s23] =	ssyncset.done $0x0  }
0x1bd: {  	[sflag:s23] =	ssyncadd.s32 $0xFFFF2000  }
0x1be: {  	[hbm4b:s18+s3] =	stream.linear.scatter [tilespmem:s20], [sflag:$0x4], $0xE000, $0x38;
	[tilespmem:$0x1C400] =	vst v63  }
0x1bf: {  	_ =	swait.ge [sflag:s5], $0xE000  }
0x1c0: {  	[sflag:s5] =	ssyncset.done $0x0  }
0x1c1: {  	s18 =	rddreg [dreg:$0x14];
	[sflag:s5] =	ssyncadd.s32 $0xFFFF2000  }
0x1c2: {  	[tilespmem:s17], [sflag:$0x5] =	stream.linear.gather [hbm4b:s18+s3], $0x1C0, $0x38;
	[tilespmem:$0x1C400] =	vst v63  }
0x1c3: {  	_ =	swait.ge [sflag:s14], $0x1C0  }
0x1c4: {  	[sflag:s14] =	ssyncset.done $0x0  }
0x1c5: {  	[sflag:s14] =	ssyncadd.s32 $0xFFFFFE40  }
0x1c6: {  	[tilespmem:s20], [sflag:$0x2] =	stream.indirect.gather [hbm4b:s2+s15], $0x80, s17, s15, $0xb8;
	[tilespmem:$0x1C400] =	vst v63  }
0x1c7: {  	_ =	swait.ge [sflag:s21], $0xE000  }
0x1c8: {  	s18 =	sld [smem:$0x7F5]  }
0x1c9: {  	[sflag:s21] =	ssyncset.done $0x0  }
0x1ca: {  	[sflag:s21] =	ssyncadd.s32 $0xFFFF2000  }
0x1cb: {  	[hbm4b:s18+s3] =	stream.linear.scatter [tilespmem:s16], [sflag:$0x3], $0xE000, $0x38;
	[tilespmem:$0x1C400] =	vst v63  }
0x1cc: {  	_ =	swait.ge [sflag:s22], $0xE000  }
0x1cd: {  	[sflag:s22] =	ssyncset.done $0x0  }
0x1ce: {  	s18 =	rddreg [dreg:$0x15];
	[sflag:s22] =	ssyncadd.s32 $0xFFFF2000  }
0x1cf: {  	[tilespmem:s3], [sflag:$0x5] =	stream.linear.gather [hbm4b:s18+s3], $0x1C0, $0x38;
	[tilespmem:$0x1C400] =	vst v63  }
0x1d0: {  	_ =	swait.ge [sflag:s14], $0x1C0  }
0x1d1: {  	[sflag:s14] =	ssyncset.done $0x0  }
0x1d2: {  	[sflag:s14] =	ssyncadd.s32 $0xFFFFFE40  }
0x1d3: {  	[tilespmem:s16], [sflag:$0x1] =	stream.indirect.gather [hbm4b:s2+s15], $0x80, s3, s15, $0xb8;
	[tilespmem:$0x1C400] =	vst v63  }
0x1d4: {  	_ =	swait.ge [sflag:s23], $0xE000  }
.Ltmp3:
0x1d5: {  	s18 =	sld [smem:$0x7F6];
	(pc) =	sbr.rel .LBB2_3-.Ltmp3, $4  }
0x1d6: {  	[sflag:s23] =	ssyncset.done $0x0  }
0x1d7: {  	[sflag:s23] =	ssyncadd.s32 $0xFFFF2000  }
0x1d8: {  	[hbm4b:s18+s3] =	stream.linear.scatter [tilespmem:s20], [sflag:$0x4], $0xE000, $0x38;
	[tilespmem:$0x1C400] =	vst v63  }
0x1d9: {  	s18 =	sld [smem:$0x7F7]  }
.LBB2_4:
0x1da: {  	_ =	sfence.sel $0x180000  }
0x1db: {  	[bflag:$0x0] =	sbarrier.arrive $0xFFFF  }
0x1dc: {  	_ =	strace $0x90000047  }
0x1dd: {  	s0 =	stileid.u32;
	[bflag:$0x2] =	sbarrier.arrive $0xFFFF  }
0x1de: {  	p0 =	sne.s32 s0, $0x0;
	s0 =	rddreg [dreg:$0x2]  }
0x1df: {  	s0 =	sadd.s32 @!p0 $0x100000, s0  }
0x1e0: {  	[sflag:s0] =	ssyncadd.tile.s32 @!p0 $0x1;
	_ =	shalt  }
.Lfunc_end2:
_tile_overlayer_lowered:
.L_overlay_start_2:
0x1e1: {  	(tag) =	ssettag $0x2  }
0x1e2: {  	s0 =	rddreg [dreg:$0x0];
	s2 =	stileid.u32  }
0x1e3: {  	s1 =	rddreg [dreg:$0x1];
	p0 =	sne.s32 s2, $0x0  }
0x1e4: {  	s3 =	rddreg [dreg:$0x2];
	[bflag:$0x3] =	sbarrier.arrive $0xFFFF;
	s2 =	simm.s32 @!p0 $0x1C05  }
0x1e5: {  	[timem:s3], [sflag:s2] =	dma.local @!p0 [hbm:s0], s1  }
0x1e6: {  	s0 =	simm.s32 @!p0 $0x5  }
0x1e7: {  	_ =	swait.ge @!p0 [sflag:s0], s1  }
0x1e8: {  	s1 =	ssub.s32 @!p0 $0x0, s1;
	[sflag:s0] =	ssyncset.done @!p0 $0x0  }
0x1e9: {  	[sflag:s0] =	ssyncadd.s32 @!p0 s1  }
0x1ea: {  	[bflag:$0x3] =	sbarrier.arrive $0xFFFF  }
0x1eb: {  	_ =	shalt  }

</sc_bundles>
